<compile_context>
chip_gen: v7x
topology: tpu7x:2x2x1
jax: 0.10.2.dev20260603
libtpu: 0.0.44.dev20260713+nightly
codegen_flags: <defaults>
</compile_context>

<pallas_src>
import functools

import jax
import jax.numpy as jnp
from jax import lax
from jax.experimental import pallas as pl
from jax.experimental.pallas import tpu as pltpu
from jax.experimental.pallas import tpu_sc as plsc

UNIQUE_TOKENS = 1000
CONTEXT = 2
EMB = 256
HID = 1024
B = 1024
T = 50
NC = T - 2 * CONTEXT
NSLOT = 8
TSPLIT = 24
CSPLIT = 20

_SC_INFO = plsc.get_sparse_core_info()
NCORE = _SC_INFO.num_cores
NSUB = _SC_INFO.num_subcores
NW = NCORE * NSUB
CHUNK = 64


def _make_gather(nslabs):
    nrows = nslabs * B
    rpw = nrows // NW
    nch = rpw // CHUNK

    def body(idx_hbm, table_hbm, out_hbm, idx_v, buf0, buf1, sem0, sem1):
        wid = lax.axis_index("s") * NCORE + lax.axis_index("c")
        pltpu.sync_copy(idx_hbm.at[wid], idx_v)
        bufs = (buf0, buf1)
        sems = (sem0, sem1)
        handles = [None] * nch
        handles[0] = pltpu.async_copy(table_hbm.at[idx_v.at[0]], buf0, sem0)
        for c in range(nch):
            if c + 1 < nch:
                handles[c + 1] = pltpu.async_copy(
                    table_hbm.at[idx_v.at[c + 1]], bufs[(c + 1) % 2], sems[(c + 1) % 2]
                )
            handles[c].wait()
            row0 = pl.multiple_of(wid * rpw + c * CHUNK, 8)
            pltpu.sync_copy(bufs[c % 2], out_hbm.at[pl.ds(row0, CHUNK)])

    return pl.kernel(
        body,
        mesh=plsc.VectorSubcoreMesh(core_axis_name="c", subcore_axis_name="s"),
        out_type=jax.ShapeDtypeStruct((nrows, EMB), jnp.float32),
        scratch_types=[
            pltpu.VMEM((nch, CHUNK), jnp.int32),
            pltpu.VMEM((CHUNK, EMB), jnp.float32),
            pltpu.VMEM((CHUNK, EMB), jnp.float32),
            pltpu.SemaphoreType.DMA,
            pltpu.SemaphoreType.DMA,
        ],
    )


_gather1 = _make_gather(TSPLIT)
_gather2 = _make_gather(T - TSPLIT)


def _slab_copy(e_hbm, ring, sems, t, base=0):
    return pltpu.make_async_copy(
        e_hbm.at[t - base], ring.at[t % NSLOT], sems.at[t % NSLOT]
    )


def _two_center_mlp(w1_ref, b1_ref, w2_ref, b2_ref, out_ref, ring, t0):
    shared = ring[(t0 + 1) % NSLOT] + ring[(t0 + 4) % NSLOT]
    ctx0 = (shared + ring[t0 % NSLOT] + ring[(t0 + 3) % NSLOT]).astype(jnp.bfloat16)
    ctx1 = (shared + ring[(t0 + 2) % NSLOT] + ring[(t0 + 5) % NSLOT]).astype(jnp.bfloat16)

    ctx = jnp.concatenate([ctx0, ctx1], axis=0)
    h = jax.lax.dot_general(
        w1_ref[...], ctx, (((1,), (1,)), ((), ())),
        preferred_element_type=jnp.float32,
    )
    r = jnp.maximum(h + b1_ref[...], 0.0).astype(jnp.bfloat16)
    out = jax.lax.dot_general(
        w2_ref[...], r, (((1,), (0,)), ((), ())),
        preferred_element_type=jnp.float32,
    )
    out_ref[0] = out[:, :B] + b2_ref[...]
    out_ref[1] = out[:, B:] + b2_ref[...]


def _mlp_body1(e1_hbm, w1_ref, b1_ref, w2_ref, b2_ref, out_ref, ring, sems):
    j = pl.program_id(0)
    t0 = 2 * j

    @pl.when(j == 0)
    def _prime():
        for t in range(6):
            _slab_copy(e1_hbm, ring, sems, t).start()
        for t in range(6):
            _slab_copy(e1_hbm, ring, sems, t).wait()

    @pl.when(t0 + 7 < TSPLIT)
    def _prefetch():
        _slab_copy(e1_hbm, ring, sems, t0 + 6).start()
        _slab_copy(e1_hbm, ring, sems, t0 + 7).start()

    @pl.when(j > 0)
    def _await_slab():
        _slab_copy(e1_hbm, ring, sems, t0 + 4).wait()
        _slab_copy(e1_hbm, ring, sems, t0 + 5).wait()

    _two_center_mlp(w1_ref, b1_ref, w2_ref, b2_ref, out_ref, ring, t0)


def _mlp_body2(out_hbm, e1_hbm, e2_hbm, w1_ref, b1_ref, w2_ref, b2_ref,
               out_ref, ring, sems):
    del out_hbm
    j = pl.program_id(0)
    t0 = CSPLIT + 2 * j

    @pl.when(j == 0)
    def _prime():
        for t in range(CSPLIT, CSPLIT + 6):
            src, base = (e1_hbm, 0) if t < TSPLIT else (e2_hbm, TSPLIT)
            _slab_copy(src, ring, sems, t, base).start()
        for t in range(CSPLIT, CSPLIT + 6):
            src, base = (e1_hbm, 0) if t < TSPLIT else (e2_hbm, TSPLIT)
            _slab_copy(src, ring, sems, t, base).wait()

    @pl.when(t0 + 7 < T)
    def _prefetch():
        _slab_copy(e2_hbm, ring, sems, t0 + 6, TSPLIT).start()
        _slab_copy(e2_hbm, ring, sems, t0 + 7, TSPLIT).start()

    @pl.when(j > 0)
    def _await_slab():
        _slab_copy(e2_hbm, ring, sems, t0 + 4, TSPLIT).wait()
        _slab_copy(e2_hbm, ring, sems, t0 + 5, TSPLIT).wait()

    _two_center_mlp(w1_ref, b1_ref, w2_ref, b2_ref, out_ref, ring, t0)


@jax.jit
def kernel(batchCode, table, W1, b1, W2, b2):
    idx_t = batchCode.astype(jnp.int32).T
    idx1 = idx_t[:TSPLIT].reshape(NW, -1, CHUNK)
    idx2 = idx_t[TSPLIT:].reshape(NW, -1, CHUNK)
    e1 = _gather1(idx1, table).reshape(TSPLIT, B, EMB)
    e2 = _gather2(idx2, table).reshape(T - TSPLIT, B, EMB)

    w1t = W1.T.astype(jnp.bfloat16)
    b1c = b1.reshape(HID, 1)
    w2t = W2.T.astype(jnp.bfloat16)
    b2c = b2.reshape(UNIQUE_TOKENS, 1)
    wspecs = [
        pl.BlockSpec((HID, EMB), lambda i: (0, 0)),
        pl.BlockSpec((HID, 1), lambda i: (0, 0)),
        pl.BlockSpec((UNIQUE_TOKENS, HID), lambda i: (0, 0)),
        pl.BlockSpec((UNIQUE_TOKENS, 1), lambda i: (0, 0)),
    ]
    scratch = [
        pltpu.VMEM((NSLOT, B, EMB), jnp.float32),
        pltpu.SemaphoreType.DMA((NSLOT,)),
    ]
    out_shape = jax.ShapeDtypeStruct((NC, UNIQUE_TOKENS, B), jnp.float32)

    part1 = pl.pallas_call(
        _mlp_body1,
        grid=(CSPLIT // 2,),
        in_specs=[pl.BlockSpec(memory_space=pl.ANY)] + wspecs,
        out_specs=pl.BlockSpec((2, UNIQUE_TOKENS, B), lambda i: (i, 0, 0)),
        out_shape=out_shape,
        scratch_shapes=scratch,
    )(e1, w1t, b1c, w2t, b2c)

    out_t = pl.pallas_call(
        _mlp_body2,
        grid=((NC - CSPLIT) // 2,),
        in_specs=[pl.BlockSpec(memory_space=pl.ANY)] * 3 + wspecs,
        out_specs=pl.BlockSpec(
            (2, UNIQUE_TOKENS, B), lambda i: (i + CSPLIT // 2, 0, 0)
        ),
        out_shape=out_shape,
        input_output_aliases={0: 0},
        scratch_shapes=scratch,
    )(part1, e1, e2, w1t, b1c, w2t, b2c)

    return jnp.transpose(out_t, (2, 0, 1))

# --- scband reference (transcript-rebuilt; emitter-appended) ---
"""Pipeline reference for scband-decoder-4398046511132 (READ-ONLY COPY).

The authoritative reference and input builder live on the scoring server;
editing this copy changes nothing except your own understanding.
"""

import jax, jax.numpy as jnp
import numpy as np

UNIQUE_TOKENS = 1000
CONTEXT = 2
EMB = 256
HID = 1024
B = 1024
T = 50


def setup_inputs(seed: int = 0) -> dict:
    key = jax.random.key(seed)
    k1, k2, k3, k4, k5, k6 = jax.random.split(key, 6)
    batchCode = jax.random.randint(k1, (B, T), 0, UNIQUE_TOKENS)
    table = jax.random.normal(k2, (UNIQUE_TOKENS, EMB), dtype=jnp.float32)
    W1 = jax.random.normal(k3, (EMB, HID), dtype=jnp.float32) * (1.0 / np.sqrt(EMB))
    b1 = jax.random.normal(k4, (HID,), dtype=jnp.float32) * 0.01
    W2 = jax.random.normal(k5, (HID, UNIQUE_TOKENS), dtype=jnp.float32) * (1.0 / np.sqrt(HID))
    b2 = jax.random.normal(k6, (UNIQUE_TOKENS,), dtype=jnp.float32) * 0.01
    return {"batchCode": batchCode, "table": table, "W1": W1, "b1": b1, "W2": W2, "b2": b2}


def reference(batchCode, table, W1, b1, W2, b2):
    # Embedding lookup for all positions: [B, T, EMB]
    E = jnp.take(table, batchCode, axis=0)
    c = CONTEXT
    # For each center i in [c, T-c): sum of embeddings at i-d and i+d for d=1..c
    # (vectorized form of the per-timestep Python loop in the torch module)
    n_centers = T - 2 * c
    ctx = jnp.zeros((E.shape[0], n_centers, EMB), dtype=E.dtype)
    for d in range(1, c + 1):
        ctx = ctx + E[:, c - d: T - c - d] + E[:, c + d: T - c + d]
    # token projection MLP: Linear -> ReLU -> Linear
    h = jax.nn.relu(ctx @ W1 + b1)
    logits = h @ W2 + b2
    return logits  # [B, T - 2*c, UNIQUE_TOKENS]

if __name__ == "__main__":
    import jax
    _d = setup_inputs()
    print(jax.jit(kernel)(*tuple(_d.values())))

</pallas_src>

<mosaic_0001>
#map = affine_map<(d0, d1) -> (0, 0, 0)>
#map1 = affine_map<(d0, d1) -> (0, 0)>
module attributes {stable_mosaic.version = 14 : i64} {
  func.func @body(%arg0: i32, %arg1: i32, %arg2: memref<32x13x64xi32, #tpu.memory_space<hbm>>, %arg3: memref<1000x256xf32, #tpu.memory_space<hbm>>, %arg4: memref<26624x256xf32, #tpu.memory_space<hbm>>, %arg5: memref<13x64xi32, #tpu.memory_space<vmem>>, %arg6: memref<64x256xf32, #tpu.memory_space<vmem>>, %arg7: memref<64x256xf32, #tpu.memory_space<vmem>>, %arg8: memref<!tpu.dma_semaphore, #tpu.memory_space<semaphore_mem>>, %arg9: memref<!tpu.dma_semaphore, #tpu.memory_space<semaphore_mem>>) attributes {dimension_semantics = [#tpu.dimension_semantics<core_parallel>, #tpu.dimension_semantics<subcore_parallel>], iteration_bounds = array<i64: 2, 16>, scalar_prefetch = 0 : i64, scratch_operands = 5 : i64, tpu.core_type = #tpu.core_type<sc_vector_subcore>, window_params = [{transform_indices = #map}, {transform_indices = #map1}, {transform_indices = #map1}]} {
    %mul3A = arith.constant 2 : i32
    %mul3A_0 = arith.muli %arg1, %mul3A : i32
    %add3A = arith.addi %mul3A_0, %arg0 : i32
    "tpu.region"() ({
      %run_scoped3A = tpu.sem_alloc : memref<!tpu.dma_semaphore, #tpu.memory_space<semaphore_mem>>
      %dma_start3A_245 = arith.constant 0 : i32
      %dma_start3A_246 = arith.constant 0 : i32
      %dma_start3A_247 = tpu.memref_slice %arg2[%add3A, %dma_start3A_245, %dma_start3A_246] : memref<32x13x64xi32, #tpu.memory_space<hbm>> -> memref<1x13x64xi32, #tpu.memory_space<hbm>>
      %dma_start3A_248 = tpu.memref_squeeze %dma_start3A_247 : memref<1x13x64xi32, #tpu.memory_space<hbm>> -> memref<13x64xi32, #tpu.memory_space<hbm>>
      %dma_start3A_249 = arith.constant 0 : i32
      %dma_start3A_250 = arith.constant 0 : i32
      %dma_start3A_251 = tpu.memref_slice %arg2[%add3A, %dma_start3A_249, %dma_start3A_250] : memref<32x13x64xi32, #tpu.memory_space<hbm>> -> memref<1x13x64xi32, #tpu.memory_space<hbm>>
      %dma_start3A_252 = tpu.memref_squeeze %dma_start3A_251 : memref<1x13x64xi32, #tpu.memory_space<hbm>> -> memref<13x64xi32, #tpu.memory_space<hbm>>
      tpu.enqueue_dma source(%dma_start3A_252 : memref<13x64xi32, #tpu.memory_space<hbm>>) target(%arg5 : memref<13x64xi32, #tpu.memory_space<vmem>>) target_semaphore(%run_scoped3A : memref<!tpu.dma_semaphore, #tpu.memory_space<semaphore_mem>>)
      %dma_wait3A_253 = arith.constant 0 : i32
      %dma_wait3A_254 = arith.constant 0 : i32
      %dma_wait3A_255 = tpu.memref_slice %arg2[%add3A, %dma_wait3A_253, %dma_wait3A_254] : memref<32x13x64xi32, #tpu.memory_space<hbm>> -> memref<1x13x64xi32, #tpu.memory_space<hbm>>
      %dma_wait3A_256 = tpu.memref_squeeze %dma_wait3A_255 : memref<1x13x64xi32, #tpu.memory_space<hbm>> -> memref<13x64xi32, #tpu.memory_space<hbm>>
      %dma_wait3A_257 = arith.constant 0 : i32
      %dma_wait3A_258 = arith.constant 0 : i32
      %dma_wait3A_259 = tpu.memref_slice %arg2[%add3A, %dma_wait3A_257, %dma_wait3A_258] : memref<32x13x64xi32, #tpu.memory_space<hbm>> -> memref<1x13x64xi32, #tpu.memory_space<hbm>>
      %dma_wait3A_260 = tpu.memref_squeeze %dma_wait3A_259 : memref<1x13x64xi32, #tpu.memory_space<hbm>> -> memref<13x64xi32, #tpu.memory_space<hbm>>
      tpu.wait_dma2 semaphore(%run_scoped3A : memref<!tpu.dma_semaphore, #tpu.memory_space<semaphore_mem>>) src(%dma_wait3A_260 : memref<13x64xi32, #tpu.memory_space<hbm>>) dst(%arg5 : memref<13x64xi32, #tpu.memory_space<vmem>>)
      tpu.yield
    }) : () -> ()
    %dma_start3A = arith.constant 0 : i32
    %dma_start3A_1 = arith.constant 0 : i32
    %dma_start3A_2 = tpu.memref_slice %arg5[%dma_start3A, %dma_start3A_1] : memref<13x64xi32, #tpu.memory_space<vmem>> -> memref<1x64xi32, #tpu.memory_space<vmem>>
    %dma_start3A_3 = tpu.memref_squeeze %dma_start3A_2 : memref<1x64xi32, #tpu.memory_space<vmem>> -> memref<64xi32, #tpu.memory_space<vmem>>
    %dma_start3A_4 = arith.constant 0 : i32
    %dma_start3A_5 = arith.constant 0 : i32
    %dma_start3A_6 = tpu.memref_slice %arg3[%dma_start3A_4, %dma_start3A_5] : memref<1000x256xf32, #tpu.memory_space<hbm>> -> memref<1000x256xf32, #tpu.memory_space<hbm>>
    tpu.enqueue_indirect_dma source(%dma_start3A_6 : memref<1000x256xf32, #tpu.memory_space<hbm>>) target(%arg6 : memref<64x256xf32, #tpu.memory_space<vmem>>) offsets(%dma_start3A_3 : memref<64xi32, #tpu.memory_space<vmem>>) semaphore(%arg8 : memref<!tpu.dma_semaphore, #tpu.memory_space<semaphore_mem>>)
    %dma_start3A_7 = arith.constant 1 : i32
    %dma_start3A_8 = arith.constant 0 : i32
    %dma_start3A_9 = tpu.memref_slice %arg5[%dma_start3A_7, %dma_start3A_8] : memref<13x64xi32, #tpu.memory_space<vmem>> -> memref<1x64xi32, #tpu.memory_space<vmem>>
    %dma_start3A_10 = tpu.memref_squeeze %dma_start3A_9 : memref<1x64xi32, #tpu.memory_space<vmem>> -> memref<64xi32, #tpu.memory_space<vmem>>
    %dma_start3A_11 = arith.constant 0 : i32
    %dma_start3A_12 = arith.constant 0 : i32
    %dma_start3A_13 = tpu.memref_slice %arg3[%dma_start3A_11, %dma_start3A_12] : memref<1000x256xf32, #tpu.memory_space<hbm>> -> memref<1000x256xf32, #tpu.memory_space<hbm>>
    tpu.enqueue_indirect_dma source(%dma_start3A_13 : memref<1000x256xf32, #tpu.memory_space<hbm>>) target(%arg7 : memref<64x256xf32, #tpu.memory_space<vmem>>) offsets(%dma_start3A_10 : memref<64xi32, #tpu.memory_space<vmem>>) semaphore(%arg9 : memref<!tpu.dma_semaphore, #tpu.memory_space<semaphore_mem>>)
    %dma_wait3A = arith.constant 0 : i32
    %dma_wait3A_14 = arith.constant 0 : i32
    %dma_wait3A_15 = tpu.memref_slice %arg5[%dma_wait3A, %dma_wait3A_14] : memref<13x64xi32, #tpu.memory_space<vmem>> -> memref<1x64xi32, #tpu.memory_space<vmem>>
    %dma_wait3A_16 = tpu.memref_squeeze %dma_wait3A_15 : memref<1x64xi32, #tpu.memory_space<vmem>> -> memref<64xi32, #tpu.memory_space<vmem>>
    %dma_wait3A_17 = arith.constant 0 : i32
    %dma_wait3A_18 = arith.constant 0 : i32
    %dma_wait3A_19 = tpu.memref_slice %arg3[%dma_wait3A_17, %dma_wait3A_18] : memref<1000x256xf32, #tpu.memory_space<hbm>> -> memref<1000x256xf32, #tpu.memory_space<hbm>>
    tpu.wait_indirect_dma semaphore(%arg8 : memref<!tpu.dma_semaphore, #tpu.memory_space<semaphore_mem>>) src(%dma_wait3A_19 : memref<1000x256xf32, #tpu.memory_space<hbm>>) dst(%arg6 : memref<64x256xf32, #tpu.memory_space<vmem>>)
    %mul3A_20 = arith.constant 832 : i32
    %mul3A_21 = arith.muli %add3A, %mul3A_20 : i32
    %add3A_22 = arith.constant 0 : i32
    %add3A_23 = arith.addi %mul3A_21, %add3A_22 : i32
    %multiple_of3A = tpu.assume_multiple %add3A_23, 8 : i32
    "tpu.region"() ({
      %run_scoped3A = tpu.sem_alloc : memref<!tpu.dma_semaphore, #tpu.memory_space<semaphore_mem>>
      %dma_start3A_245 = arith.constant 0 : i32
      %dma_start3A_246 = tpu.memref_slice %arg4[%multiple_of3A, %dma_start3A_245] : memref<26624x256xf32, #tpu.memory_space<hbm>> -> memref<64x256xf32, #tpu.memory_space<hbm>>
      %dma_start3A_247 = arith.constant 0 : i32
      %dma_start3A_248 = tpu.memref_slice %arg4[%multiple_of3A, %dma_start3A_247] : memref<26624x256xf32, #tpu.memory_space<hbm>> -> memref<64x256xf32, #tpu.memory_space<hbm>>
      tpu.enqueue_dma source(%arg6 : memref<64x256xf32, #tpu.memory_space<vmem>>) target(%dma_start3A_248 : memref<64x256xf32, #tpu.memory_space<hbm>>) target_semaphore(%run_scoped3A : memref<!tpu.dma_semaphore, #tpu.memory_space<semaphore_mem>>)
      %dma_wait3A_249 = arith.constant 0 : i32
      %dma_wait3A_250 = tpu.memref_slice %arg4[%multiple_of3A, %dma_wait3A_249] : memref<26624x256xf32, #tpu.memory_space<hbm>> -> memref<64x256xf32, #tpu.memory_space<hbm>>
      %dma_wait3A_251 = arith.constant 0 : i32
      %dma_wait3A_252 = tpu.memref_slice %arg4[%multiple_of3A, %dma_wait3A_251] : memref<26624x256xf32, #tpu.memory_space<hbm>> -> memref<64x256xf32, #tpu.memory_space<hbm>>
      tpu.wait_dma2 semaphore(%run_scoped3A : memref<!tpu.dma_semaphore, #tpu.memory_space<semaphore_mem>>) src(%arg6 : memref<64x256xf32, #tpu.memory_space<vmem>>) dst(%dma_wait3A_252 : memref<64x256xf32, #tpu.memory_space<hbm>>)
      tpu.yield
    }) : () -> ()
    %dma_start3A_24 = arith.constant 2 : i32
    %dma_start3A_25 = arith.constant 0 : i32
    %dma_start3A_26 = tpu.memref_slice %arg5[%dma_start3A_24, %dma_start3A_25] : memref<13x64xi32, #tpu.memory_space<vmem>> -> memref<1x64xi32, #tpu.memory_space<vmem>>
    %dma_start3A_27 = tpu.memref_squeeze %dma_start3A_26 : memref<1x64xi32, #tpu.memory_space<vmem>> -> memref<64xi32, #tpu.memory_space<vmem>>
    %dma_start3A_28 = arith.constant 0 : i32
    %dma_start3A_29 = arith.constant 0 : i32
    %dma_start3A_30 = tpu.memref_slice %arg3[%dma_start3A_28, %dma_start3A_29] : memref<1000x256xf32, #tpu.memory_space<hbm>> -> memref<1000x256xf32, #tpu.memory_space<hbm>>
    tpu.enqueue_indirect_dma source(%dma_start3A_30 : memref<1000x256xf32, #tpu.memory_space<hbm>>) target(%arg6 : memref<64x256xf32, #tpu.memory_space<vmem>>) offsets(%dma_start3A_27 : memref<64xi32, #tpu.memory_space<vmem>>) semaphore(%arg8 : memref<!tpu.dma_semaphore, #tpu.memory_space<semaphore_mem>>)
    %dma_wait3A_31 = arith.constant 1 : i32
    %dma_wait3A_32 = arith.constant 0 : i32
    %dma_wait3A_33 = tpu.memref_slice %arg5[%dma_wait3A_31, %dma_wait3A_32] : memref<13x64xi32, #tpu.memory_space<vmem>> -> memref<1x64xi32, #tpu.memory_space<vmem>>
    %dma_wait3A_34 = tpu.memref_squeeze %dma_wait3A_33 : memref<1x64xi32, #tpu.memory_space<vmem>> -> memref<64xi32, #tpu.memory_space<vmem>>
    %dma_wait3A_35 = arith.constant 0 : i32
    %dma_wait3A_36 = arith.constant 0 : i32
    %dma_wait3A_37 = tpu.memref_slice %arg3[%dma_wait3A_35, %dma_wait3A_36] : memref<1000x256xf32, #tpu.memory_space<hbm>> -> memref<1000x256xf32, #tpu.memory_space<hbm>>
    tpu.wait_indirect_dma semaphore(%arg9 : memref<!tpu.dma_semaphore, #tpu.memory_space<semaphore_mem>>) src(%dma_wait3A_37 : memref<1000x256xf32, #tpu.memory_space<hbm>>) dst(%arg7 : memref<64x256xf32, #tpu.memory_space<vmem>>)
    %mul3A_38 = arith.constant 832 : i32
    %mul3A_39 = arith.muli %add3A, %mul3A_38 : i32
    %add3A_40 = arith.constant 64 : i32
    %add3A_41 = arith.addi %mul3A_39, %add3A_40 : i32
    %multiple_of3A_42 = tpu.assume_multiple %add3A_41, 8 : i32
    "tpu.region"() ({
      %run_scoped3A = tpu.sem_alloc : memref<!tpu.dma_semaphore, #tpu.memory_space<semaphore_mem>>
      %dma_start3A_245 = arith.constant 0 : i32
      %dma_start3A_246 = tpu.memref_slice %arg4[%multiple_of3A_42, %dma_start3A_245] : memref<26624x256xf32, #tpu.memory_space<hbm>> -> memref<64x256xf32, #tpu.memory_space<hbm>>
      %dma_start3A_247 = arith.constant 0 : i32
      %dma_start3A_248 = tpu.memref_slice %arg4[%multiple_of3A_42, %dma_start3A_247] : memref<26624x256xf32, #tpu.memory_space<hbm>> -> memref<64x256xf32, #tpu.memory_space<hbm>>
      tpu.enqueue_dma source(%arg7 : memref<64x256xf32, #tpu.memory_space<vmem>>) target(%dma_start3A_248 : memref<64x256xf32, #tpu.memory_space<hbm>>) target_semaphore(%run_scoped3A : memref<!tpu.dma_semaphore, #tpu.memory_space<semaphore_mem>>)
      %dma_wait3A_249 = arith.constant 0 : i32
      %dma_wait3A_250 = tpu.memref_slice %arg4[%multiple_of3A_42, %dma_wait3A_249] : memref<26624x256xf32, #tpu.memory_space<hbm>> -> memref<64x256xf32, #tpu.memory_space<hbm>>
      %dma_wait3A_251 = arith.constant 0 : i32
      %dma_wait3A_252 = tpu.memref_slice %arg4[%multiple_of3A_42, %dma_wait3A_251] : memref<26624x256xf32, #tpu.memory_space<hbm>> -> memref<64x256xf32, #tpu.memory_space<hbm>>
      tpu.wait_dma2 semaphore(%run_scoped3A : memref<!tpu.dma_semaphore, #tpu.memory_space<semaphore_mem>>) src(%arg7 : memref<64x256xf32, #tpu.memory_space<vmem>>) dst(%dma_wait3A_252 : memref<64x256xf32, #tpu.memory_space<hbm>>)
      tpu.yield
    }) : () -> ()
    %dma_start3A_43 = arith.constant 3 : i32
    %dma_start3A_44 = arith.constant 0 : i32
    %dma_start3A_45 = tpu.memref_slice %arg5[%dma_start3A_43, %dma_start3A_44] : memref<13x64xi32, #tpu.memory_space<vmem>> -> memref<1x64xi32, #tpu.memory_space<vmem>>
    %dma_start3A_46 = tpu.memref_squeeze %dma_start3A_45 : memref<1x64xi32, #tpu.memory_space<vmem>> -> memref<64xi32, #tpu.memory_space<vmem>>
    %dma_start3A_47 = arith.constant 0 : i32
    %dma_start3A_48 = arith.constant 0 : i32
    %dma_start3A_49 = tpu.memref_slice %arg3[%dma_start3A_47, %dma_start3A_48] : memref<1000x256xf32, #tpu.memory_space<hbm>> -> memref<1000x256xf32, #tpu.memory_space<hbm>>
    tpu.enqueue_indirect_dma source(%dma_start3A_49 : memref<1000x256xf32, #tpu.memory_space<hbm>>) target(%arg7 : memref<64x256xf32, #tpu.memory_space<vmem>>) offsets(%dma_start3A_46 : memref<64xi32, #tpu.memory_space<vmem>>) semaphore(%arg9 : memref<!tpu.dma_semaphore, #tpu.memory_space<semaphore_mem>>)
    %dma_wait3A_50 = arith.constant 2 : i32
    %dma_wait3A_51 = arith.constant 0 : i32
    %dma_wait3A_52 = tpu.memref_slice %arg5[%dma_wait3A_50, %dma_wait3A_51] : memref<13x64xi32, #tpu.memory_space<vmem>> -> memref<1x64xi32, #tpu.memory_space<vmem>>
    %dma_wait3A_53 = tpu.memref_squeeze %dma_wait3A_52 : memref<1x64xi32, #tpu.memory_space<vmem>> -> memref<64xi32, #tpu.memory_space<vmem>>
    %dma_wait3A_54 = arith.constant 0 : i32
    %dma_wait3A_55 = arith.constant 0 : i32
    %dma_wait3A_56 = tpu.memref_slice %arg3[%dma_wait3A_54, %dma_wait3A_55] : memref<1000x256xf32, #tpu.memory_space<hbm>> -> memref<1000x256xf32, #tpu.memory_space<hbm>>
    tpu.wait_indirect_dma semaphore(%arg8 : memref<!tpu.dma_semaphore, #tpu.memory_space<semaphore_mem>>) src(%dma_wait3A_56 : memref<1000x256xf32, #tpu.memory_space<hbm>>) dst(%arg6 : memref<64x256xf32, #tpu.memory_space<vmem>>)
    %mul3A_57 = arith.constant 832 : i32
    %mul3A_58 = arith.muli %add3A, %mul3A_57 : i32
    %add3A_59 = arith.constant 128 : i32
    %add3A_60 = arith.addi %mul3A_58, %add3A_59 : i32
    %multiple_of3A_61 = tpu.assume_multiple %add3A_60, 8 : i32
    "tpu.region"() ({
      %run_scoped3A = tpu.sem_alloc : memref<!tpu.dma_semaphore, #tpu.memory_space<semaphore_mem>>
      %dma_start3A_245 = arith.constant 0 : i32
      %dma_start3A_246 = tpu.memref_slice %arg4[%multiple_of3A_61, %dma_start3A_245] : memref<26624x256xf32, #tpu.memory_space<hbm>> -> memref<64x256xf32, #tpu.memory_space<hbm>>
      %dma_start3A_247 = arith.constant 0 : i32
      %dma_start3A_248 = tpu.memref_slice %arg4[%multiple_of3A_61, %dma_start3A_247] : memref<26624x256xf32, #tpu.memory_space<hbm>> -> memref<64x256xf32, #tpu.memory_space<hbm>>
      tpu.enqueue_dma source(%arg6 : memref<64x256xf32, #tpu.memory_space<vmem>>) target(%dma_start3A_248 : memref<64x256xf32, #tpu.memory_space<hbm>>) target_semaphore(%run_scoped3A : memref<!tpu.dma_semaphore, #tpu.memory_space<semaphore_mem>>)
      %dma_wait3A_249 = arith.constant 0 : i32
      %dma_wait3A_250 = tpu.memref_slice %arg4[%multiple_of3A_61, %dma_wait3A_249] : memref<26624x256xf32, #tpu.memory_space<hbm>> -> memref<64x256xf32, #tpu.memory_space<hbm>>
      %dma_wait3A_251 = arith.constant 0 : i32
      %dma_wait3A_252 = tpu.memref_slice %arg4[%multiple_of3A_61, %dma_wait3A_251] : memref<26624x256xf32, #tpu.memory_space<hbm>> -> memref<64x256xf32, #tpu.memory_space<hbm>>
      tpu.wait_dma2 semaphore(%run_scoped3A : memref<!tpu.dma_semaphore, #tpu.memory_space<semaphore_mem>>) src(%arg6 : memref<64x256xf32, #tpu.memory_space<vmem>>) dst(%dma_wait3A_252 : memref<64x256xf32, #tpu.memory_space<hbm>>)
      tpu.yield
    }) : () -> ()
    %dma_start3A_62 = arith.constant 4 : i32
    %dma_start3A_63 = arith.constant 0 : i32
    %dma_start3A_64 = tpu.memref_slice %arg5[%dma_start3A_62, %dma_start3A_63] : memref<13x64xi32, #tpu.memory_space<vmem>> -> memref<1x64xi32, #tpu.memory_space<vmem>>
    %dma_start3A_65 = tpu.memref_squeeze %dma_start3A_64 : memref<1x64xi32, #tpu.memory_space<vmem>> -> memref<64xi32, #tpu.memory_space<vmem>>
    %dma_start3A_66 = arith.constant 0 : i32
    %dma_start3A_67 = arith.constant 0 : i32
    %dma_start3A_68 = tpu.memref_slice %arg3[%dma_start3A_66, %dma_start3A_67] : memref<1000x256xf32, #tpu.memory_space<hbm>> -> memref<1000x256xf32, #tpu.memory_space<hbm>>
    tpu.enqueue_indirect_dma source(%dma_start3A_68 : memref<1000x256xf32, #tpu.memory_space<hbm>>) target(%arg6 : memref<64x256xf32, #tpu.memory_space<vmem>>) offsets(%dma_start3A_65 : memref<64xi32, #tpu.memory_space<vmem>>) semaphore(%arg8 : memref<!tpu.dma_semaphore, #tpu.memory_space<semaphore_mem>>)
    %dma_wait3A_69 = arith.constant 3 : i32
    %dma_wait3A_70 = arith.constant 0 : i32
    %dma_wait3A_71 = tpu.memref_slice %arg5[%dma_wait3A_69, %dma_wait3A_70] : memref<13x64xi32, #tpu.memory_space<vmem>> -> memref<1x64xi32, #tpu.memory_space<vmem>>
    %dma_wait3A_72 = tpu.memref_squeeze %dma_wait3A_71 : memref<1x64xi32, #tpu.memory_space<vmem>> -> memref<64xi32, #tpu.memory_space<vmem>>
    %dma_wait3A_73 = arith.constant 0 : i32
    %dma_wait3A_74 = arith.constant 0 : i32
    %dma_wait3A_75 = tpu.memref_slice %arg3[%dma_wait3A_73, %dma_wait3A_74] : memref<1000x256xf32, #tpu.memory_space<hbm>> -> memref<1000x256xf32, #tpu.memory_space<hbm>>
    tpu.wait_indirect_dma semaphore(%arg9 : memref<!tpu.dma_semaphore, #tpu.memory_space<semaphore_mem>>) src(%dma_wait3A_75 : memref<1000x256xf32, #tpu.memory_space<hbm>>) dst(%arg7 : memref<64x256xf32, #tpu.memory_space<vmem>>)
    %mul3A_76 = arith.constant 832 : i32
    %mul3A_77 = arith.muli %add3A, %mul3A_76 : i32
    %add3A_78 = arith.constant 192 : i32
    %add3A_79 = arith.addi %mul3A_77, %add3A_78 : i32
    %multiple_of3A_80 = tpu.assume_multiple %add3A_79, 8 : i32
    "tpu.region"() ({
      %run_scoped3A = tpu.sem_alloc : memref<!tpu.dma_semaphore, #tpu.memory_space<semaphore_mem>>
      %dma_start3A_245 = arith.constant 0 : i32
      %dma_start3A_246 = tpu.memref_slice %arg4[%multiple_of3A_80, %dma_start3A_245] : memref<26624x256xf32, #tpu.memory_space<hbm>> -> memref<64x256xf32, #tpu.memory_space<hbm>>
      %dma_start3A_247 = arith.constant 0 : i32
      %dma_start3A_248 = tpu.memref_slice %arg4[%multiple_of3A_80, %dma_start3A_247] : memref<26624x256xf32, #tpu.memory_space<hbm>> -> memref<64x256xf32, #tpu.memory_space<hbm>>
      tpu.enqueue_dma source(%arg7 : memref<64x256xf32, #tpu.memory_space<vmem>>) target(%dma_start3A_248 : memref<64x256xf32, #tpu.memory_space<hbm>>) target_semaphore(%run_scoped3A : memref<!tpu.dma_semaphore, #tpu.memory_space<semaphore_mem>>)
      %dma_wait3A_249 = arith.constant 0 : i32
      %dma_wait3A_250 = tpu.memref_slice %arg4[%multiple_of3A_80, %dma_wait3A_249] : memref<26624x256xf32, #tpu.memory_space<hbm>> -> memref<64x256xf32, #tpu.memory_space<hbm>>
      %dma_wait3A_251 = arith.constant 0 : i32
      %dma_wait3A_252 = tpu.memref_slice %arg4[%multiple_of3A_80, %dma_wait3A_251] : memref<26624x256xf32, #tpu.memory_space<hbm>> -> memref<64x256xf32, #tpu.memory_space<hbm>>
      tpu.wait_dma2 semaphore(%run_scoped3A : memref<!tpu.dma_semaphore, #tpu.memory_space<semaphore_mem>>) src(%arg7 : memref<64x256xf32, #tpu.memory_space<vmem>>) dst(%dma_wait3A_252 : memref<64x256xf32, #tpu.memory_space<hbm>>)
      tpu.yield
    }) : () -> ()
    %dma_start3A_81 = arith.constant 5 : i32
    %dma_start3A_82 = arith.constant 0 : i32
    %dma_start3A_83 = tpu.memref_slice %arg5[%dma_start3A_81, %dma_start3A_82] : memref<13x64xi32, #tpu.memory_space<vmem>> -> memref<1x64xi32, #tpu.memory_space<vmem>>
    %dma_start3A_84 = tpu.memref_squeeze %dma_start3A_83 : memref<1x64xi32, #tpu.memory_space<vmem>> -> memref<64xi32, #tpu.memory_space<vmem>>
    %dma_start3A_85 = arith.constant 0 : i32
    %dma_start3A_86 = arith.constant 0 : i32
    %dma_start3A_87 = tpu.memref_slice %arg3[%dma_start3A_85, %dma_start3A_86] : memref<1000x256xf32, #tpu.memory_space<hbm>> -> memref<1000x256xf32, #tpu.memory_space<hbm>>
    tpu.enqueue_indirect_dma source(%dma_start3A_87 : memref<1000x256xf32, #tpu.memory_space<hbm>>) target(%arg7 : memref<64x256xf32, #tpu.memory_space<vmem>>) offsets(%dma_start3A_84 : memref<64xi32, #tpu.memory_space<vmem>>) semaphore(%arg9 : memref<!tpu.dma_semaphore, #tpu.memory_space<semaphore_mem>>)
    %dma_wait3A_88 = arith.constant 4 : i32
    %dma_wait3A_89 = arith.constant 0 : i32
    %dma_wait3A_90 = tpu.memref_slice %arg5[%dma_wait3A_88, %dma_wait3A_89] : memref<13x64xi32, #tpu.memory_space<vmem>> -> memref<1x64xi32, #tpu.memory_space<vmem>>
    %dma_wait3A_91 = tpu.memref_squeeze %dma_wait3A_90 : memref<1x64xi32, #tpu.memory_space<vmem>> -> memref<64xi32, #tpu.memory_space<vmem>>
    %dma_wait3A_92 = arith.constant 0 : i32
    %dma_wait3A_93 = arith.constant 0 : i32
    %dma_wait3A_94 = tpu.memref_slice %arg3[%dma_wait3A_92, %dma_wait3A_93] : memref<1000x256xf32, #tpu.memory_space<hbm>> -> memref<1000x256xf32, #tpu.memory_space<hbm>>
    tpu.wait_indirect_dma semaphore(%arg8 : memref<!tpu.dma_semaphore, #tpu.memory_space<semaphore_mem>>) src(%dma_wait3A_94 : memref<1000x256xf32, #tpu.memory_space<hbm>>) dst(%arg6 : memref<64x256xf32, #tpu.memory_space<vmem>>)
    %mul3A_95 = arith.constant 832 : i32
    %mul3A_96 = arith.muli %add3A, %mul3A_95 : i32
    %add3A_97 = arith.constant 256 : i32
    %add3A_98 = arith.addi %mul3A_96, %add3A_97 : i32
    %multiple_of3A_99 = tpu.assume_multiple %add3A_98, 8 : i32
    "tpu.region"() ({
      %run_scoped3A = tpu.sem_alloc : memref<!tpu.dma_semaphore, #tpu.memory_space<semaphore_mem>>
      %dma_start3A_245 = arith.constant 0 : i32
      %dma_start3A_246 = tpu.memref_slice %arg4[%multiple_of3A_99, %dma_start3A_245] : memref<26624x256xf32, #tpu.memory_space<hbm>> -> memref<64x256xf32, #tpu.memory_space<hbm>>
      %dma_start3A_247 = arith.constant 0 : i32
      %dma_start3A_248 = tpu.memref_slice %arg4[%multiple_of3A_99, %dma_start3A_247] : memref<26624x256xf32, #tpu.memory_space<hbm>> -> memref<64x256xf32, #tpu.memory_space<hbm>>
      tpu.enqueue_dma source(%arg6 : memref<64x256xf32, #tpu.memory_space<vmem>>) target(%dma_start3A_248 : memref<64x256xf32, #tpu.memory_space<hbm>>) target_semaphore(%run_scoped3A : memref<!tpu.dma_semaphore, #tpu.memory_space<semaphore_mem>>)
      %dma_wait3A_249 = arith.constant 0 : i32
      %dma_wait3A_250 = tpu.memref_slice %arg4[%multiple_of3A_99, %dma_wait3A_249] : memref<26624x256xf32, #tpu.memory_space<hbm>> -> memref<64x256xf32, #tpu.memory_space<hbm>>
      %dma_wait3A_251 = arith.constant 0 : i32
      %dma_wait3A_252 = tpu.memref_slice %arg4[%multiple_of3A_99, %dma_wait3A_251] : memref<26624x256xf32, #tpu.memory_space<hbm>> -> memref<64x256xf32, #tpu.memory_space<hbm>>
      tpu.wait_dma2 semaphore(%run_scoped3A : memref<!tpu.dma_semaphore, #tpu.memory_space<semaphore_mem>>) src(%arg6 : memref<64x256xf32, #tpu.memory_space<vmem>>) dst(%dma_wait3A_252 : memref<64x256xf32, #tpu.memory_space<hbm>>)
      tpu.yield
    }) : () -> ()
    %dma_start3A_100 = arith.constant 6 : i32
    %dma_start3A_101 = arith.constant 0 : i32
    %dma_start3A_102 = tpu.memref_slice %arg5[%dma_start3A_100, %dma_start3A_101] : memref<13x64xi32, #tpu.memory_space<vmem>> -> memref<1x64xi32, #tpu.memory_space<vmem>>
    %dma_start3A_103 = tpu.memref_squeeze %dma_start3A_102 : memref<1x64xi32, #tpu.memory_space<vmem>> -> memref<64xi32, #tpu.memory_space<vmem>>
    %dma_start3A_104 = arith.constant 0 : i32
    %dma_start3A_105 = arith.constant 0 : i32
    %dma_start3A_106 = tpu.memref_slice %arg3[%dma_start3A_104, %dma_start3A_105] : memref<1000x256xf32, #tpu.memory_space<hbm>> -> memref<1000x256xf32, #tpu.memory_space<hbm>>
    tpu.enqueue_indirect_dma source(%dma_start3A_106 : memref<1000x256xf32, #tpu.memory_space<hbm>>) target(%arg6 : memref<64x256xf32, #tpu.memory_space<vmem>>) offsets(%dma_start3A_103 : memref<64xi32, #tpu.memory_space<vmem>>) semaphore(%arg8 : memref<!tpu.dma_semaphore, #tpu.memory_space<semaphore_mem>>)
    %dma_wait3A_107 = arith.constant 5 : i32
    %dma_wait3A_108 = arith.constant 0 : i32
    %dma_wait3A_109 = tpu.memref_slice %arg5[%dma_wait3A_107, %dma_wait3A_108] : memref<13x64xi32, #tpu.memory_space<vmem>> -> memref<1x64xi32, #tpu.memory_space<vmem>>
    %dma_wait3A_110 = tpu.memref_squeeze %dma_wait3A_109 : memref<1x64xi32, #tpu.memory_space<vmem>> -> memref<64xi32, #tpu.memory_space<vmem>>
    %dma_wait3A_111 = arith.constant 0 : i32
    %dma_wait3A_112 = arith.constant 0 : i32
    %dma_wait3A_113 = tpu.memref_slice %arg3[%dma_wait3A_111, %dma_wait3A_112] : memref<1000x256xf32, #tpu.memory_space<hbm>> -> memref<1000x256xf32, #tpu.memory_space<hbm>>
    tpu.wait_indirect_dma semaphore(%arg9 : memref<!tpu.dma_semaphore, #tpu.memory_space<semaphore_mem>>) src(%dma_wait3A_113 : memref<1000x256xf32, #tpu.memory_space<hbm>>) dst(%arg7 : memref<64x256xf32, #tpu.memory_space<vmem>>)
    %mul3A_114 = arith.constant 832 : i32
    %mul3A_115 = arith.muli %add3A, %mul3A_114 : i32
    %add3A_116 = arith.constant 320 : i32
    %add3A_117 = arith.addi %mul3A_115, %add3A_116 : i32
    %multiple_of3A_118 = tpu.assume_multiple %add3A_117, 8 : i32
    "tpu.region"() ({
      %run_scoped3A = tpu.sem_alloc : memref<!tpu.dma_semaphore, #tpu.memory_space<semaphore_mem>>
      %dma_start3A_245 = arith.constant 0 : i32
      %dma_start3A_246 = tpu.memref_slice %arg4[%multiple_of3A_118, %dma_start3A_245] : memref<26624x256xf32, #tpu.memory_space<hbm>> -> memref<64x256xf32, #tpu.memory_space<hbm>>
      %dma_start3A_247 = arith.constant 0 : i32
      %dma_start3A_248 = tpu.memref_slice %arg4[%multiple_of3A_118, %dma_start3A_247] : memref<26624x256xf32, #tpu.memory_space<hbm>> -> memref<64x256xf32, #tpu.memory_space<hbm>>
      tpu.enqueue_dma source(%arg7 : memref<64x256xf32, #tpu.memory_space<vmem>>) target(%dma_start3A_248 : memref<64x256xf32, #tpu.memory_space<hbm>>) target_semaphore(%run_scoped3A : memref<!tpu.dma_semaphore, #tpu.memory_space<semaphore_mem>>)
      %dma_wait3A_249 = arith.constant 0 : i32
      %dma_wait3A_250 = tpu.memref_slice %arg4[%multiple_of3A_118, %dma_wait3A_249] : memref<26624x256xf32, #tpu.memory_space<hbm>> -> memref<64x256xf32, #tpu.memory_space<hbm>>
      %dma_wait3A_251 = arith.constant 0 : i32
      %dma_wait3A_252 = tpu.memref_slice %arg4[%multiple_of3A_118, %dma_wait3A_251] : memref<26624x256xf32, #tpu.memory_space<hbm>> -> memref<64x256xf32, #tpu.memory_space<hbm>>
      tpu.wait_dma2 semaphore(%run_scoped3A : memref<!tpu.dma_semaphore, #tpu.memory_space<semaphore_mem>>) src(%arg7 : memref<64x256xf32, #tpu.memory_space<vmem>>) dst(%dma_wait3A_252 : memref<64x256xf32, #tpu.memory_space<hbm>>)
      tpu.yield
    }) : () -> ()
    %dma_start3A_119 = arith.constant 7 : i32
    %dma_start3A_120 = arith.constant 0 : i32
    %dma_start3A_121 = tpu.memref_slice %arg5[%dma_start3A_119, %dma_start3A_120] : memref<13x64xi32, #tpu.memory_space<vmem>> -> memref<1x64xi32, #tpu.memory_space<vmem>>
    %dma_start3A_122 = tpu.memref_squeeze %dma_start3A_121 : memref<1x64xi32, #tpu.memory_space<vmem>> -> memref<64xi32, #tpu.memory_space<vmem>>
    %dma_start3A_123 = arith.constant 0 : i32
    %dma_start3A_124 = arith.constant 0 : i32
    %dma_start3A_125 = tpu.memref_slice %arg3[%dma_start3A_123, %dma_start3A_124] : memref<1000x256xf32, #tpu.memory_space<hbm>> -> memref<1000x256xf32, #tpu.memory_space<hbm>>
    tpu.enqueue_indirect_dma source(%dma_start3A_125 : memref<1000x256xf32, #tpu.memory_space<hbm>>) target(%arg7 : memref<64x256xf32, #tpu.memory_space<vmem>>) offsets(%dma_start3A_122 : memref<64xi32, #tpu.memory_space<vmem>>) semaphore(%arg9 : memref<!tpu.dma_semaphore, #tpu.memory_space<semaphore_mem>>)
    %dma_wait3A_126 = arith.constant 6 : i32
    %dma_wait3A_127 = arith.constant 0 : i32
    %dma_wait3A_128 = tpu.memref_slice %arg5[%dma_wait3A_126, %dma_wait3A_127] : memref<13x64xi32, #tpu.memory_space<vmem>> -> memref<1x64xi32, #tpu.memory_space<vmem>>
    %dma_wait3A_129 = tpu.memref_squeeze %dma_wait3A_128 : memref<1x64xi32, #tpu.memory_space<vmem>> -> memref<64xi32, #tpu.memory_space<vmem>>
    %dma_wait3A_130 = arith.constant 0 : i32
    %dma_wait3A_131 = arith.constant 0 : i32
    %dma_wait3A_132 = tpu.memref_slice %arg3[%dma_wait3A_130, %dma_wait3A_131] : memref<1000x256xf32, #tpu.memory_space<hbm>> -> memref<1000x256xf32, #tpu.memory_space<hbm>>
    tpu.wait_indirect_dma semaphore(%arg8 : memref<!tpu.dma_semaphore, #tpu.memory_space<semaphore_mem>>) src(%dma_wait3A_132 : memref<1000x256xf32, #tpu.memory_space<hbm>>) dst(%arg6 : memref<64x256xf32, #tpu.memory_space<vmem>>)
    %mul3A_133 = arith.constant 832 : i32
    %mul3A_134 = arith.muli %add3A, %mul3A_133 : i32
    %add3A_135 = arith.constant 384 : i32
    %add3A_136 = arith.addi %mul3A_134, %add3A_135 : i32
    %multiple_of3A_137 = tpu.assume_multiple %add3A_136, 8 : i32
    "tpu.region"() ({
      %run_scoped3A = tpu.sem_alloc : memref<!tpu.dma_semaphore, #tpu.memory_space<semaphore_mem>>
      %dma_start3A_245 = arith.constant 0 : i32
      %dma_start3A_246 = tpu.memref_slice %arg4[%multiple_of3A_137, %dma_start3A_245] : memref<26624x256xf32, #tpu.memory_space<hbm>> -> memref<64x256xf32, #tpu.memory_space<hbm>>
      %dma_start3A_247 = arith.constant 0 : i32
      %dma_start3A_248 = tpu.memref_slice %arg4[%multiple_of3A_137, %dma_start3A_247] : memref<26624x256xf32, #tpu.memory_space<hbm>> -> memref<64x256xf32, #tpu.memory_space<hbm>>
      tpu.enqueue_dma source(%arg6 : memref<64x256xf32, #tpu.memory_space<vmem>>) target(%dma_start3A_248 : memref<64x256xf32, #tpu.memory_space<hbm>>) target_semaphore(%run_scoped3A : memref<!tpu.dma_semaphore, #tpu.memory_space<semaphore_mem>>)
      %dma_wait3A_249 = arith.constant 0 : i32
      %dma_wait3A_250 = tpu.memref_slice %arg4[%multiple_of3A_137, %dma_wait3A_249] : memref<26624x256xf32, #tpu.memory_space<hbm>> -> memref<64x256xf32, #tpu.memory_space<hbm>>
      %dma_wait3A_251 = arith.constant 0 : i32
      %dma_wait3A_252 = tpu.memref_slice %arg4[%multiple_of3A_137, %dma_wait3A_251] : memref<26624x256xf32, #tpu.memory_space<hbm>> -> memref<64x256xf32, #tpu.memory_space<hbm>>
      tpu.wait_dma2 semaphore(%run_scoped3A : memref<!tpu.dma_semaphore, #tpu.memory_space<semaphore_mem>>) src(%arg6 : memref<64x256xf32, #tpu.memory_space<vmem>>) dst(%dma_wait3A_252 : memref<64x256xf32, #tpu.memory_space<hbm>>)
      tpu.yield
    }) : () -> ()
    %dma_start3A_138 = arith.constant 8 : i32
    %dma_start3A_139 = arith.constant 0 : i32
    %dma_start3A_140 = tpu.memref_slice %arg5[%dma_start3A_138, %dma_start3A_139] : memref<13x64xi32, #tpu.memory_space<vmem>> -> memref<1x64xi32, #tpu.memory_space<vmem>>
    %dma_start3A_141 = tpu.memref_squeeze %dma_start3A_140 : memref<1x64xi32, #tpu.memory_space<vmem>> -> memref<64xi32, #tpu.memory_space<vmem>>
    %dma_start3A_142 = arith.constant 0 : i32
    %dma_start3A_143 = arith.constant 0 : i32
    %dma_start3A_144 = tpu.memref_slice %arg3[%dma_start3A_142, %dma_start3A_143] : memref<1000x256xf32, #tpu.memory_space<hbm>> -> memref<1000x256xf32, #tpu.memory_space<hbm>>
    tpu.enqueue_indirect_dma source(%dma_start3A_144 : memref<1000x256xf32, #tpu.memory_space<hbm>>) target(%arg6 : memref<64x256xf32, #tpu.memory_space<vmem>>) offsets(%dma_start3A_141 : memref<64xi32, #tpu.memory_space<vmem>>) semaphore(%arg8 : memref<!tpu.dma_semaphore, #tpu.memory_space<semaphore_mem>>)
    %dma_wait3A_145 = arith.constant 7 : i32
    %dma_wait3A_146 = arith.constant 0 : i32
    %dma_wait3A_147 = tpu.memref_slice %arg5[%dma_wait3A_145, %dma_wait3A_146] : memref<13x64xi32, #tpu.memory_space<vmem>> -> memref<1x64xi32, #tpu.memory_space<vmem>>
    %dma_wait3A_148 = tpu.memref_squeeze %dma_wait3A_147 : memref<1x64xi32, #tpu.memory_space<vmem>> -> memref<64xi32, #tpu.memory_space<vmem>>
    %dma_wait3A_149 = arith.constant 0 : i32
    %dma_wait3A_150 = arith.constant 0 : i32
    %dma_wait3A_151 = tpu.memref_slice %arg3[%dma_wait3A_149, %dma_wait3A_150] : memref<1000x256xf32, #tpu.memory_space<hbm>> -> memref<1000x256xf32, #tpu.memory_space<hbm>>
    tpu.wait_indirect_dma semaphore(%arg9 : memref<!tpu.dma_semaphore, #tpu.memory_space<semaphore_mem>>) src(%dma_wait3A_151 : memref<1000x256xf32, #tpu.memory_space<hbm>>) dst(%arg7 : memref<64x256xf32, #tpu.memory_space<vmem>>)
    %mul3A_152 = arith.constant 832 : i32
    %mul3A_153 = arith.muli %add3A, %mul3A_152 : i32
    %add3A_154 = arith.constant 448 : i32
    %add3A_155 = arith.addi %mul3A_153, %add3A_154 : i32
    %multiple_of3A_156 = tpu.assume_multiple %add3A_155, 8 : i32
    "tpu.region"() ({
      %run_scoped3A = tpu.sem_alloc : memref<!tpu.dma_semaphore, #tpu.memory_space<semaphore_mem>>
      %dma_start3A_245 = arith.constant 0 : i32
      %dma_start3A_246 = tpu.memref_slice %arg4[%multiple_of3A_156, %dma_start3A_245] : memref<26624x256xf32, #tpu.memory_space<hbm>> -> memref<64x256xf32, #tpu.memory_space<hbm>>
      %dma_start3A_247 = arith.constant 0 : i32
      %dma_start3A_248 = tpu.memref_slice %arg4[%multiple_of3A_156, %dma_start3A_247] : memref<26624x256xf32, #tpu.memory_space<hbm>> -> memref<64x256xf32, #tpu.memory_space<hbm>>
      tpu.enqueue_dma source(%arg7 : memref<64x256xf32, #tpu.memory_space<vmem>>) target(%dma_start3A_248 : memref<64x256xf32, #tpu.memory_space<hbm>>) target_semaphore(%run_scoped3A : memref<!tpu.dma_semaphore, #tpu.memory_space<semaphore_mem>>)
      %dma_wait3A_249 = arith.constant 0 : i32
      %dma_wait3A_250 = tpu.memref_slice %arg4[%multiple_of3A_156, %dma_wait3A_249] : memref<26624x256xf32, #tpu.memory_space<hbm>> -> memref<64x256xf32, #tpu.memory_space<hbm>>
      %dma_wait3A_251 = arith.constant 0 : i32
      %dma_wait3A_252 = tpu.memref_slice %arg4[%multiple_of3A_156, %dma_wait3A_251] : memref<26624x256xf32, #tpu.memory_space<hbm>> -> memref<64x256xf32, #tpu.memory_space<hbm>>
      tpu.wait_dma2 semaphore(%run_scoped3A : memref<!tpu.dma_semaphore, #tpu.memory_space<semaphore_mem>>) src(%arg7 : memref<64x256xf32, #tpu.memory_space<vmem>>) dst(%dma_wait3A_252 : memref<64x256xf32, #tpu.memory_space<hbm>>)
      tpu.yield
    }) : () -> ()
    %dma_start3A_157 = arith.constant 9 : i32
    %dma_start3A_158 = arith.constant 0 : i32
    %dma_start3A_159 = tpu.memref_slice %arg5[%dma_start3A_157, %dma_start3A_158] : memref<13x64xi32, #tpu.memory_space<vmem>> -> memref<1x64xi32, #tpu.memory_space<vmem>>
    %dma_start3A_160 = tpu.memref_squeeze %dma_start3A_159 : memref<1x64xi32, #tpu.memory_space<vmem>> -> memref<64xi32, #tpu.memory_space<vmem>>
    %dma_start3A_161 = arith.constant 0 : i32
    %dma_start3A_162 = arith.constant 0 : i32
    %dma_start3A_163 = tpu.memref_slice %arg3[%dma_start3A_161, %dma_start3A_162] : memref<1000x256xf32, #tpu.memory_space<hbm>> -> memref<1000x256xf32, #tpu.memory_space<hbm>>
    tpu.enqueue_indirect_dma source(%dma_start3A_163 : memref<1000x256xf32, #tpu.memory_space<hbm>>) target(%arg7 : memref<64x256xf32, #tpu.memory_space<vmem>>) offsets(%dma_start3A_160 : memref<64xi32, #tpu.memory_space<vmem>>) semaphore(%arg9 : memref<!tpu.dma_semaphore, #tpu.memory_space<semaphore_mem>>)
    %dma_wait3A_164 = arith.constant 8 : i32
    %dma_wait3A_165 = arith.constant 0 : i32
    %dma_wait3A_166 = tpu.memref_slice %arg5[%dma_wait3A_164, %dma_wait3A_165] : memref<13x64xi32, #tpu.memory_space<vmem>> -> memref<1x64xi32, #tpu.memory_space<vmem>>
    %dma_wait3A_167 = tpu.memref_squeeze %dma_wait3A_166 : memref<1x64xi32, #tpu.memory_space<vmem>> -> memref<64xi32, #tpu.memory_space<vmem>>
    %dma_wait3A_168 = arith.constant 0 : i32
    %dma_wait3A_169 = arith.constant 0 : i32
    %dma_wait3A_170 = tpu.memref_slice %arg3[%dma_wait3A_168, %dma_wait3A_169] : memref<1000x256xf32, #tpu.memory_space<hbm>> -> memref<1000x256xf32, #tpu.memory_space<hbm>>
    tpu.wait_indirect_dma semaphore(%arg8 : memref<!tpu.dma_semaphore, #tpu.memory_space<semaphore_mem>>) src(%dma_wait3A_170 : memref<1000x256xf32, #tpu.memory_space<hbm>>) dst(%arg6 : memref<64x256xf32, #tpu.memory_space<vmem>>)
    %mul3A_171 = arith.constant 832 : i32
    %mul3A_172 = arith.muli %add3A, %mul3A_171 : i32
    %add3A_173 = arith.constant 512 : i32
    %add3A_174 = arith.addi %mul3A_172, %add3A_173 : i32
    %multiple_of3A_175 = tpu.assume_multiple %add3A_174, 8 : i32
    "tpu.region"() ({
      %run_scoped3A = tpu.sem_alloc : memref<!tpu.dma_semaphore, #tpu.memory_space<semaphore_mem>>
      %dma_start3A_245 = arith.constant 0 : i32
      %dma_start3A_246 = tpu.memref_slice %arg4[%multiple_of3A_175, %dma_start3A_245] : memref<26624x256xf32, #tpu.memory_space<hbm>> -> memref<64x256xf32, #tpu.memory_space<hbm>>
      %dma_start3A_247 = arith.constant 0 : i32
      %dma_start3A_248 = tpu.memref_slice %arg4[%multiple_of3A_175, %dma_start3A_247] : memref<26624x256xf32, #tpu.memory_space<hbm>> -> memref<64x256xf32, #tpu.memory_space<hbm>>
      tpu.enqueue_dma source(%arg6 : memref<64x256xf32, #tpu.memory_space<vmem>>) target(%dma_start3A_248 : memref<64x256xf32, #tpu.memory_space<hbm>>) target_semaphore(%run_scoped3A : memref<!tpu.dma_semaphore, #tpu.memory_space<semaphore_mem>>)
      %dma_wait3A_249 = arith.constant 0 : i32
      %dma_wait3A_250 = tpu.memref_slice %arg4[%multiple_of3A_175, %dma_wait3A_249] : memref<26624x256xf32, #tpu.memory_space<hbm>> -> memref<64x256xf32, #tpu.memory_space<hbm>>
      %dma_wait3A_251 = arith.constant 0 : i32
      %dma_wait3A_252 = tpu.memref_slice %arg4[%multiple_of3A_175, %dma_wait3A_251] : memref<26624x256xf32, #tpu.memory_space<hbm>> -> memref<64x256xf32, #tpu.memory_space<hbm>>
      tpu.wait_dma2 semaphore(%run_scoped3A : memref<!tpu.dma_semaphore, #tpu.memory_space<semaphore_mem>>) src(%arg6 : memref<64x256xf32, #tpu.memory_space<vmem>>) dst(%dma_wait3A_252 : memref<64x256xf32, #tpu.memory_space<hbm>>)
      tpu.yield
    }) : () -> ()
    %dma_start3A_176 = arith.constant 10 : i32
    %dma_start3A_177 = arith.constant 0 : i32
    %dma_start3A_178 = tpu.memref_slice %arg5[%dma_start3A_176, %dma_start3A_177] : memref<13x64xi32, #tpu.memory_space<vmem>> -> memref<1x64xi32, #tpu.memory_space<vmem>>
    %dma_start3A_179 = tpu.memref_squeeze %dma_start3A_178 : memref<1x64xi32, #tpu.memory_space<vmem>> -> memref<64xi32, #tpu.memory_space<vmem>>
    %dma_start3A_180 = arith.constant 0 : i32
    %dma_start3A_181 = arith.constant 0 : i32
    %dma_start3A_182 = tpu.memref_slice %arg3[%dma_start3A_180, %dma_start3A_181] : memref<1000x256xf32, #tpu.memory_space<hbm>> -> memref<1000x256xf32, #tpu.memory_space<hbm>>
    tpu.enqueue_indirect_dma source(%dma_start3A_182 : memref<1000x256xf32, #tpu.memory_space<hbm>>) target(%arg6 : memref<64x256xf32, #tpu.memory_space<vmem>>) offsets(%dma_start3A_179 : memref<64xi32, #tpu.memory_space<vmem>>) semaphore(%arg8 : memref<!tpu.dma_semaphore, #tpu.memory_space<semaphore_mem>>)
    %dma_wait3A_183 = arith.constant 9 : i32
    %dma_wait3A_184 = arith.constant 0 : i32
    %dma_wait3A_185 = tpu.memref_slice %arg5[%dma_wait3A_183, %dma_wait3A_184] : memref<13x64xi32, #tpu.memory_space<vmem>> -> memref<1x64xi32, #tpu.memory_space<vmem>>
    %dma_wait3A_186 = tpu.memref_squeeze %dma_wait3A_185 : memref<1x64xi32, #tpu.memory_space<vmem>> -> memref<64xi32, #tpu.memory_space<vmem>>
    %dma_wait3A_187 = arith.constant 0 : i32
    %dma_wait3A_188 = arith.constant 0 : i32
    %dma_wait3A_189 = tpu.memref_slice %arg3[%dma_wait3A_187, %dma_wait3A_188] : memref<1000x256xf32, #tpu.memory_space<hbm>> -> memref<1000x256xf32, #tpu.memory_space<hbm>>
    tpu.wait_indirect_dma semaphore(%arg9 : memref<!tpu.dma_semaphore, #tpu.memory_space<semaphore_mem>>) src(%dma_wait3A_189 : memref<1000x256xf32, #tpu.memory_space<hbm>>) dst(%arg7 : memref<64x256xf32, #tpu.memory_space<vmem>>)
    %mul3A_190 = arith.constant 832 : i32
    %mul3A_191 = arith.muli %add3A, %mul3A_190 : i32
    %add3A_192 = arith.constant 576 : i32
    %add3A_193 = arith.addi %mul3A_191, %add3A_192 : i32
    %multiple_of3A_194 = tpu.assume_multiple %add3A_193, 8 : i32
    "tpu.region"() ({
      %run_scoped3A = tpu.sem_alloc : memref<!tpu.dma_semaphore, #tpu.memory_space<semaphore_mem>>
      %dma_start3A_245 = arith.constant 0 : i32
      %dma_start3A_246 = tpu.memref_slice %arg4[%multiple_of3A_194, %dma_start3A_245] : memref<26624x256xf32, #tpu.memory_space<hbm>> -> memref<64x256xf32, #tpu.memory_space<hbm>>
      %dma_start3A_247 = arith.constant 0 : i32
      %dma_start3A_248 = tpu.memref_slice %arg4[%multiple_of3A_194, %dma_start3A_247] : memref<26624x256xf32, #tpu.memory_space<hbm>> -> memref<64x256xf32, #tpu.memory_space<hbm>>
      tpu.enqueue_dma source(%arg7 : memref<64x256xf32, #tpu.memory_space<vmem>>) target(%dma_start3A_248 : memref<64x256xf32, #tpu.memory_space<hbm>>) target_semaphore(%run_scoped3A : memref<!tpu.dma_semaphore, #tpu.memory_space<semaphore_mem>>)
      %dma_wait3A_249 = arith.constant 0 : i32
      %dma_wait3A_250 = tpu.memref_slice %arg4[%multiple_of3A_194, %dma_wait3A_249] : memref<26624x256xf32, #tpu.memory_space<hbm>> -> memref<64x256xf32, #tpu.memory_space<hbm>>
      %dma_wait3A_251 = arith.constant 0 : i32
      %dma_wait3A_252 = tpu.memref_slice %arg4[%multiple_of3A_194, %dma_wait3A_251] : memref<26624x256xf32, #tpu.memory_space<hbm>> -> memref<64x256xf32, #tpu.memory_space<hbm>>
      tpu.wait_dma2 semaphore(%run_scoped3A : memref<!tpu.dma_semaphore, #tpu.memory_space<semaphore_mem>>) src(%arg7 : memref<64x256xf32, #tpu.memory_space<vmem>>) dst(%dma_wait3A_252 : memref<64x256xf32, #tpu.memory_space<hbm>>)
      tpu.yield
    }) : () -> ()
    %dma_start3A_195 = arith.constant 11 : i32
    %dma_start3A_196 = arith.constant 0 : i32
    %dma_start3A_197 = tpu.memref_slice %arg5[%dma_start3A_195, %dma_start3A_196] : memref<13x64xi32, #tpu.memory_space<vmem>> -> memref<1x64xi32, #tpu.memory_space<vmem>>
    %dma_start3A_198 = tpu.memref_squeeze %dma_start3A_197 : memref<1x64xi32, #tpu.memory_space<vmem>> -> memref<64xi32, #tpu.memory_space<vmem>>
    %dma_start3A_199 = arith.constant 0 : i32
    %dma_start3A_200 = arith.constant 0 : i32
    %dma_start3A_201 = tpu.memref_slice %arg3[%dma_start3A_199, %dma_start3A_200] : memref<1000x256xf32, #tpu.memory_space<hbm>> -> memref<1000x256xf32, #tpu.memory_space<hbm>>
    tpu.enqueue_indirect_dma source(%dma_start3A_201 : memref<1000x256xf32, #tpu.memory_space<hbm>>) target(%arg7 : memref<64x256xf32, #tpu.memory_space<vmem>>) offsets(%dma_start3A_198 : memref<64xi32, #tpu.memory_space<vmem>>) semaphore(%arg9 : memref<!tpu.dma_semaphore, #tpu.memory_space<semaphore_mem>>)
    %dma_wait3A_202 = arith.constant 10 : i32
    %dma_wait3A_203 = arith.constant 0 : i32
    %dma_wait3A_204 = tpu.memref_slice %arg5[%dma_wait3A_202, %dma_wait3A_203] : memref<13x64xi32, #tpu.memory_space<vmem>> -> memref<1x64xi32, #tpu.memory_space<vmem>>
    %dma_wait3A_205 = tpu.memref_squeeze %dma_wait3A_204 : memref<1x64xi32, #tpu.memory_space<vmem>> -> memref<64xi32, #tpu.memory_space<vmem>>
    %dma_wait3A_206 = arith.constant 0 : i32
    %dma_wait3A_207 = arith.constant 0 : i32
    %dma_wait3A_208 = tpu.memref_slice %arg3[%dma_wait3A_206, %dma_wait3A_207] : memref<1000x256xf32, #tpu.memory_space<hbm>> -> memref<1000x256xf32, #tpu.memory_space<hbm>>
    tpu.wait_indirect_dma semaphore(%arg8 : memref<!tpu.dma_semaphore, #tpu.memory_space<semaphore_mem>>) src(%dma_wait3A_208 : memref<1000x256xf32, #tpu.memory_space<hbm>>) dst(%arg6 : memref<64x256xf32, #tpu.memory_space<vmem>>)
    %mul3A_209 = arith.constant 832 : i32
    %mul3A_210 = arith.muli %add3A, %mul3A_209 : i32
    %add3A_211 = arith.constant 640 : i32
    %add3A_212 = arith.addi %mul3A_210, %add3A_211 : i32
    %multiple_of3A_213 = tpu.assume_multiple %add3A_212, 8 : i32
    "tpu.region"() ({
      %run_scoped3A = tpu.sem_alloc : memref<!tpu.dma_semaphore, #tpu.memory_space<semaphore_mem>>
      %dma_start3A_245 = arith.constant 0 : i32
      %dma_start3A_246 = tpu.memref_slice %arg4[%multiple_of3A_213, %dma_start3A_245] : memref<26624x256xf32, #tpu.memory_space<hbm>> -> memref<64x256xf32, #tpu.memory_space<hbm>>
      %dma_start3A_247 = arith.constant 0 : i32
      %dma_start3A_248 = tpu.memref_slice %arg4[%multiple_of3A_213, %dma_start3A_247] : memref<26624x256xf32, #tpu.memory_space<hbm>> -> memref<64x256xf32, #tpu.memory_space<hbm>>
      tpu.enqueue_dma source(%arg6 : memref<64x256xf32, #tpu.memory_space<vmem>>) target(%dma_start3A_248 : memref<64x256xf32, #tpu.memory_space<hbm>>) target_semaphore(%run_scoped3A : memref<!tpu.dma_semaphore, #tpu.memory_space<semaphore_mem>>)
      %dma_wait3A_249 = arith.constant 0 : i32
      %dma_wait3A_250 = tpu.memref_slice %arg4[%multiple_of3A_213, %dma_wait3A_249] : memref<26624x256xf32, #tpu.memory_space<hbm>> -> memref<64x256xf32, #tpu.memory_space<hbm>>
      %dma_wait3A_251 = arith.constant 0 : i32
      %dma_wait3A_252 = tpu.memref_slice %arg4[%multiple_of3A_213, %dma_wait3A_251] : memref<26624x256xf32, #tpu.memory_space<hbm>> -> memref<64x256xf32, #tpu.memory_space<hbm>>
      tpu.wait_dma2 semaphore(%run_scoped3A : memref<!tpu.dma_semaphore, #tpu.memory_space<semaphore_mem>>) src(%arg6 : memref<64x256xf32, #tpu.memory_space<vmem>>) dst(%dma_wait3A_252 : memref<64x256xf32, #tpu.memory_space<hbm>>)
      tpu.yield
    }) : () -> ()
    %dma_start3A_214 = arith.constant 12 : i32
    %dma_start3A_215 = arith.constant 0 : i32
    %dma_start3A_216 = tpu.memref_slice %arg5[%dma_start3A_214, %dma_start3A_215] : memref<13x64xi32, #tpu.memory_space<vmem>> -> memref<1x64xi32, #tpu.memory_space<vmem>>
    %dma_start3A_217 = tpu.memref_squeeze %dma_start3A_216 : memref<1x64xi32, #tpu.memory_space<vmem>> -> memref<64xi32, #tpu.memory_space<vmem>>
    %dma_start3A_218 = arith.constant 0 : i32
    %dma_start3A_219 = arith.constant 0 : i32
    %dma_start3A_220 = tpu.memref_slice %arg3[%dma_start3A_218, %dma_start3A_219] : memref<1000x256xf32, #tpu.memory_space<hbm>> -> memref<1000x256xf32, #tpu.memory_space<hbm>>
    tpu.enqueue_indirect_dma source(%dma_start3A_220 : memref<1000x256xf32, #tpu.memory_space<hbm>>) target(%arg6 : memref<64x256xf32, #tpu.memory_space<vmem>>) offsets(%dma_start3A_217 : memref<64xi32, #tpu.memory_space<vmem>>) semaphore(%arg8 : memref<!tpu.dma_semaphore, #tpu.memory_space<semaphore_mem>>)
    %dma_wait3A_221 = arith.constant 11 : i32
    %dma_wait3A_222 = arith.constant 0 : i32
    %dma_wait3A_223 = tpu.memref_slice %arg5[%dma_wait3A_221, %dma_wait3A_222] : memref<13x64xi32, #tpu.memory_space<vmem>> -> memref<1x64xi32, #tpu.memory_space<vmem>>
    %dma_wait3A_224 = tpu.memref_squeeze %dma_wait3A_223 : memref<1x64xi32, #tpu.memory_space<vmem>> -> memref<64xi32, #tpu.memory_space<vmem>>
    %dma_wait3A_225 = arith.constant 0 : i32
    %dma_wait3A_226 = arith.constant 0 : i32
    %dma_wait3A_227 = tpu.memref_slice %arg3[%dma_wait3A_225, %dma_wait3A_226] : memref<1000x256xf32, #tpu.memory_space<hbm>> -> memref<1000x256xf32, #tpu.memory_space<hbm>>
    tpu.wait_indirect_dma semaphore(%arg9 : memref<!tpu.dma_semaphore, #tpu.memory_space<semaphore_mem>>) src(%dma_wait3A_227 : memref<1000x256xf32, #tpu.memory_space<hbm>>) dst(%arg7 : memref<64x256xf32, #tpu.memory_space<vmem>>)
    %mul3A_228 = arith.constant 832 : i32
    %mul3A_229 = arith.muli %add3A, %mul3A_228 : i32
    %add3A_230 = arith.constant 704 : i32
    %add3A_231 = arith.addi %mul3A_229, %add3A_230 : i32
    %multiple_of3A_232 = tpu.assume_multiple %add3A_231, 8 : i32
    "tpu.region"() ({
      %run_scoped3A = tpu.sem_alloc : memref<!tpu.dma_semaphore, #tpu.memory_space<semaphore_mem>>
      %dma_start3A_245 = arith.constant 0 : i32
      %dma_start3A_246 = tpu.memref_slice %arg4[%multiple_of3A_232, %dma_start3A_245] : memref<26624x256xf32, #tpu.memory_space<hbm>> -> memref<64x256xf32, #tpu.memory_space<hbm>>
      %dma_start3A_247 = arith.constant 0 : i32
      %dma_start3A_248 = tpu.memref_slice %arg4[%multiple_of3A_232, %dma_start3A_247] : memref<26624x256xf32, #tpu.memory_space<hbm>> -> memref<64x256xf32, #tpu.memory_space<hbm>>
      tpu.enqueue_dma source(%arg7 : memref<64x256xf32, #tpu.memory_space<vmem>>) target(%dma_start3A_248 : memref<64x256xf32, #tpu.memory_space<hbm>>) target_semaphore(%run_scoped3A : memref<!tpu.dma_semaphore, #tpu.memory_space<semaphore_mem>>)
      %dma_wait3A_249 = arith.constant 0 : i32
      %dma_wait3A_250 = tpu.memref_slice %arg4[%multiple_of3A_232, %dma_wait3A_249] : memref<26624x256xf32, #tpu.memory_space<hbm>> -> memref<64x256xf32, #tpu.memory_space<hbm>>
      %dma_wait3A_251 = arith.constant 0 : i32
      %dma_wait3A_252 = tpu.memref_slice %arg4[%multiple_of3A_232, %dma_wait3A_251] : memref<26624x256xf32, #tpu.memory_space<hbm>> -> memref<64x256xf32, #tpu.memory_space<hbm>>
      tpu.wait_dma2 semaphore(%run_scoped3A : memref<!tpu.dma_semaphore, #tpu.memory_space<semaphore_mem>>) src(%arg7 : memref<64x256xf32, #tpu.memory_space<vmem>>) dst(%dma_wait3A_252 : memref<64x256xf32, #tpu.memory_space<hbm>>)
      tpu.yield
    }) : () -> ()
    %dma_wait3A_233 = arith.constant 12 : i32
    %dma_wait3A_234 = arith.constant 0 : i32
    %dma_wait3A_235 = tpu.memref_slice %arg5[%dma_wait3A_233, %dma_wait3A_234] : memref<13x64xi32, #tpu.memory_space<vmem>> -> memref<1x64xi32, #tpu.memory_space<vmem>>
    %dma_wait3A_236 = tpu.memref_squeeze %dma_wait3A_235 : memref<1x64xi32, #tpu.memory_space<vmem>> -> memref<64xi32, #tpu.memory_space<vmem>>
    %dma_wait3A_237 = arith.constant 0 : i32
    %dma_wait3A_238 = arith.constant 0 : i32
    %dma_wait3A_239 = tpu.memref_slice %arg3[%dma_wait3A_237, %dma_wait3A_238] : memref<1000x256xf32, #tpu.memory_space<hbm>> -> memref<1000x256xf32, #tpu.memory_space<hbm>>
    tpu.wait_indirect_dma semaphore(%arg8 : memref<!tpu.dma_semaphore, #tpu.memory_space<semaphore_mem>>) src(%dma_wait3A_239 : memref<1000x256xf32, #tpu.memory_space<hbm>>) dst(%arg6 : memref<64x256xf32, #tpu.memory_space<vmem>>)
    %mul3A_240 = arith.constant 832 : i32
    %mul3A_241 = arith.muli %add3A, %mul3A_240 : i32
    %add3A_242 = arith.constant 768 : i32
    %add3A_243 = arith.addi %mul3A_241, %add3A_242 : i32
    %multiple_of3A_244 = tpu.assume_multiple %add3A_243, 8 : i32
    "tpu.region"() ({
      %run_scoped3A = tpu.sem_alloc : memref<!tpu.dma_semaphore, #tpu.memory_space<semaphore_mem>>
      %dma_start3A_245 = arith.constant 0 : i32
      %dma_start3A_246 = tpu.memref_slice %arg4[%multiple_of3A_244, %dma_start3A_245] : memref<26624x256xf32, #tpu.memory_space<hbm>> -> memref<64x256xf32, #tpu.memory_space<hbm>>
      %dma_start3A_247 = arith.constant 0 : i32
      %dma_start3A_248 = tpu.memref_slice %arg4[%multiple_of3A_244, %dma_start3A_247] : memref<26624x256xf32, #tpu.memory_space<hbm>> -> memref<64x256xf32, #tpu.memory_space<hbm>>
      tpu.enqueue_dma source(%arg6 : memref<64x256xf32, #tpu.memory_space<vmem>>) target(%dma_start3A_248 : memref<64x256xf32, #tpu.memory_space<hbm>>) target_semaphore(%run_scoped3A : memref<!tpu.dma_semaphore, #tpu.memory_space<semaphore_mem>>)
      %dma_wait3A_249 = arith.constant 0 : i32
      %dma_wait3A_250 = tpu.memref_slice %arg4[%multiple_of3A_244, %dma_wait3A_249] : memref<26624x256xf32, #tpu.memory_space<hbm>> -> memref<64x256xf32, #tpu.memory_space<hbm>>
      %dma_wait3A_251 = arith.constant 0 : i32
      %dma_wait3A_252 = tpu.memref_slice %arg4[%multiple_of3A_244, %dma_wait3A_251] : memref<26624x256xf32, #tpu.memory_space<hbm>> -> memref<64x256xf32, #tpu.memory_space<hbm>>
      tpu.wait_dma2 semaphore(%run_scoped3A : memref<!tpu.dma_semaphore, #tpu.memory_space<semaphore_mem>>) src(%arg6 : memref<64x256xf32, #tpu.memory_space<vmem>>) dst(%dma_wait3A_252 : memref<64x256xf32, #tpu.memory_space<hbm>>)
      tpu.yield
    }) : () -> ()
    return
  }
}

#map = affine_map<(d0, d1) -> (0, 0, 0)>
#map1 = affine_map<(d0, d1) -> (0, 0)>
module attributes {stable_mosaic.version = 14 : i64} {
  func.func @body(%arg0: i32, %arg1: i32, %arg2: memref<32x12x64xi32, #tpu.memory_space<hbm>>, %arg3: memref<1000x256xf32, #tpu.memory_space<hbm>>, %arg4: memref<24576x256xf32, #tpu.memory_space<hbm>>, %arg5: memref<12x64xi32, #tpu.memory_space<vmem>>, %arg6: memref<64x256xf32, #tpu.memory_space<vmem>>, %arg7: memref<64x256xf32, #tpu.memory_space<vmem>>, %arg8: memref<!tpu.dma_semaphore, #tpu.memory_space<semaphore_mem>>, %arg9: memref<!tpu.dma_semaphore, #tpu.memory_space<semaphore_mem>>) attributes {dimension_semantics = [#tpu.dimension_semantics<core_parallel>, #tpu.dimension_semantics<subcore_parallel>], iteration_bounds = array<i64: 2, 16>, scalar_prefetch = 0 : i64, scratch_operands = 5 : i64, tpu.core_type = #tpu.core_type<sc_vector_subcore>, window_params = [{transform_indices = #map}, {transform_indices = #map1}, {transform_indices = #map1}]} {
    %mul3A = arith.constant 2 : i32
    %mul3A_0 = arith.muli %arg1, %mul3A : i32
    %add3A = arith.addi %mul3A_0, %arg0 : i32
    "tpu.region"() ({
      %run_scoped3A = tpu.sem_alloc : memref<!tpu.dma_semaphore, #tpu.memory_space<semaphore_mem>>
      %dma_start3A_226 = arith.constant 0 : i32
      %dma_start3A_227 = arith.constant 0 : i32
      %dma_start3A_228 = tpu.memref_slice %arg2[%add3A, %dma_start3A_226, %dma_start3A_227] : memref<32x12x64xi32, #tpu.memory_space<hbm>> -> memref<1x12x64xi32, #tpu.memory_space<hbm>>
      %dma_start3A_229 = tpu.memref_squeeze %dma_start3A_228 : memref<1x12x64xi32, #tpu.memory_space<hbm>> -> memref<12x64xi32, #tpu.memory_space<hbm>>
      %dma_start3A_230 = arith.constant 0 : i32
      %dma_start3A_231 = arith.constant 0 : i32
      %dma_start3A_232 = tpu.memref_slice %arg2[%add3A, %dma_start3A_230, %dma_start3A_231] : memref<32x12x64xi32, #tpu.memory_space<hbm>> -> memref<1x12x64xi32, #tpu.memory_space<hbm>>
      %dma_start3A_233 = tpu.memref_squeeze %dma_start3A_232 : memref<1x12x64xi32, #tpu.memory_space<hbm>> -> memref<12x64xi32, #tpu.memory_space<hbm>>
      tpu.enqueue_dma source(%dma_start3A_233 : memref<12x64xi32, #tpu.memory_space<hbm>>) target(%arg5 : memref<12x64xi32, #tpu.memory_space<vmem>>) target_semaphore(%run_scoped3A : memref<!tpu.dma_semaphore, #tpu.memory_space<semaphore_mem>>)
      %dma_wait3A_234 = arith.constant 0 : i32
      %dma_wait3A_235 = arith.constant 0 : i32
      %dma_wait3A_236 = tpu.memref_slice %arg2[%add3A, %dma_wait3A_234, %dma_wait3A_235] : memref<32x12x64xi32, #tpu.memory_space<hbm>> -> memref<1x12x64xi32, #tpu.memory_space<hbm>>
      %dma_wait3A_237 = tpu.memref_squeeze %dma_wait3A_236 : memref<1x12x64xi32, #tpu.memory_space<hbm>> -> memref<12x64xi32, #tpu.memory_space<hbm>>
      %dma_wait3A_238 = arith.constant 0 : i32
      %dma_wait3A_239 = arith.constant 0 : i32
      %dma_wait3A_240 = tpu.memref_slice %arg2[%add3A, %dma_wait3A_238, %dma_wait3A_239] : memref<32x12x64xi32, #tpu.memory_space<hbm>> -> memref<1x12x64xi32, #tpu.memory_space<hbm>>
      %dma_wait3A_241 = tpu.memref_squeeze %dma_wait3A_240 : memref<1x12x64xi32, #tpu.memory_space<hbm>> -> memref<12x64xi32, #tpu.memory_space<hbm>>
      tpu.wait_dma2 semaphore(%run_scoped3A : memref<!tpu.dma_semaphore, #tpu.memory_space<semaphore_mem>>) src(%dma_wait3A_241 : memref<12x64xi32, #tpu.memory_space<hbm>>) dst(%arg5 : memref<12x64xi32, #tpu.memory_space<vmem>>)
      tpu.yield
    }) : () -> ()
    %dma_start3A = arith.constant 0 : i32
    %dma_start3A_1 = arith.constant 0 : i32
    %dma_start3A_2 = tpu.memref_slice %arg5[%dma_start3A, %dma_start3A_1] : memref<12x64xi32, #tpu.memory_space<vmem>> -> memref<1x64xi32, #tpu.memory_space<vmem>>
    %dma_start3A_3 = tpu.memref_squeeze %dma_start3A_2 : memref<1x64xi32, #tpu.memory_space<vmem>> -> memref<64xi32, #tpu.memory_space<vmem>>
    %dma_start3A_4 = arith.constant 0 : i32
    %dma_start3A_5 = arith.constant 0 : i32
    %dma_start3A_6 = tpu.memref_slice %arg3[%dma_start3A_4, %dma_start3A_5] : memref<1000x256xf32, #tpu.memory_space<hbm>> -> memref<1000x256xf32, #tpu.memory_space<hbm>>
    tpu.enqueue_indirect_dma source(%dma_start3A_6 : memref<1000x256xf32, #tpu.memory_space<hbm>>) target(%arg6 : memref<64x256xf32, #tpu.memory_space<vmem>>) offsets(%dma_start3A_3 : memref<64xi32, #tpu.memory_space<vmem>>) semaphore(%arg8 : memref<!tpu.dma_semaphore, #tpu.memory_space<semaphore_mem>>)
    %dma_start3A_7 = arith.constant 1 : i32
    %dma_start3A_8 = arith.constant 0 : i32
    %dma_start3A_9 = tpu.memref_slice %arg5[%dma_start3A_7, %dma_start3A_8] : memref<12x64xi32, #tpu.memory_space<vmem>> -> memref<1x64xi32, #tpu.memory_space<vmem>>
    %dma_start3A_10 = tpu.memref_squeeze %dma_start3A_9 : memref<1x64xi32, #tpu.memory_space<vmem>> -> memref<64xi32, #tpu.memory_space<vmem>>
    %dma_start3A_11 = arith.constant 0 : i32
    %dma_start3A_12 = arith.constant 0 : i32
    %dma_start3A_13 = tpu.memref_slice %arg3[%dma_start3A_11, %dma_start3A_12] : memref<1000x256xf32, #tpu.memory_space<hbm>> -> memref<1000x256xf32, #tpu.memory_space<hbm>>
    tpu.enqueue_indirect_dma source(%dma_start3A_13 : memref<1000x256xf32, #tpu.memory_space<hbm>>) target(%arg7 : memref<64x256xf32, #tpu.memory_space<vmem>>) offsets(%dma_start3A_10 : memref<64xi32, #tpu.memory_space<vmem>>) semaphore(%arg9 : memref<!tpu.dma_semaphore, #tpu.memory_space<semaphore_mem>>)
    %dma_wait3A = arith.constant 0 : i32
    %dma_wait3A_14 = arith.constant 0 : i32
    %dma_wait3A_15 = tpu.memref_slice %arg5[%dma_wait3A, %dma_wait3A_14] : memref<12x64xi32, #tpu.memory_space<vmem>> -> memref<1x64xi32, #tpu.memory_space<vmem>>
    %dma_wait3A_16 = tpu.memref_squeeze %dma_wait3A_15 : memref<1x64xi32, #tpu.memory_space<vmem>> -> memref<64xi32, #tpu.memory_space<vmem>>
    %dma_wait3A_17 = arith.constant 0 : i32
    %dma_wait3A_18 = arith.constant 0 : i32
    %dma_wait3A_19 = tpu.memref_slice %arg3[%dma_wait3A_17, %dma_wait3A_18] : memref<1000x256xf32, #tpu.memory_space<hbm>> -> memref<1000x256xf32, #tpu.memory_space<hbm>>
    tpu.wait_indirect_dma semaphore(%arg8 : memref<!tpu.dma_semaphore, #tpu.memory_space<semaphore_mem>>) src(%dma_wait3A_19 : memref<1000x256xf32, #tpu.memory_space<hbm>>) dst(%arg6 : memref<64x256xf32, #tpu.memory_space<vmem>>)
    %mul3A_20 = arith.constant 768 : i32
    %mul3A_21 = arith.muli %add3A, %mul3A_20 : i32
    %add3A_22 = arith.constant 0 : i32
    %add3A_23 = arith.addi %mul3A_21, %add3A_22 : i32
    %multiple_of3A = tpu.assume_multiple %add3A_23, 8 : i32
    "tpu.region"() ({
      %run_scoped3A = tpu.sem_alloc : memref<!tpu.dma_semaphore, #tpu.memory_space<semaphore_mem>>
      %dma_start3A_226 = arith.constant 0 : i32
      %dma_start3A_227 = tpu.memref_slice %arg4[%multiple_of3A, %dma_start3A_226] : memref<24576x256xf32, #tpu.memory_space<hbm>> -> memref<64x256xf32, #tpu.memory_space<hbm>>
      %dma_start3A_228 = arith.constant 0 : i32
      %dma_start3A_229 = tpu.memref_slice %arg4[%multiple_of3A, %dma_start3A_228] : memref<24576x256xf32, #tpu.memory_space<hbm>> -> memref<64x256xf32, #tpu.memory_space<hbm>>
      tpu.enqueue_dma source(%arg6 : memref<64x256xf32, #tpu.memory_space<vmem>>) target(%dma_start3A_229 : memref<64x256xf32, #tpu.memory_space<hbm>>) target_semaphore(%run_scoped3A : memref<!tpu.dma_semaphore, #tpu.memory_space<semaphore_mem>>)
      %dma_wait3A_230 = arith.constant 0 : i32
      %dma_wait3A_231 = tpu.memref_slice %arg4[%multiple_of3A, %dma_wait3A_230] : memref<24576x256xf32, #tpu.memory_space<hbm>> -> memref<64x256xf32, #tpu.memory_space<hbm>>
      %dma_wait3A_232 = arith.constant 0 : i32
      %dma_wait3A_233 = tpu.memref_slice %arg4[%multiple_of3A, %dma_wait3A_232] : memref<24576x256xf32, #tpu.memory_space<hbm>> -> memref<64x256xf32, #tpu.memory_space<hbm>>
      tpu.wait_dma2 semaphore(%run_scoped3A : memref<!tpu.dma_semaphore, #tpu.memory_space<semaphore_mem>>) src(%arg6 : memref<64x256xf32, #tpu.memory_space<vmem>>) dst(%dma_wait3A_233 : memref<64x256xf32, #tpu.memory_space<hbm>>)
      tpu.yield
    }) : () -> ()
    %dma_start3A_24 = arith.constant 2 : i32
    %dma_start3A_25 = arith.constant 0 : i32
    %dma_start3A_26 = tpu.memref_slice %arg5[%dma_start3A_24, %dma_start3A_25] : memref<12x64xi32, #tpu.memory_space<vmem>> -> memref<1x64xi32, #tpu.memory_space<vmem>>
    %dma_start3A_27 = tpu.memref_squeeze %dma_start3A_26 : memref<1x64xi32, #tpu.memory_space<vmem>> -> memref<64xi32, #tpu.memory_space<vmem>>
    %dma_start3A_28 = arith.constant 0 : i32
    %dma_start3A_29 = arith.constant 0 : i32
    %dma_start3A_30 = tpu.memref_slice %arg3[%dma_start3A_28, %dma_start3A_29] : memref<1000x256xf32, #tpu.memory_space<hbm>> -> memref<1000x256xf32, #tpu.memory_space<hbm>>
    tpu.enqueue_indirect_dma source(%dma_start3A_30 : memref<1000x256xf32, #tpu.memory_space<hbm>>) target(%arg6 : memref<64x256xf32, #tpu.memory_space<vmem>>) offsets(%dma_start3A_27 : memref<64xi32, #tpu.memory_space<vmem>>) semaphore(%arg8 : memref<!tpu.dma_semaphore, #tpu.memory_space<semaphore_mem>>)
    %dma_wait3A_31 = arith.constant 1 : i32
    %dma_wait3A_32 = arith.constant 0 : i32
    %dma_wait3A_33 = tpu.memref_slice %arg5[%dma_wait3A_31, %dma_wait3A_32] : memref<12x64xi32, #tpu.memory_space<vmem>> -> memref<1x64xi32, #tpu.memory_space<vmem>>
    %dma_wait3A_34 = tpu.memref_squeeze %dma_wait3A_33 : memref<1x64xi32, #tpu.memory_space<vmem>> -> memref<64xi32, #tpu.memory_space<vmem>>
    %dma_wait3A_35 = arith.constant 0 : i32
    %dma_wait3A_36 = arith.constant 0 : i32
    %dma_wait3A_37 = tpu.memref_slice %arg3[%dma_wait3A_35, %dma_wait3A_36] : memref<1000x256xf32, #tpu.memory_space<hbm>> -> memref<1000x256xf32, #tpu.memory_space<hbm>>
    tpu.wait_indirect_dma semaphore(%arg9 : memref<!tpu.dma_semaphore, #tpu.memory_space<semaphore_mem>>) src(%dma_wait3A_37 : memref<1000x256xf32, #tpu.memory_space<hbm>>) dst(%arg7 : memref<64x256xf32, #tpu.memory_space<vmem>>)
    %mul3A_38 = arith.constant 768 : i32
    %mul3A_39 = arith.muli %add3A, %mul3A_38 : i32
    %add3A_40 = arith.constant 64 : i32
    %add3A_41 = arith.addi %mul3A_39, %add3A_40 : i32
    %multiple_of3A_42 = tpu.assume_multiple %add3A_41, 8 : i32
    "tpu.region"() ({
      %run_scoped3A = tpu.sem_alloc : memref<!tpu.dma_semaphore, #tpu.memory_space<semaphore_mem>>
      %dma_start3A_226 = arith.constant 0 : i32
      %dma_start3A_227 = tpu.memref_slice %arg4[%multiple_of3A_42, %dma_start3A_226] : memref<24576x256xf32, #tpu.memory_space<hbm>> -> memref<64x256xf32, #tpu.memory_space<hbm>>
      %dma_start3A_228 = arith.constant 0 : i32
      %dma_start3A_229 = tpu.memref_slice %arg4[%multiple_of3A_42, %dma_start3A_228] : memref<24576x256xf32, #tpu.memory_space<hbm>> -> memref<64x256xf32, #tpu.memory_space<hbm>>
      tpu.enqueue_dma source(%arg7 : memref<64x256xf32, #tpu.memory_space<vmem>>) target(%dma_start3A_229 : memref<64x256xf32, #tpu.memory_space<hbm>>) target_semaphore(%run_scoped3A : memref<!tpu.dma_semaphore, #tpu.memory_space<semaphore_mem>>)
      %dma_wait3A_230 = arith.constant 0 : i32
      %dma_wait3A_231 = tpu.memref_slice %arg4[%multiple_of3A_42, %dma_wait3A_230] : memref<24576x256xf32, #tpu.memory_space<hbm>> -> memref<64x256xf32, #tpu.memory_space<hbm>>
      %dma_wait3A_232 = arith.constant 0 : i32
      %dma_wait3A_233 = tpu.memref_slice %arg4[%multiple_of3A_42, %dma_wait3A_232] : memref<24576x256xf32, #tpu.memory_space<hbm>> -> memref<64x256xf32, #tpu.memory_space<hbm>>
      tpu.wait_dma2 semaphore(%run_scoped3A : memref<!tpu.dma_semaphore, #tpu.memory_space<semaphore_mem>>) src(%arg7 : memref<64x256xf32, #tpu.memory_space<vmem>>) dst(%dma_wait3A_233 : memref<64x256xf32, #tpu.memory_space<hbm>>)
      tpu.yield
    }) : () -> ()
    %dma_start3A_43 = arith.constant 3 : i32
    %dma_start3A_44 = arith.constant 0 : i32
    %dma_start3A_45 = tpu.memref_slice %arg5[%dma_start3A_43, %dma_start3A_44] : memref<12x64xi32, #tpu.memory_space<vmem>> -> memref<1x64xi32, #tpu.memory_space<vmem>>
    %dma_start3A_46 = tpu.memref_squeeze %dma_start3A_45 : memref<1x64xi32, #tpu.memory_space<vmem>> -> memref<64xi32, #tpu.memory_space<vmem>>
    %dma_start3A_47 = arith.constant 0 : i32
    %dma_start3A_48 = arith.constant 0 : i32
    %dma_start3A_49 = tpu.memref_slice %arg3[%dma_start3A_47, %dma_start3A_48] : memref<1000x256xf32, #tpu.memory_space<hbm>> -> memref<1000x256xf32, #tpu.memory_space<hbm>>
    tpu.enqueue_indirect_dma source(%dma_start3A_49 : memref<1000x256xf32, #tpu.memory_space<hbm>>) target(%arg7 : memref<64x256xf32, #tpu.memory_space<vmem>>) offsets(%dma_start3A_46 : memref<64xi32, #tpu.memory_space<vmem>>) semaphore(%arg9 : memref<!tpu.dma_semaphore, #tpu.memory_space<semaphore_mem>>)
    %dma_wait3A_50 = arith.constant 2 : i32
    %dma_wait3A_51 = arith.constant 0 : i32
    %dma_wait3A_52 = tpu.memref_slice %arg5[%dma_wait3A_50, %dma_wait3A_51] : memref<12x64xi32, #tpu.memory_space<vmem>> -> memref<1x64xi32, #tpu.memory_space<vmem>>
    %dma_wait3A_53 = tpu.memref_squeeze %dma_wait3A_52 : memref<1x64xi32, #tpu.memory_space<vmem>> -> memref<64xi32, #tpu.memory_space<vmem>>
    %dma_wait3A_54 = arith.constant 0 : i32
    %dma_wait3A_55 = arith.constant 0 : i32
    %dma_wait3A_56 = tpu.memref_slice %arg3[%dma_wait3A_54, %dma_wait3A_55] : memref<1000x256xf32, #tpu.memory_space<hbm>> -> memref<1000x256xf32, #tpu.memory_space<hbm>>
    tpu.wait_indirect_dma semaphore(%arg8 : memref<!tpu.dma_semaphore, #tpu.memory_space<semaphore_mem>>) src(%dma_wait3A_56 : memref<1000x256xf32, #tpu.memory_space<hbm>>) dst(%arg6 : memref<64x256xf32, #tpu.memory_space<vmem>>)
    %mul3A_57 = arith.constant 768 : i32
    %mul3A_58 = arith.muli %add3A, %mul3A_57 : i32
    %add3A_59 = arith.constant 128 : i32
    %add3A_60 = arith.addi %mul3A_58, %add3A_59 : i32
    %multiple_of3A_61 = tpu.assume_multiple %add3A_60, 8 : i32
    "tpu.region"() ({
      %run_scoped3A = tpu.sem_alloc : memref<!tpu.dma_semaphore, #tpu.memory_space<semaphore_mem>>
      %dma_start3A_226 = arith.constant 0 : i32
      %dma_start3A_227 = tpu.memref_slice %arg4[%multiple_of3A_61, %dma_start3A_226] : memref<24576x256xf32, #tpu.memory_space<hbm>> -> memref<64x256xf32, #tpu.memory_space<hbm>>
      %dma_start3A_228 = arith.constant 0 : i32
      %dma_start3A_229 = tpu.memref_slice %arg4[%multiple_of3A_61, %dma_start3A_228] : memref<24576x256xf32, #tpu.memory_space<hbm>> -> memref<64x256xf32, #tpu.memory_space<hbm>>
      tpu.enqueue_dma source(%arg6 : memref<64x256xf32, #tpu.memory_space<vmem>>) target(%dma_start3A_229 : memref<64x256xf32, #tpu.memory_space<hbm>>) target_semaphore(%run_scoped3A : memref<!tpu.dma_semaphore, #tpu.memory_space<semaphore_mem>>)
      %dma_wait3A_230 = arith.constant 0 : i32
      %dma_wait3A_231 = tpu.memref_slice %arg4[%multiple_of3A_61, %dma_wait3A_230] : memref<24576x256xf32, #tpu.memory_space<hbm>> -> memref<64x256xf32, #tpu.memory_space<hbm>>
      %dma_wait3A_232 = arith.constant 0 : i32
      %dma_wait3A_233 = tpu.memref_slice %arg4[%multiple_of3A_61, %dma_wait3A_232] : memref<24576x256xf32, #tpu.memory_space<hbm>> -> memref<64x256xf32, #tpu.memory_space<hbm>>
      tpu.wait_dma2 semaphore(%run_scoped3A : memref<!tpu.dma_semaphore, #tpu.memory_space<semaphore_mem>>) src(%arg6 : memref<64x256xf32, #tpu.memory_space<vmem>>) dst(%dma_wait3A_233 : memref<64x256xf32, #tpu.memory_space<hbm>>)
      tpu.yield
    }) : () -> ()
    %dma_start3A_62 = arith.constant 4 : i32
    %dma_start3A_63 = arith.constant 0 : i32
    %dma_start3A_64 = tpu.memref_slice %arg5[%dma_start3A_62, %dma_start3A_63] : memref<12x64xi32, #tpu.memory_space<vmem>> -> memref<1x64xi32, #tpu.memory_space<vmem>>
    %dma_start3A_65 = tpu.memref_squeeze %dma_start3A_64 : memref<1x64xi32, #tpu.memory_space<vmem>> -> memref<64xi32, #tpu.memory_space<vmem>>
    %dma_start3A_66 = arith.constant 0 : i32
    %dma_start3A_67 = arith.constant 0 : i32
    %dma_start3A_68 = tpu.memref_slice %arg3[%dma_start3A_66, %dma_start3A_67] : memref<1000x256xf32, #tpu.memory_space<hbm>> -> memref<1000x256xf32, #tpu.memory_space<hbm>>
    tpu.enqueue_indirect_dma source(%dma_start3A_68 : memref<1000x256xf32, #tpu.memory_space<hbm>>) target(%arg6 : memref<64x256xf32, #tpu.memory_space<vmem>>) offsets(%dma_start3A_65 : memref<64xi32, #tpu.memory_space<vmem>>) semaphore(%arg8 : memref<!tpu.dma_semaphore, #tpu.memory_space<semaphore_mem>>)
    %dma_wait3A_69 = arith.constant 3 : i32
    %dma_wait3A_70 = arith.constant 0 : i32
    %dma_wait3A_71 = tpu.memref_slice %arg5[%dma_wait3A_69, %dma_wait3A_70] : memref<12x64xi32, #tpu.memory_space<vmem>> -> memref<1x64xi32, #tpu.memory_space<vmem>>
    %dma_wait3A_72 = tpu.memref_squeeze %dma_wait3A_71 : memref<1x64xi32, #tpu.memory_space<vmem>> -> memref<64xi32, #tpu.memory_space<vmem>>
    %dma_wait3A_73 = arith.constant 0 : i32
    %dma_wait3A_74 = arith.constant 0 : i32
    %dma_wait3A_75 = tpu.memref_slice %arg3[%dma_wait3A_73, %dma_wait3A_74] : memref<1000x256xf32, #tpu.memory_space<hbm>> -> memref<1000x256xf32, #tpu.memory_space<hbm>>
    tpu.wait_indirect_dma semaphore(%arg9 : memref<!tpu.dma_semaphore, #tpu.memory_space<semaphore_mem>>) src(%dma_wait3A_75 : memref<1000x256xf32, #tpu.memory_space<hbm>>) dst(%arg7 : memref<64x256xf32, #tpu.memory_space<vmem>>)
    %mul3A_76 = arith.constant 768 : i32
    %mul3A_77 = arith.muli %add3A, %mul3A_76 : i32
    %add3A_78 = arith.constant 192 : i32
    %add3A_79 = arith.addi %mul3A_77, %add3A_78 : i32
    %multiple_of3A_80 = tpu.assume_multiple %add3A_79, 8 : i32
    "tpu.region"() ({
      %run_scoped3A = tpu.sem_alloc : memref<!tpu.dma_semaphore, #tpu.memory_space<semaphore_mem>>
      %dma_start3A_226 = arith.constant 0 : i32
      %dma_start3A_227 = tpu.memref_slice %arg4[%multiple_of3A_80, %dma_start3A_226] : memref<24576x256xf32, #tpu.memory_space<hbm>> -> memref<64x256xf32, #tpu.memory_space<hbm>>
      %dma_start3A_228 = arith.constant 0 : i32
      %dma_start3A_229 = tpu.memref_slice %arg4[%multiple_of3A_80, %dma_start3A_228] : memref<24576x256xf32, #tpu.memory_space<hbm>> -> memref<64x256xf32, #tpu.memory_space<hbm>>
      tpu.enqueue_dma source(%arg7 : memref<64x256xf32, #tpu.memory_space<vmem>>) target(%dma_start3A_229 : memref<64x256xf32, #tpu.memory_space<hbm>>) target_semaphore(%run_scoped3A : memref<!tpu.dma_semaphore, #tpu.memory_space<semaphore_mem>>)
      %dma_wait3A_230 = arith.constant 0 : i32
      %dma_wait3A_231 = tpu.memref_slice %arg4[%multiple_of3A_80, %dma_wait3A_230] : memref<24576x256xf32, #tpu.memory_space<hbm>> -> memref<64x256xf32, #tpu.memory_space<hbm>>
      %dma_wait3A_232 = arith.constant 0 : i32
      %dma_wait3A_233 = tpu.memref_slice %arg4[%multiple_of3A_80, %dma_wait3A_232] : memref<24576x256xf32, #tpu.memory_space<hbm>> -> memref<64x256xf32, #tpu.memory_space<hbm>>
      tpu.wait_dma2 semaphore(%run_scoped3A : memref<!tpu.dma_semaphore, #tpu.memory_space<semaphore_mem>>) src(%arg7 : memref<64x256xf32, #tpu.memory_space<vmem>>) dst(%dma_wait3A_233 : memref<64x256xf32, #tpu.memory_space<hbm>>)
      tpu.yield
    }) : () -> ()
    %dma_start3A_81 = arith.constant 5 : i32
    %dma_start3A_82 = arith.constant 0 : i32
    %dma_start3A_83 = tpu.memref_slice %arg5[%dma_start3A_81, %dma_start3A_82] : memref<12x64xi32, #tpu.memory_space<vmem>> -> memref<1x64xi32, #tpu.memory_space<vmem>>
    %dma_start3A_84 = tpu.memref_squeeze %dma_start3A_83 : memref<1x64xi32, #tpu.memory_space<vmem>> -> memref<64xi32, #tpu.memory_space<vmem>>
    %dma_start3A_85 = arith.constant 0 : i32
    %dma_start3A_86 = arith.constant 0 : i32
    %dma_start3A_87 = tpu.memref_slice %arg3[%dma_start3A_85, %dma_start3A_86] : memref<1000x256xf32, #tpu.memory_space<hbm>> -> memref<1000x256xf32, #tpu.memory_space<hbm>>
    tpu.enqueue_indirect_dma source(%dma_start3A_87 : memref<1000x256xf32, #tpu.memory_space<hbm>>) target(%arg7 : memref<64x256xf32, #tpu.memory_space<vmem>>) offsets(%dma_start3A_84 : memref<64xi32, #tpu.memory_space<vmem>>) semaphore(%arg9 : memref<!tpu.dma_semaphore, #tpu.memory_space<semaphore_mem>>)
    %dma_wait3A_88 = arith.constant 4 : i32
    %dma_wait3A_89 = arith.constant 0 : i32
    %dma_wait3A_90 = tpu.memref_slice %arg5[%dma_wait3A_88, %dma_wait3A_89] : memref<12x64xi32, #tpu.memory_space<vmem>> -> memref<1x64xi32, #tpu.memory_space<vmem>>
    %dma_wait3A_91 = tpu.memref_squeeze %dma_wait3A_90 : memref<1x64xi32, #tpu.memory_space<vmem>> -> memref<64xi32, #tpu.memory_space<vmem>>
    %dma_wait3A_92 = arith.constant 0 : i32
    %dma_wait3A_93 = arith.constant 0 : i32
    %dma_wait3A_94 = tpu.memref_slice %arg3[%dma_wait3A_92, %dma_wait3A_93] : memref<1000x256xf32, #tpu.memory_space<hbm>> -> memref<1000x256xf32, #tpu.memory_space<hbm>>
    tpu.wait_indirect_dma semaphore(%arg8 : memref<!tpu.dma_semaphore, #tpu.memory_space<semaphore_mem>>) src(%dma_wait3A_94 : memref<1000x256xf32, #tpu.memory_space<hbm>>) dst(%arg6 : memref<64x256xf32, #tpu.memory_space<vmem>>)
    %mul3A_95 = arith.constant 768 : i32
    %mul3A_96 = arith.muli %add3A, %mul3A_95 : i32
    %add3A_97 = arith.constant 256 : i32
    %add3A_98 = arith.addi %mul3A_96, %add3A_97 : i32
    %multiple_of3A_99 = tpu.assume_multiple %add3A_98, 8 : i32
    "tpu.region"() ({
      %run_scoped3A = tpu.sem_alloc : memref<!tpu.dma_semaphore, #tpu.memory_space<semaphore_mem>>
      %dma_start3A_226 = arith.constant 0 : i32
      %dma_start3A_227 = tpu.memref_slice %arg4[%multiple_of3A_99, %dma_start3A_226] : memref<24576x256xf32, #tpu.memory_space<hbm>> -> memref<64x256xf32, #tpu.memory_space<hbm>>
      %dma_start3A_228 = arith.constant 0 : i32
      %dma_start3A_229 = tpu.memref_slice %arg4[%multiple_of3A_99, %dma_start3A_228] : memref<24576x256xf32, #tpu.memory_space<hbm>> -> memref<64x256xf32, #tpu.memory_space<hbm>>
      tpu.enqueue_dma source(%arg6 : memref<64x256xf32, #tpu.memory_space<vmem>>) target(%dma_start3A_229 : memref<64x256xf32, #tpu.memory_space<hbm>>) target_semaphore(%run_scoped3A : memref<!tpu.dma_semaphore, #tpu.memory_space<semaphore_mem>>)
      %dma_wait3A_230 = arith.constant 0 : i32
      %dma_wait3A_231 = tpu.memref_slice %arg4[%multiple_of3A_99, %dma_wait3A_230] : memref<24576x256xf32, #tpu.memory_space<hbm>> -> memref<64x256xf32, #tpu.memory_space<hbm>>
      %dma_wait3A_232 = arith.constant 0 : i32
      %dma_wait3A_233 = tpu.memref_slice %arg4[%multiple_of3A_99, %dma_wait3A_232] : memref<24576x256xf32, #tpu.memory_space<hbm>> -> memref<64x256xf32, #tpu.memory_space<hbm>>
      tpu.wait_dma2 semaphore(%run_scoped3A : memref<!tpu.dma_semaphore, #tpu.memory_space<semaphore_mem>>) src(%arg6 : memref<64x256xf32, #tpu.memory_space<vmem>>) dst(%dma_wait3A_233 : memref<64x256xf32, #tpu.memory_space<hbm>>)
      tpu.yield
    }) : () -> ()
    %dma_start3A_100 = arith.constant 6 : i32
    %dma_start3A_101 = arith.constant 0 : i32
    %dma_start3A_102 = tpu.memref_slice %arg5[%dma_start3A_100, %dma_start3A_101] : memref<12x64xi32, #tpu.memory_space<vmem>> -> memref<1x64xi32, #tpu.memory_space<vmem>>
    %dma_start3A_103 = tpu.memref_squeeze %dma_start3A_102 : memref<1x64xi32, #tpu.memory_space<vmem>> -> memref<64xi32, #tpu.memory_space<vmem>>
    %dma_start3A_104 = arith.constant 0 : i32
    %dma_start3A_105 = arith.constant 0 : i32
    %dma_start3A_106 = tpu.memref_slice %arg3[%dma_start3A_104, %dma_start3A_105] : memref<1000x256xf32, #tpu.memory_space<hbm>> -> memref<1000x256xf32, #tpu.memory_space<hbm>>
    tpu.enqueue_indirect_dma source(%dma_start3A_106 : memref<1000x256xf32, #tpu.memory_space<hbm>>) target(%arg6 : memref<64x256xf32, #tpu.memory_space<vmem>>) offsets(%dma_start3A_103 : memref<64xi32, #tpu.memory_space<vmem>>) semaphore(%arg8 : memref<!tpu.dma_semaphore, #tpu.memory_space<semaphore_mem>>)
    %dma_wait3A_107 = arith.constant 5 : i32
    %dma_wait3A_108 = arith.constant 0 : i32
    %dma_wait3A_109 = tpu.memref_slice %arg5[%dma_wait3A_107, %dma_wait3A_108] : memref<12x64xi32, #tpu.memory_space<vmem>> -> memref<1x64xi32, #tpu.memory_space<vmem>>
    %dma_wait3A_110 = tpu.memref_squeeze %dma_wait3A_109 : memref<1x64xi32, #tpu.memory_space<vmem>> -> memref<64xi32, #tpu.memory_space<vmem>>
    %dma_wait3A_111 = arith.constant 0 : i32
    %dma_wait3A_112 = arith.constant 0 : i32
    %dma_wait3A_113 = tpu.memref_slice %arg3[%dma_wait3A_111, %dma_wait3A_112] : memref<1000x256xf32, #tpu.memory_space<hbm>> -> memref<1000x256xf32, #tpu.memory_space<hbm>>
    tpu.wait_indirect_dma semaphore(%arg9 : memref<!tpu.dma_semaphore, #tpu.memory_space<semaphore_mem>>) src(%dma_wait3A_113 : memref<1000x256xf32, #tpu.memory_space<hbm>>) dst(%arg7 : memref<64x256xf32, #tpu.memory_space<vmem>>)
    %mul3A_114 = arith.constant 768 : i32
    %mul3A_115 = arith.muli %add3A, %mul3A_114 : i32
    %add3A_116 = arith.constant 320 : i32
    %add3A_117 = arith.addi %mul3A_115, %add3A_116 : i32
    %multiple_of3A_118 = tpu.assume_multiple %add3A_117, 8 : i32
    "tpu.region"() ({
      %run_scoped3A = tpu.sem_alloc : memref<!tpu.dma_semaphore, #tpu.memory_space<semaphore_mem>>
      %dma_start3A_226 = arith.constant 0 : i32
      %dma_start3A_227 = tpu.memref_slice %arg4[%multiple_of3A_118, %dma_start3A_226] : memref<24576x256xf32, #tpu.memory_space<hbm>> -> memref<64x256xf32, #tpu.memory_space<hbm>>
      %dma_start3A_228 = arith.constant 0 : i32
      %dma_start3A_229 = tpu.memref_slice %arg4[%multiple_of3A_118, %dma_start3A_228] : memref<24576x256xf32, #tpu.memory_space<hbm>> -> memref<64x256xf32, #tpu.memory_space<hbm>>
      tpu.enqueue_dma source(%arg7 : memref<64x256xf32, #tpu.memory_space<vmem>>) target(%dma_start3A_229 : memref<64x256xf32, #tpu.memory_space<hbm>>) target_semaphore(%run_scoped3A : memref<!tpu.dma_semaphore, #tpu.memory_space<semaphore_mem>>)
      %dma_wait3A_230 = arith.constant 0 : i32
      %dma_wait3A_231 = tpu.memref_slice %arg4[%multiple_of3A_118, %dma_wait3A_230] : memref<24576x256xf32, #tpu.memory_space<hbm>> -> memref<64x256xf32, #tpu.memory_space<hbm>>
      %dma_wait3A_232 = arith.constant 0 : i32
      %dma_wait3A_233 = tpu.memref_slice %arg4[%multiple_of3A_118, %dma_wait3A_232] : memref<24576x256xf32, #tpu.memory_space<hbm>> -> memref<64x256xf32, #tpu.memory_space<hbm>>
      tpu.wait_dma2 semaphore(%run_scoped3A : memref<!tpu.dma_semaphore, #tpu.memory_space<semaphore_mem>>) src(%arg7 : memref<64x256xf32, #tpu.memory_space<vmem>>) dst(%dma_wait3A_233 : memref<64x256xf32, #tpu.memory_space<hbm>>)
      tpu.yield
    }) : () -> ()
    %dma_start3A_119 = arith.constant 7 : i32
    %dma_start3A_120 = arith.constant 0 : i32
    %dma_start3A_121 = tpu.memref_slice %arg5[%dma_start3A_119, %dma_start3A_120] : memref<12x64xi32, #tpu.memory_space<vmem>> -> memref<1x64xi32, #tpu.memory_space<vmem>>
    %dma_start3A_122 = tpu.memref_squeeze %dma_start3A_121 : memref<1x64xi32, #tpu.memory_space<vmem>> -> memref<64xi32, #tpu.memory_space<vmem>>
    %dma_start3A_123 = arith.constant 0 : i32
    %dma_start3A_124 = arith.constant 0 : i32
    %dma_start3A_125 = tpu.memref_slice %arg3[%dma_start3A_123, %dma_start3A_124] : memref<1000x256xf32, #tpu.memory_space<hbm>> -> memref<1000x256xf32, #tpu.memory_space<hbm>>
    tpu.enqueue_indirect_dma source(%dma_start3A_125 : memref<1000x256xf32, #tpu.memory_space<hbm>>) target(%arg7 : memref<64x256xf32, #tpu.memory_space<vmem>>) offsets(%dma_start3A_122 : memref<64xi32, #tpu.memory_space<vmem>>) semaphore(%arg9 : memref<!tpu.dma_semaphore, #tpu.memory_space<semaphore_mem>>)
    %dma_wait3A_126 = arith.constant 6 : i32
    %dma_wait3A_127 = arith.constant 0 : i32
    %dma_wait3A_128 = tpu.memref_slice %arg5[%dma_wait3A_126, %dma_wait3A_127] : memref<12x64xi32, #tpu.memory_space<vmem>> -> memref<1x64xi32, #tpu.memory_space<vmem>>
    %dma_wait3A_129 = tpu.memref_squeeze %dma_wait3A_128 : memref<1x64xi32, #tpu.memory_space<vmem>> -> memref<64xi32, #tpu.memory_space<vmem>>
    %dma_wait3A_130 = arith.constant 0 : i32
    %dma_wait3A_131 = arith.constant 0 : i32
    %dma_wait3A_132 = tpu.memref_slice %arg3[%dma_wait3A_130, %dma_wait3A_131] : memref<1000x256xf32, #tpu.memory_space<hbm>> -> memref<1000x256xf32, #tpu.memory_space<hbm>>
    tpu.wait_indirect_dma semaphore(%arg8 : memref<!tpu.dma_semaphore, #tpu.memory_space<semaphore_mem>>) src(%dma_wait3A_132 : memref<1000x256xf32, #tpu.memory_space<hbm>>) dst(%arg6 : memref<64x256xf32, #tpu.memory_space<vmem>>)
    %mul3A_133 = arith.constant 768 : i32
    %mul3A_134 = arith.muli %add3A, %mul3A_133 : i32
    %add3A_135 = arith.constant 384 : i32
    %add3A_136 = arith.addi %mul3A_134, %add3A_135 : i32
    %multiple_of3A_137 = tpu.assume_multiple %add3A_136, 8 : i32
    "tpu.region"() ({
      %run_scoped3A = tpu.sem_alloc : memref<!tpu.dma_semaphore, #tpu.memory_space<semaphore_mem>>
      %dma_start3A_226 = arith.constant 0 : i32
      %dma_start3A_227 = tpu.memref_slice %arg4[%multiple_of3A_137, %dma_start3A_226] : memref<24576x256xf32, #tpu.memory_space<hbm>> -> memref<64x256xf32, #tpu.memory_space<hbm>>
      %dma_start3A_228 = arith.constant 0 : i32
      %dma_start3A_229 = tpu.memref_slice %arg4[%multiple_of3A_137, %dma_start3A_228] : memref<24576x256xf32, #tpu.memory_space<hbm>> -> memref<64x256xf32, #tpu.memory_space<hbm>>
      tpu.enqueue_dma source(%arg6 : memref<64x256xf32, #tpu.memory_space<vmem>>) target(%dma_start3A_229 : memref<64x256xf32, #tpu.memory_space<hbm>>) target_semaphore(%run_scoped3A : memref<!tpu.dma_semaphore, #tpu.memory_space<semaphore_mem>>)
      %dma_wait3A_230 = arith.constant 0 : i32
      %dma_wait3A_231 = tpu.memref_slice %arg4[%multiple_of3A_137, %dma_wait3A_230] : memref<24576x256xf32, #tpu.memory_space<hbm>> -> memref<64x256xf32, #tpu.memory_space<hbm>>
      %dma_wait3A_232 = arith.constant 0 : i32
      %dma_wait3A_233 = tpu.memref_slice %arg4[%multiple_of3A_137, %dma_wait3A_232] : memref<24576x256xf32, #tpu.memory_space<hbm>> -> memref<64x256xf32, #tpu.memory_space<hbm>>
      tpu.wait_dma2 semaphore(%run_scoped3A : memref<!tpu.dma_semaphore, #tpu.memory_space<semaphore_mem>>) src(%arg6 : memref<64x256xf32, #tpu.memory_space<vmem>>) dst(%dma_wait3A_233 : memref<64x256xf32, #tpu.memory_space<hbm>>)
      tpu.yield
    }) : () -> ()
    %dma_start3A_138 = arith.constant 8 : i32
    %dma_start3A_139 = arith.constant 0 : i32
    %dma_start3A_140 = tpu.memref_slice %arg5[%dma_start3A_138, %dma_start3A_139] : memref<12x64xi32, #tpu.memory_space<vmem>> -> memref<1x64xi32, #tpu.memory_space<vmem>>
    %dma_start3A_141 = tpu.memref_squeeze %dma_start3A_140 : memref<1x64xi32, #tpu.memory_space<vmem>> -> memref<64xi32, #tpu.memory_space<vmem>>
    %dma_start3A_142 = arith.constant 0 : i32
    %dma_start3A_143 = arith.constant 0 : i32
    %dma_start3A_144 = tpu.memref_slice %arg3[%dma_start3A_142, %dma_start3A_143] : memref<1000x256xf32, #tpu.memory_space<hbm>> -> memref<1000x256xf32, #tpu.memory_space<hbm>>
    tpu.enqueue_indirect_dma source(%dma_start3A_144 : memref<1000x256xf32, #tpu.memory_space<hbm>>) target(%arg6 : memref<64x256xf32, #tpu.memory_space<vmem>>) offsets(%dma_start3A_141 : memref<64xi32, #tpu.memory_space<vmem>>) semaphore(%arg8 : memref<!tpu.dma_semaphore, #tpu.memory_space<semaphore_mem>>)
    %dma_wait3A_145 = arith.constant 7 : i32
    %dma_wait3A_146 = arith.constant 0 : i32
    %dma_wait3A_147 = tpu.memref_slice %arg5[%dma_wait3A_145, %dma_wait3A_146] : memref<12x64xi32, #tpu.memory_space<vmem>> -> memref<1x64xi32, #tpu.memory_space<vmem>>
    %dma_wait3A_148 = tpu.memref_squeeze %dma_wait3A_147 : memref<1x64xi32, #tpu.memory_space<vmem>> -> memref<64xi32, #tpu.memory_space<vmem>>
    %dma_wait3A_149 = arith.constant 0 : i32
    %dma_wait3A_150 = arith.constant 0 : i32
    %dma_wait3A_151 = tpu.memref_slice %arg3[%dma_wait3A_149, %dma_wait3A_150] : memref<1000x256xf32, #tpu.memory_space<hbm>> -> memref<1000x256xf32, #tpu.memory_space<hbm>>
    tpu.wait_indirect_dma semaphore(%arg9 : memref<!tpu.dma_semaphore, #tpu.memory_space<semaphore_mem>>) src(%dma_wait3A_151 : memref<1000x256xf32, #tpu.memory_space<hbm>>) dst(%arg7 : memref<64x256xf32, #tpu.memory_space<vmem>>)
    %mul3A_152 = arith.constant 768 : i32
    %mul3A_153 = arith.muli %add3A, %mul3A_152 : i32
    %add3A_154 = arith.constant 448 : i32
    %add3A_155 = arith.addi %mul3A_153, %add3A_154 : i32
    %multiple_of3A_156 = tpu.assume_multiple %add3A_155, 8 : i32
    "tpu.region"() ({
      %run_scoped3A = tpu.sem_alloc : memref<!tpu.dma_semaphore, #tpu.memory_space<semaphore_mem>>
      %dma_start3A_226 = arith.constant 0 : i32
      %dma_start3A_227 = tpu.memref_slice %arg4[%multiple_of3A_156, %dma_start3A_226] : memref<24576x256xf32, #tpu.memory_space<hbm>> -> memref<64x256xf32, #tpu.memory_space<hbm>>
      %dma_start3A_228 = arith.constant 0 : i32
      %dma_start3A_229 = tpu.memref_slice %arg4[%multiple_of3A_156, %dma_start3A_228] : memref<24576x256xf32, #tpu.memory_space<hbm>> -> memref<64x256xf32, #tpu.memory_space<hbm>>
      tpu.enqueue_dma source(%arg7 : memref<64x256xf32, #tpu.memory_space<vmem>>) target(%dma_start3A_229 : memref<64x256xf32, #tpu.memory_space<hbm>>) target_semaphore(%run_scoped3A : memref<!tpu.dma_semaphore, #tpu.memory_space<semaphore_mem>>)
      %dma_wait3A_230 = arith.constant 0 : i32
      %dma_wait3A_231 = tpu.memref_slice %arg4[%multiple_of3A_156, %dma_wait3A_230] : memref<24576x256xf32, #tpu.memory_space<hbm>> -> memref<64x256xf32, #tpu.memory_space<hbm>>
      %dma_wait3A_232 = arith.constant 0 : i32
      %dma_wait3A_233 = tpu.memref_slice %arg4[%multiple_of3A_156, %dma_wait3A_232] : memref<24576x256xf32, #tpu.memory_space<hbm>> -> memref<64x256xf32, #tpu.memory_space<hbm>>
      tpu.wait_dma2 semaphore(%run_scoped3A : memref<!tpu.dma_semaphore, #tpu.memory_space<semaphore_mem>>) src(%arg7 : memref<64x256xf32, #tpu.memory_space<vmem>>) dst(%dma_wait3A_233 : memref<64x256xf32, #tpu.memory_space<hbm>>)
      tpu.yield
    }) : () -> ()
    %dma_start3A_157 = arith.constant 9 : i32
    %dma_start3A_158 = arith.constant 0 : i32
    %dma_start3A_159 = tpu.memref_slice %arg5[%dma_start3A_157, %dma_start3A_158] : memref<12x64xi32, #tpu.memory_space<vmem>> -> memref<1x64xi32, #tpu.memory_space<vmem>>
    %dma_start3A_160 = tpu.memref_squeeze %dma_start3A_159 : memref<1x64xi32, #tpu.memory_space<vmem>> -> memref<64xi32, #tpu.memory_space<vmem>>
    %dma_start3A_161 = arith.constant 0 : i32
    %dma_start3A_162 = arith.constant 0 : i32
    %dma_start3A_163 = tpu.memref_slice %arg3[%dma_start3A_161, %dma_start3A_162] : memref<1000x256xf32, #tpu.memory_space<hbm>> -> memref<1000x256xf32, #tpu.memory_space<hbm>>
    tpu.enqueue_indirect_dma source(%dma_start3A_163 : memref<1000x256xf32, #tpu.memory_space<hbm>>) target(%arg7 : memref<64x256xf32, #tpu.memory_space<vmem>>) offsets(%dma_start3A_160 : memref<64xi32, #tpu.memory_space<vmem>>) semaphore(%arg9 : memref<!tpu.dma_semaphore, #tpu.memory_space<semaphore_mem>>)
    %dma_wait3A_164 = arith.constant 8 : i32
    %dma_wait3A_165 = arith.constant 0 : i32
    %dma_wait3A_166 = tpu.memref_slice %arg5[%dma_wait3A_164, %dma_wait3A_165] : memref<12x64xi32, #tpu.memory_space<vmem>> -> memref<1x64xi32, #tpu.memory_space<vmem>>
    %dma_wait3A_167 = tpu.memref_squeeze %dma_wait3A_166 : memref<1x64xi32, #tpu.memory_space<vmem>> -> memref<64xi32, #tpu.memory_space<vmem>>
    %dma_wait3A_168 = arith.constant 0 : i32
    %dma_wait3A_169 = arith.constant 0 : i32
    %dma_wait3A_170 = tpu.memref_slice %arg3[%dma_wait3A_168, %dma_wait3A_169] : memref<1000x256xf32, #tpu.memory_space<hbm>> -> memref<1000x256xf32, #tpu.memory_space<hbm>>
    tpu.wait_indirect_dma semaphore(%arg8 : memref<!tpu.dma_semaphore, #tpu.memory_space<semaphore_mem>>) src(%dma_wait3A_170 : memref<1000x256xf32, #tpu.memory_space<hbm>>) dst(%arg6 : memref<64x256xf32, #tpu.memory_space<vmem>>)
    %mul3A_171 = arith.constant 768 : i32
    %mul3A_172 = arith.muli %add3A, %mul3A_171 : i32
    %add3A_173 = arith.constant 512 : i32
    %add3A_174 = arith.addi %mul3A_172, %add3A_173 : i32
    %multiple_of3A_175 = tpu.assume_multiple %add3A_174, 8 : i32
    "tpu.region"() ({
      %run_scoped3A = tpu.sem_alloc : memref<!tpu.dma_semaphore, #tpu.memory_space<semaphore_mem>>
      %dma_start3A_226 = arith.constant 0 : i32
      %dma_start3A_227 = tpu.memref_slice %arg4[%multiple_of3A_175, %dma_start3A_226] : memref<24576x256xf32, #tpu.memory_space<hbm>> -> memref<64x256xf32, #tpu.memory_space<hbm>>
      %dma_start3A_228 = arith.constant 0 : i32
      %dma_start3A_229 = tpu.memref_slice %arg4[%multiple_of3A_175, %dma_start3A_228] : memref<24576x256xf32, #tpu.memory_space<hbm>> -> memref<64x256xf32, #tpu.memory_space<hbm>>
      tpu.enqueue_dma source(%arg6 : memref<64x256xf32, #tpu.memory_space<vmem>>) target(%dma_start3A_229 : memref<64x256xf32, #tpu.memory_space<hbm>>) target_semaphore(%run_scoped3A : memref<!tpu.dma_semaphore, #tpu.memory_space<semaphore_mem>>)
      %dma_wait3A_230 = arith.constant 0 : i32
      %dma_wait3A_231 = tpu.memref_slice %arg4[%multiple_of3A_175, %dma_wait3A_230] : memref<24576x256xf32, #tpu.memory_space<hbm>> -> memref<64x256xf32, #tpu.memory_space<hbm>>
      %dma_wait3A_232 = arith.constant 0 : i32
      %dma_wait3A_233 = tpu.memref_slice %arg4[%multiple_of3A_175, %dma_wait3A_232] : memref<24576x256xf32, #tpu.memory_space<hbm>> -> memref<64x256xf32, #tpu.memory_space<hbm>>
      tpu.wait_dma2 semaphore(%run_scoped3A : memref<!tpu.dma_semaphore, #tpu.memory_space<semaphore_mem>>) src(%arg6 : memref<64x256xf32, #tpu.memory_space<vmem>>) dst(%dma_wait3A_233 : memref<64x256xf32, #tpu.memory_space<hbm>>)
      tpu.yield
    }) : () -> ()
    %dma_start3A_176 = arith.constant 10 : i32
    %dma_start3A_177 = arith.constant 0 : i32
    %dma_start3A_178 = tpu.memref_slice %arg5[%dma_start3A_176, %dma_start3A_177] : memref<12x64xi32, #tpu.memory_space<vmem>> -> memref<1x64xi32, #tpu.memory_space<vmem>>
    %dma_start3A_179 = tpu.memref_squeeze %dma_start3A_178 : memref<1x64xi32, #tpu.memory_space<vmem>> -> memref<64xi32, #tpu.memory_space<vmem>>
    %dma_start3A_180 = arith.constant 0 : i32
    %dma_start3A_181 = arith.constant 0 : i32
    %dma_start3A_182 = tpu.memref_slice %arg3[%dma_start3A_180, %dma_start3A_181] : memref<1000x256xf32, #tpu.memory_space<hbm>> -> memref<1000x256xf32, #tpu.memory_space<hbm>>
    tpu.enqueue_indirect_dma source(%dma_start3A_182 : memref<1000x256xf32, #tpu.memory_space<hbm>>) target(%arg6 : memref<64x256xf32, #tpu.memory_space<vmem>>) offsets(%dma_start3A_179 : memref<64xi32, #tpu.memory_space<vmem>>) semaphore(%arg8 : memref<!tpu.dma_semaphore, #tpu.memory_space<semaphore_mem>>)
    %dma_wait3A_183 = arith.constant 9 : i32
    %dma_wait3A_184 = arith.constant 0 : i32
    %dma_wait3A_185 = tpu.memref_slice %arg5[%dma_wait3A_183, %dma_wait3A_184] : memref<12x64xi32, #tpu.memory_space<vmem>> -> memref<1x64xi32, #tpu.memory_space<vmem>>
    %dma_wait3A_186 = tpu.memref_squeeze %dma_wait3A_185 : memref<1x64xi32, #tpu.memory_space<vmem>> -> memref<64xi32, #tpu.memory_space<vmem>>
    %dma_wait3A_187 = arith.constant 0 : i32
    %dma_wait3A_188 = arith.constant 0 : i32
    %dma_wait3A_189 = tpu.memref_slice %arg3[%dma_wait3A_187, %dma_wait3A_188] : memref<1000x256xf32, #tpu.memory_space<hbm>> -> memref<1000x256xf32, #tpu.memory_space<hbm>>
    tpu.wait_indirect_dma semaphore(%arg9 : memref<!tpu.dma_semaphore, #tpu.memory_space<semaphore_mem>>) src(%dma_wait3A_189 : memref<1000x256xf32, #tpu.memory_space<hbm>>) dst(%arg7 : memref<64x256xf32, #tpu.memory_space<vmem>>)
    %mul3A_190 = arith.constant 768 : i32
    %mul3A_191 = arith.muli %add3A, %mul3A_190 : i32
    %add3A_192 = arith.constant 576 : i32
    %add3A_193 = arith.addi %mul3A_191, %add3A_192 : i32
    %multiple_of3A_194 = tpu.assume_multiple %add3A_193, 8 : i32
    "tpu.region"() ({
      %run_scoped3A = tpu.sem_alloc : memref<!tpu.dma_semaphore, #tpu.memory_space<semaphore_mem>>
      %dma_start3A_226 = arith.constant 0 : i32
      %dma_start3A_227 = tpu.memref_slice %arg4[%multiple_of3A_194, %dma_start3A_226] : memref<24576x256xf32, #tpu.memory_space<hbm>> -> memref<64x256xf32, #tpu.memory_space<hbm>>
      %dma_start3A_228 = arith.constant 0 : i32
      %dma_start3A_229 = tpu.memref_slice %arg4[%multiple_of3A_194, %dma_start3A_228] : memref<24576x256xf32, #tpu.memory_space<hbm>> -> memref<64x256xf32, #tpu.memory_space<hbm>>
      tpu.enqueue_dma source(%arg7 : memref<64x256xf32, #tpu.memory_space<vmem>>) target(%dma_start3A_229 : memref<64x256xf32, #tpu.memory_space<hbm>>) target_semaphore(%run_scoped3A : memref<!tpu.dma_semaphore, #tpu.memory_space<semaphore_mem>>)
      %dma_wait3A_230 = arith.constant 0 : i32
      %dma_wait3A_231 = tpu.memref_slice %arg4[%multiple_of3A_194, %dma_wait3A_230] : memref<24576x256xf32, #tpu.memory_space<hbm>> -> memref<64x256xf32, #tpu.memory_space<hbm>>
      %dma_wait3A_232 = arith.constant 0 : i32
      %dma_wait3A_233 = tpu.memref_slice %arg4[%multiple_of3A_194, %dma_wait3A_232] : memref<24576x256xf32, #tpu.memory_space<hbm>> -> memref<64x256xf32, #tpu.memory_space<hbm>>
      tpu.wait_dma2 semaphore(%run_scoped3A : memref<!tpu.dma_semaphore, #tpu.memory_space<semaphore_mem>>) src(%arg7 : memref<64x256xf32, #tpu.memory_space<vmem>>) dst(%dma_wait3A_233 : memref<64x256xf32, #tpu.memory_space<hbm>>)
      tpu.yield
    }) : () -> ()
    %dma_start3A_195 = arith.constant 11 : i32
    %dma_start3A_196 = arith.constant 0 : i32
    %dma_start3A_197 = tpu.memref_slice %arg5[%dma_start3A_195, %dma_start3A_196] : memref<12x64xi32, #tpu.memory_space<vmem>> -> memref<1x64xi32, #tpu.memory_space<vmem>>
    %dma_start3A_198 = tpu.memref_squeeze %dma_start3A_197 : memref<1x64xi32, #tpu.memory_space<vmem>> -> memref<64xi32, #tpu.memory_space<vmem>>
    %dma_start3A_199 = arith.constant 0 : i32
    %dma_start3A_200 = arith.constant 0 : i32
    %dma_start3A_201 = tpu.memref_slice %arg3[%dma_start3A_199, %dma_start3A_200] : memref<1000x256xf32, #tpu.memory_space<hbm>> -> memref<1000x256xf32, #tpu.memory_space<hbm>>
    tpu.enqueue_indirect_dma source(%dma_start3A_201 : memref<1000x256xf32, #tpu.memory_space<hbm>>) target(%arg7 : memref<64x256xf32, #tpu.memory_space<vmem>>) offsets(%dma_start3A_198 : memref<64xi32, #tpu.memory_space<vmem>>) semaphore(%arg9 : memref<!tpu.dma_semaphore, #tpu.memory_space<semaphore_mem>>)
    %dma_wait3A_202 = arith.constant 10 : i32
    %dma_wait3A_203 = arith.constant 0 : i32
    %dma_wait3A_204 = tpu.memref_slice %arg5[%dma_wait3A_202, %dma_wait3A_203] : memref<12x64xi32, #tpu.memory_space<vmem>> -> memref<1x64xi32, #tpu.memory_space<vmem>>
    %dma_wait3A_205 = tpu.memref_squeeze %dma_wait3A_204 : memref<1x64xi32, #tpu.memory_space<vmem>> -> memref<64xi32, #tpu.memory_space<vmem>>
    %dma_wait3A_206 = arith.constant 0 : i32
    %dma_wait3A_207 = arith.constant 0 : i32
    %dma_wait3A_208 = tpu.memref_slice %arg3[%dma_wait3A_206, %dma_wait3A_207] : memref<1000x256xf32, #tpu.memory_space<hbm>> -> memref<1000x256xf32, #tpu.memory_space<hbm>>
    tpu.wait_indirect_dma semaphore(%arg8 : memref<!tpu.dma_semaphore, #tpu.memory_space<semaphore_mem>>) src(%dma_wait3A_208 : memref<1000x256xf32, #tpu.memory_space<hbm>>) dst(%arg6 : memref<64x256xf32, #tpu.memory_space<vmem>>)
    %mul3A_209 = arith.constant 768 : i32
    %mul3A_210 = arith.muli %add3A, %mul3A_209 : i32
    %add3A_211 = arith.constant 640 : i32
    %add3A_212 = arith.addi %mul3A_210, %add3A_211 : i32
    %multiple_of3A_213 = tpu.assume_multiple %add3A_212, 8 : i32
    "tpu.region"() ({
      %run_scoped3A = tpu.sem_alloc : memref<!tpu.dma_semaphore, #tpu.memory_space<semaphore_mem>>
      %dma_start3A_226 = arith.constant 0 : i32
      %dma_start3A_227 = tpu.memref_slice %arg4[%multiple_of3A_213, %dma_start3A_226] : memref<24576x256xf32, #tpu.memory_space<hbm>> -> memref<64x256xf32, #tpu.memory_space<hbm>>
      %dma_start3A_228 = arith.constant 0 : i32
      %dma_start3A_229 = tpu.memref_slice %arg4[%multiple_of3A_213, %dma_start3A_228] : memref<24576x256xf32, #tpu.memory_space<hbm>> -> memref<64x256xf32, #tpu.memory_space<hbm>>
      tpu.enqueue_dma source(%arg6 : memref<64x256xf32, #tpu.memory_space<vmem>>) target(%dma_start3A_229 : memref<64x256xf32, #tpu.memory_space<hbm>>) target_semaphore(%run_scoped3A : memref<!tpu.dma_semaphore, #tpu.memory_space<semaphore_mem>>)
      %dma_wait3A_230 = arith.constant 0 : i32
      %dma_wait3A_231 = tpu.memref_slice %arg4[%multiple_of3A_213, %dma_wait3A_230] : memref<24576x256xf32, #tpu.memory_space<hbm>> -> memref<64x256xf32, #tpu.memory_space<hbm>>
      %dma_wait3A_232 = arith.constant 0 : i32
      %dma_wait3A_233 = tpu.memref_slice %arg4[%multiple_of3A_213, %dma_wait3A_232] : memref<24576x256xf32, #tpu.memory_space<hbm>> -> memref<64x256xf32, #tpu.memory_space<hbm>>
      tpu.wait_dma2 semaphore(%run_scoped3A : memref<!tpu.dma_semaphore, #tpu.memory_space<semaphore_mem>>) src(%arg6 : memref<64x256xf32, #tpu.memory_space<vmem>>) dst(%dma_wait3A_233 : memref<64x256xf32, #tpu.memory_space<hbm>>)
      tpu.yield
    }) : () -> ()
    %dma_wait3A_214 = arith.constant 11 : i32
    %dma_wait3A_215 = arith.constant 0 : i32
    %dma_wait3A_216 = tpu.memref_slice %arg5[%dma_wait3A_214, %dma_wait3A_215] : memref<12x64xi32, #tpu.memory_space<vmem>> -> memref<1x64xi32, #tpu.memory_space<vmem>>
    %dma_wait3A_217 = tpu.memref_squeeze %dma_wait3A_216 : memref<1x64xi32, #tpu.memory_space<vmem>> -> memref<64xi32, #tpu.memory_space<vmem>>
    %dma_wait3A_218 = arith.constant 0 : i32
    %dma_wait3A_219 = arith.constant 0 : i32
    %dma_wait3A_220 = tpu.memref_slice %arg3[%dma_wait3A_218, %dma_wait3A_219] : memref<1000x256xf32, #tpu.memory_space<hbm>> -> memref<1000x256xf32, #tpu.memory_space<hbm>>
    tpu.wait_indirect_dma semaphore(%arg9 : memref<!tpu.dma_semaphore, #tpu.memory_space<semaphore_mem>>) src(%dma_wait3A_220 : memref<1000x256xf32, #tpu.memory_space<hbm>>) dst(%arg7 : memref<64x256xf32, #tpu.memory_space<vmem>>)
    %mul3A_221 = arith.constant 768 : i32
    %mul3A_222 = arith.muli %add3A, %mul3A_221 : i32
    %add3A_223 = arith.constant 704 : i32
    %add3A_224 = arith.addi %mul3A_222, %add3A_223 : i32
    %multiple_of3A_225 = tpu.assume_multiple %add3A_224, 8 : i32
    "tpu.region"() ({
      %run_scoped3A = tpu.sem_alloc : memref<!tpu.dma_semaphore, #tpu.memory_space<semaphore_mem>>
      %dma_start3A_226 = arith.constant 0 : i32
      %dma_start3A_227 = tpu.memref_slice %arg4[%multiple_of3A_225, %dma_start3A_226] : memref<24576x256xf32, #tpu.memory_space<hbm>> -> memref<64x256xf32, #tpu.memory_space<hbm>>
      %dma_start3A_228 = arith.constant 0 : i32
      %dma_start3A_229 = tpu.memref_slice %arg4[%multiple_of3A_225, %dma_start3A_228] : memref<24576x256xf32, #tpu.memory_space<hbm>> -> memref<64x256xf32, #tpu.memory_space<hbm>>
      tpu.enqueue_dma source(%arg7 : memref<64x256xf32, #tpu.memory_space<vmem>>) target(%dma_start3A_229 : memref<64x256xf32, #tpu.memory_space<hbm>>) target_semaphore(%run_scoped3A : memref<!tpu.dma_semaphore, #tpu.memory_space<semaphore_mem>>)
      %dma_wait3A_230 = arith.constant 0 : i32
      %dma_wait3A_231 = tpu.memref_slice %arg4[%multiple_of3A_225, %dma_wait3A_230] : memref<24576x256xf32, #tpu.memory_space<hbm>> -> memref<64x256xf32, #tpu.memory_space<hbm>>
      %dma_wait3A_232 = arith.constant 0 : i32
      %dma_wait3A_233 = tpu.memref_slice %arg4[%multiple_of3A_225, %dma_wait3A_232] : memref<24576x256xf32, #tpu.memory_space<hbm>> -> memref<64x256xf32, #tpu.memory_space<hbm>>
      tpu.wait_dma2 semaphore(%run_scoped3A : memref<!tpu.dma_semaphore, #tpu.memory_space<semaphore_mem>>) src(%arg7 : memref<64x256xf32, #tpu.memory_space<vmem>>) dst(%dma_wait3A_233 : memref<64x256xf32, #tpu.memory_space<hbm>>)
      tpu.yield
    }) : () -> ()
    return
  }
}

module attributes {stable_mosaic.version = 14 : i64} {
  func.func @_mlp_body1(%arg0: i32, %arg1: memref<24x1024x256xf32, #tpu.memory_space<any>>, %arg2: memref<1024x256xbf16, #tpu.memory_space<vmem>>, %arg3: memref<1024x1xf32, #tpu.memory_space<vmem>>, %arg4: memref<1000x1024xbf16, #tpu.memory_space<vmem>>, %arg5: memref<1000x1xf32, #tpu.memory_space<vmem>>, %arg6: memref<2x1000x1024xf32, #tpu.memory_space<vmem>>, %arg7: memref<8x1024x256xf32, #tpu.memory_space<vmem>>, %arg8: memref<8x!tpu.dma_semaphore, #tpu.memory_space<semaphore_mem>>) attributes {dimension_semantics = [#tpu.dimension_semantics<arbitrary>], iteration_bounds = array<i64: 10>, scalar_prefetch = 0 : i64, scratch_operands = 2 : i64, tpu.core_type = #tpu.core_type<tc>, window_params = [{}, {pipeline_mode = #tpu.pipeline_mode<synchronous>, transform_indices = @transform_1, window_bounds = array<i64: 1024, 256>}, {pipeline_mode = #tpu.pipeline_mode<synchronous>, transform_indices = @transform_2, window_bounds = array<i64: 1024, 1>}, {pipeline_mode = #tpu.pipeline_mode<synchronous>, transform_indices = @transform_3, window_bounds = array<i64: 1000, 1024>}, {pipeline_mode = #tpu.pipeline_mode<synchronous>, transform_indices = @transform_4, window_bounds = array<i64: 1000, 1>}, {transform_indices = @transform_5, window_bounds = array<i64: 2, 1000, 1024>}]} {
    %mul3A = arith.constant 2 : i32
    %mul3A_0 = arith.muli %mul3A, %arg0 : i32
    %eq3A = arith.constant 0 : i32
    %eq3A_1 = arith.cmpi eq, %arg0, %eq3A : i32
    %convert_element_type3A = arith.extui %eq3A_1 : i1 to i32
    %cond3A = arith.constant 0 : i32
    %cond3A_2 = arith.cmpi ne, %convert_element_type3A, %cond3A : i32
    scf.if %cond3A_2 {
      %dma_start3A = arith.constant 0 : i32
      %dma_start3A_188 = arith.constant 0 : i32
      %dma_start3A_189 = arith.constant 0 : i32
      %dma_start3A_190 = tpu.memref_slice %arg8[%dma_start3A_189] : memref<8x!tpu.dma_semaphore, #tpu.memory_space<semaphore_mem>> -> memref<1x!tpu.dma_semaphore, #tpu.memory_space<semaphore_mem>>
      %dma_start3A_191 = tpu.memref_squeeze %dma_start3A_190 : memref<1x!tpu.dma_semaphore, #tpu.memory_space<semaphore_mem>> -> memref<!tpu.dma_semaphore, #tpu.memory_space<semaphore_mem>>
      %dma_start3A_192 = arith.constant 0 : i32
      %dma_start3A_193 = arith.constant 0 : i32
      %dma_start3A_194 = tpu.memref_slice %arg7[%dma_start3A_188, %dma_start3A_192, %dma_start3A_193] : memref<8x1024x256xf32, #tpu.memory_space<vmem>> -> memref<1x1024x256xf32, #tpu.memory_space<vmem>>
      %dma_start3A_195 = tpu.memref_squeeze %dma_start3A_194 : memref<1x1024x256xf32, #tpu.memory_space<vmem>> -> memref<1024x256xf32, #tpu.memory_space<vmem>>
      %dma_start3A_196 = arith.constant 0 : i32
      %dma_start3A_197 = arith.constant 0 : i32
      %dma_start3A_198 = tpu.memref_slice %arg1[%dma_start3A, %dma_start3A_196, %dma_start3A_197] : memref<24x1024x256xf32, #tpu.memory_space<any>> -> memref<1x1024x256xf32, #tpu.memory_space<any>>
      %dma_start3A_199 = tpu.memref_squeeze %dma_start3A_198 : memref<1x1024x256xf32, #tpu.memory_space<any>> -> memref<1024x256xf32, #tpu.memory_space<any>>
      tpu.enqueue_dma source(%dma_start3A_199 : memref<1024x256xf32, #tpu.memory_space<any>>) target(%dma_start3A_195 : memref<1024x256xf32, #tpu.memory_space<vmem>>) target_semaphore(%dma_start3A_191 : memref<!tpu.dma_semaphore, #tpu.memory_space<semaphore_mem>>)
      %dma_start3A_200 = arith.constant 1 : i32
      %dma_start3A_201 = arith.constant 1 : i32
      %dma_start3A_202 = arith.constant 1 : i32
      %dma_start3A_203 = tpu.memref_slice %arg8[%dma_start3A_202] : memref<8x!tpu.dma_semaphore, #tpu.memory_space<semaphore_mem>> -> memref<1x!tpu.dma_semaphore, #tpu.memory_space<semaphore_mem>>
      %dma_start3A_204 = tpu.memref_squeeze %dma_start3A_203 : memref<1x!tpu.dma_semaphore, #tpu.memory_space<semaphore_mem>> -> memref<!tpu.dma_semaphore, #tpu.memory_space<semaphore_mem>>
      %dma_start3A_205 = arith.constant 0 : i32
      %dma_start3A_206 = arith.constant 0 : i32
      %dma_start3A_207 = tpu.memref_slice %arg7[%dma_start3A_201, %dma_start3A_205, %dma_start3A_206] : memref<8x1024x256xf32, #tpu.memory_space<vmem>> -> memref<1x1024x256xf32, #tpu.memory_space<vmem>>
      %dma_start3A_208 = tpu.memref_squeeze %dma_start3A_207 : memref<1x1024x256xf32, #tpu.memory_space<vmem>> -> memref<1024x256xf32, #tpu.memory_space<vmem>>
      %dma_start3A_209 = arith.constant 0 : i32
      %dma_start3A_210 = arith.constant 0 : i32
      %dma_start3A_211 = tpu.memref_slice %arg1[%dma_start3A_200, %dma_start3A_209, %dma_start3A_210] : memref<24x1024x256xf32, #tpu.memory_space<any>> -> memref<1x1024x256xf32, #tpu.memory_space<any>>
      %dma_start3A_212 = tpu.memref_squeeze %dma_start3A_211 : memref<1x1024x256xf32, #tpu.memory_space<any>> -> memref<1024x256xf32, #tpu.memory_space<any>>
      tpu.enqueue_dma source(%dma_start3A_212 : memref<1024x256xf32, #tpu.memory_space<any>>) target(%dma_start3A_208 : memref<1024x256xf32, #tpu.memory_space<vmem>>) target_semaphore(%dma_start3A_204 : memref<!tpu.dma_semaphore, #tpu.memory_space<semaphore_mem>>)
      %dma_start3A_213 = arith.constant 2 : i32
      %dma_start3A_214 = arith.constant 2 : i32
      %dma_start3A_215 = arith.constant 2 : i32
      %dma_start3A_216 = tpu.memref_slice %arg8[%dma_start3A_215] : memref<8x!tpu.dma_semaphore, #tpu.memory_space<semaphore_mem>> -> memref<1x!tpu.dma_semaphore, #tpu.memory_space<semaphore_mem>>
      %dma_start3A_217 = tpu.memref_squeeze %dma_start3A_216 : memref<1x!tpu.dma_semaphore, #tpu.memory_space<semaphore_mem>> -> memref<!tpu.dma_semaphore, #tpu.memory_space<semaphore_mem>>
      %dma_start3A_218 = arith.constant 0 : i32
      %dma_start3A_219 = arith.constant 0 : i32
      %dma_start3A_220 = tpu.memref_slice %arg7[%dma_start3A_214, %dma_start3A_218, %dma_start3A_219] : memref<8x1024x256xf32, #tpu.memory_space<vmem>> -> memref<1x1024x256xf32, #tpu.memory_space<vmem>>
      %dma_start3A_221 = tpu.memref_squeeze %dma_start3A_220 : memref<1x1024x256xf32, #tpu.memory_space<vmem>> -> memref<1024x256xf32, #tpu.memory_space<vmem>>
      %dma_start3A_222 = arith.constant 0 : i32
      %dma_start3A_223 = arith.constant 0 : i32
      %dma_start3A_224 = tpu.memref_slice %arg1[%dma_start3A_213, %dma_start3A_222, %dma_start3A_223] : memref<24x1024x256xf32, #tpu.memory_space<any>> -> memref<1x1024x256xf32, #tpu.memory_space<any>>
      %dma_start3A_225 = tpu.memref_squeeze %dma_start3A_224 : memref<1x1024x256xf32, #tpu.memory_space<any>> -> memref<1024x256xf32, #tpu.memory_space<any>>
      tpu.enqueue_dma source(%dma_start3A_225 : memref<1024x256xf32, #tpu.memory_space<any>>) target(%dma_start3A_221 : memref<1024x256xf32, #tpu.memory_space<vmem>>) target_semaphore(%dma_start3A_217 : memref<!tpu.dma_semaphore, #tpu.memory_space<semaphore_mem>>)
      %dma_start3A_226 = arith.constant 3 : i32
      %dma_start3A_227 = arith.constant 3 : i32
      %dma_start3A_228 = arith.constant 3 : i32
      %dma_start3A_229 = tpu.memref_slice %arg8[%dma_start3A_228] : memref<8x!tpu.dma_semaphore, #tpu.memory_space<semaphore_mem>> -> memref<1x!tpu.dma_semaphore, #tpu.memory_space<semaphore_mem>>
      %dma_start3A_230 = tpu.memref_squeeze %dma_start3A_229 : memref<1x!tpu.dma_semaphore, #tpu.memory_space<semaphore_mem>> -> memref<!tpu.dma_semaphore, #tpu.memory_space<semaphore_mem>>
      %dma_start3A_231 = arith.constant 0 : i32
      %dma_start3A_232 = arith.constant 0 : i32
      %dma_start3A_233 = tpu.memref_slice %arg7[%dma_start3A_227, %dma_start3A_231, %dma_start3A_232] : memref<8x1024x256xf32, #tpu.memory_space<vmem>> -> memref<1x1024x256xf32, #tpu.memory_space<vmem>>
      %dma_start3A_234 = tpu.memref_squeeze %dma_start3A_233 : memref<1x1024x256xf32, #tpu.memory_space<vmem>> -> memref<1024x256xf32, #tpu.memory_space<vmem>>
      %dma_start3A_235 = arith.constant 0 : i32
      %dma_start3A_236 = arith.constant 0 : i32
      %dma_start3A_237 = tpu.memref_slice %arg1[%dma_start3A_226, %dma_start3A_235, %dma_start3A_236] : memref<24x1024x256xf32, #tpu.memory_space<any>> -> memref<1x1024x256xf32, #tpu.memory_space<any>>
      %dma_start3A_238 = tpu.memref_squeeze %dma_start3A_237 : memref<1x1024x256xf32, #tpu.memory_space<any>> -> memref<1024x256xf32, #tpu.memory_space<any>>
      tpu.enqueue_dma source(%dma_start3A_238 : memref<1024x256xf32, #tpu.memory_space<any>>) target(%dma_start3A_234 : memref<1024x256xf32, #tpu.memory_space<vmem>>) target_semaphore(%dma_start3A_230 : memref<!tpu.dma_semaphore, #tpu.memory_space<semaphore_mem>>)
      %dma_start3A_239 = arith.constant 4 : i32
      %dma_start3A_240 = arith.constant 4 : i32
      %dma_start3A_241 = arith.constant 4 : i32
      %dma_start3A_242 = tpu.memref_slice %arg8[%dma_start3A_241] : memref<8x!tpu.dma_semaphore, #tpu.memory_space<semaphore_mem>> -> memref<1x!tpu.dma_semaphore, #tpu.memory_space<semaphore_mem>>
      %dma_start3A_243 = tpu.memref_squeeze %dma_start3A_242 : memref<1x!tpu.dma_semaphore, #tpu.memory_space<semaphore_mem>> -> memref<!tpu.dma_semaphore, #tpu.memory_space<semaphore_mem>>
      %dma_start3A_244 = arith.constant 0 : i32
      %dma_start3A_245 = arith.constant 0 : i32
      %dma_start3A_246 = tpu.memref_slice %arg7[%dma_start3A_240, %dma_start3A_244, %dma_start3A_245] : memref<8x1024x256xf32, #tpu.memory_space<vmem>> -> memref<1x1024x256xf32, #tpu.memory_space<vmem>>
      %dma_start3A_247 = tpu.memref_squeeze %dma_start3A_246 : memref<1x1024x256xf32, #tpu.memory_space<vmem>> -> memref<1024x256xf32, #tpu.memory_space<vmem>>
      %dma_start3A_248 = arith.constant 0 : i32
      %dma_start3A_249 = arith.constant 0 : i32
      %dma_start3A_250 = tpu.memref_slice %arg1[%dma_start3A_239, %dma_start3A_248, %dma_start3A_249] : memref<24x1024x256xf32, #tpu.memory_space<any>> -> memref<1x1024x256xf32, #tpu.memory_space<any>>
      %dma_start3A_251 = tpu.memref_squeeze %dma_start3A_250 : memref<1x1024x256xf32, #tpu.memory_space<any>> -> memref<1024x256xf32, #tpu.memory_space<any>>
      tpu.enqueue_dma source(%dma_start3A_251 : memref<1024x256xf32, #tpu.memory_space<any>>) target(%dma_start3A_247 : memref<1024x256xf32, #tpu.memory_space<vmem>>) target_semaphore(%dma_start3A_243 : memref<!tpu.dma_semaphore, #tpu.memory_space<semaphore_mem>>)
      %dma_start3A_252 = arith.constant 5 : i32
      %dma_start3A_253 = arith.constant 5 : i32
      %dma_start3A_254 = arith.constant 5 : i32
      %dma_start3A_255 = tpu.memref_slice %arg8[%dma_start3A_254] : memref<8x!tpu.dma_semaphore, #tpu.memory_space<semaphore_mem>> -> memref<1x!tpu.dma_semaphore, #tpu.memory_space<semaphore_mem>>
      %dma_start3A_256 = tpu.memref_squeeze %dma_start3A_255 : memref<1x!tpu.dma_semaphore, #tpu.memory_space<semaphore_mem>> -> memref<!tpu.dma_semaphore, #tpu.memory_space<semaphore_mem>>
      %dma_start3A_257 = arith.constant 0 : i32
      %dma_start3A_258 = arith.constant 0 : i32
      %dma_start3A_259 = tpu.memref_slice %arg7[%dma_start3A_253, %dma_start3A_257, %dma_start3A_258] : memref<8x1024x256xf32, #tpu.memory_space<vmem>> -> memref<1x1024x256xf32, #tpu.memory_space<vmem>>
      %dma_start3A_260 = tpu.memref_squeeze %dma_start3A_259 : memref<1x1024x256xf32, #tpu.memory_space<vmem>> -> memref<1024x256xf32, #tpu.memory_space<vmem>>
      %dma_start3A_261 = arith.constant 0 : i32
      %dma_start3A_262 = arith.constant 0 : i32
      %dma_start3A_263 = tpu.memref_slice %arg1[%dma_start3A_252, %dma_start3A_261, %dma_start3A_262] : memref<24x1024x256xf32, #tpu.memory_space<any>> -> memref<1x1024x256xf32, #tpu.memory_space<any>>
      %dma_start3A_264 = tpu.memref_squeeze %dma_start3A_263 : memref<1x1024x256xf32, #tpu.memory_space<any>> -> memref<1024x256xf32, #tpu.memory_space<any>>
      tpu.enqueue_dma source(%dma_start3A_264 : memref<1024x256xf32, #tpu.memory_space<any>>) target(%dma_start3A_260 : memref<1024x256xf32, #tpu.memory_space<vmem>>) target_semaphore(%dma_start3A_256 : memref<!tpu.dma_semaphore, #tpu.memory_space<semaphore_mem>>)
      %dma_wait3A = arith.constant 0 : i32
      %dma_wait3A_265 = arith.constant 0 : i32
      %dma_wait3A_266 = arith.constant 0 : i32
      %dma_wait3A_267 = tpu.memref_slice %arg8[%dma_wait3A_266] : memref<8x!tpu.dma_semaphore, #tpu.memory_space<semaphore_mem>> -> memref<1x!tpu.dma_semaphore, #tpu.memory_space<semaphore_mem>>
      %dma_wait3A_268 = tpu.memref_squeeze %dma_wait3A_267 : memref<1x!tpu.dma_semaphore, #tpu.memory_space<semaphore_mem>> -> memref<!tpu.dma_semaphore, #tpu.memory_space<semaphore_mem>>
      %dma_wait3A_269 = arith.constant 0 : i32
      %dma_wait3A_270 = arith.constant 0 : i32
      %dma_wait3A_271 = tpu.memref_slice %arg7[%dma_wait3A_265, %dma_wait3A_269, %dma_wait3A_270] : memref<8x1024x256xf32, #tpu.memory_space<vmem>> -> memref<1x1024x256xf32, #tpu.memory_space<vmem>>
      %dma_wait3A_272 = tpu.memref_squeeze %dma_wait3A_271 : memref<1x1024x256xf32, #tpu.memory_space<vmem>> -> memref<1024x256xf32, #tpu.memory_space<vmem>>
      %dma_wait3A_273 = arith.constant 0 : i32
      %dma_wait3A_274 = arith.constant 0 : i32
      %dma_wait3A_275 = tpu.memref_slice %arg1[%dma_wait3A, %dma_wait3A_273, %dma_wait3A_274] : memref<24x1024x256xf32, #tpu.memory_space<any>> -> memref<1x1024x256xf32, #tpu.memory_space<any>>
      %dma_wait3A_276 = tpu.memref_squeeze %dma_wait3A_275 : memref<1x1024x256xf32, #tpu.memory_space<any>> -> memref<1024x256xf32, #tpu.memory_space<any>>
      tpu.wait_dma2 semaphore(%dma_wait3A_268 : memref<!tpu.dma_semaphore, #tpu.memory_space<semaphore_mem>>) src(%dma_wait3A_276 : memref<1024x256xf32, #tpu.memory_space<any>>) dst(%dma_wait3A_272 : memref<1024x256xf32, #tpu.memory_space<vmem>>)
      %dma_wait3A_277 = arith.constant 1 : i32
      %dma_wait3A_278 = arith.constant 1 : i32
      %dma_wait3A_279 = arith.constant 1 : i32
      %dma_wait3A_280 = tpu.memref_slice %arg8[%dma_wait3A_279] : memref<8x!tpu.dma_semaphore, #tpu.memory_space<semaphore_mem>> -> memref<1x!tpu.dma_semaphore, #tpu.memory_space<semaphore_mem>>
      %dma_wait3A_281 = tpu.memref_squeeze %dma_wait3A_280 : memref<1x!tpu.dma_semaphore, #tpu.memory_space<semaphore_mem>> -> memref<!tpu.dma_semaphore, #tpu.memory_space<semaphore_mem>>
      %dma_wait3A_282 = arith.constant 0 : i32
      %dma_wait3A_283 = arith.constant 0 : i32
      %dma_wait3A_284 = tpu.memref_slice %arg7[%dma_wait3A_278, %dma_wait3A_282, %dma_wait3A_283] : memref<8x1024x256xf32, #tpu.memory_space<vmem>> -> memref<1x1024x256xf32, #tpu.memory_space<vmem>>
      %dma_wait3A_285 = tpu.memref_squeeze %dma_wait3A_284 : memref<1x1024x256xf32, #tpu.memory_space<vmem>> -> memref<1024x256xf32, #tpu.memory_space<vmem>>
      %dma_wait3A_286 = arith.constant 0 : i32
      %dma_wait3A_287 = arith.constant 0 : i32
      %dma_wait3A_288 = tpu.memref_slice %arg1[%dma_wait3A_277, %dma_wait3A_286, %dma_wait3A_287] : memref<24x1024x256xf32, #tpu.memory_space<any>> -> memref<1x1024x256xf32, #tpu.memory_space<any>>
      %dma_wait3A_289 = tpu.memref_squeeze %dma_wait3A_288 : memref<1x1024x256xf32, #tpu.memory_space<any>> -> memref<1024x256xf32, #tpu.memory_space<any>>
      tpu.wait_dma2 semaphore(%dma_wait3A_281 : memref<!tpu.dma_semaphore, #tpu.memory_space<semaphore_mem>>) src(%dma_wait3A_289 : memref<1024x256xf32, #tpu.memory_space<any>>) dst(%dma_wait3A_285 : memref<1024x256xf32, #tpu.memory_space<vmem>>)
      %dma_wait3A_290 = arith.constant 2 : i32
      %dma_wait3A_291 = arith.constant 2 : i32
      %dma_wait3A_292 = arith.constant 2 : i32
      %dma_wait3A_293 = tpu.memref_slice %arg8[%dma_wait3A_292] : memref<8x!tpu.dma_semaphore, #tpu.memory_space<semaphore_mem>> -> memref<1x!tpu.dma_semaphore, #tpu.memory_space<semaphore_mem>>
      %dma_wait3A_294 = tpu.memref_squeeze %dma_wait3A_293 : memref<1x!tpu.dma_semaphore, #tpu.memory_space<semaphore_mem>> -> memref<!tpu.dma_semaphore, #tpu.memory_space<semaphore_mem>>
      %dma_wait3A_295 = arith.constant 0 : i32
      %dma_wait3A_296 = arith.constant 0 : i32
      %dma_wait3A_297 = tpu.memref_slice %arg7[%dma_wait3A_291, %dma_wait3A_295, %dma_wait3A_296] : memref<8x1024x256xf32, #tpu.memory_space<vmem>> -> memref<1x1024x256xf32, #tpu.memory_space<vmem>>
      %dma_wait3A_298 = tpu.memref_squeeze %dma_wait3A_297 : memref<1x1024x256xf32, #tpu.memory_space<vmem>> -> memref<1024x256xf32, #tpu.memory_space<vmem>>
      %dma_wait3A_299 = arith.constant 0 : i32
      %dma_wait3A_300 = arith.constant 0 : i32
      %dma_wait3A_301 = tpu.memref_slice %arg1[%dma_wait3A_290, %dma_wait3A_299, %dma_wait3A_300] : memref<24x1024x256xf32, #tpu.memory_space<any>> -> memref<1x1024x256xf32, #tpu.memory_space<any>>
      %dma_wait3A_302 = tpu.memref_squeeze %dma_wait3A_301 : memref<1x1024x256xf32, #tpu.memory_space<any>> -> memref<1024x256xf32, #tpu.memory_space<any>>
      tpu.wait_dma2 semaphore(%dma_wait3A_294 : memref<!tpu.dma_semaphore, #tpu.memory_space<semaphore_mem>>) src(%dma_wait3A_302 : memref<1024x256xf32, #tpu.memory_space<any>>) dst(%dma_wait3A_298 : memref<1024x256xf32, #tpu.memory_space<vmem>>)
      %dma_wait3A_303 = arith.constant 3 : i32
      %dma_wait3A_304 = arith.constant 3 : i32
      %dma_wait3A_305 = arith.constant 3 : i32
      %dma_wait3A_306 = tpu.memref_slice %arg8[%dma_wait3A_305] : memref<8x!tpu.dma_semaphore, #tpu.memory_space<semaphore_mem>> -> memref<1x!tpu.dma_semaphore, #tpu.memory_space<semaphore_mem>>
      %dma_wait3A_307 = tpu.memref_squeeze %dma_wait3A_306 : memref<1x!tpu.dma_semaphore, #tpu.memory_space<semaphore_mem>> -> memref<!tpu.dma_semaphore, #tpu.memory_space<semaphore_mem>>
      %dma_wait3A_308 = arith.constant 0 : i32
      %dma_wait3A_309 = arith.constant 0 : i32
      %dma_wait3A_310 = tpu.memref_slice %arg7[%dma_wait3A_304, %dma_wait3A_308, %dma_wait3A_309] : memref<8x1024x256xf32, #tpu.memory_space<vmem>> -> memref<1x1024x256xf32, #tpu.memory_space<vmem>>
      %dma_wait3A_311 = tpu.memref_squeeze %dma_wait3A_310 : memref<1x1024x256xf32, #tpu.memory_space<vmem>> -> memref<1024x256xf32, #tpu.memory_space<vmem>>
      %dma_wait3A_312 = arith.constant 0 : i32
      %dma_wait3A_313 = arith.constant 0 : i32
      %dma_wait3A_314 = tpu.memref_slice %arg1[%dma_wait3A_303, %dma_wait3A_312, %dma_wait3A_313] : memref<24x1024x256xf32, #tpu.memory_space<any>> -> memref<1x1024x256xf32, #tpu.memory_space<any>>
      %dma_wait3A_315 = tpu.memref_squeeze %dma_wait3A_314 : memref<1x1024x256xf32, #tpu.memory_space<any>> -> memref<1024x256xf32, #tpu.memory_space<any>>
      tpu.wait_dma2 semaphore(%dma_wait3A_307 : memref<!tpu.dma_semaphore, #tpu.memory_space<semaphore_mem>>) src(%dma_wait3A_315 : memref<1024x256xf32, #tpu.memory_space<any>>) dst(%dma_wait3A_311 : memref<1024x256xf32, #tpu.memory_space<vmem>>)
      %dma_wait3A_316 = arith.constant 4 : i32
      %dma_wait3A_317 = arith.constant 4 : i32
      %dma_wait3A_318 = arith.constant 4 : i32
      %dma_wait3A_319 = tpu.memref_slice %arg8[%dma_wait3A_318] : memref<8x!tpu.dma_semaphore, #tpu.memory_space<semaphore_mem>> -> memref<1x!tpu.dma_semaphore, #tpu.memory_space<semaphore_mem>>
      %dma_wait3A_320 = tpu.memref_squeeze %dma_wait3A_319 : memref<1x!tpu.dma_semaphore, #tpu.memory_space<semaphore_mem>> -> memref<!tpu.dma_semaphore, #tpu.memory_space<semaphore_mem>>
      %dma_wait3A_321 = arith.constant 0 : i32
      %dma_wait3A_322 = arith.constant 0 : i32
      %dma_wait3A_323 = tpu.memref_slice %arg7[%dma_wait3A_317, %dma_wait3A_321, %dma_wait3A_322] : memref<8x1024x256xf32, #tpu.memory_space<vmem>> -> memref<1x1024x256xf32, #tpu.memory_space<vmem>>
      %dma_wait3A_324 = tpu.memref_squeeze %dma_wait3A_323 : memref<1x1024x256xf32, #tpu.memory_space<vmem>> -> memref<1024x256xf32, #tpu.memory_space<vmem>>
      %dma_wait3A_325 = arith.constant 0 : i32
      %dma_wait3A_326 = arith.constant 0 : i32
      %dma_wait3A_327 = tpu.memref_slice %arg1[%dma_wait3A_316, %dma_wait3A_325, %dma_wait3A_326] : memref<24x1024x256xf32, #tpu.memory_space<any>> -> memref<1x1024x256xf32, #tpu.memory_space<any>>
      %dma_wait3A_328 = tpu.memref_squeeze %dma_wait3A_327 : memref<1x1024x256xf32, #tpu.memory_space<any>> -> memref<1024x256xf32, #tpu.memory_space<any>>
      tpu.wait_dma2 semaphore(%dma_wait3A_320 : memref<!tpu.dma_semaphore, #tpu.memory_space<semaphore_mem>>) src(%dma_wait3A_328 : memref<1024x256xf32, #tpu.memory_space<any>>) dst(%dma_wait3A_324 : memref<1024x256xf32, #tpu.memory_space<vmem>>)
      %dma_wait3A_329 = arith.constant 5 : i32
      %dma_wait3A_330 = arith.constant 5 : i32
      %dma_wait3A_331 = arith.constant 5 : i32
      %dma_wait3A_332 = tpu.memref_slice %arg8[%dma_wait3A_331] : memref<8x!tpu.dma_semaphore, #tpu.memory_space<semaphore_mem>> -> memref<1x!tpu.dma_semaphore, #tpu.memory_space<semaphore_mem>>
      %dma_wait3A_333 = tpu.memref_squeeze %dma_wait3A_332 : memref<1x!tpu.dma_semaphore, #tpu.memory_space<semaphore_mem>> -> memref<!tpu.dma_semaphore, #tpu.memory_space<semaphore_mem>>
      %dma_wait3A_334 = arith.constant 0 : i32
      %dma_wait3A_335 = arith.constant 0 : i32
      %dma_wait3A_336 = tpu.memref_slice %arg7[%dma_wait3A_330, %dma_wait3A_334, %dma_wait3A_335] : memref<8x1024x256xf32, #tpu.memory_space<vmem>> -> memref<1x1024x256xf32, #tpu.memory_space<vmem>>
      %dma_wait3A_337 = tpu.memref_squeeze %dma_wait3A_336 : memref<1x1024x256xf32, #tpu.memory_space<vmem>> -> memref<1024x256xf32, #tpu.memory_space<vmem>>
      %dma_wait3A_338 = arith.constant 0 : i32
      %dma_wait3A_339 = arith.constant 0 : i32
      %dma_wait3A_340 = tpu.memref_slice %arg1[%dma_wait3A_329, %dma_wait3A_338, %dma_wait3A_339] : memref<24x1024x256xf32, #tpu.memory_space<any>> -> memref<1x1024x256xf32, #tpu.memory_space<any>>
      %dma_wait3A_341 = tpu.memref_squeeze %dma_wait3A_340 : memref<1x1024x256xf32, #tpu.memory_space<any>> -> memref<1024x256xf32, #tpu.memory_space<any>>
      tpu.wait_dma2 semaphore(%dma_wait3A_333 : memref<!tpu.dma_semaphore, #tpu.memory_space<semaphore_mem>>) src(%dma_wait3A_341 : memref<1024x256xf32, #tpu.memory_space<any>>) dst(%dma_wait3A_337 : memref<1024x256xf32, #tpu.memory_space<vmem>>)
    } else {
    }
    %add3A = arith.constant 7 : i32
    %add3A_3 = arith.addi %mul3A_0, %add3A : i32
    %lt3A = arith.constant 24 : i32
    %lt3A_4 = arith.cmpi slt, %add3A_3, %lt3A : i32
    %convert_element_type3A_5 = arith.extui %lt3A_4 : i1 to i32
    %cond3A_6 = arith.constant 0 : i32
    %cond3A_7 = arith.cmpi ne, %convert_element_type3A_5, %cond3A_6 : i32
    scf.if %cond3A_7 {
      %add3A_188 = arith.constant 6 : i32
      %add3A_189 = arith.addi %mul3A_0, %add3A_188 : i32
      %sub3A = arith.constant 0 : i32
      %sub3A_190 = arith.subi %add3A_189, %sub3A : i32
      %jit3A_191 = arith.constant 8 : i32
      %eq3A_192 = arith.constant 0 : i32
      %eq3A_193 = arith.cmpi eq, %jit3A_191, %eq3A_192 : i32
      %jit3A_194 = arith.constant 1 : i32
      %select_n3A_195 = arith.select %eq3A_193, %jit3A_194, %jit3A_191 : i32
      %rem3A_196 = arith.remsi %add3A_189, %select_n3A_195 : i32
      %ne3A_197 = arith.constant 0 : i32
      %ne3A_198 = arith.cmpi ne, %rem3A_196, %ne3A_197 : i32
      %lt3A_199 = arith.constant 0 : i32
      %lt3A_200 = arith.cmpi slt, %rem3A_196, %lt3A_199 : i32
      %lt3A_201 = arith.constant 0 : i32
      %lt3A_202 = arith.cmpi slt, %select_n3A_195, %lt3A_201 : i32
      %ne3A_203 = arith.xori %lt3A_200, %lt3A_202 : i1
      %and3A_204 = arith.andi %ne3A_203, %ne3A_198 : i1
      %add3A_205 = arith.addi %rem3A_196, %select_n3A_195 : i32
      %select_n3A_206 = arith.select %and3A_204, %add3A_205, %rem3A_196 : i32
      %jit3A_207 = arith.constant 8 : i32
      %eq3A_208 = arith.constant 0 : i32
      %eq3A_209 = arith.cmpi eq, %jit3A_207, %eq3A_208 : i32
      %jit3A_210 = arith.constant 1 : i32
      %select_n3A_211 = arith.select %eq3A_209, %jit3A_210, %jit3A_207 : i32
      %rem3A_212 = arith.remsi %add3A_189, %select_n3A_211 : i32
      %ne3A_213 = arith.constant 0 : i32
      %ne3A_214 = arith.cmpi ne, %rem3A_212, %ne3A_213 : i32
      %lt3A_215 = arith.constant 0 : i32
      %lt3A_216 = arith.cmpi slt, %rem3A_212, %lt3A_215 : i32
      %lt3A_217 = arith.constant 0 : i32
      %lt3A_218 = arith.cmpi slt, %select_n3A_211, %lt3A_217 : i32
      %ne3A_219 = arith.xori %lt3A_216, %lt3A_218 : i1
      %and3A_220 = arith.andi %ne3A_219, %ne3A_214 : i1
      %add3A_221 = arith.addi %rem3A_212, %select_n3A_211 : i32
      %select_n3A_222 = arith.select %and3A_220, %add3A_221, %rem3A_212 : i32
      %dma_start3A = tpu.memref_slice %arg8[%select_n3A_222] : memref<8x!tpu.dma_semaphore, #tpu.memory_space<semaphore_mem>> -> memref<1x!tpu.dma_semaphore, #tpu.memory_space<semaphore_mem>>
      %dma_start3A_223 = tpu.memref_squeeze %dma_start3A : memref<1x!tpu.dma_semaphore, #tpu.memory_space<semaphore_mem>> -> memref<!tpu.dma_semaphore, #tpu.memory_space<semaphore_mem>>
      %dma_start3A_224 = arith.constant 0 : i32
      %dma_start3A_225 = arith.constant 0 : i32
      %dma_start3A_226 = tpu.memref_slice %arg7[%select_n3A_206, %dma_start3A_224, %dma_start3A_225] : memref<8x1024x256xf32, #tpu.memory_space<vmem>> -> memref<1x1024x256xf32, #tpu.memory_space<vmem>>
      %dma_start3A_227 = tpu.memref_squeeze %dma_start3A_226 : memref<1x1024x256xf32, #tpu.memory_space<vmem>> -> memref<1024x256xf32, #tpu.memory_space<vmem>>
      %dma_start3A_228 = arith.constant 0 : i32
      %dma_start3A_229 = arith.constant 0 : i32
      %dma_start3A_230 = tpu.memref_slice %arg1[%sub3A_190, %dma_start3A_228, %dma_start3A_229] : memref<24x1024x256xf32, #tpu.memory_space<any>> -> memref<1x1024x256xf32, #tpu.memory_space<any>>
      %dma_start3A_231 = tpu.memref_squeeze %dma_start3A_230 : memref<1x1024x256xf32, #tpu.memory_space<any>> -> memref<1024x256xf32, #tpu.memory_space<any>>
      tpu.enqueue_dma source(%dma_start3A_231 : memref<1024x256xf32, #tpu.memory_space<any>>) target(%dma_start3A_227 : memref<1024x256xf32, #tpu.memory_space<vmem>>) target_semaphore(%dma_start3A_223 : memref<!tpu.dma_semaphore, #tpu.memory_space<semaphore_mem>>)
      %add3A_232 = arith.constant 7 : i32
      %add3A_233 = arith.addi %mul3A_0, %add3A_232 : i32
      %sub3A_234 = arith.constant 0 : i32
      %sub3A_235 = arith.subi %add3A_233, %sub3A_234 : i32
      %jit3A_236 = arith.constant 8 : i32
      %eq3A_237 = arith.constant 0 : i32
      %eq3A_238 = arith.cmpi eq, %jit3A_236, %eq3A_237 : i32
      %jit3A_239 = arith.constant 1 : i32
      %select_n3A_240 = arith.select %eq3A_238, %jit3A_239, %jit3A_236 : i32
      %rem3A_241 = arith.remsi %add3A_233, %select_n3A_240 : i32
      %ne3A_242 = arith.constant 0 : i32
      %ne3A_243 = arith.cmpi ne, %rem3A_241, %ne3A_242 : i32
      %lt3A_244 = arith.constant 0 : i32
      %lt3A_245 = arith.cmpi slt, %rem3A_241, %lt3A_244 : i32
      %lt3A_246 = arith.constant 0 : i32
      %lt3A_247 = arith.cmpi slt, %select_n3A_240, %lt3A_246 : i32
      %ne3A_248 = arith.xori %lt3A_245, %lt3A_247 : i1
      %and3A_249 = arith.andi %ne3A_248, %ne3A_243 : i1
      %add3A_250 = arith.addi %rem3A_241, %select_n3A_240 : i32
      %select_n3A_251 = arith.select %and3A_249, %add3A_250, %rem3A_241 : i32
      %jit3A_252 = arith.constant 8 : i32
      %eq3A_253 = arith.constant 0 : i32
      %eq3A_254 = arith.cmpi eq, %jit3A_252, %eq3A_253 : i32
      %jit3A_255 = arith.constant 1 : i32
      %select_n3A_256 = arith.select %eq3A_254, %jit3A_255, %jit3A_252 : i32
      %rem3A_257 = arith.remsi %add3A_233, %select_n3A_256 : i32
      %ne3A_258 = arith.constant 0 : i32
      %ne3A_259 = arith.cmpi ne, %rem3A_257, %ne3A_258 : i32
      %lt3A_260 = arith.constant 0 : i32
      %lt3A_261 = arith.cmpi slt, %rem3A_257, %lt3A_260 : i32
      %lt3A_262 = arith.constant 0 : i32
      %lt3A_263 = arith.cmpi slt, %select_n3A_256, %lt3A_262 : i32
      %ne3A_264 = arith.xori %lt3A_261, %lt3A_263 : i1
      %and3A_265 = arith.andi %ne3A_264, %ne3A_259 : i1
      %add3A_266 = arith.addi %rem3A_257, %select_n3A_256 : i32
      %select_n3A_267 = arith.select %and3A_265, %add3A_266, %rem3A_257 : i32
      %dma_start3A_268 = tpu.memref_slice %arg8[%select_n3A_267] : memref<8x!tpu.dma_semaphore, #tpu.memory_space<semaphore_mem>> -> memref<1x!tpu.dma_semaphore, #tpu.memory_space<semaphore_mem>>
      %dma_start3A_269 = tpu.memref_squeeze %dma_start3A_268 : memref<1x!tpu.dma_semaphore, #tpu.memory_space<semaphore_mem>> -> memref<!tpu.dma_semaphore, #tpu.memory_space<semaphore_mem>>
      %dma_start3A_270 = arith.constant 0 : i32
      %dma_start3A_271 = arith.constant 0 : i32
      %dma_start3A_272 = tpu.memref_slice %arg7[%select_n3A_251, %dma_start3A_270, %dma_start3A_271] : memref<8x1024x256xf32, #tpu.memory_space<vmem>> -> memref<1x1024x256xf32, #tpu.memory_space<vmem>>
      %dma_start3A_273 = tpu.memref_squeeze %dma_start3A_272 : memref<1x1024x256xf32, #tpu.memory_space<vmem>> -> memref<1024x256xf32, #tpu.memory_space<vmem>>
      %dma_start3A_274 = arith.constant 0 : i32
      %dma_start3A_275 = arith.constant 0 : i32
      %dma_start3A_276 = tpu.memref_slice %arg1[%sub3A_235, %dma_start3A_274, %dma_start3A_275] : memref<24x1024x256xf32, #tpu.memory_space<any>> -> memref<1x1024x256xf32, #tpu.memory_space<any>>
      %dma_start3A_277 = tpu.memref_squeeze %dma_start3A_276 : memref<1x1024x256xf32, #tpu.memory_space<any>> -> memref<1024x256xf32, #tpu.memory_space<any>>
      tpu.enqueue_dma source(%dma_start3A_277 : memref<1024x256xf32, #tpu.memory_space<any>>) target(%dma_start3A_273 : memref<1024x256xf32, #tpu.memory_space<vmem>>) target_semaphore(%dma_start3A_269 : memref<!tpu.dma_semaphore, #tpu.memory_space<semaphore_mem>>)
    } else {
    }
    %gt3A = arith.constant 0 : i32
    %gt3A_8 = arith.cmpi sgt, %arg0, %gt3A : i32
    %convert_element_type3A_9 = arith.extui %gt3A_8 : i1 to i32
    %cond3A_10 = arith.constant 0 : i32
    %cond3A_11 = arith.cmpi ne, %convert_element_type3A_9, %cond3A_10 : i32
    scf.if %cond3A_11 {
      %add3A_188 = arith.constant 4 : i32
      %add3A_189 = arith.addi %mul3A_0, %add3A_188 : i32
      %sub3A = arith.constant 0 : i32
      %sub3A_190 = arith.subi %add3A_189, %sub3A : i32
      %jit3A_191 = arith.constant 8 : i32
      %eq3A_192 = arith.constant 0 : i32
      %eq3A_193 = arith.cmpi eq, %jit3A_191, %eq3A_192 : i32
      %jit3A_194 = arith.constant 1 : i32
      %select_n3A_195 = arith.select %eq3A_193, %jit3A_194, %jit3A_191 : i32
      %rem3A_196 = arith.remsi %add3A_189, %select_n3A_195 : i32
      %ne3A_197 = arith.constant 0 : i32
      %ne3A_198 = arith.cmpi ne, %rem3A_196, %ne3A_197 : i32
      %lt3A_199 = arith.constant 0 : i32
      %lt3A_200 = arith.cmpi slt, %rem3A_196, %lt3A_199 : i32
      %lt3A_201 = arith.constant 0 : i32
      %lt3A_202 = arith.cmpi slt, %select_n3A_195, %lt3A_201 : i32
      %ne3A_203 = arith.xori %lt3A_200, %lt3A_202 : i1
      %and3A_204 = arith.andi %ne3A_203, %ne3A_198 : i1
      %add3A_205 = arith.addi %rem3A_196, %select_n3A_195 : i32
      %select_n3A_206 = arith.select %and3A_204, %add3A_205, %rem3A_196 : i32
      %jit3A_207 = arith.constant 8 : i32
      %eq3A_208 = arith.constant 0 : i32
      %eq3A_209 = arith.cmpi eq, %jit3A_207, %eq3A_208 : i32
      %jit3A_210 = arith.constant 1 : i32
      %select_n3A_211 = arith.select %eq3A_209, %jit3A_210, %jit3A_207 : i32
      %rem3A_212 = arith.remsi %add3A_189, %select_n3A_211 : i32
      %ne3A_213 = arith.constant 0 : i32
      %ne3A_214 = arith.cmpi ne, %rem3A_212, %ne3A_213 : i32
      %lt3A_215 = arith.constant 0 : i32
      %lt3A_216 = arith.cmpi slt, %rem3A_212, %lt3A_215 : i32
      %lt3A_217 = arith.constant 0 : i32
      %lt3A_218 = arith.cmpi slt, %select_n3A_211, %lt3A_217 : i32
      %ne3A_219 = arith.xori %lt3A_216, %lt3A_218 : i1
      %and3A_220 = arith.andi %ne3A_219, %ne3A_214 : i1
      %add3A_221 = arith.addi %rem3A_212, %select_n3A_211 : i32
      %select_n3A_222 = arith.select %and3A_220, %add3A_221, %rem3A_212 : i32
      %dma_wait3A = tpu.memref_slice %arg8[%select_n3A_222] : memref<8x!tpu.dma_semaphore, #tpu.memory_space<semaphore_mem>> -> memref<1x!tpu.dma_semaphore, #tpu.memory_space<semaphore_mem>>
      %dma_wait3A_223 = tpu.memref_squeeze %dma_wait3A : memref<1x!tpu.dma_semaphore, #tpu.memory_space<semaphore_mem>> -> memref<!tpu.dma_semaphore, #tpu.memory_space<semaphore_mem>>
      %dma_wait3A_224 = arith.constant 0 : i32
      %dma_wait3A_225 = arith.constant 0 : i32
      %dma_wait3A_226 = tpu.memref_slice %arg7[%select_n3A_206, %dma_wait3A_224, %dma_wait3A_225] : memref<8x1024x256xf32, #tpu.memory_space<vmem>> -> memref<1x1024x256xf32, #tpu.memory_space<vmem>>
      %dma_wait3A_227 = tpu.memref_squeeze %dma_wait3A_226 : memref<1x1024x256xf32, #tpu.memory_space<vmem>> -> memref<1024x256xf32, #tpu.memory_space<vmem>>
      %dma_wait3A_228 = arith.constant 0 : i32
      %dma_wait3A_229 = arith.constant 0 : i32
      %dma_wait3A_230 = tpu.memref_slice %arg1[%sub3A_190, %dma_wait3A_228, %dma_wait3A_229] : memref<24x1024x256xf32, #tpu.memory_space<any>> -> memref<1x1024x256xf32, #tpu.memory_space<any>>
      %dma_wait3A_231 = tpu.memref_squeeze %dma_wait3A_230 : memref<1x1024x256xf32, #tpu.memory_space<any>> -> memref<1024x256xf32, #tpu.memory_space<any>>
      tpu.wait_dma2 semaphore(%dma_wait3A_223 : memref<!tpu.dma_semaphore, #tpu.memory_space<semaphore_mem>>) src(%dma_wait3A_231 : memref<1024x256xf32, #tpu.memory_space<any>>) dst(%dma_wait3A_227 : memref<1024x256xf32, #tpu.memory_space<vmem>>)
      %add3A_232 = arith.constant 5 : i32
      %add3A_233 = arith.addi %mul3A_0, %add3A_232 : i32
      %sub3A_234 = arith.constant 0 : i32
      %sub3A_235 = arith.subi %add3A_233, %sub3A_234 : i32
      %jit3A_236 = arith.constant 8 : i32
      %eq3A_237 = arith.constant 0 : i32
      %eq3A_238 = arith.cmpi eq, %jit3A_236, %eq3A_237 : i32
      %jit3A_239 = arith.constant 1 : i32
      %select_n3A_240 = arith.select %eq3A_238, %jit3A_239, %jit3A_236 : i32
      %rem3A_241 = arith.remsi %add3A_233, %select_n3A_240 : i32
      %ne3A_242 = arith.constant 0 : i32
      %ne3A_243 = arith.cmpi ne, %rem3A_241, %ne3A_242 : i32
      %lt3A_244 = arith.constant 0 : i32
      %lt3A_245 = arith.cmpi slt, %rem3A_241, %lt3A_244 : i32
      %lt3A_246 = arith.constant 0 : i32
      %lt3A_247 = arith.cmpi slt, %select_n3A_240, %lt3A_246 : i32
      %ne3A_248 = arith.xori %lt3A_245, %lt3A_247 : i1
      %and3A_249 = arith.andi %ne3A_248, %ne3A_243 : i1
      %add3A_250 = arith.addi %rem3A_241, %select_n3A_240 : i32
      %select_n3A_251 = arith.select %and3A_249, %add3A_250, %rem3A_241 : i32
      %jit3A_252 = arith.constant 8 : i32
      %eq3A_253 = arith.constant 0 : i32
      %eq3A_254 = arith.cmpi eq, %jit3A_252, %eq3A_253 : i32
      %jit3A_255 = arith.constant 1 : i32
      %select_n3A_256 = arith.select %eq3A_254, %jit3A_255, %jit3A_252 : i32
      %rem3A_257 = arith.remsi %add3A_233, %select_n3A_256 : i32
      %ne3A_258 = arith.constant 0 : i32
      %ne3A_259 = arith.cmpi ne, %rem3A_257, %ne3A_258 : i32
      %lt3A_260 = arith.constant 0 : i32
      %lt3A_261 = arith.cmpi slt, %rem3A_257, %lt3A_260 : i32
      %lt3A_262 = arith.constant 0 : i32
      %lt3A_263 = arith.cmpi slt, %select_n3A_256, %lt3A_262 : i32
      %ne3A_264 = arith.xori %lt3A_261, %lt3A_263 : i1
      %and3A_265 = arith.andi %ne3A_264, %ne3A_259 : i1
      %add3A_266 = arith.addi %rem3A_257, %select_n3A_256 : i32
      %select_n3A_267 = arith.select %and3A_265, %add3A_266, %rem3A_257 : i32
      %dma_wait3A_268 = tpu.memref_slice %arg8[%select_n3A_267] : memref<8x!tpu.dma_semaphore, #tpu.memory_space<semaphore_mem>> -> memref<1x!tpu.dma_semaphore, #tpu.memory_space<semaphore_mem>>
      %dma_wait3A_269 = tpu.memref_squeeze %dma_wait3A_268 : memref<1x!tpu.dma_semaphore, #tpu.memory_space<semaphore_mem>> -> memref<!tpu.dma_semaphore, #tpu.memory_space<semaphore_mem>>
      %dma_wait3A_270 = arith.constant 0 : i32
      %dma_wait3A_271 = arith.constant 0 : i32
      %dma_wait3A_272 = tpu.memref_slice %arg7[%select_n3A_251, %dma_wait3A_270, %dma_wait3A_271] : memref<8x1024x256xf32, #tpu.memory_space<vmem>> -> memref<1x1024x256xf32, #tpu.memory_space<vmem>>
      %dma_wait3A_273 = tpu.memref_squeeze %dma_wait3A_272 : memref<1x1024x256xf32, #tpu.memory_space<vmem>> -> memref<1024x256xf32, #tpu.memory_space<vmem>>
      %dma_wait3A_274 = arith.constant 0 : i32
      %dma_wait3A_275 = arith.constant 0 : i32
      %dma_wait3A_276 = tpu.memref_slice %arg1[%sub3A_235, %dma_wait3A_274, %dma_wait3A_275] : memref<24x1024x256xf32, #tpu.memory_space<any>> -> memref<1x1024x256xf32, #tpu.memory_space<any>>
      %dma_wait3A_277 = tpu.memref_squeeze %dma_wait3A_276 : memref<1x1024x256xf32, #tpu.memory_space<any>> -> memref<1024x256xf32, #tpu.memory_space<any>>
      tpu.wait_dma2 semaphore(%dma_wait3A_269 : memref<!tpu.dma_semaphore, #tpu.memory_space<semaphore_mem>>) src(%dma_wait3A_277 : memref<1024x256xf32, #tpu.memory_space<any>>) dst(%dma_wait3A_273 : memref<1024x256xf32, #tpu.memory_space<vmem>>)
    } else {
    }
    %add3A_12 = arith.constant 1 : i32
    %add3A_13 = arith.addi %mul3A_0, %add3A_12 : i32
    %jit3A = arith.constant 8 : i32
    %eq3A_14 = arith.constant 0 : i32
    %eq3A_15 = arith.cmpi eq, %jit3A, %eq3A_14 : i32
    %jit3A_16 = arith.constant 1 : i32
    %select_n3A = arith.select %eq3A_15, %jit3A_16, %jit3A : i32
    %rem3A = arith.remsi %add3A_13, %select_n3A : i32
    %ne3A = arith.constant 0 : i32
    %ne3A_17 = arith.cmpi ne, %rem3A, %ne3A : i32
    %lt3A_18 = arith.constant 0 : i32
    %lt3A_19 = arith.cmpi slt, %rem3A, %lt3A_18 : i32
    %lt3A_20 = arith.constant 0 : i32
    %lt3A_21 = arith.cmpi slt, %select_n3A, %lt3A_20 : i32
    %ne3A_22 = arith.xori %lt3A_19, %lt3A_21 : i1
    %and3A = arith.andi %ne3A_22, %ne3A_17 : i1
    %add3A_23 = arith.addi %rem3A, %select_n3A : i32
    %select_n3A_24 = arith.select %and3A, %add3A_23, %rem3A : i32
    %get3A = arith.index_cast %select_n3A_24 : i32 to index
    %get3A_25 = arith.constant 0 : index
    %get3A_26 = arith.constant 0 : index
    %get3A_27 = vector.load %arg7[%get3A, %get3A_25, %get3A_26] : memref<8x1024x256xf32, #tpu.memory_space<vmem>>, vector<1x1024x256xf32>
    %get3A_28 = vector.shape_cast %get3A_27 : vector<1x1024x256xf32> to vector<1024x256xf32>
    %add3A_29 = arith.constant 4 : i32
    %add3A_30 = arith.addi %mul3A_0, %add3A_29 : i32
    %jit3A_31 = arith.constant 8 : i32
    %eq3A_32 = arith.constant 0 : i32
    %eq3A_33 = arith.cmpi eq, %jit3A_31, %eq3A_32 : i32
    %jit3A_34 = arith.constant 1 : i32
    %select_n3A_35 = arith.select %eq3A_33, %jit3A_34, %jit3A_31 : i32
    %rem3A_36 = arith.remsi %add3A_30, %select_n3A_35 : i32
    %ne3A_37 = arith.constant 0 : i32
    %ne3A_38 = arith.cmpi ne, %rem3A_36, %ne3A_37 : i32
    %lt3A_39 = arith.constant 0 : i32
    %lt3A_40 = arith.cmpi slt, %rem3A_36, %lt3A_39 : i32
    %lt3A_41 = arith.constant 0 : i32
    %lt3A_42 = arith.cmpi slt, %select_n3A_35, %lt3A_41 : i32
    %ne3A_43 = arith.xori %lt3A_40, %lt3A_42 : i1
    %and3A_44 = arith.andi %ne3A_43, %ne3A_38 : i1
    %add3A_45 = arith.addi %rem3A_36, %select_n3A_35 : i32
    %select_n3A_46 = arith.select %and3A_44, %add3A_45, %rem3A_36 : i32
    %get3A_47 = arith.index_cast %select_n3A_46 : i32 to index
    %get3A_48 = arith.constant 0 : index
    %get3A_49 = arith.constant 0 : index
    %get3A_50 = vector.load %arg7[%get3A_47, %get3A_48, %get3A_49] : memref<8x1024x256xf32, #tpu.memory_space<vmem>>, vector<1x1024x256xf32>
    %get3A_51 = vector.shape_cast %get3A_50 : vector<1x1024x256xf32> to vector<1024x256xf32>
    %add3A_52 = arith.addf %get3A_28, %get3A_51 : vector<1024x256xf32>
    %jit3A_53 = arith.constant 8 : i32
    %eq3A_54 = arith.constant 0 : i32
    %eq3A_55 = arith.cmpi eq, %jit3A_53, %eq3A_54 : i32
    %jit3A_56 = arith.constant 1 : i32
    %select_n3A_57 = arith.select %eq3A_55, %jit3A_56, %jit3A_53 : i32
    %rem3A_58 = arith.remsi %mul3A_0, %select_n3A_57 : i32
    %ne3A_59 = arith.constant 0 : i32
    %ne3A_60 = arith.cmpi ne, %rem3A_58, %ne3A_59 : i32
    %lt3A_61 = arith.constant 0 : i32
    %lt3A_62 = arith.cmpi slt, %rem3A_58, %lt3A_61 : i32
    %lt3A_63 = arith.constant 0 : i32
    %lt3A_64 = arith.cmpi slt, %select_n3A_57, %lt3A_63 : i32
    %ne3A_65 = arith.xori %lt3A_62, %lt3A_64 : i1
    %and3A_66 = arith.andi %ne3A_65, %ne3A_60 : i1
    %add3A_67 = arith.addi %rem3A_58, %select_n3A_57 : i32
    %select_n3A_68 = arith.select %and3A_66, %add3A_67, %rem3A_58 : i32
    %get3A_69 = arith.index_cast %select_n3A_68 : i32 to index
    %get3A_70 = arith.constant 0 : index
    %get3A_71 = arith.constant 0 : index
    %get3A_72 = vector.load %arg7[%get3A_69, %get3A_70, %get3A_71] : memref<8x1024x256xf32, #tpu.memory_space<vmem>>, vector<1x1024x256xf32>
    %get3A_73 = vector.shape_cast %get3A_72 : vector<1x1024x256xf32> to vector<1024x256xf32>
    %add3A_74 = arith.addf %add3A_52, %get3A_73 : vector<1024x256xf32>
    %add3A_75 = arith.constant 3 : i32
    %add3A_76 = arith.addi %mul3A_0, %add3A_75 : i32
    %jit3A_77 = arith.constant 8 : i32
    %eq3A_78 = arith.constant 0 : i32
    %eq3A_79 = arith.cmpi eq, %jit3A_77, %eq3A_78 : i32
    %jit3A_80 = arith.constant 1 : i32
    %select_n3A_81 = arith.select %eq3A_79, %jit3A_80, %jit3A_77 : i32
    %rem3A_82 = arith.remsi %add3A_76, %select_n3A_81 : i32
    %ne3A_83 = arith.constant 0 : i32
    %ne3A_84 = arith.cmpi ne, %rem3A_82, %ne3A_83 : i32
    %lt3A_85 = arith.constant 0 : i32
    %lt3A_86 = arith.cmpi slt, %rem3A_82, %lt3A_85 : i32
    %lt3A_87 = arith.constant 0 : i32
    %lt3A_88 = arith.cmpi slt, %select_n3A_81, %lt3A_87 : i32
    %ne3A_89 = arith.xori %lt3A_86, %lt3A_88 : i1
    %and3A_90 = arith.andi %ne3A_89, %ne3A_84 : i1
    %add3A_91 = arith.addi %rem3A_82, %select_n3A_81 : i32
    %select_n3A_92 = arith.select %and3A_90, %add3A_91, %rem3A_82 : i32
    %get3A_93 = arith.index_cast %select_n3A_92 : i32 to index
    %get3A_94 = arith.constant 0 : index
    %get3A_95 = arith.constant 0 : index
    %get3A_96 = vector.load %arg7[%get3A_93, %get3A_94, %get3A_95] : memref<8x1024x256xf32, #tpu.memory_space<vmem>>, vector<1x1024x256xf32>
    %get3A_97 = vector.shape_cast %get3A_96 : vector<1x1024x256xf32> to vector<1024x256xf32>
    %add3A_98 = arith.addf %add3A_74, %get3A_97 : vector<1024x256xf32>
    %convert_element_type3A_99 = arith.truncf %add3A_98 : vector<1024x256xf32> to vector<1024x256xbf16>
    %add3A_100 = arith.constant 2 : i32
    %add3A_101 = arith.addi %mul3A_0, %add3A_100 : i32
    %jit3A_102 = arith.constant 8 : i32
    %eq3A_103 = arith.constant 0 : i32
    %eq3A_104 = arith.cmpi eq, %jit3A_102, %eq3A_103 : i32
    %jit3A_105 = arith.constant 1 : i32
    %select_n3A_106 = arith.select %eq3A_104, %jit3A_105, %jit3A_102 : i32
    %rem3A_107 = arith.remsi %add3A_101, %select_n3A_106 : i32
    %ne3A_108 = arith.constant 0 : i32
    %ne3A_109 = arith.cmpi ne, %rem3A_107, %ne3A_108 : i32
    %lt3A_110 = arith.constant 0 : i32
    %lt3A_111 = arith.cmpi slt, %rem3A_107, %lt3A_110 : i32
    %lt3A_112 = arith.constant 0 : i32
    %lt3A_113 = arith.cmpi slt, %select_n3A_106, %lt3A_112 : i32
    %ne3A_114 = arith.xori %lt3A_111, %lt3A_113 : i1
    %and3A_115 = arith.andi %ne3A_114, %ne3A_109 : i1
    %add3A_116 = arith.addi %rem3A_107, %select_n3A_106 : i32
    %select_n3A_117 = arith.select %and3A_115, %add3A_116, %rem3A_107 : i32
    %get3A_118 = arith.index_cast %select_n3A_117 : i32 to index
    %get3A_119 = arith.constant 0 : index
    %get3A_120 = arith.constant 0 : index
    %get3A_121 = vector.load %arg7[%get3A_118, %get3A_119, %get3A_120] : memref<8x1024x256xf32, #tpu.memory_space<vmem>>, vector<1x1024x256xf32>
    %get3A_122 = vector.shape_cast %get3A_121 : vector<1x1024x256xf32> to vector<1024x256xf32>
    %add3A_123 = arith.addf %add3A_52, %get3A_122 : vector<1024x256xf32>
    %add3A_124 = arith.constant 5 : i32
    %add3A_125 = arith.addi %mul3A_0, %add3A_124 : i32
    %jit3A_126 = arith.constant 8 : i32
    %eq3A_127 = arith.constant 0 : i32
    %eq3A_128 = arith.cmpi eq, %jit3A_126, %eq3A_127 : i32
    %jit3A_129 = arith.constant 1 : i32
    %select_n3A_130 = arith.select %eq3A_128, %jit3A_129, %jit3A_126 : i32
    %rem3A_131 = arith.remsi %add3A_125, %select_n3A_130 : i32
    %ne3A_132 = arith.constant 0 : i32
    %ne3A_133 = arith.cmpi ne, %rem3A_131, %ne3A_132 : i32
    %lt3A_134 = arith.constant 0 : i32
    %lt3A_135 = arith.cmpi slt, %rem3A_131, %lt3A_134 : i32
    %lt3A_136 = arith.constant 0 : i32
    %lt3A_137 = arith.cmpi slt, %select_n3A_130, %lt3A_136 : i32
    %ne3A_138 = arith.xori %lt3A_135, %lt3A_137 : i1
    %and3A_139 = arith.andi %ne3A_138, %ne3A_133 : i1
    %add3A_140 = arith.addi %rem3A_131, %select_n3A_130 : i32
    %select_n3A_141 = arith.select %and3A_139, %add3A_140, %rem3A_131 : i32
    %get3A_142 = arith.index_cast %select_n3A_141 : i32 to index
    %get3A_143 = arith.constant 0 : index
    %get3A_144 = arith.constant 0 : index
    %get3A_145 = vector.load %arg7[%get3A_142, %get3A_143, %get3A_144] : memref<8x1024x256xf32, #tpu.memory_space<vmem>>, vector<1x1024x256xf32>
    %get3A_146 = vector.shape_cast %get3A_145 : vector<1x1024x256xf32> to vector<1024x256xf32>
    %add3A_147 = arith.addf %add3A_123, %get3A_146 : vector<1024x256xf32>
    %convert_element_type3A_148 = arith.truncf %add3A_147 : vector<1024x256xf32> to vector<1024x256xbf16>
    %concatenate3A = tpu.concatenate %convert_element_type3A_99, %convert_element_type3A_148 in 0 : vector<1024x256xbf16>, vector<1024x256xbf16> -> vector<2048x256xbf16>
    %get3A_149 = arith.constant 0 : index
    %get3A_150 = arith.constant 0 : index
    %get3A_151 = vector.load %arg2[%get3A_149, %get3A_150] : memref<1024x256xbf16, #tpu.memory_space<vmem>>, vector<1024x256xbf16>
    %dot_general3A = arith.constant dense<0.000000e+00> : vector<1024x2048xf32>
    %dot_general3A_152 = tpu.matmul %get3A_151, %concatenate3A, %dot_general3A {dimension_numbers = #tpu.dot_dimension_numbers<[1], [1], [0], [0], [0, 0, 1, 0], [], []>, transpose_lhs_hint = false} : vector<1024x256xbf16>, vector<2048x256xbf16>, vector<1024x2048xf32> -> vector<1024x2048xf32>
    %get3A_153 = arith.constant 0 : index
    %get3A_154 = arith.constant 0 : index
    %get3A_155 = vector.load %arg3[%get3A_153, %get3A_154] : memref<1024x1xf32, #tpu.memory_space<vmem>>, vector<1024x1xf32>
    %add3A_156 = vector.broadcast %get3A_155 : vector<1024x1xf32> to vector<1024x2048xf32>
    %add3A_157 = arith.addf %dot_general3A_152, %add3A_156 : vector<1024x2048xf32>
    %max3A = arith.constant 0.000000e+00 : f32
    %max3A_158 = vector.broadcast %max3A : f32 to vector<1024x2048xf32>
    %max3A_159 = arith.maximumf %add3A_157, %max3A_158 : vector<1024x2048xf32>
    %convert_element_type3A_160 = arith.truncf %max3A_159 : vector<1024x2048xf32> to vector<1024x2048xbf16>
    %get3A_161 = arith.constant 0 : index
    %get3A_162 = arith.constant 0 : index
    %get3A_163 = vector.load %arg4[%get3A_161, %get3A_162] : memref<1000x1024xbf16, #tpu.memory_space<vmem>>, vector<1000x1024xbf16>
    %dot_general3A_164 = arith.constant dense<0.000000e+00> : vector<1000x2048xf32>
    %dot_general3A_165 = tpu.matmul %get3A_163, %convert_element_type3A_160, %dot_general3A_164 {dimension_numbers = #tpu.dot_dimension_numbers<[1], [0], [0], [1], [0, 0, 1, 1], [], []>, transpose_lhs_hint = false} : vector<1000x1024xbf16>, vector<1024x2048xbf16>, vector<1000x2048xf32> -> vector<1000x2048xf32>
    %slice3A = vector.extract_strided_slice %dot_general3A_165 {offsets = [0, 0], sizes = [1000, 1024], strides = [1, 1]} : vector<1000x2048xf32> to vector<1000x1024xf32>
    %get3A_166 = arith.constant 0 : index
    %get3A_167 = arith.constant 0 : index
    %get3A_168 = vector.load %arg5[%get3A_166, %get3A_167] : memref<1000x1xf32, #tpu.memory_space<vmem>>, vector<1000x1xf32>
    %add3A_169 = vector.broadcast %get3A_168 : vector<1000x1xf32> to vector<1000x1024xf32>
    %add3A_170 = arith.addf %slice3A, %add3A_169 : vector<1000x1024xf32>
    %swap3A = arith.constant 0 : index
    %swap3A_171 = arith.constant 0 : index
    %swap3A_172 = arith.constant 0 : index
    %swap3A_173 = vector.load %arg6[%swap3A, %swap3A_171, %swap3A_172] : memref<2x1000x1024xf32, #tpu.memory_space<vmem>>, vector<1x1000x1024xf32>
    %swap3A_174 = vector.shape_cast %swap3A_173 : vector<1x1000x1024xf32> to vector<1000x1024xf32>
    %swap3A_175 = vector.shape_cast %add3A_170 : vector<1000x1024xf32> to vector<1x1000x1024xf32>
    tpu.vector_store %arg6[%swap3A, %swap3A_171, %swap3A_172], %swap3A_175 {strides = array<i32>} : memref<2x1000x1024xf32, #tpu.memory_space<vmem>>, vector<1x1000x1024xf32>,
    %slice3A_176 = vector.extract_strided_slice %dot_general3A_165 {offsets = [0, 1024], sizes = [1000, 1024], strides = [1, 1]} : vector<1000x2048xf32> to vector<1000x1024xf32>
    %get3A_177 = arith.constant 0 : index
    %get3A_178 = arith.constant 0 : index
    %get3A_179 = vector.load %arg5[%get3A_177, %get3A_178] : memref<1000x1xf32, #tpu.memory_space<vmem>>, vector<1000x1xf32>
    %add3A_180 = vector.broadcast %get3A_179 : vector<1000x1xf32> to vector<1000x1024xf32>
    %add3A_181 = arith.addf %slice3A_176, %add3A_180 : vector<1000x1024xf32>
    %swap3A_182 = arith.constant 1 : index
    %swap3A_183 = arith.constant 0 : index
    %swap3A_184 = arith.constant 0 : index
    %swap3A_185 = vector.load %arg6[%swap3A_182, %swap3A_183, %swap3A_184] : memref<2x1000x1024xf32, #tpu.memory_space<vmem>>, vector<1x1000x1024xf32>
    %swap3A_186 = vector.shape_cast %swap3A_185 : vector<1x1000x1024xf32> to vector<1000x1024xf32>
    %swap3A_187 = vector.shape_cast %add3A_181 : vector<1000x1024xf32> to vector<1x1000x1024xf32>
    tpu.vector_store %arg6[%swap3A_182, %swap3A_183, %swap3A_184], %swap3A_187 {strides = array<i32>} : memref<2x1000x1024xf32, #tpu.memory_space<vmem>>, vector<1x1000x1024xf32>,
    return
  }
  func.func @transform_1(%arg0: i32) -> (i32, i32) {
    %c0_i32 = arith.constant 0 : i32
    %c0_i32_0 = arith.constant 0 : i32
    %c0_i32_1 = arith.constant 0 : i32
    return %c0_i32, %c0_i32_0 : i32, i32
  }
  func.func @transform_2(%arg0: i32) -> (i32, i32) {
    %c0_i32 = arith.constant 0 : i32
    %c0_i32_0 = arith.constant 0 : i32
    %c0_i32_1 = arith.constant 0 : i32
    return %c0_i32, %c0_i32_0 : i32, i32
  }
  func.func @transform_3(%arg0: i32) -> (i32, i32) {
    %c0_i32 = arith.constant 0 : i32
    %c0_i32_0 = arith.constant 0 : i32
    %c0_i32_1 = arith.constant 0 : i32
    return %c0_i32, %c0_i32_0 : i32, i32
  }
  func.func @transform_4(%arg0: i32) -> (i32, i32) {
    %c0_i32 = arith.constant 0 : i32
    %c0_i32_0 = arith.constant 0 : i32
    %c0_i32_1 = arith.constant 0 : i32
    return %c0_i32, %c0_i32_0 : i32, i32
  }
  func.func @transform_5(%arg0: i32) -> (i32, i32, i32) {
    %c0_i32 = arith.constant 0 : i32
    %c0_i32_0 = arith.constant 0 : i32
    %c0_i32_1 = arith.constant 0 : i32
    return %arg0, %c0_i32, %c0_i32_0 : i32, i32, i32
  }
}

module attributes {stable_mosaic.version = 14 : i64} {
  func.func @_mlp_body2(%arg0: i32, %arg1: memref<46x1000x1024xf32, #tpu.memory_space<any>>, %arg2: memref<24x1024x256xf32, #tpu.memory_space<any>>, %arg3: memref<26x1024x256xf32, #tpu.memory_space<any>>, %arg4: memref<1024x256xbf16, #tpu.memory_space<vmem>>, %arg5: memref<1024x1xf32, #tpu.memory_space<vmem>>, %arg6: memref<1000x1024xbf16, #tpu.memory_space<vmem>>, %arg7: memref<1000x1xf32, #tpu.memory_space<vmem>>, %arg8: memref<2x1000x1024xf32, #tpu.memory_space<vmem>>, %arg9: memref<8x1024x256xf32, #tpu.memory_space<vmem>>, %arg10: memref<8x!tpu.dma_semaphore, #tpu.memory_space<semaphore_mem>>) attributes {dimension_semantics = [#tpu.dimension_semantics<arbitrary>], iteration_bounds = array<i64: 13>, scalar_prefetch = 0 : i64, scratch_operands = 2 : i64, tpu.core_type = #tpu.core_type<tc>, window_params = [{}, {}, {}, {pipeline_mode = #tpu.pipeline_mode<synchronous>, transform_indices = @transform_3, window_bounds = array<i64: 1024, 256>}, {pipeline_mode = #tpu.pipeline_mode<synchronous>, transform_indices = @transform_4, window_bounds = array<i64: 1024, 1>}, {pipeline_mode = #tpu.pipeline_mode<synchronous>, transform_indices = @transform_5, window_bounds = array<i64: 1000, 1024>}, {pipeline_mode = #tpu.pipeline_mode<synchronous>, transform_indices = @transform_6, window_bounds = array<i64: 1000, 1>}, {transform_indices = @transform_7, window_bounds = array<i64: 2, 1000, 1024>}]} {
    %mul3A = arith.constant 2 : i32
    %mul3A_0 = arith.muli %mul3A, %arg0 : i32
    %add3A = arith.constant 20 : i32
    %add3A_1 = arith.addi %add3A, %mul3A_0 : i32
    %eq3A = arith.constant 0 : i32
    %eq3A_2 = arith.cmpi eq, %arg0, %eq3A : i32
    %convert_element_type3A = arith.extui %eq3A_2 : i1 to i32
    %cond3A = arith.constant 0 : i32
    %cond3A_3 = arith.cmpi ne, %convert_element_type3A, %cond3A : i32
    scf.if %cond3A_3 {
      %dma_start3A = arith.constant 20 : i32
      %dma_start3A_190 = arith.constant 4 : i32
      %dma_start3A_191 = arith.constant 4 : i32
      %dma_start3A_192 = tpu.memref_slice %arg10[%dma_start3A_191] : memref<8x!tpu.dma_semaphore, #tpu.memory_space<semaphore_mem>> -> memref<1x!tpu.dma_semaphore, #tpu.memory_space<semaphore_mem>>
      %dma_start3A_193 = tpu.memref_squeeze %dma_start3A_192 : memref<1x!tpu.dma_semaphore, #tpu.memory_space<semaphore_mem>> -> memref<!tpu.dma_semaphore, #tpu.memory_space<semaphore_mem>>
      %dma_start3A_194 = arith.constant 0 : i32
      %dma_start3A_195 = arith.constant 0 : i32
      %dma_start3A_196 = tpu.memref_slice %arg9[%dma_start3A_190, %dma_start3A_194, %dma_start3A_195] : memref<8x1024x256xf32, #tpu.memory_space<vmem>> -> memref<1x1024x256xf32, #tpu.memory_space<vmem>>
      %dma_start3A_197 = tpu.memref_squeeze %dma_start3A_196 : memref<1x1024x256xf32, #tpu.memory_space<vmem>> -> memref<1024x256xf32, #tpu.memory_space<vmem>>
      %dma_start3A_198 = arith.constant 0 : i32
      %dma_start3A_199 = arith.constant 0 : i32
      %dma_start3A_200 = tpu.memref_slice %arg2[%dma_start3A, %dma_start3A_198, %dma_start3A_199] : memref<24x1024x256xf32, #tpu.memory_space<any>> -> memref<1x1024x256xf32, #tpu.memory_space<any>>
      %dma_start3A_201 = tpu.memref_squeeze %dma_start3A_200 : memref<1x1024x256xf32, #tpu.memory_space<any>> -> memref<1024x256xf32, #tpu.memory_space<any>>
      tpu.enqueue_dma source(%dma_start3A_201 : memref<1024x256xf32, #tpu.memory_space<any>>) target(%dma_start3A_197 : memref<1024x256xf32, #tpu.memory_space<vmem>>) target_semaphore(%dma_start3A_193 : memref<!tpu.dma_semaphore, #tpu.memory_space<semaphore_mem>>)
      %dma_start3A_202 = arith.constant 21 : i32
      %dma_start3A_203 = arith.constant 5 : i32
      %dma_start3A_204 = arith.constant 5 : i32
      %dma_start3A_205 = tpu.memref_slice %arg10[%dma_start3A_204] : memref<8x!tpu.dma_semaphore, #tpu.memory_space<semaphore_mem>> -> memref<1x!tpu.dma_semaphore, #tpu.memory_space<semaphore_mem>>
      %dma_start3A_206 = tpu.memref_squeeze %dma_start3A_205 : memref<1x!tpu.dma_semaphore, #tpu.memory_space<semaphore_mem>> -> memref<!tpu.dma_semaphore, #tpu.memory_space<semaphore_mem>>
      %dma_start3A_207 = arith.constant 0 : i32
      %dma_start3A_208 = arith.constant 0 : i32
      %dma_start3A_209 = tpu.memref_slice %arg9[%dma_start3A_203, %dma_start3A_207, %dma_start3A_208] : memref<8x1024x256xf32, #tpu.memory_space<vmem>> -> memref<1x1024x256xf32, #tpu.memory_space<vmem>>
      %dma_start3A_210 = tpu.memref_squeeze %dma_start3A_209 : memref<1x1024x256xf32, #tpu.memory_space<vmem>> -> memref<1024x256xf32, #tpu.memory_space<vmem>>
      %dma_start3A_211 = arith.constant 0 : i32
      %dma_start3A_212 = arith.constant 0 : i32
      %dma_start3A_213 = tpu.memref_slice %arg2[%dma_start3A_202, %dma_start3A_211, %dma_start3A_212] : memref<24x1024x256xf32, #tpu.memory_space<any>> -> memref<1x1024x256xf32, #tpu.memory_space<any>>
      %dma_start3A_214 = tpu.memref_squeeze %dma_start3A_213 : memref<1x1024x256xf32, #tpu.memory_space<any>> -> memref<1024x256xf32, #tpu.memory_space<any>>
      tpu.enqueue_dma source(%dma_start3A_214 : memref<1024x256xf32, #tpu.memory_space<any>>) target(%dma_start3A_210 : memref<1024x256xf32, #tpu.memory_space<vmem>>) target_semaphore(%dma_start3A_206 : memref<!tpu.dma_semaphore, #tpu.memory_space<semaphore_mem>>)
      %dma_start3A_215 = arith.constant 22 : i32
      %dma_start3A_216 = arith.constant 6 : i32
      %dma_start3A_217 = arith.constant 6 : i32
      %dma_start3A_218 = tpu.memref_slice %arg10[%dma_start3A_217] : memref<8x!tpu.dma_semaphore, #tpu.memory_space<semaphore_mem>> -> memref<1x!tpu.dma_semaphore, #tpu.memory_space<semaphore_mem>>
      %dma_start3A_219 = tpu.memref_squeeze %dma_start3A_218 : memref<1x!tpu.dma_semaphore, #tpu.memory_space<semaphore_mem>> -> memref<!tpu.dma_semaphore, #tpu.memory_space<semaphore_mem>>
      %dma_start3A_220 = arith.constant 0 : i32
      %dma_start3A_221 = arith.constant 0 : i32
      %dma_start3A_222 = tpu.memref_slice %arg9[%dma_start3A_216, %dma_start3A_220, %dma_start3A_221] : memref<8x1024x256xf32, #tpu.memory_space<vmem>> -> memref<1x1024x256xf32, #tpu.memory_space<vmem>>
      %dma_start3A_223 = tpu.memref_squeeze %dma_start3A_222 : memref<1x1024x256xf32, #tpu.memory_space<vmem>> -> memref<1024x256xf32, #tpu.memory_space<vmem>>
      %dma_start3A_224 = arith.constant 0 : i32
      %dma_start3A_225 = arith.constant 0 : i32
      %dma_start3A_226 = tpu.memref_slice %arg2[%dma_start3A_215, %dma_start3A_224, %dma_start3A_225] : memref<24x1024x256xf32, #tpu.memory_space<any>> -> memref<1x1024x256xf32, #tpu.memory_space<any>>
      %dma_start3A_227 = tpu.memref_squeeze %dma_start3A_226 : memref<1x1024x256xf32, #tpu.memory_space<any>> -> memref<1024x256xf32, #tpu.memory_space<any>>
      tpu.enqueue_dma source(%dma_start3A_227 : memref<1024x256xf32, #tpu.memory_space<any>>) target(%dma_start3A_223 : memref<1024x256xf32, #tpu.memory_space<vmem>>) target_semaphore(%dma_start3A_219 : memref<!tpu.dma_semaphore, #tpu.memory_space<semaphore_mem>>)
      %dma_start3A_228 = arith.constant 23 : i32
      %dma_start3A_229 = arith.constant 7 : i32
      %dma_start3A_230 = arith.constant 7 : i32
      %dma_start3A_231 = tpu.memref_slice %arg10[%dma_start3A_230] : memref<8x!tpu.dma_semaphore, #tpu.memory_space<semaphore_mem>> -> memref<1x!tpu.dma_semaphore, #tpu.memory_space<semaphore_mem>>
      %dma_start3A_232 = tpu.memref_squeeze %dma_start3A_231 : memref<1x!tpu.dma_semaphore, #tpu.memory_space<semaphore_mem>> -> memref<!tpu.dma_semaphore, #tpu.memory_space<semaphore_mem>>
      %dma_start3A_233 = arith.constant 0 : i32
      %dma_start3A_234 = arith.constant 0 : i32
      %dma_start3A_235 = tpu.memref_slice %arg9[%dma_start3A_229, %dma_start3A_233, %dma_start3A_234] : memref<8x1024x256xf32, #tpu.memory_space<vmem>> -> memref<1x1024x256xf32, #tpu.memory_space<vmem>>
      %dma_start3A_236 = tpu.memref_squeeze %dma_start3A_235 : memref<1x1024x256xf32, #tpu.memory_space<vmem>> -> memref<1024x256xf32, #tpu.memory_space<vmem>>
      %dma_start3A_237 = arith.constant 0 : i32
      %dma_start3A_238 = arith.constant 0 : i32
      %dma_start3A_239 = tpu.memref_slice %arg2[%dma_start3A_228, %dma_start3A_237, %dma_start3A_238] : memref<24x1024x256xf32, #tpu.memory_space<any>> -> memref<1x1024x256xf32, #tpu.memory_space<any>>
      %dma_start3A_240 = tpu.memref_squeeze %dma_start3A_239 : memref<1x1024x256xf32, #tpu.memory_space<any>> -> memref<1024x256xf32, #tpu.memory_space<any>>
      tpu.enqueue_dma source(%dma_start3A_240 : memref<1024x256xf32, #tpu.memory_space<any>>) target(%dma_start3A_236 : memref<1024x256xf32, #tpu.memory_space<vmem>>) target_semaphore(%dma_start3A_232 : memref<!tpu.dma_semaphore, #tpu.memory_space<semaphore_mem>>)
      %dma_start3A_241 = arith.constant 0 : i32
      %dma_start3A_242 = arith.constant 0 : i32
      %dma_start3A_243 = arith.constant 0 : i32
      %dma_start3A_244 = tpu.memref_slice %arg10[%dma_start3A_243] : memref<8x!tpu.dma_semaphore, #tpu.memory_space<semaphore_mem>> -> memref<1x!tpu.dma_semaphore, #tpu.memory_space<semaphore_mem>>
      %dma_start3A_245 = tpu.memref_squeeze %dma_start3A_244 : memref<1x!tpu.dma_semaphore, #tpu.memory_space<semaphore_mem>> -> memref<!tpu.dma_semaphore, #tpu.memory_space<semaphore_mem>>
      %dma_start3A_246 = arith.constant 0 : i32
      %dma_start3A_247 = arith.constant 0 : i32
      %dma_start3A_248 = tpu.memref_slice %arg9[%dma_start3A_242, %dma_start3A_246, %dma_start3A_247] : memref<8x1024x256xf32, #tpu.memory_space<vmem>> -> memref<1x1024x256xf32, #tpu.memory_space<vmem>>
      %dma_start3A_249 = tpu.memref_squeeze %dma_start3A_248 : memref<1x1024x256xf32, #tpu.memory_space<vmem>> -> memref<1024x256xf32, #tpu.memory_space<vmem>>
      %dma_start3A_250 = arith.constant 0 : i32
      %dma_start3A_251 = arith.constant 0 : i32
      %dma_start3A_252 = tpu.memref_slice %arg3[%dma_start3A_241, %dma_start3A_250, %dma_start3A_251] : memref<26x1024x256xf32, #tpu.memory_space<any>> -> memref<1x1024x256xf32, #tpu.memory_space<any>>
      %dma_start3A_253 = tpu.memref_squeeze %dma_start3A_252 : memref<1x1024x256xf32, #tpu.memory_space<any>> -> memref<1024x256xf32, #tpu.memory_space<any>>
      tpu.enqueue_dma source(%dma_start3A_253 : memref<1024x256xf32, #tpu.memory_space<any>>) target(%dma_start3A_249 : memref<1024x256xf32, #tpu.memory_space<vmem>>) target_semaphore(%dma_start3A_245 : memref<!tpu.dma_semaphore, #tpu.memory_space<semaphore_mem>>)
      %dma_start3A_254 = arith.constant 1 : i32
      %dma_start3A_255 = arith.constant 1 : i32
      %dma_start3A_256 = arith.constant 1 : i32
      %dma_start3A_257 = tpu.memref_slice %arg10[%dma_start3A_256] : memref<8x!tpu.dma_semaphore, #tpu.memory_space<semaphore_mem>> -> memref<1x!tpu.dma_semaphore, #tpu.memory_space<semaphore_mem>>
      %dma_start3A_258 = tpu.memref_squeeze %dma_start3A_257 : memref<1x!tpu.dma_semaphore, #tpu.memory_space<semaphore_mem>> -> memref<!tpu.dma_semaphore, #tpu.memory_space<semaphore_mem>>
      %dma_start3A_259 = arith.constant 0 : i32
      %dma_start3A_260 = arith.constant 0 : i32
      %dma_start3A_261 = tpu.memref_slice %arg9[%dma_start3A_255, %dma_start3A_259, %dma_start3A_260] : memref<8x1024x256xf32, #tpu.memory_space<vmem>> -> memref<1x1024x256xf32, #tpu.memory_space<vmem>>
      %dma_start3A_262 = tpu.memref_squeeze %dma_start3A_261 : memref<1x1024x256xf32, #tpu.memory_space<vmem>> -> memref<1024x256xf32, #tpu.memory_space<vmem>>
      %dma_start3A_263 = arith.constant 0 : i32
      %dma_start3A_264 = arith.constant 0 : i32
      %dma_start3A_265 = tpu.memref_slice %arg3[%dma_start3A_254, %dma_start3A_263, %dma_start3A_264] : memref<26x1024x256xf32, #tpu.memory_space<any>> -> memref<1x1024x256xf32, #tpu.memory_space<any>>
      %dma_start3A_266 = tpu.memref_squeeze %dma_start3A_265 : memref<1x1024x256xf32, #tpu.memory_space<any>> -> memref<1024x256xf32, #tpu.memory_space<any>>
      tpu.enqueue_dma source(%dma_start3A_266 : memref<1024x256xf32, #tpu.memory_space<any>>) target(%dma_start3A_262 : memref<1024x256xf32, #tpu.memory_space<vmem>>) target_semaphore(%dma_start3A_258 : memref<!tpu.dma_semaphore, #tpu.memory_space<semaphore_mem>>)
      %dma_wait3A = arith.constant 20 : i32
      %dma_wait3A_267 = arith.constant 4 : i32
      %dma_wait3A_268 = arith.constant 4 : i32
      %dma_wait3A_269 = tpu.memref_slice %arg10[%dma_wait3A_268] : memref<8x!tpu.dma_semaphore, #tpu.memory_space<semaphore_mem>> -> memref<1x!tpu.dma_semaphore, #tpu.memory_space<semaphore_mem>>
      %dma_wait3A_270 = tpu.memref_squeeze %dma_wait3A_269 : memref<1x!tpu.dma_semaphore, #tpu.memory_space<semaphore_mem>> -> memref<!tpu.dma_semaphore, #tpu.memory_space<semaphore_mem>>
      %dma_wait3A_271 = arith.constant 0 : i32
      %dma_wait3A_272 = arith.constant 0 : i32
      %dma_wait3A_273 = tpu.memref_slice %arg9[%dma_wait3A_267, %dma_wait3A_271, %dma_wait3A_272] : memref<8x1024x256xf32, #tpu.memory_space<vmem>> -> memref<1x1024x256xf32, #tpu.memory_space<vmem>>
      %dma_wait3A_274 = tpu.memref_squeeze %dma_wait3A_273 : memref<1x1024x256xf32, #tpu.memory_space<vmem>> -> memref<1024x256xf32, #tpu.memory_space<vmem>>
      %dma_wait3A_275 = arith.constant 0 : i32
      %dma_wait3A_276 = arith.constant 0 : i32
      %dma_wait3A_277 = tpu.memref_slice %arg2[%dma_wait3A, %dma_wait3A_275, %dma_wait3A_276] : memref<24x1024x256xf32, #tpu.memory_space<any>> -> memref<1x1024x256xf32, #tpu.memory_space<any>>
      %dma_wait3A_278 = tpu.memref_squeeze %dma_wait3A_277 : memref<1x1024x256xf32, #tpu.memory_space<any>> -> memref<1024x256xf32, #tpu.memory_space<any>>
      tpu.wait_dma2 semaphore(%dma_wait3A_270 : memref<!tpu.dma_semaphore, #tpu.memory_space<semaphore_mem>>) src(%dma_wait3A_278 : memref<1024x256xf32, #tpu.memory_space<any>>) dst(%dma_wait3A_274 : memref<1024x256xf32, #tpu.memory_space<vmem>>)
      %dma_wait3A_279 = arith.constant 21 : i32
      %dma_wait3A_280 = arith.constant 5 : i32
      %dma_wait3A_281 = arith.constant 5 : i32
      %dma_wait3A_282 = tpu.memref_slice %arg10[%dma_wait3A_281] : memref<8x!tpu.dma_semaphore, #tpu.memory_space<semaphore_mem>> -> memref<1x!tpu.dma_semaphore, #tpu.memory_space<semaphore_mem>>
      %dma_wait3A_283 = tpu.memref_squeeze %dma_wait3A_282 : memref<1x!tpu.dma_semaphore, #tpu.memory_space<semaphore_mem>> -> memref<!tpu.dma_semaphore, #tpu.memory_space<semaphore_mem>>
      %dma_wait3A_284 = arith.constant 0 : i32
      %dma_wait3A_285 = arith.constant 0 : i32
      %dma_wait3A_286 = tpu.memref_slice %arg9[%dma_wait3A_280, %dma_wait3A_284, %dma_wait3A_285] : memref<8x1024x256xf32, #tpu.memory_space<vmem>> -> memref<1x1024x256xf32, #tpu.memory_space<vmem>>
      %dma_wait3A_287 = tpu.memref_squeeze %dma_wait3A_286 : memref<1x1024x256xf32, #tpu.memory_space<vmem>> -> memref<1024x256xf32, #tpu.memory_space<vmem>>
      %dma_wait3A_288 = arith.constant 0 : i32
      %dma_wait3A_289 = arith.constant 0 : i32
      %dma_wait3A_290 = tpu.memref_slice %arg2[%dma_wait3A_279, %dma_wait3A_288, %dma_wait3A_289] : memref<24x1024x256xf32, #tpu.memory_space<any>> -> memref<1x1024x256xf32, #tpu.memory_space<any>>
      %dma_wait3A_291 = tpu.memref_squeeze %dma_wait3A_290 : memref<1x1024x256xf32, #tpu.memory_space<any>> -> memref<1024x256xf32, #tpu.memory_space<any>>
      tpu.wait_dma2 semaphore(%dma_wait3A_283 : memref<!tpu.dma_semaphore, #tpu.memory_space<semaphore_mem>>) src(%dma_wait3A_291 : memref<1024x256xf32, #tpu.memory_space<any>>) dst(%dma_wait3A_287 : memref<1024x256xf32, #tpu.memory_space<vmem>>)
      %dma_wait3A_292 = arith.constant 22 : i32
      %dma_wait3A_293 = arith.constant 6 : i32
      %dma_wait3A_294 = arith.constant 6 : i32
      %dma_wait3A_295 = tpu.memref_slice %arg10[%dma_wait3A_294] : memref<8x!tpu.dma_semaphore, #tpu.memory_space<semaphore_mem>> -> memref<1x!tpu.dma_semaphore, #tpu.memory_space<semaphore_mem>>
      %dma_wait3A_296 = tpu.memref_squeeze %dma_wait3A_295 : memref<1x!tpu.dma_semaphore, #tpu.memory_space<semaphore_mem>> -> memref<!tpu.dma_semaphore, #tpu.memory_space<semaphore_mem>>
      %dma_wait3A_297 = arith.constant 0 : i32
      %dma_wait3A_298 = arith.constant 0 : i32
      %dma_wait3A_299 = tpu.memref_slice %arg9[%dma_wait3A_293, %dma_wait3A_297, %dma_wait3A_298] : memref<8x1024x256xf32, #tpu.memory_space<vmem>> -> memref<1x1024x256xf32, #tpu.memory_space<vmem>>
      %dma_wait3A_300 = tpu.memref_squeeze %dma_wait3A_299 : memref<1x1024x256xf32, #tpu.memory_space<vmem>> -> memref<1024x256xf32, #tpu.memory_space<vmem>>
      %dma_wait3A_301 = arith.constant 0 : i32
      %dma_wait3A_302 = arith.constant 0 : i32
      %dma_wait3A_303 = tpu.memref_slice %arg2[%dma_wait3A_292, %dma_wait3A_301, %dma_wait3A_302] : memref<24x1024x256xf32, #tpu.memory_space<any>> -> memref<1x1024x256xf32, #tpu.memory_space<any>>
      %dma_wait3A_304 = tpu.memref_squeeze %dma_wait3A_303 : memref<1x1024x256xf32, #tpu.memory_space<any>> -> memref<1024x256xf32, #tpu.memory_space<any>>
      tpu.wait_dma2 semaphore(%dma_wait3A_296 : memref<!tpu.dma_semaphore, #tpu.memory_space<semaphore_mem>>) src(%dma_wait3A_304 : memref<1024x256xf32, #tpu.memory_space<any>>) dst(%dma_wait3A_300 : memref<1024x256xf32, #tpu.memory_space<vmem>>)
      %dma_wait3A_305 = arith.constant 23 : i32
      %dma_wait3A_306 = arith.constant 7 : i32
      %dma_wait3A_307 = arith.constant 7 : i32
      %dma_wait3A_308 = tpu.memref_slice %arg10[%dma_wait3A_307] : memref<8x!tpu.dma_semaphore, #tpu.memory_space<semaphore_mem>> -> memref<1x!tpu.dma_semaphore, #tpu.memory_space<semaphore_mem>>
      %dma_wait3A_309 = tpu.memref_squeeze %dma_wait3A_308 : memref<1x!tpu.dma_semaphore, #tpu.memory_space<semaphore_mem>> -> memref<!tpu.dma_semaphore, #tpu.memory_space<semaphore_mem>>
      %dma_wait3A_310 = arith.constant 0 : i32
      %dma_wait3A_311 = arith.constant 0 : i32
      %dma_wait3A_312 = tpu.memref_slice %arg9[%dma_wait3A_306, %dma_wait3A_310, %dma_wait3A_311] : memref<8x1024x256xf32, #tpu.memory_space<vmem>> -> memref<1x1024x256xf32, #tpu.memory_space<vmem>>
      %dma_wait3A_313 = tpu.memref_squeeze %dma_wait3A_312 : memref<1x1024x256xf32, #tpu.memory_space<vmem>> -> memref<1024x256xf32, #tpu.memory_space<vmem>>
      %dma_wait3A_314 = arith.constant 0 : i32
      %dma_wait3A_315 = arith.constant 0 : i32
      %dma_wait3A_316 = tpu.memref_slice %arg2[%dma_wait3A_305, %dma_wait3A_314, %dma_wait3A_315] : memref<24x1024x256xf32, #tpu.memory_space<any>> -> memref<1x1024x256xf32, #tpu.memory_space<any>>
      %dma_wait3A_317 = tpu.memref_squeeze %dma_wait3A_316 : memref<1x1024x256xf32, #tpu.memory_space<any>> -> memref<1024x256xf32, #tpu.memory_space<any>>
      tpu.wait_dma2 semaphore(%dma_wait3A_309 : memref<!tpu.dma_semaphore, #tpu.memory_space<semaphore_mem>>) src(%dma_wait3A_317 : memref<1024x256xf32, #tpu.memory_space<any>>) dst(%dma_wait3A_313 : memref<1024x256xf32, #tpu.memory_space<vmem>>)
      %dma_wait3A_318 = arith.constant 0 : i32
      %dma_wait3A_319 = arith.constant 0 : i32
      %dma_wait3A_320 = arith.constant 0 : i32
      %dma_wait3A_321 = tpu.memref_slice %arg10[%dma_wait3A_320] : memref<8x!tpu.dma_semaphore, #tpu.memory_space<semaphore_mem>> -> memref<1x!tpu.dma_semaphore, #tpu.memory_space<semaphore_mem>>
      %dma_wait3A_322 = tpu.memref_squeeze %dma_wait3A_321 : memref<1x!tpu.dma_semaphore, #tpu.memory_space<semaphore_mem>> -> memref<!tpu.dma_semaphore, #tpu.memory_space<semaphore_mem>>
      %dma_wait3A_323 = arith.constant 0 : i32
      %dma_wait3A_324 = arith.constant 0 : i32
      %dma_wait3A_325 = tpu.memref_slice %arg9[%dma_wait3A_319, %dma_wait3A_323, %dma_wait3A_324] : memref<8x1024x256xf32, #tpu.memory_space<vmem>> -> memref<1x1024x256xf32, #tpu.memory_space<vmem>>
      %dma_wait3A_326 = tpu.memref_squeeze %dma_wait3A_325 : memref<1x1024x256xf32, #tpu.memory_space<vmem>> -> memref<1024x256xf32, #tpu.memory_space<vmem>>
      %dma_wait3A_327 = arith.constant 0 : i32
      %dma_wait3A_328 = arith.constant 0 : i32
      %dma_wait3A_329 = tpu.memref_slice %arg3[%dma_wait3A_318, %dma_wait3A_327, %dma_wait3A_328] : memref<26x1024x256xf32, #tpu.memory_space<any>> -> memref<1x1024x256xf32, #tpu.memory_space<any>>
      %dma_wait3A_330 = tpu.memref_squeeze %dma_wait3A_329 : memref<1x1024x256xf32, #tpu.memory_space<any>> -> memref<1024x256xf32, #tpu.memory_space<any>>
      tpu.wait_dma2 semaphore(%dma_wait3A_322 : memref<!tpu.dma_semaphore, #tpu.memory_space<semaphore_mem>>) src(%dma_wait3A_330 : memref<1024x256xf32, #tpu.memory_space<any>>) dst(%dma_wait3A_326 : memref<1024x256xf32, #tpu.memory_space<vmem>>)
      %dma_wait3A_331 = arith.constant 1 : i32
      %dma_wait3A_332 = arith.constant 1 : i32
      %dma_wait3A_333 = arith.constant 1 : i32
      %dma_wait3A_334 = tpu.memref_slice %arg10[%dma_wait3A_333] : memref<8x!tpu.dma_semaphore, #tpu.memory_space<semaphore_mem>> -> memref<1x!tpu.dma_semaphore, #tpu.memory_space<semaphore_mem>>
      %dma_wait3A_335 = tpu.memref_squeeze %dma_wait3A_334 : memref<1x!tpu.dma_semaphore, #tpu.memory_space<semaphore_mem>> -> memref<!tpu.dma_semaphore, #tpu.memory_space<semaphore_mem>>
      %dma_wait3A_336 = arith.constant 0 : i32
      %dma_wait3A_337 = arith.constant 0 : i32
      %dma_wait3A_338 = tpu.memref_slice %arg9[%dma_wait3A_332, %dma_wait3A_336, %dma_wait3A_337] : memref<8x1024x256xf32, #tpu.memory_space<vmem>> -> memref<1x1024x256xf32, #tpu.memory_space<vmem>>
      %dma_wait3A_339 = tpu.memref_squeeze %dma_wait3A_338 : memref<1x1024x256xf32, #tpu.memory_space<vmem>> -> memref<1024x256xf32, #tpu.memory_space<vmem>>
      %dma_wait3A_340 = arith.constant 0 : i32
      %dma_wait3A_341 = arith.constant 0 : i32
      %dma_wait3A_342 = tpu.memref_slice %arg3[%dma_wait3A_331, %dma_wait3A_340, %dma_wait3A_341] : memref<26x1024x256xf32, #tpu.memory_space<any>> -> memref<1x1024x256xf32, #tpu.memory_space<any>>
      %dma_wait3A_343 = tpu.memref_squeeze %dma_wait3A_342 : memref<1x1024x256xf32, #tpu.memory_space<any>> -> memref<1024x256xf32, #tpu.memory_space<any>>
      tpu.wait_dma2 semaphore(%dma_wait3A_335 : memref<!tpu.dma_semaphore, #tpu.memory_space<semaphore_mem>>) src(%dma_wait3A_343 : memref<1024x256xf32, #tpu.memory_space<any>>) dst(%dma_wait3A_339 : memref<1024x256xf32, #tpu.memory_space<vmem>>)
    } else {
    }
    %add3A_4 = arith.constant 7 : i32
    %add3A_5 = arith.addi %add3A_1, %add3A_4 : i32
    %lt3A = arith.constant 50 : i32
    %lt3A_6 = arith.cmpi slt, %add3A_5, %lt3A : i32
    %convert_element_type3A_7 = arith.extui %lt3A_6 : i1 to i32
    %cond3A_8 = arith.constant 0 : i32
    %cond3A_9 = arith.cmpi ne, %convert_element_type3A_7, %cond3A_8 : i32
    scf.if %cond3A_9 {
      %add3A_190 = arith.constant 6 : i32
      %add3A_191 = arith.addi %add3A_1, %add3A_190 : i32
      %sub3A = arith.constant 24 : i32
      %sub3A_192 = arith.subi %add3A_191, %sub3A : i32
      %jit3A_193 = arith.constant 8 : i32
      %eq3A_194 = arith.constant 0 : i32
      %eq3A_195 = arith.cmpi eq, %jit3A_193, %eq3A_194 : i32
      %jit3A_196 = arith.constant 1 : i32
      %select_n3A_197 = arith.select %eq3A_195, %jit3A_196, %jit3A_193 : i32
      %rem3A_198 = arith.remsi %add3A_191, %select_n3A_197 : i32
      %ne3A_199 = arith.constant 0 : i32
      %ne3A_200 = arith.cmpi ne, %rem3A_198, %ne3A_199 : i32
      %lt3A_201 = arith.constant 0 : i32
      %lt3A_202 = arith.cmpi slt, %rem3A_198, %lt3A_201 : i32
      %lt3A_203 = arith.constant 0 : i32
      %lt3A_204 = arith.cmpi slt, %select_n3A_197, %lt3A_203 : i32
      %ne3A_205 = arith.xori %lt3A_202, %lt3A_204 : i1
      %and3A_206 = arith.andi %ne3A_205, %ne3A_200 : i1
      %add3A_207 = arith.addi %rem3A_198, %select_n3A_197 : i32
      %select_n3A_208 = arith.select %and3A_206, %add3A_207, %rem3A_198 : i32
      %jit3A_209 = arith.constant 8 : i32
      %eq3A_210 = arith.constant 0 : i32
      %eq3A_211 = arith.cmpi eq, %jit3A_209, %eq3A_210 : i32
      %jit3A_212 = arith.constant 1 : i32
      %select_n3A_213 = arith.select %eq3A_211, %jit3A_212, %jit3A_209 : i32
      %rem3A_214 = arith.remsi %add3A_191, %select_n3A_213 : i32
      %ne3A_215 = arith.constant 0 : i32
      %ne3A_216 = arith.cmpi ne, %rem3A_214, %ne3A_215 : i32
      %lt3A_217 = arith.constant 0 : i32
      %lt3A_218 = arith.cmpi slt, %rem3A_214, %lt3A_217 : i32
      %lt3A_219 = arith.constant 0 : i32
      %lt3A_220 = arith.cmpi slt, %select_n3A_213, %lt3A_219 : i32
      %ne3A_221 = arith.xori %lt3A_218, %lt3A_220 : i1
      %and3A_222 = arith.andi %ne3A_221, %ne3A_216 : i1
      %add3A_223 = arith.addi %rem3A_214, %select_n3A_213 : i32
      %select_n3A_224 = arith.select %and3A_222, %add3A_223, %rem3A_214 : i32
      %dma_start3A = tpu.memref_slice %arg10[%select_n3A_224] : memref<8x!tpu.dma_semaphore, #tpu.memory_space<semaphore_mem>> -> memref<1x!tpu.dma_semaphore, #tpu.memory_space<semaphore_mem>>
      %dma_start3A_225 = tpu.memref_squeeze %dma_start3A : memref<1x!tpu.dma_semaphore, #tpu.memory_space<semaphore_mem>> -> memref<!tpu.dma_semaphore, #tpu.memory_space<semaphore_mem>>
      %dma_start3A_226 = arith.constant 0 : i32
      %dma_start3A_227 = arith.constant 0 : i32
      %dma_start3A_228 = tpu.memref_slice %arg9[%select_n3A_208, %dma_start3A_226, %dma_start3A_227] : memref<8x1024x256xf32, #tpu.memory_space<vmem>> -> memref<1x1024x256xf32, #tpu.memory_space<vmem>>
      %dma_start3A_229 = tpu.memref_squeeze %dma_start3A_228 : memref<1x1024x256xf32, #tpu.memory_space<vmem>> -> memref<1024x256xf32, #tpu.memory_space<vmem>>
      %dma_start3A_230 = arith.constant 0 : i32
      %dma_start3A_231 = arith.constant 0 : i32
      %dma_start3A_232 = tpu.memref_slice %arg3[%sub3A_192, %dma_start3A_230, %dma_start3A_231] : memref<26x1024x256xf32, #tpu.memory_space<any>> -> memref<1x1024x256xf32, #tpu.memory_space<any>>
      %dma_start3A_233 = tpu.memref_squeeze %dma_start3A_232 : memref<1x1024x256xf32, #tpu.memory_space<any>> -> memref<1024x256xf32, #tpu.memory_space<any>>
      tpu.enqueue_dma source(%dma_start3A_233 : memref<1024x256xf32, #tpu.memory_space<any>>) target(%dma_start3A_229 : memref<1024x256xf32, #tpu.memory_space<vmem>>) target_semaphore(%dma_start3A_225 : memref<!tpu.dma_semaphore, #tpu.memory_space<semaphore_mem>>)
      %add3A_234 = arith.constant 7 : i32
      %add3A_235 = arith.addi %add3A_1, %add3A_234 : i32
      %sub3A_236 = arith.constant 24 : i32
      %sub3A_237 = arith.subi %add3A_235, %sub3A_236 : i32
      %jit3A_238 = arith.constant 8 : i32
      %eq3A_239 = arith.constant 0 : i32
      %eq3A_240 = arith.cmpi eq, %jit3A_238, %eq3A_239 : i32
      %jit3A_241 = arith.constant 1 : i32
      %select_n3A_242 = arith.select %eq3A_240, %jit3A_241, %jit3A_238 : i32
      %rem3A_243 = arith.remsi %add3A_235, %select_n3A_242 : i32
      %ne3A_244 = arith.constant 0 : i32
      %ne3A_245 = arith.cmpi ne, %rem3A_243, %ne3A_244 : i32
      %lt3A_246 = arith.constant 0 : i32
      %lt3A_247 = arith.cmpi slt, %rem3A_243, %lt3A_246 : i32
      %lt3A_248 = arith.constant 0 : i32
      %lt3A_249 = arith.cmpi slt, %select_n3A_242, %lt3A_248 : i32
      %ne3A_250 = arith.xori %lt3A_247, %lt3A_249 : i1
      %and3A_251 = arith.andi %ne3A_250, %ne3A_245 : i1
      %add3A_252 = arith.addi %rem3A_243, %select_n3A_242 : i32
      %select_n3A_253 = arith.select %and3A_251, %add3A_252, %rem3A_243 : i32
      %jit3A_254 = arith.constant 8 : i32
      %eq3A_255 = arith.constant 0 : i32
      %eq3A_256 = arith.cmpi eq, %jit3A_254, %eq3A_255 : i32
      %jit3A_257 = arith.constant 1 : i32
      %select_n3A_258 = arith.select %eq3A_256, %jit3A_257, %jit3A_254 : i32
      %rem3A_259 = arith.remsi %add3A_235, %select_n3A_258 : i32
      %ne3A_260 = arith.constant 0 : i32
      %ne3A_261 = arith.cmpi ne, %rem3A_259, %ne3A_260 : i32
      %lt3A_262 = arith.constant 0 : i32
      %lt3A_263 = arith.cmpi slt, %rem3A_259, %lt3A_262 : i32
      %lt3A_264 = arith.constant 0 : i32
      %lt3A_265 = arith.cmpi slt, %select_n3A_258, %lt3A_264 : i32
      %ne3A_266 = arith.xori %lt3A_263, %lt3A_265 : i1
      %and3A_267 = arith.andi %ne3A_266, %ne3A_261 : i1
      %add3A_268 = arith.addi %rem3A_259, %select_n3A_258 : i32
      %select_n3A_269 = arith.select %and3A_267, %add3A_268, %rem3A_259 : i32
      %dma_start3A_270 = tpu.memref_slice %arg10[%select_n3A_269] : memref<8x!tpu.dma_semaphore, #tpu.memory_space<semaphore_mem>> -> memref<1x!tpu.dma_semaphore, #tpu.memory_space<semaphore_mem>>
      %dma_start3A_271 = tpu.memref_squeeze %dma_start3A_270 : memref<1x!tpu.dma_semaphore, #tpu.memory_space<semaphore_mem>> -> memref<!tpu.dma_semaphore, #tpu.memory_space<semaphore_mem>>
      %dma_start3A_272 = arith.constant 0 : i32
      %dma_start3A_273 = arith.constant 0 : i32
      %dma_start3A_274 = tpu.memref_slice %arg9[%select_n3A_253, %dma_start3A_272, %dma_start3A_273] : memref<8x1024x256xf32, #tpu.memory_space<vmem>> -> memref<1x1024x256xf32, #tpu.memory_space<vmem>>
      %dma_start3A_275 = tpu.memref_squeeze %dma_start3A_274 : memref<1x1024x256xf32, #tpu.memory_space<vmem>> -> memref<1024x256xf32, #tpu.memory_space<vmem>>
      %dma_start3A_276 = arith.constant 0 : i32
      %dma_start3A_277 = arith.constant 0 : i32
      %dma_start3A_278 = tpu.memref_slice %arg3[%sub3A_237, %dma_start3A_276, %dma_start3A_277] : memref<26x1024x256xf32, #tpu.memory_space<any>> -> memref<1x1024x256xf32, #tpu.memory_space<any>>
      %dma_start3A_279 = tpu.memref_squeeze %dma_start3A_278 : memref<1x1024x256xf32, #tpu.memory_space<any>> -> memref<1024x256xf32, #tpu.memory_space<any>>
      tpu.enqueue_dma source(%dma_start3A_279 : memref<1024x256xf32, #tpu.memory_space<any>>) target(%dma_start3A_275 : memref<1024x256xf32, #tpu.memory_space<vmem>>) target_semaphore(%dma_start3A_271 : memref<!tpu.dma_semaphore, #tpu.memory_space<semaphore_mem>>)
    } else {
    }
    %gt3A = arith.constant 0 : i32
    %gt3A_10 = arith.cmpi sgt, %arg0, %gt3A : i32
    %convert_element_type3A_11 = arith.extui %gt3A_10 : i1 to i32
    %cond3A_12 = arith.constant 0 : i32
    %cond3A_13 = arith.cmpi ne, %convert_element_type3A_11, %cond3A_12 : i32
    scf.if %cond3A_13 {
      %add3A_190 = arith.constant 4 : i32
      %add3A_191 = arith.addi %add3A_1, %add3A_190 : i32
      %sub3A = arith.constant 24 : i32
      %sub3A_192 = arith.subi %add3A_191, %sub3A : i32
      %jit3A_193 = arith.constant 8 : i32
      %eq3A_194 = arith.constant 0 : i32
      %eq3A_195 = arith.cmpi eq, %jit3A_193, %eq3A_194 : i32
      %jit3A_196 = arith.constant 1 : i32
      %select_n3A_197 = arith.select %eq3A_195, %jit3A_196, %jit3A_193 : i32
      %rem3A_198 = arith.remsi %add3A_191, %select_n3A_197 : i32
      %ne3A_199 = arith.constant 0 : i32
      %ne3A_200 = arith.cmpi ne, %rem3A_198, %ne3A_199 : i32
      %lt3A_201 = arith.constant 0 : i32
      %lt3A_202 = arith.cmpi slt, %rem3A_198, %lt3A_201 : i32
      %lt3A_203 = arith.constant 0 : i32
      %lt3A_204 = arith.cmpi slt, %select_n3A_197, %lt3A_203 : i32
      %ne3A_205 = arith.xori %lt3A_202, %lt3A_204 : i1
      %and3A_206 = arith.andi %ne3A_205, %ne3A_200 : i1
      %add3A_207 = arith.addi %rem3A_198, %select_n3A_197 : i32
      %select_n3A_208 = arith.select %and3A_206, %add3A_207, %rem3A_198 : i32
      %jit3A_209 = arith.constant 8 : i32
      %eq3A_210 = arith.constant 0 : i32
      %eq3A_211 = arith.cmpi eq, %jit3A_209, %eq3A_210 : i32
      %jit3A_212 = arith.constant 1 : i32
      %select_n3A_213 = arith.select %eq3A_211, %jit3A_212, %jit3A_209 : i32
      %rem3A_214 = arith.remsi %add3A_191, %select_n3A_213 : i32
      %ne3A_215 = arith.constant 0 : i32
      %ne3A_216 = arith.cmpi ne, %rem3A_214, %ne3A_215 : i32
      %lt3A_217 = arith.constant 0 : i32
      %lt3A_218 = arith.cmpi slt, %rem3A_214, %lt3A_217 : i32
      %lt3A_219 = arith.constant 0 : i32
      %lt3A_220 = arith.cmpi slt, %select_n3A_213, %lt3A_219 : i32
      %ne3A_221 = arith.xori %lt3A_218, %lt3A_220 : i1
      %and3A_222 = arith.andi %ne3A_221, %ne3A_216 : i1
      %add3A_223 = arith.addi %rem3A_214, %select_n3A_213 : i32
      %select_n3A_224 = arith.select %and3A_222, %add3A_223, %rem3A_214 : i32
      %dma_wait3A = tpu.memref_slice %arg10[%select_n3A_224] : memref<8x!tpu.dma_semaphore, #tpu.memory_space<semaphore_mem>> -> memref<1x!tpu.dma_semaphore, #tpu.memory_space<semaphore_mem>>
      %dma_wait3A_225 = tpu.memref_squeeze %dma_wait3A : memref<1x!tpu.dma_semaphore, #tpu.memory_space<semaphore_mem>> -> memref<!tpu.dma_semaphore, #tpu.memory_space<semaphore_mem>>
      %dma_wait3A_226 = arith.constant 0 : i32
      %dma_wait3A_227 = arith.constant 0 : i32
      %dma_wait3A_228 = tpu.memref_slice %arg9[%select_n3A_208, %dma_wait3A_226, %dma_wait3A_227] : memref<8x1024x256xf32, #tpu.memory_space<vmem>> -> memref<1x1024x256xf32, #tpu.memory_space<vmem>>
      %dma_wait3A_229 = tpu.memref_squeeze %dma_wait3A_228 : memref<1x1024x256xf32, #tpu.memory_space<vmem>> -> memref<1024x256xf32, #tpu.memory_space<vmem>>
      %dma_wait3A_230 = arith.constant 0 : i32
      %dma_wait3A_231 = arith.constant 0 : i32
      %dma_wait3A_232 = tpu.memref_slice %arg3[%sub3A_192, %dma_wait3A_230, %dma_wait3A_231] : memref<26x1024x256xf32, #tpu.memory_space<any>> -> memref<1x1024x256xf32, #tpu.memory_space<any>>
      %dma_wait3A_233 = tpu.memref_squeeze %dma_wait3A_232 : memref<1x1024x256xf32, #tpu.memory_space<any>> -> memref<1024x256xf32, #tpu.memory_space<any>>
      tpu.wait_dma2 semaphore(%dma_wait3A_225 : memref<!tpu.dma_semaphore, #tpu.memory_space<semaphore_mem>>) src(%dma_wait3A_233 : memref<1024x256xf32, #tpu.memory_space<any>>) dst(%dma_wait3A_229 : memref<1024x256xf32, #tpu.memory_space<vmem>>)
      %add3A_234 = arith.constant 5 : i32
      %add3A_235 = arith.addi %add3A_1, %add3A_234 : i32
      %sub3A_236 = arith.constant 24 : i32
      %sub3A_237 = arith.subi %add3A_235, %sub3A_236 : i32
      %jit3A_238 = arith.constant 8 : i32
      %eq3A_239 = arith.constant 0 : i32
      %eq3A_240 = arith.cmpi eq, %jit3A_238, %eq3A_239 : i32
      %jit3A_241 = arith.constant 1 : i32
      %select_n3A_242 = arith.select %eq3A_240, %jit3A_241, %jit3A_238 : i32
      %rem3A_243 = arith.remsi %add3A_235, %select_n3A_242 : i32
      %ne3A_244 = arith.constant 0 : i32
      %ne3A_245 = arith.cmpi ne, %rem3A_243, %ne3A_244 : i32
      %lt3A_246 = arith.constant 0 : i32
      %lt3A_247 = arith.cmpi slt, %rem3A_243, %lt3A_246 : i32
      %lt3A_248 = arith.constant 0 : i32
      %lt3A_249 = arith.cmpi slt, %select_n3A_242, %lt3A_248 : i32
      %ne3A_250 = arith.xori %lt3A_247, %lt3A_249 : i1
      %and3A_251 = arith.andi %ne3A_250, %ne3A_245 : i1
      %add3A_252 = arith.addi %rem3A_243, %select_n3A_242 : i32
      %select_n3A_253 = arith.select %and3A_251, %add3A_252, %rem3A_243 : i32
      %jit3A_254 = arith.constant 8 : i32
      %eq3A_255 = arith.constant 0 : i32
      %eq3A_256 = arith.cmpi eq, %jit3A_254, %eq3A_255 : i32
      %jit3A_257 = arith.constant 1 : i32
      %select_n3A_258 = arith.select %eq3A_256, %jit3A_257, %jit3A_254 : i32
      %rem3A_259 = arith.remsi %add3A_235, %select_n3A_258 : i32
      %ne3A_260 = arith.constant 0 : i32
      %ne3A_261 = arith.cmpi ne, %rem3A_259, %ne3A_260 : i32
      %lt3A_262 = arith.constant 0 : i32
      %lt3A_263 = arith.cmpi slt, %rem3A_259, %lt3A_262 : i32
      %lt3A_264 = arith.constant 0 : i32
      %lt3A_265 = arith.cmpi slt, %select_n3A_258, %lt3A_264 : i32
      %ne3A_266 = arith.xori %lt3A_263, %lt3A_265 : i1
      %and3A_267 = arith.andi %ne3A_266, %ne3A_261 : i1
      %add3A_268 = arith.addi %rem3A_259, %select_n3A_258 : i32
      %select_n3A_269 = arith.select %and3A_267, %add3A_268, %rem3A_259 : i32
      %dma_wait3A_270 = tpu.memref_slice %arg10[%select_n3A_269] : memref<8x!tpu.dma_semaphore, #tpu.memory_space<semaphore_mem>> -> memref<1x!tpu.dma_semaphore, #tpu.memory_space<semaphore_mem>>
      %dma_wait3A_271 = tpu.memref_squeeze %dma_wait3A_270 : memref<1x!tpu.dma_semaphore, #tpu.memory_space<semaphore_mem>> -> memref<!tpu.dma_semaphore, #tpu.memory_space<semaphore_mem>>
      %dma_wait3A_272 = arith.constant 0 : i32
      %dma_wait3A_273 = arith.constant 0 : i32
      %dma_wait3A_274 = tpu.memref_slice %arg9[%select_n3A_253, %dma_wait3A_272, %dma_wait3A_273] : memref<8x1024x256xf32, #tpu.memory_space<vmem>> -> memref<1x1024x256xf32, #tpu.memory_space<vmem>>
      %dma_wait3A_275 = tpu.memref_squeeze %dma_wait3A_274 : memref<1x1024x256xf32, #tpu.memory_space<vmem>> -> memref<1024x256xf32, #tpu.memory_space<vmem>>
      %dma_wait3A_276 = arith.constant 0 : i32
      %dma_wait3A_277 = arith.constant 0 : i32
      %dma_wait3A_278 = tpu.memref_slice %arg3[%sub3A_237, %dma_wait3A_276, %dma_wait3A_277] : memref<26x1024x256xf32, #tpu.memory_space<any>> -> memref<1x1024x256xf32, #tpu.memory_space<any>>
      %dma_wait3A_279 = tpu.memref_squeeze %dma_wait3A_278 : memref<1x1024x256xf32, #tpu.memory_space<any>> -> memref<1024x256xf32, #tpu.memory_space<any>>
      tpu.wait_dma2 semaphore(%dma_wait3A_271 : memref<!tpu.dma_semaphore, #tpu.memory_space<semaphore_mem>>) src(%dma_wait3A_279 : memref<1024x256xf32, #tpu.memory_space<any>>) dst(%dma_wait3A_275 : memref<1024x256xf32, #tpu.memory_space<vmem>>)
    } else {
    }
    %add3A_14 = arith.constant 1 : i32
    %add3A_15 = arith.addi %add3A_1, %add3A_14 : i32
    %jit3A = arith.constant 8 : i32
    %eq3A_16 = arith.constant 0 : i32
    %eq3A_17 = arith.cmpi eq, %jit3A, %eq3A_16 : i32
    %jit3A_18 = arith.constant 1 : i32
    %select_n3A = arith.select %eq3A_17, %jit3A_18, %jit3A : i32
    %rem3A = arith.remsi %add3A_15, %select_n3A : i32
    %ne3A = arith.constant 0 : i32
    %ne3A_19 = arith.cmpi ne, %rem3A, %ne3A : i32
    %lt3A_20 = arith.constant 0 : i32
    %lt3A_21 = arith.cmpi slt, %rem3A, %lt3A_20 : i32
    %lt3A_22 = arith.constant 0 : i32
    %lt3A_23 = arith.cmpi slt, %select_n3A, %lt3A_22 : i32
    %ne3A_24 = arith.xori %lt3A_21, %lt3A_23 : i1
    %and3A = arith.andi %ne3A_24, %ne3A_19 : i1
    %add3A_25 = arith.addi %rem3A, %select_n3A : i32
    %select_n3A_26 = arith.select %and3A, %add3A_25, %rem3A : i32
    %get3A = arith.index_cast %select_n3A_26 : i32 to index
    %get3A_27 = arith.constant 0 : index
    %get3A_28 = arith.constant 0 : index
    %get3A_29 = vector.load %arg9[%get3A, %get3A_27, %get3A_28] : memref<8x1024x256xf32, #tpu.memory_space<vmem>>, vector<1x1024x256xf32>
    %get3A_30 = vector.shape_cast %get3A_29 : vector<1x1024x256xf32> to vector<1024x256xf32>
    %add3A_31 = arith.constant 4 : i32
    %add3A_32 = arith.addi %add3A_1, %add3A_31 : i32
    %jit3A_33 = arith.constant 8 : i32
    %eq3A_34 = arith.constant 0 : i32
    %eq3A_35 = arith.cmpi eq, %jit3A_33, %eq3A_34 : i32
    %jit3A_36 = arith.constant 1 : i32
    %select_n3A_37 = arith.select %eq3A_35, %jit3A_36, %jit3A_33 : i32
    %rem3A_38 = arith.remsi %add3A_32, %select_n3A_37 : i32
    %ne3A_39 = arith.constant 0 : i32
    %ne3A_40 = arith.cmpi ne, %rem3A_38, %ne3A_39 : i32
    %lt3A_41 = arith.constant 0 : i32
    %lt3A_42 = arith.cmpi slt, %rem3A_38, %lt3A_41 : i32
    %lt3A_43 = arith.constant 0 : i32
    %lt3A_44 = arith.cmpi slt, %select_n3A_37, %lt3A_43 : i32
    %ne3A_45 = arith.xori %lt3A_42, %lt3A_44 : i1
    %and3A_46 = arith.andi %ne3A_45, %ne3A_40 : i1
    %add3A_47 = arith.addi %rem3A_38, %select_n3A_37 : i32
    %select_n3A_48 = arith.select %and3A_46, %add3A_47, %rem3A_38 : i32
    %get3A_49 = arith.index_cast %select_n3A_48 : i32 to index
    %get3A_50 = arith.constant 0 : index
    %get3A_51 = arith.constant 0 : index
    %get3A_52 = vector.load %arg9[%get3A_49, %get3A_50, %get3A_51] : memref<8x1024x256xf32, #tpu.memory_space<vmem>>, vector<1x1024x256xf32>
    %get3A_53 = vector.shape_cast %get3A_52 : vector<1x1024x256xf32> to vector<1024x256xf32>
    %add3A_54 = arith.addf %get3A_30, %get3A_53 : vector<1024x256xf32>
    %jit3A_55 = arith.constant 8 : i32
    %eq3A_56 = arith.constant 0 : i32
    %eq3A_57 = arith.cmpi eq, %jit3A_55, %eq3A_56 : i32
    %jit3A_58 = arith.constant 1 : i32
    %select_n3A_59 = arith.select %eq3A_57, %jit3A_58, %jit3A_55 : i32
    %rem3A_60 = arith.remsi %add3A_1, %select_n3A_59 : i32
    %ne3A_61 = arith.constant 0 : i32
    %ne3A_62 = arith.cmpi ne, %rem3A_60, %ne3A_61 : i32
    %lt3A_63 = arith.constant 0 : i32
    %lt3A_64 = arith.cmpi slt, %rem3A_60, %lt3A_63 : i32
    %lt3A_65 = arith.constant 0 : i32
    %lt3A_66 = arith.cmpi slt, %select_n3A_59, %lt3A_65 : i32
    %ne3A_67 = arith.xori %lt3A_64, %lt3A_66 : i1
    %and3A_68 = arith.andi %ne3A_67, %ne3A_62 : i1
    %add3A_69 = arith.addi %rem3A_60, %select_n3A_59 : i32
    %select_n3A_70 = arith.select %and3A_68, %add3A_69, %rem3A_60 : i32
    %get3A_71 = arith.index_cast %select_n3A_70 : i32 to index
    %get3A_72 = arith.constant 0 : index
    %get3A_73 = arith.constant 0 : index
    %get3A_74 = vector.load %arg9[%get3A_71, %get3A_72, %get3A_73] : memref<8x1024x256xf32, #tpu.memory_space<vmem>>, vector<1x1024x256xf32>
    %get3A_75 = vector.shape_cast %get3A_74 : vector<1x1024x256xf32> to vector<1024x256xf32>
    %add3A_76 = arith.addf %add3A_54, %get3A_75 : vector<1024x256xf32>
    %add3A_77 = arith.constant 3 : i32
    %add3A_78 = arith.addi %add3A_1, %add3A_77 : i32
    %jit3A_79 = arith.constant 8 : i32
    %eq3A_80 = arith.constant 0 : i32
    %eq3A_81 = arith.cmpi eq, %jit3A_79, %eq3A_80 : i32
    %jit3A_82 = arith.constant 1 : i32
    %select_n3A_83 = arith.select %eq3A_81, %jit3A_82, %jit3A_79 : i32
    %rem3A_84 = arith.remsi %add3A_78, %select_n3A_83 : i32
    %ne3A_85 = arith.constant 0 : i32
    %ne3A_86 = arith.cmpi ne, %rem3A_84, %ne3A_85 : i32
    %lt3A_87 = arith.constant 0 : i32
    %lt3A_88 = arith.cmpi slt, %rem3A_84, %lt3A_87 : i32
    %lt3A_89 = arith.constant 0 : i32
    %lt3A_90 = arith.cmpi slt, %select_n3A_83, %lt3A_89 : i32
    %ne3A_91 = arith.xori %lt3A_88, %lt3A_90 : i1
    %and3A_92 = arith.andi %ne3A_91, %ne3A_86 : i1
    %add3A_93 = arith.addi %rem3A_84, %select_n3A_83 : i32
    %select_n3A_94 = arith.select %and3A_92, %add3A_93, %rem3A_84 : i32
    %get3A_95 = arith.index_cast %select_n3A_94 : i32 to index
    %get3A_96 = arith.constant 0 : index
    %get3A_97 = arith.constant 0 : index
    %get3A_98 = vector.load %arg9[%get3A_95, %get3A_96, %get3A_97] : memref<8x1024x256xf32, #tpu.memory_space<vmem>>, vector<1x1024x256xf32>
    %get3A_99 = vector.shape_cast %get3A_98 : vector<1x1024x256xf32> to vector<1024x256xf32>
    %add3A_100 = arith.addf %add3A_76, %get3A_99 : vector<1024x256xf32>
    %convert_element_type3A_101 = arith.truncf %add3A_100 : vector<1024x256xf32> to vector<1024x256xbf16>
    %add3A_102 = arith.constant 2 : i32
    %add3A_103 = arith.addi %add3A_1, %add3A_102 : i32
    %jit3A_104 = arith.constant 8 : i32
    %eq3A_105 = arith.constant 0 : i32
    %eq3A_106 = arith.cmpi eq, %jit3A_104, %eq3A_105 : i32
    %jit3A_107 = arith.constant 1 : i32
    %select_n3A_108 = arith.select %eq3A_106, %jit3A_107, %jit3A_104 : i32
    %rem3A_109 = arith.remsi %add3A_103, %select_n3A_108 : i32
    %ne3A_110 = arith.constant 0 : i32
    %ne3A_111 = arith.cmpi ne, %rem3A_109, %ne3A_110 : i32
    %lt3A_112 = arith.constant 0 : i32
    %lt3A_113 = arith.cmpi slt, %rem3A_109, %lt3A_112 : i32
    %lt3A_114 = arith.constant 0 : i32
    %lt3A_115 = arith.cmpi slt, %select_n3A_108, %lt3A_114 : i32
    %ne3A_116 = arith.xori %lt3A_113, %lt3A_115 : i1
    %and3A_117 = arith.andi %ne3A_116, %ne3A_111 : i1
    %add3A_118 = arith.addi %rem3A_109, %select_n3A_108 : i32
    %select_n3A_119 = arith.select %and3A_117, %add3A_118, %rem3A_109 : i32
    %get3A_120 = arith.index_cast %select_n3A_119 : i32 to index
    %get3A_121 = arith.constant 0 : index
    %get3A_122 = arith.constant 0 : index
    %get3A_123 = vector.load %arg9[%get3A_120, %get3A_121, %get3A_122] : memref<8x1024x256xf32, #tpu.memory_space<vmem>>, vector<1x1024x256xf32>
    %get3A_124 = vector.shape_cast %get3A_123 : vector<1x1024x256xf32> to vector<1024x256xf32>
    %add3A_125 = arith.addf %add3A_54, %get3A_124 : vector<1024x256xf32>
    %add3A_126 = arith.constant 5 : i32
    %add3A_127 = arith.addi %add3A_1, %add3A_126 : i32
    %jit3A_128 = arith.constant 8 : i32
    %eq3A_129 = arith.constant 0 : i32
    %eq3A_130 = arith.cmpi eq, %jit3A_128, %eq3A_129 : i32
    %jit3A_131 = arith.constant 1 : i32
    %select_n3A_132 = arith.select %eq3A_130, %jit3A_131, %jit3A_128 : i32
    %rem3A_133 = arith.remsi %add3A_127, %select_n3A_132 : i32
    %ne3A_134 = arith.constant 0 : i32
    %ne3A_135 = arith.cmpi ne, %rem3A_133, %ne3A_134 : i32
    %lt3A_136 = arith.constant 0 : i32
    %lt3A_137 = arith.cmpi slt, %rem3A_133, %lt3A_136 : i32
    %lt3A_138 = arith.constant 0 : i32
    %lt3A_139 = arith.cmpi slt, %select_n3A_132, %lt3A_138 : i32
    %ne3A_140 = arith.xori %lt3A_137, %lt3A_139 : i1
    %and3A_141 = arith.andi %ne3A_140, %ne3A_135 : i1
    %add3A_142 = arith.addi %rem3A_133, %select_n3A_132 : i32
    %select_n3A_143 = arith.select %and3A_141, %add3A_142, %rem3A_133 : i32
    %get3A_144 = arith.index_cast %select_n3A_143 : i32 to index
    %get3A_145 = arith.constant 0 : index
    %get3A_146 = arith.constant 0 : index
    %get3A_147 = vector.load %arg9[%get3A_144, %get3A_145, %get3A_146] : memref<8x1024x256xf32, #tpu.memory_space<vmem>>, vector<1x1024x256xf32>
    %get3A_148 = vector.shape_cast %get3A_147 : vector<1x1024x256xf32> to vector<1024x256xf32>
    %add3A_149 = arith.addf %add3A_125, %get3A_148 : vector<1024x256xf32>
    %convert_element_type3A_150 = arith.truncf %add3A_149 : vector<1024x256xf32> to vector<1024x256xbf16>
    %concatenate3A = tpu.concatenate %convert_element_type3A_101, %convert_element_type3A_150 in 0 : vector<1024x256xbf16>, vector<1024x256xbf16> -> vector<2048x256xbf16>
    %get3A_151 = arith.constant 0 : index
    %get3A_152 = arith.constant 0 : index
    %get3A_153 = vector.load %arg4[%get3A_151, %get3A_152] : memref<1024x256xbf16, #tpu.memory_space<vmem>>, vector<1024x256xbf16>
    %dot_general3A = arith.constant dense<0.000000e+00> : vector<1024x2048xf32>
    %dot_general3A_154 = tpu.matmul %get3A_153, %concatenate3A, %dot_general3A {dimension_numbers = #tpu.dot_dimension_numbers<[1], [1], [0], [0], [0, 0, 1, 0], [], []>, transpose_lhs_hint = false} : vector<1024x256xbf16>, vector<2048x256xbf16>, vector<1024x2048xf32> -> vector<1024x2048xf32>
    %get3A_155 = arith.constant 0 : index
    %get3A_156 = arith.constant 0 : index
    %get3A_157 = vector.load %arg5[%get3A_155, %get3A_156] : memref<1024x1xf32, #tpu.memory_space<vmem>>, vector<1024x1xf32>
    %add3A_158 = vector.broadcast %get3A_157 : vector<1024x1xf32> to vector<1024x2048xf32>
    %add3A_159 = arith.addf %dot_general3A_154, %add3A_158 : vector<1024x2048xf32>
    %max3A = arith.constant 0.000000e+00 : f32
    %max3A_160 = vector.broadcast %max3A : f32 to vector<1024x2048xf32>
    %max3A_161 = arith.maximumf %add3A_159, %max3A_160 : vector<1024x2048xf32>
    %convert_element_type3A_162 = arith.truncf %max3A_161 : vector<1024x2048xf32> to vector<1024x2048xbf16>
    %get3A_163 = arith.constant 0 : index
    %get3A_164 = arith.constant 0 : index
    %get3A_165 = vector.load %arg6[%get3A_163, %get3A_164] : memref<1000x1024xbf16, #tpu.memory_space<vmem>>, vector<1000x1024xbf16>
    %dot_general3A_166 = arith.constant dense<0.000000e+00> : vector<1000x2048xf32>
    %dot_general3A_167 = tpu.matmul %get3A_165, %convert_element_type3A_162, %dot_general3A_166 {dimension_numbers = #tpu.dot_dimension_numbers<[1], [0], [0], [1], [0, 0, 1, 1], [], []>, transpose_lhs_hint = false} : vector<1000x1024xbf16>, vector<1024x2048xbf16>, vector<1000x2048xf32> -> vector<1000x2048xf32>
    %slice3A = vector.extract_strided_slice %dot_general3A_167 {offsets = [0, 0], sizes = [1000, 1024], strides = [1, 1]} : vector<1000x2048xf32> to vector<1000x1024xf32>
    %get3A_168 = arith.constant 0 : index
    %get3A_169 = arith.constant 0 : index
    %get3A_170 = vector.load %arg7[%get3A_168, %get3A_169] : memref<1000x1xf32, #tpu.memory_space<vmem>>, vector<1000x1xf32>
    %add3A_171 = vector.broadcast %get3A_170 : vector<1000x1xf32> to vector<1000x1024xf32>
    %add3A_172 = arith.addf %slice3A, %add3A_171 : vector<1000x1024xf32>
    %swap3A = arith.constant 0 : index
    %swap3A_173 = arith.constant 0 : index
    %swap3A_174 = arith.constant 0 : index
    %swap3A_175 = vector.load %arg8[%swap3A, %swap3A_173, %swap3A_174] : memref<2x1000x1024xf32, #tpu.memory_space<vmem>>, vector<1x1000x1024xf32>
    %swap3A_176 = vector.shape_cast %swap3A_175 : vector<1x1000x1024xf32> to vector<1000x1024xf32>
    %swap3A_177 = vector.shape_cast %add3A_172 : vector<1000x1024xf32> to vector<1x1000x1024xf32>
    tpu.vector_store %arg8[%swap3A, %swap3A_173, %swap3A_174], %swap3A_177 {strides = array<i32>} : memref<2x1000x1024xf32, #tpu.memory_space<vmem>>, vector<1x1000x1024xf32>,
    %slice3A_178 = vector.extract_strided_slice %dot_general3A_167 {offsets = [0, 1024], sizes = [1000, 1024], strides = [1, 1]} : vector<1000x2048xf32> to vector<1000x1024xf32>
    %get3A_179 = arith.constant 0 : index
    %get3A_180 = arith.constant 0 : index
    %get3A_181 = vector.load %arg7[%get3A_179, %get3A_180] : memref<1000x1xf32, #tpu.memory_space<vmem>>, vector<1000x1xf32>
    %add3A_182 = vector.broadcast %get3A_181 : vector<1000x1xf32> to vector<1000x1024xf32>
    %add3A_183 = arith.addf %slice3A_178, %add3A_182 : vector<1000x1024xf32>
    %swap3A_184 = arith.constant 1 : index
    %swap3A_185 = arith.constant 0 : index
    %swap3A_186 = arith.constant 0 : index
    %swap3A_187 = vector.load %arg8[%swap3A_184, %swap3A_185, %swap3A_186] : memref<2x1000x1024xf32, #tpu.memory_space<vmem>>, vector<1x1000x1024xf32>
    %swap3A_188 = vector.shape_cast %swap3A_187 : vector<1x1000x1024xf32> to vector<1000x1024xf32>
    %swap3A_189 = vector.shape_cast %add3A_183 : vector<1000x1024xf32> to vector<1x1000x1024xf32>
    tpu.vector_store %arg8[%swap3A_184, %swap3A_185, %swap3A_186], %swap3A_189 {strides = array<i32>} : memref<2x1000x1024xf32, #tpu.memory_space<vmem>>, vector<1x1000x1024xf32>,
    return
  }
  func.func @transform_3(%arg0: i32) -> (i32, i32) {
    %c0_i32 = arith.constant 0 : i32
    %c0_i32_0 = arith.constant 0 : i32
    %c0_i32_1 = arith.constant 0 : i32
    return %c0_i32, %c0_i32_0 : i32, i32
  }
  func.func @transform_4(%arg0: i32) -> (i32, i32) {
    %c0_i32 = arith.constant 0 : i32
    %c0_i32_0 = arith.constant 0 : i32
    %c0_i32_1 = arith.constant 0 : i32
    return %c0_i32, %c0_i32_0 : i32, i32
  }
  func.func @transform_5(%arg0: i32) -> (i32, i32) {
    %c0_i32 = arith.constant 0 : i32
    %c0_i32_0 = arith.constant 0 : i32
    %c0_i32_1 = arith.constant 0 : i32
    return %c0_i32, %c0_i32_0 : i32, i32
  }
  func.func @transform_6(%arg0: i32) -> (i32, i32) {
    %c0_i32 = arith.constant 0 : i32
    %c0_i32_0 = arith.constant 0 : i32
    %c0_i32_1 = arith.constant 0 : i32
    return %c0_i32, %c0_i32_0 : i32, i32
  }
  func.func @transform_7(%arg0: i32) -> (i32, i32, i32) {
    %add3A = arith.constant 10 : i32
    %add3A_0 = arith.addi %arg0, %add3A : i32
    %c0_i32 = arith.constant 0 : i32
    %c0_i32_1 = arith.constant 0 : i32
    %c0_i32_2 = arith.constant 0 : i32
    return %add3A_0, %c0_i32, %c0_i32_1 : i32, i32, i32
  }
}

</mosaic_0001>

<sc_bundles>
// kernel: kernel.6.cloned.1.call-start
scs
__scs_entry_jumppad:
0x0: {  	(pc) =	sbr.rel $0x88, $3  }
0x1: {  	(tag) =	ssettag $0x0;
	lr =	simm.s32 $0x1  }
0x2: {  	[smem:$0x3F9B] =	sst lr;
	_ =	strace $0xD0000000  }
0x3: {  	_ = 	snop  }
0x4: {  	_ = 	snop  }
0x5: {  	_ = 	snop  }
0x6: {  	_ = 	snop  }
0x7: {  	_ = 	snop  }
__scs_overlays_trampoline_lowered:
0x8: {  	[smem:$0x3FAA] =	sst s0  }
0x9: {  	[smem:$0x3FAB] =	sst s1  }
0xa: {  	[smem:$0x3FAC] =	sst s2  }
0xb: {  	[smem:$0x3FAD] =	sst s3  }
0xc: {  	[smem:$0x3FAE] =	sst s4  }
0xd: {  	[smem:$0x3FAF] =	sst s5  }
0xe: {  	[smem:$0x3FB0] =	sst s6  }
0xf: {  	[smem:$0x3FB1] =	sst s7  }
0x10: {  	[smem:$0x3FB2] =	sst s8  }
0x11: {  	[smem:$0x3FB3] =	sst s9;
	s0 =	simm.s32 @!p0 $0x0  }
0x12: {  	s1 =	sld [smem:$0x3F99];
	s0 =	simm.s32 @p0 $0x1  }
0x13: {  	[smem:$0x3FB4] =	sst s0;
	s0 =	simm.s32 @!p1 $0x0  }
0x14: {  	s2 =	sld [smem:$0x3F98];
	s0 =	simm.s32 @p1 $0x1  }
0x15: {  	[smem:$0x3FB5] =	sst s0;
	s0 =	simm.s32 @!p2 $0x0  }
0x16: {  	s3 =	sld [smem:$0x3FDB];
	s0 =	simm.s32 @p2 $0x1  }
0x17: {  	s4 =	simm.s32 $0x1BF5;
	[smem:$0x3FB7] =	sst s0  }
0x18: {  	s0 =	sld [smem:$0x3F9A];
	_ =	swait.ge [sflag:s4], $0x0  }
0x19: {  	s7 =	sld [smem:$0x3F9B]  }
0x1a: {  	s8 =	sadd.s32 $0xFFFFE003, lr  }
0x1b: {  	s9 =	sadd.s32 $0xFFFFFEF7, lr;
	s5 =	simm.s32 $0xFFFFFFFF;
	p2 =	slt.u32 s8, $0xFFFFF086  }
0x1c: {  	p1 =	slt.u32 s9, $0xF7A;
	s5 =	simm.s32 @!p2 $0x0  }
0x1d: {  	s5 =	simm.s32 @p1 $0x1;
	p0 =	seq.s32 s7, s2  }
0x1e: {  	s7 =	smul.u32 @!p0 $0xF7A, s2;
	p2 =	seq.s32 @!p0 s5, $0x0  }
0x1f: {  	s9 =	smul.u32 $0xF7A, s1;
	s8 =	simm.s32 @!p0 $0x1BF5;
	p2 =	por !p2, p0  }
0x20: {  	[sflag:s8] =	ssyncset.s32 @!p0 $0xFFFFF086;
	s6 =	sadd.s32 @!p0 s3, s7;
	s7 =	simm.s32 @!p0 $0x108  }
0x21: {  	s3 =	sadd.s32 s3, s9;
	s6 =	sadd.s32 @!p0 $0x88, s6;
	s7 =	simm.s32 @p2 $0x1082  }
0x22: {  	[simem:s7], [sflag:s8] =	dma.local @!p0 [hbm:s6], $0xF7A  }
0x23: {  	s9 =	sor.u32 $0xD0000000, s2;
	s6 =	simm.s32 $0x108;
	_ =	swait.ge @!p0 [sflag:s8], $0x0  }
0x24: {  	s3 =	sadd.s32 $0x88, s3;
	s6 =	simm.s32 @!p1 $0x1082;
	[sflag:s4] =	ssyncset.s32 $0xFFFFF086  }
0x25: {  	[simem:s6], [sflag:s4] =	dma.local [hbm:s3], $0xF7A  }
0x26: {  	[smem:$0x3F9B] =	sst s1;
	(tag) =	ssettag s2;
	_ =	strace s9  }
0x27: {  	s1 =	sld [smem:$0x3FAB]  }
0x28: {  	s2 =	sld [smem:$0x3FAC]  }
0x29: {  	s4 =	sld [smem:$0x3FAE]  }
0x2a: {  	p0 =	seq.s32 s5, $0x0;
	s5 =	sld [smem:$0x3FAF]  }
0x2b: {  	s6 =	sld [smem:$0x3FB0]  }
0x2c: {  	s7 =	sld [smem:$0x3FB1]  }
0x2d: {  	s3 =	simm.s32 $0x108;
	s8 =	sld [smem:$0x3FB2]  }
0x2e: {  	s3 =	simm.s32 @!p0 $0x1082;
	s9 =	sld [smem:$0x3FB3]  }
0x2f: {  	lr =	sadd.s32 s0, s3;
	s0 =	sld [smem:$0x3FAA]  }
0x30: {  	s3 =	sld [smem:$0x3FAD]  }
0x31: {  	[smem:$0x3FB6] =	sst s10  }
0x32: {  	s10 =	sld [smem:$0x3FB4];
	_ =	sdelay $0x3  }
0x33: {  	p0 =	seq.s32 s10, $0x1;
	s10 =	sld [smem:$0x3FB6];
	_ =	sdelay $0x3  }
0x34: {  	[smem:$0x3FB6] =	sst s10  }
0x35: {  	s10 =	sld [smem:$0x3FB5];
	_ =	sdelay $0x3  }
0x36: {  	p1 =	seq.s32 s10, $0x1;
	s10 =	sld [smem:$0x3FB6];
	_ =	sdelay $0x3  }
0x37: {  	[smem:$0x3FB6] =	sst s10  }
0x38: {  	s10 =	sld [smem:$0x3FB7]  }
0x39: {  	_ = 	snop;
	(pc) =	sbr.ind lr, $3  }
0x3a: {  	_ = 	snop  }
0x3b: {  	_ = 	snop  }
0x3c: {  	p2 =	seq.s32 s10, $0x1;
	s10 =	sld [smem:$0x3FB6]  }
0x3d: {  	_ =	shalt  }
0x3e: {  	_ =	shalt  }
0x3f: {  	_ =	shalt  }
0x40: {  	_ =	shalt  }
0x41: {  	_ =	shalt  }
0x42: {  	_ =	shalt  }
0x43: {  	_ =	shalt  }
0x44: {  	_ =	shalt  }
0x45: {  	_ =	shalt  }
0x46: {  	_ =	shalt  }
0x47: {  	_ =	shalt  }
0x48: {  	_ =	shalt  }
0x49: {  	_ =	shalt  }
0x4a: {  	_ =	shalt  }
0x4b: {  	_ =	shalt  }
0x4c: {  	_ =	shalt  }
0x4d: {  	_ =	shalt  }
0x4e: {  	_ =	shalt  }
0x4f: {  	_ =	shalt  }
0x50: {  	_ =	shalt  }
0x51: {  	_ =	shalt  }
0x52: {  	_ =	shalt  }
0x53: {  	_ =	shalt  }
0x54: {  	_ =	shalt  }
0x55: {  	_ =	shalt  }
0x56: {  	_ =	shalt  }
0x57: {  	_ =	shalt  }
0x58: {  	_ =	shalt  }
0x59: {  	_ =	shalt  }
0x5a: {  	_ =	shalt  }
0x5b: {  	_ =	shalt  }
0x5c: {  	_ =	shalt  }
0x5d: {  	_ =	shalt  }
0x5e: {  	_ =	shalt  }
0x5f: {  	_ =	shalt  }
0x60: {  	_ =	shalt  }
0x61: {  	_ =	shalt  }
0x62: {  	_ =	shalt  }
0x63: {  	_ =	shalt  }
0x64: {  	_ =	shalt  }
0x65: {  	_ =	shalt  }
0x66: {  	_ =	shalt  }
0x67: {  	_ =	shalt  }
0x68: {  	_ =	shalt  }
0x69: {  	_ =	shalt  }
0x6a: {  	_ =	shalt  }
0x6b: {  	_ =	shalt  }
0x6c: {  	_ =	shalt  }
0x6d: {  	_ =	shalt  }
0x6e: {  	_ =	shalt  }
0x6f: {  	_ =	shalt  }
0x70: {  	_ =	shalt  }
0x71: {  	_ =	shalt  }
0x72: {  	_ =	shalt  }
0x73: {  	_ =	shalt  }
0x74: {  	_ =	shalt  }
0x75: {  	_ =	shalt  }
0x76: {  	_ =	shalt  }
0x77: {  	_ =	shalt  }
0x78: {  	_ =	shalt  }
0x79: {  	_ =	shalt  }
0x7a: {  	_ =	shalt  }
0x7b: {  	_ =	shalt  }
0x7c: {  	_ =	shalt  }
0x7d: {  	_ =	shalt  }
0x7e: {  	_ =	shalt  }
0x7f: {  	_ =	shalt  }
0x80: {  	_ =	shalt  }
0x81: {  	_ =	shalt  }
0x82: {  	_ =	shalt  }
0x83: {  	_ =	shalt  }
0x84: {  	_ =	shalt  }
0x85: {  	_ =	shalt  }
0x86: {  	_ =	shalt  }
0x87: {  	_ =	shalt  }
.Lfunc_end0:
.L_simem_size_0:
called_computation_lowered:
.L_overlay_start_0:
0x88: {  	s2 =	sld [smem:$0x3FD9]  }
0x89: {  	s3 =	sld [smem:$0x3FFE];
	_ =	sdelay $0x1  }
0x8a: {  	s1 =	srdreg.scid  }
0x8b: {  	s0 =	sand.u32 $0x1, s1  }
0x8c: {  	s17 =	sshll.u32 s0, $0xA;
	s2 =	sadd.s32 s3, s2  }
0x8d: {  	s2 =	sadd.s32 s2, s17  }
0x8e: {  	[smem:$0x3FC2] =	sst s2  }
0x8f: {  	_ = 	snop  }
0x90: {  	s2 =	sld [smem:$0x3FC8]  }
0x91: {  	s18 =	sld [smem:$0x3FD0];
	(tm) =	ssettm $0x1  }
0x92: {  	s4 =	sld [smem:$0x3FFB];
	_ =	sdelay $0x3  }
0x93: {  	_ =	strace s4  }
0x94: {  	s4 =	sld [smem:$0x3FFC];
	_ =	sdelay $0x3  }
0x95: {  	_ =	strace s4  }
0x96: {  	s4 =	sld [smem:$0x3FFD];
	_ =	sdelay $0x3  }
0x97: {  	_ =	strace s4  }
0x98: {  	_ =	strace $0x8FFFFFFF  }
0x99: {  	s19 =	sld [smem:$0x3FDB];
	_ =	sdelay $0x1  }
0x9a: {  	s5 =	simm.s32 $_scs_section_size  }
0x9b: {  	s6 =	simm.s32 $_size__tile_overlayer_lowered;
	s7 =	simm.s32 $_tile_overlayer_lowered  }
0x9c: {  	s22 =	simm.s32 $0x1BFF;
	s21 =	sshll.u32 s7, $0x1;
	s4 =	sadd.s32 s5, s19  }
0x9d: {  	s8 =	simm.s32 $0x0;
	s20 =	sshll.u32 s6, $0x1;
	s6 =	sadd.s32 s21, s4  }
0x9e: {  	[timem:s8], [sflag:s22] =	dma.local [hbm:s6], s20  }
0x9f: {  	_ =	swait.ge [sflag:s22], s20  }
0xa0: {  	s5 =	ssub.s32 $0x0, s20;
	[sflag:s22] =	ssyncset.done $0x0  }
0xa1: {  	[sflag:s22] =	ssyncadd.s32 s5;
	_ =	sdelay $0x1  }
0xa2: {  	s23 =	simm.s32 $0x1B8B  }
0xa3: {  	_ =	swait.ge [sflag:s23], $0x1  }
0xa4: {  	[sflag:s23] =	ssyncset.done $0x0  }
0xa5: {  	s25 =	simm.s32 $0x1B8E;
	s24 =	sld [smem:$0x3FFE];
	[sflag:s23] =	ssyncadd.s32 $0xFFFFFFFF  }
0xa6: {  	s26 =	simm.s32 $execute0_lowered;
	[smem:$0x3FD2] =	sst s25  }
0xa7: {  	s6 =	sshll.u32 s26, $0x1;
	_ =	strace $0x80000046;
	[dreg:$0x1] =	wrdreg $0xFFFFFFFF  }
0xa8: {  	s28 =	simm.s32 $_size_execute0_lowered;
	s4 =	sadd.s32 s4, s6;
	[dreg:$0x0] =	wrdreg $0x0  }
0xa9: {  	s6 =	sshll.u32 s28, $0x1;
	[dreg:$0x2] =	wrdreg s4  }
0xaa: {  	[dreg:$0x3] =	wrdreg s6  }
0xab: {  	[dreg:$0x4] =	wrdreg $0xC0  }
0xac: {  	_ =	task [dreg:s8], $0x5FFFF  }
0xad: {  	[dreg:$0x1] =	wrdreg $0xFFFFFFFF  }
0xae: {  	[dreg:$0x0] =	wrdreg $0x60  }
0xaf: {  	[dreg:$0x2] =	wrdreg s18  }
0xb0: {  	[dreg:$0x3] =	wrdreg s2  }
0xb1: {  	[dreg:$0x4] =	wrdreg s24  }
0xb2: {  	[dreg:$0x5] =	wrdreg $0x9  }
0xb3: {  	_ =	task.clear_ibuf [dreg:s8], $0x6FFFF;
	_ =	strace $0x90000046  }
0xb4: {  	s29 =	simm.s32 $0x9;
	_ =	strace $0x80000048  }
0xb5: {  	_ =	swait.ge [sflag:s29], $0x1  }
0xb6: {  	[sflag:s29] =	ssyncadd.s32 $0xFFFFFFFF  }
0xb7: {  	_ =	strace $0x90000048  }
0xb8: {  	_ =	sfence  }
0xb9: {  	s30 =	sld [smem:$0x0];
	_ =	sdelay $0x2  }
0xba: {  	s31 =	sshll.u32 s1, $0xD;
	s1 =	sshrl.u32 s1, $0x2  }
0xbb: {  	s3 =	sand.u32 $0x4000, s31;
	s1 =	sadd.s32 s1, s30  }
0xbc: {  	s0 =	sor.u32 s3, s0;
	s1 =	sshll.u32 s1, $0x11  }
0xbd: {  	s0 =	sor.u32 s1, s0  }
0xbe: {  	s0 =	sadd.s32 $0x8F2B, s0  }
0xbf: {  	[sflag:s0] =	ssyncadd.remote.s32 $0x1  }
0xc0: {  	_ =	sfence.sel $0xFFFF  }
0xc1: {  	[dreg:$0x0] =	wrdreg $0xFFFFFFFF;
	(pc) =	sbr.abs _section_cstart, $3  }
0xc2: {  	[dreg:$0x1] =	wrdreg $0xFFFFFFFF  }
0xc3: {  	_ =	task.clear_ibuf [dreg:s8], $0x2FFFF;
	_ =	strace $0x9FFFFFFF  }
0xc4: {  	(tm) =	ssettm $0x7FFFFFFF  }
0xc5: {  	_ =	shalt  }
tec
execute0_lowered:
.L_overlay_start_1:
0x0: {  	(tag) =	ssettag $0x1  }
0x1: {  	s1 =	rddreg [dreg:$0x0]  }
0x2: {  	s2 =	rddreg [dreg:$0x1]  }
0x3: {  	s3 =	srdreg.scid;
	s0 =	stileid.u32  }
0x4: {  	s4 =	rddreg [dreg:$0x2];
	s13 =	simm.s32 $0x3;
	s14 =	simm.s32 $0x800  }
0x5: {  	s15 =	simm.s32 $0x1000;
	s16 =	simm.s32 $0x1800;
	s17 =	simm.s32 $0x2000  }
0x6: {  	s18 =	simm.s32 $0x2800;
	s19 =	simm.s32 $0x3000;
	s20 =	simm.s32 $0x3800  }
0x7: {  	s28 =	simm.s32 $0x7000;
	s29 =	simm.s32 $0x7800;
	s30 =	simm.s32 $0x8000  }
0x8: {  	s31 =	simm.s32 $0x1;
	s5 =	sand.u32 $0x1, s3;
	s6 =	sshll.u32 s0, $0x1  }
0x9: {  	s3 =	simm.s32 $0x0;
	s8 =	sadd.s32 $0x1200, s4;
	s6 =	sor.u32 s5, s6  }
0xa: {  	[smem:$0x7FF] =	sst s3;
	s5 =	ssub.s32 $0x2, s5;
	s7 =	smul.u32 $0x6000, s6  }
0xb: {  	_ =	strace $0x80000047;
	s21 =	sshll.u32 s6, $0x8;
	s25 =	sshrl.u32 s5, $0x1  }
0xc: {  	s6 =	smul.u32 $0x30000, s6;
	s1 =	sadd.s32 s1, s21;
	s12 =	ssub.s32 s5, s25  }
0xd: {  	s21 =	simm.s32 $0x4000;
	s25 =	simm.s32 $0x6000;
	s4 =	sadd.s32 s8, s7  }
0xe: {  	[dreg:$0x4] =	wrdreg s1;
	s6 =	sshrl.u32 s6, $0x3;
	s22 =	sadd.s32 $0x800, s4  }
0xf: {  	s12 =	smax.u32 s12, $0x1;
	s23 =	sadd.s32 $0x1000, s4;
	[dreg:$0x5] =	wrdreg s22  }
0x10: {  	s24 =	sadd.s32 $0x1800, s4;
	s11 =	sadd.s32 s8, s6;
	[dreg:$0x6] =	wrdreg s23  }
0x11: {  	s1 =	simm.s32 $0x2;
	[dreg:$0x7] =	wrdreg s24;
	s26 =	sadd.s32 $0x2000, s11  }
0x12: {  	s5 =	sadd.s32 $0x2800, s11;
	s6 =	sadd.s32 $0x3000, s11;
	s7 =	sadd.s32 $0x3800, s11  }
0x13: {  	v2 =	vlaneseq.u32;
	s8 =	sadd.s32 $0x4000, s11;
	s9 =	sadd.s32 $0x4800, s11;
	s10 =	sadd.s32 $0x5000, s11  }
0x14: {  	vm0 =	vmmov $0xffff;
	v1 =	vshrl.u32 v2, $0x3;
	s11 =	sadd.s32 $0x5800, s11;
	s22 =	simm.s32 $0x4800;
	s23 =	simm.s32 $0x5000  }
0x15: {  	v0 =	vand.u32 $0x7, v2;
	v2 =	vor.u32 $0x8, v2;
	v1 =	vmul.u32 $0x8, v1;
	s24 =	simm.s32 $0x5800;
	[dreg:$0x8] =	wrdreg s26;
	s26 =	simm.s32 $0x6800  }
.LBB2_1:
0x16: {  	s0 =	rddreg [dreg:$0x4]  }
0x17: {  	[tilespmem:s3], [sflag:$0x3] =	stream.linear.gather [hbm4b:s0+s3], $0x600, $0x38;
	[tilespmem:$0x8800] =	vst v63  }
0x18: {  	_ =	swait.ge [sflag:s13], $0x600  }
0x19: {  	[sflag:s13] =	ssyncset.done $0x0  }
0x1a: {  	[sflag:s13] =	ssyncadd.s32 $0xFFFFFA00  }
0x1b: {  	v3 =	vld [tilespmem:$0x0];
	_ =	sdelay $0x4  }
0x1c: {  	v4 =	vshll.u32 v3, $0x1  }
0x1d: {  	v3 =	vand.u32 $0x7, v3;
	v4 =	vand.u32 $0xFFFFFFF0, v4  }
0x1e: {  	v3 =	vor.u32 v3, v4  }
0x1f: {  	v4 =	vperm.xlane v3, v0;
	_ =	sdelay $0x1  }
0x20: {  	v3 =	vperm.xlane v3, v2;
	v4 =	vadd.s32 v1, v4;
	_ =	sdelay $0x1  }
0x21: {  	v3 =	vadd.s32 v1, v3;
	_ =	sdelay $0x2  }
0x22: {  	[tilespmem:s14], [sflag:$0x1] =	stream.indirect_vreg.gather [hbm4b:s2+s3], $0x80, v4, vm0, $0xb8;
	[tilespmem:$0x8800] =	vst v63  }
0x23: {  	_ = 	snop  }
0x24: {  	[tilespmem:s15], [sflag:$0x1] =	stream.indirect_vreg.gather [hbm4b:s2+s3], $0x80, v3, vm0, $0xb8;
	[tilespmem:$0x8800] =	vst v63  }
0x25: {  	v3 =	vld [tilespmem:$0x10];
	_ =	sdelay $0x4  }
0x26: {  	v17 =	vshll.u32 v3, $0x1  }
0x27: {  	v3 =	vand.u32 $0x7, v3;
	v4 =	vand.u32 $0xFFFFFFF0, v17  }
0x28: {  	v3 =	vor.u32 v3, v4  }
0x29: {  	v4 =	vperm.xlane v3, v0;
	_ =	sdelay $0x1  }
0x2a: {  	v3 =	vperm.xlane v3, v2;
	v4 =	vadd.s32 v1, v4;
	_ =	sdelay $0x1  }
0x2b: {  	v3 =	vadd.s32 v1, v3;
	_ =	sdelay $0x2  }
0x2c: {  	[tilespmem:s16], [sflag:$0x1] =	stream.indirect_vreg.gather [hbm4b:s2+s3], $0x80, v4, vm0, $0xb8;
	[tilespmem:$0x8800] =	vst v63  }
0x2d: {  	_ = 	snop  }
0x2e: {  	[tilespmem:s17], [sflag:$0x1] =	stream.indirect_vreg.gather [hbm4b:s2+s3], $0x80, v3, vm0, $0xb8;
	[tilespmem:$0x8800] =	vst v63  }
0x2f: {  	v3 =	vld [tilespmem:$0x20];
	_ =	sdelay $0x4  }
0x30: {  	v18 =	vshll.u32 v3, $0x1  }
0x31: {  	v3 =	vand.u32 $0x7, v3;
	v4 =	vand.u32 $0xFFFFFFF0, v18  }
0x32: {  	v3 =	vor.u32 v3, v4  }
0x33: {  	v4 =	vperm.xlane v3, v0;
	_ =	sdelay $0x1  }
0x34: {  	v3 =	vperm.xlane v3, v2;
	v4 =	vadd.s32 v1, v4;
	_ =	sdelay $0x1  }
0x35: {  	v3 =	vadd.s32 v1, v3;
	_ =	sdelay $0x2  }
0x36: {  	[tilespmem:s18], [sflag:$0x1] =	stream.indirect_vreg.gather [hbm4b:s2+s3], $0x80, v4, vm0, $0xb8;
	[tilespmem:$0x8800] =	vst v63  }
0x37: {  	_ = 	snop  }
0x38: {  	[tilespmem:s19], [sflag:$0x1] =	stream.indirect_vreg.gather [hbm4b:s2+s3], $0x80, v3, vm0, $0xb8;
	[tilespmem:$0x8800] =	vst v63  }
0x39: {  	v3 =	vld [tilespmem:$0x30];
	_ =	sdelay $0x4  }
0x3a: {  	v19 =	vshll.u32 v3, $0x1  }
0x3b: {  	v3 =	vand.u32 $0x7, v3;
	v4 =	vand.u32 $0xFFFFFFF0, v19  }
0x3c: {  	v3 =	vor.u32 v3, v4  }
0x3d: {  	v4 =	vperm.xlane v3, v0;
	_ =	sdelay $0x1  }
0x3e: {  	v3 =	vperm.xlane v3, v2;
	v4 =	vadd.s32 v1, v4;
	_ =	sdelay $0x1  }
0x3f: {  	v3 =	vadd.s32 v1, v3;
	_ =	sdelay $0x2  }
0x40: {  	[tilespmem:s20], [sflag:$0x1] =	stream.indirect_vreg.gather [hbm4b:s2+s3], $0x80, v4, vm0, $0xb8;
	[tilespmem:$0x8800] =	vst v63  }
0x41: {  	_ = 	snop  }
0x42: {  	[tilespmem:s21], [sflag:$0x1] =	stream.indirect_vreg.gather [hbm4b:s2+s3], $0x80, v3, vm0, $0xb8;
	[tilespmem:$0x8800] =	vst v63  }
0x43: {  	v3 =	vld [tilespmem:$0x80];
	_ =	sdelay $0x4  }
0x44: {  	v20 =	vshll.u32 v3, $0x1  }
0x45: {  	v3 =	vand.u32 $0x7, v3;
	v4 =	vand.u32 $0xFFFFFFF0, v20  }
0x46: {  	v3 =	vor.u32 v3, v4  }
0x47: {  	v4 =	vperm.xlane v3, v0;
	_ =	sdelay $0x1  }
0x48: {  	v3 =	vperm.xlane v3, v2;
	v4 =	vadd.s32 v1, v4;
	_ =	sdelay $0x1  }
0x49: {  	v3 =	vadd.s32 v1, v3;
	_ =	sdelay $0x2  }
0x4a: {  	[tilespmem:s22], [sflag:$0x2] =	stream.indirect_vreg.gather [hbm4b:s2+s3], $0x80, v4, vm0, $0xb8;
	[tilespmem:$0x8800] =	vst v63  }
0x4b: {  	_ = 	snop  }
0x4c: {  	[tilespmem:s23], [sflag:$0x2] =	stream.indirect_vreg.gather [hbm4b:s2+s3], $0x80, v3, vm0, $0xb8;
	[tilespmem:$0x8800] =	vst v63  }
0x4d: {  	v3 =	vld [tilespmem:$0x90];
	_ =	sdelay $0x4  }
0x4e: {  	v21 =	vshll.u32 v3, $0x1  }
0x4f: {  	v3 =	vand.u32 $0x7, v3;
	v4 =	vand.u32 $0xFFFFFFF0, v21  }
0x50: {  	v3 =	vor.u32 v3, v4  }
0x51: {  	v4 =	vperm.xlane v3, v0;
	_ =	sdelay $0x1  }
0x52: {  	v3 =	vperm.xlane v3, v2;
	v4 =	vadd.s32 v1, v4;
	_ =	sdelay $0x1  }
0x53: {  	v3 =	vadd.s32 v1, v3;
	_ =	sdelay $0x2  }
0x54: {  	[tilespmem:s24], [sflag:$0x2] =	stream.indirect_vreg.gather [hbm4b:s2+s3], $0x80, v4, vm0, $0xb8;
	[tilespmem:$0x8800] =	vst v63  }
0x55: {  	_ = 	snop  }
0x56: {  	[tilespmem:s25], [sflag:$0x2] =	stream.indirect_vreg.gather [hbm4b:s2+s3], $0x80, v3, vm0, $0xb8;
	[tilespmem:$0x8800] =	vst v63  }
0x57: {  	v3 =	vld [tilespmem:$0xA0];
	_ =	sdelay $0x4  }
0x58: {  	v22 =	vshll.u32 v3, $0x1  }
0x59: {  	v3 =	vand.u32 $0x7, v3;
	v4 =	vand.u32 $0xFFFFFFF0, v22  }
0x5a: {  	v3 =	vor.u32 v3, v4  }
0x5b: {  	v4 =	vperm.xlane v3, v0;
	_ =	sdelay $0x1  }
0x5c: {  	v3 =	vperm.xlane v3, v2;
	v4 =	vadd.s32 v1, v4;
	_ =	sdelay $0x1  }
0x5d: {  	v3 =	vadd.s32 v1, v3;
	_ =	sdelay $0x2  }
0x5e: {  	[tilespmem:s26], [sflag:$0x2] =	stream.indirect_vreg.gather [hbm4b:s2+s3], $0x80, v4, vm0, $0xb8;
	[tilespmem:$0x8800] =	vst v63  }
0x5f: {  	_ = 	snop  }
0x60: {  	[tilespmem:s28], [sflag:$0x2] =	stream.indirect_vreg.gather [hbm4b:s2+s3], $0x80, v3, vm0, $0xb8;
	[tilespmem:$0x8800] =	vst v63  }
0x61: {  	v3 =	vld [tilespmem:$0xB0];
	_ =	sdelay $0x4  }
0x62: {  	v23 =	vshll.u32 v3, $0x1  }
0x63: {  	v3 =	vand.u32 $0x7, v3;
	v4 =	vand.u32 $0xFFFFFFF0, v23  }
0x64: {  	v3 =	vor.u32 v3, v4  }
0x65: {  	v4 =	vperm.xlane v3, v0;
	_ =	sdelay $0x1  }
0x66: {  	v3 =	vperm.xlane v3, v2;
	v4 =	vadd.s32 v1, v4;
	_ =	sdelay $0x1  }
0x67: {  	v3 =	vadd.s32 v1, v3;
	_ =	sdelay $0x2  }
0x68: {  	[tilespmem:s29], [sflag:$0x2] =	stream.indirect_vreg.gather [hbm4b:s2+s3], $0x80, v4, vm0, $0xb8;
	[tilespmem:$0x8800] =	vst v63  }
0x69: {  	_ = 	snop  }
0x6a: {  	[tilespmem:s30], [sflag:$0x2] =	stream.indirect_vreg.gather [hbm4b:s2+s3], $0x80, v3, vm0, $0xb8;
	[tilespmem:$0x8800] =	vst v63  }
0x6b: {  	_ =	swait.ge [sflag:s31], $0x4000  }
0x6c: {  	[sflag:s31] =	ssyncset.done $0x0  }
0x6d: {  	[sflag:s31] =	ssyncadd.s32 $0xFFFFC000  }
0x6e: {  	[hbm4b:s4+s3] =	stream.linear.scatter [tilespmem:s14], [sflag:$0x3], $0x4000, $0x38;
	[tilespmem:$0x8800] =	vst v63  }
0x6f: {  	_ =	swait.ge [sflag:s13], $0x4000  }
0x70: {  	[sflag:s13] =	ssyncset.done $0x0  }
0x71: {  	[sflag:s13] =	ssyncadd.s32 $0xFFFFC000  }
0x72: {  	v3 =	vld [tilespmem:$0x100];
	_ =	sdelay $0x4  }
0x73: {  	v24 =	vshll.u32 v3, $0x1  }
0x74: {  	v3 =	vand.u32 $0x7, v3;
	v4 =	vand.u32 $0xFFFFFFF0, v24  }
0x75: {  	v3 =	vor.u32 v3, v4  }
0x76: {  	v4 =	vperm.xlane v3, v0;
	_ =	sdelay $0x1  }
0x77: {  	v3 =	vperm.xlane v3, v2;
	v4 =	vadd.s32 v1, v4;
	_ =	sdelay $0x1  }
0x78: {  	v3 =	vadd.s32 v1, v3;
	_ =	sdelay $0x2  }
0x79: {  	[tilespmem:s14], [sflag:$0x1] =	stream.indirect_vreg.gather [hbm4b:s2+s3], $0x80, v4, vm0, $0xb8;
	[tilespmem:$0x8800] =	vst v63  }
0x7a: {  	_ = 	snop  }
0x7b: {  	[tilespmem:s15], [sflag:$0x1] =	stream.indirect_vreg.gather [hbm4b:s2+s3], $0x80, v3, vm0, $0xb8;
	[tilespmem:$0x8800] =	vst v63  }
0x7c: {  	v3 =	vld [tilespmem:$0x110];
	_ =	sdelay $0x4  }
0x7d: {  	v25 =	vshll.u32 v3, $0x1  }
0x7e: {  	v3 =	vand.u32 $0x7, v3;
	v4 =	vand.u32 $0xFFFFFFF0, v25  }
0x7f: {  	v3 =	vor.u32 v3, v4  }
0x80: {  	v4 =	vperm.xlane v3, v0;
	_ =	sdelay $0x1  }
0x81: {  	v3 =	vperm.xlane v3, v2;
	v4 =	vadd.s32 v1, v4;
	_ =	sdelay $0x1  }
0x82: {  	v3 =	vadd.s32 v1, v3;
	_ =	sdelay $0x2  }
0x83: {  	[tilespmem:s16], [sflag:$0x1] =	stream.indirect_vreg.gather [hbm4b:s2+s3], $0x80, v4, vm0, $0xb8;
	[tilespmem:$0x8800] =	vst v63  }
0x84: {  	_ = 	snop  }
0x85: {  	[tilespmem:s17], [sflag:$0x1] =	stream.indirect_vreg.gather [hbm4b:s2+s3], $0x80, v3, vm0, $0xb8;
	[tilespmem:$0x8800] =	vst v63  }
0x86: {  	v3 =	vld [tilespmem:$0x120];
	_ =	sdelay $0x4  }
0x87: {  	v26 =	vshll.u32 v3, $0x1  }
0x88: {  	v3 =	vand.u32 $0x7, v3;
	v4 =	vand.u32 $0xFFFFFFF0, v26  }
0x89: {  	v3 =	vor.u32 v3, v4  }
0x8a: {  	v4 =	vperm.xlane v3, v0;
	_ =	sdelay $0x1  }
0x8b: {  	v3 =	vperm.xlane v3, v2;
	v4 =	vadd.s32 v1, v4;
	_ =	sdelay $0x1  }
0x8c: {  	v3 =	vadd.s32 v1, v3;
	_ =	sdelay $0x2  }
0x8d: {  	[tilespmem:s18], [sflag:$0x1] =	stream.indirect_vreg.gather [hbm4b:s2+s3], $0x80, v4, vm0, $0xb8;
	[tilespmem:$0x8800] =	vst v63  }
0x8e: {  	_ = 	snop  }
0x8f: {  	[tilespmem:s19], [sflag:$0x1] =	stream.indirect_vreg.gather [hbm4b:s2+s3], $0x80, v3, vm0, $0xb8;
	[tilespmem:$0x8800] =	vst v63  }
0x90: {  	v3 =	vld [tilespmem:$0x130];
	_ =	sdelay $0x4  }
0x91: {  	v27 =	vshll.u32 v3, $0x1  }
0x92: {  	v3 =	vand.u32 $0x7, v3;
	v4 =	vand.u32 $0xFFFFFFF0, v27  }
0x93: {  	v3 =	vor.u32 v3, v4  }
0x94: {  	v4 =	vperm.xlane v3, v0;
	_ =	sdelay $0x1  }
0x95: {  	v3 =	vperm.xlane v3, v2;
	v4 =	vadd.s32 v1, v4;
	_ =	sdelay $0x1  }
0x96: {  	v3 =	vadd.s32 v1, v3;
	_ =	sdelay $0x2  }
0x97: {  	[tilespmem:s20], [sflag:$0x1] =	stream.indirect_vreg.gather [hbm4b:s2+s3], $0x80, v4, vm0, $0xb8;
	[tilespmem:$0x8800] =	vst v63  }
0x98: {  	_ = 	snop  }
0x99: {  	[tilespmem:s21], [sflag:$0x1] =	stream.indirect_vreg.gather [hbm4b:s2+s3], $0x80, v3, vm0, $0xb8;
	[tilespmem:$0x8800] =	vst v63  }
0x9a: {  	_ =	swait.ge [sflag:s1], $0x4000  }
0x9b: {  	[sflag:s1] =	ssyncset.done $0x0  }
0x9c: {  	s0 =	rddreg [dreg:$0x5];
	[sflag:s1] =	ssyncadd.s32 $0xFFFFC000  }
0x9d: {  	[hbm4b:s0+s3] =	stream.linear.scatter [tilespmem:s22], [sflag:$0x3], $0x4000, $0x38;
	[tilespmem:$0x8800] =	vst v63  }
0x9e: {  	_ =	swait.ge [sflag:s13], $0x4000  }
0x9f: {  	[sflag:s13] =	ssyncset.done $0x0  }
0xa0: {  	[sflag:s13] =	ssyncadd.s32 $0xFFFFC000  }
0xa1: {  	v3 =	vld [tilespmem:$0x180];
	_ =	sdelay $0x4  }
0xa2: {  	v28 =	vshll.u32 v3, $0x1  }
0xa3: {  	v3 =	vand.u32 $0x7, v3;
	v4 =	vand.u32 $0xFFFFFFF0, v28  }
0xa4: {  	v3 =	vor.u32 v3, v4  }
0xa5: {  	v4 =	vperm.xlane v3, v0;
	_ =	sdelay $0x1  }
0xa6: {  	v3 =	vperm.xlane v3, v2;
	v4 =	vadd.s32 v1, v4;
	_ =	sdelay $0x1  }
0xa7: {  	v3 =	vadd.s32 v1, v3;
	_ =	sdelay $0x2  }
0xa8: {  	[tilespmem:s22], [sflag:$0x2] =	stream.indirect_vreg.gather [hbm4b:s2+s3], $0x80, v4, vm0, $0xb8;
	[tilespmem:$0x8800] =	vst v63  }
0xa9: {  	_ = 	snop  }
0xaa: {  	[tilespmem:s23], [sflag:$0x2] =	stream.indirect_vreg.gather [hbm4b:s2+s3], $0x80, v3, vm0, $0xb8;
	[tilespmem:$0x8800] =	vst v63  }
0xab: {  	v3 =	vld [tilespmem:$0x190];
	_ =	sdelay $0x4  }
0xac: {  	v29 =	vshll.u32 v3, $0x1  }
0xad: {  	v3 =	vand.u32 $0x7, v3;
	v4 =	vand.u32 $0xFFFFFFF0, v29  }
0xae: {  	v3 =	vor.u32 v3, v4  }
0xaf: {  	v4 =	vperm.xlane v3, v0;
	_ =	sdelay $0x1  }
0xb0: {  	v3 =	vperm.xlane v3, v2;
	v4 =	vadd.s32 v1, v4;
	_ =	sdelay $0x1  }
0xb1: {  	v3 =	vadd.s32 v1, v3;
	_ =	sdelay $0x2  }
0xb2: {  	[tilespmem:s24], [sflag:$0x2] =	stream.indirect_vreg.gather [hbm4b:s2+s3], $0x80, v4, vm0, $0xb8;
	[tilespmem:$0x8800] =	vst v63  }
0xb3: {  	_ = 	snop  }
0xb4: {  	[tilespmem:s25], [sflag:$0x2] =	stream.indirect_vreg.gather [hbm4b:s2+s3], $0x80, v3, vm0, $0xb8;
	[tilespmem:$0x8800] =	vst v63  }
0xb5: {  	v3 =	vld [tilespmem:$0x1A0];
	_ =	sdelay $0x4  }
0xb6: {  	v30 =	vshll.u32 v3, $0x1  }
0xb7: {  	v3 =	vand.u32 $0x7, v3;
	v4 =	vand.u32 $0xFFFFFFF0, v30  }
0xb8: {  	v3 =	vor.u32 v3, v4  }
0xb9: {  	v4 =	vperm.xlane v3, v0;
	_ =	sdelay $0x1  }
0xba: {  	v3 =	vperm.xlane v3, v2;
	v4 =	vadd.s32 v1, v4;
	_ =	sdelay $0x1  }
0xbb: {  	v3 =	vadd.s32 v1, v3;
	_ =	sdelay $0x2  }
0xbc: {  	[tilespmem:s26], [sflag:$0x2] =	stream.indirect_vreg.gather [hbm4b:s2+s3], $0x80, v4, vm0, $0xb8;
	[tilespmem:$0x8800] =	vst v63  }
0xbd: {  	_ = 	snop  }
0xbe: {  	[tilespmem:s28], [sflag:$0x2] =	stream.indirect_vreg.gather [hbm4b:s2+s3], $0x80, v3, vm0, $0xb8;
	[tilespmem:$0x8800] =	vst v63  }
0xbf: {  	v3 =	vld [tilespmem:$0x1B0];
	_ =	sdelay $0x4  }
0xc0: {  	v31 =	vshll.u32 v3, $0x1  }
0xc1: {  	v3 =	vand.u32 $0x7, v3;
	v4 =	vand.u32 $0xFFFFFFF0, v31  }
0xc2: {  	v3 =	vor.u32 v3, v4  }
0xc3: {  	v4 =	vperm.xlane v3, v0;
	_ =	sdelay $0x1  }
0xc4: {  	v3 =	vperm.xlane v3, v2;
	v4 =	vadd.s32 v1, v4;
	_ =	sdelay $0x1  }
0xc5: {  	v3 =	vadd.s32 v1, v3;
	_ =	sdelay $0x2  }
0xc6: {  	[tilespmem:s29], [sflag:$0x2] =	stream.indirect_vreg.gather [hbm4b:s2+s3], $0x80, v4, vm0, $0xb8;
	[tilespmem:$0x8800] =	vst v63  }
0xc7: {  	_ = 	snop  }
0xc8: {  	[tilespmem:s30], [sflag:$0x2] =	stream.indirect_vreg.gather [hbm4b:s2+s3], $0x80, v3, vm0, $0xb8;
	[tilespmem:$0x8800] =	vst v63  }
0xc9: {  	_ =	swait.ge [sflag:s31], $0x4000  }
0xca: {  	[sflag:s31] =	ssyncset.done $0x0  }
0xcb: {  	s0 =	rddreg [dreg:$0x6];
	[sflag:s31] =	ssyncadd.s32 $0xFFFFC000  }
0xcc: {  	[hbm4b:s0+s3] =	stream.linear.scatter [tilespmem:s14], [sflag:$0x3], $0x4000, $0x38;
	[tilespmem:$0x8800] =	vst v63  }
0xcd: {  	_ =	swait.ge [sflag:s13], $0x4000  }
0xce: {  	[sflag:s13] =	ssyncset.done $0x0  }
0xcf: {  	[sflag:s13] =	ssyncadd.s32 $0xFFFFC000  }
0xd0: {  	v3 =	vld [tilespmem:$0x200];
	_ =	sdelay $0x4  }
0xd1: {  	v32 =	vshll.u32 v3, $0x1  }
0xd2: {  	v3 =	vand.u32 $0x7, v3;
	v4 =	vand.u32 $0xFFFFFFF0, v32  }
0xd3: {  	v3 =	vor.u32 v3, v4  }
0xd4: {  	v4 =	vperm.xlane v3, v0;
	_ =	sdelay $0x1  }
0xd5: {  	v3 =	vperm.xlane v3, v2;
	v4 =	vadd.s32 v1, v4;
	_ =	sdelay $0x1  }
0xd6: {  	v3 =	vadd.s32 v1, v3;
	_ =	sdelay $0x2  }
0xd7: {  	[tilespmem:s14], [sflag:$0x1] =	stream.indirect_vreg.gather [hbm4b:s2+s3], $0x80, v4, vm0, $0xb8;
	[tilespmem:$0x8800] =	vst v63  }
0xd8: {  	_ = 	snop  }
0xd9: {  	[tilespmem:s15], [sflag:$0x1] =	stream.indirect_vreg.gather [hbm4b:s2+s3], $0x80, v3, vm0, $0xb8;
	[tilespmem:$0x8800] =	vst v63  }
0xda: {  	v3 =	vld [tilespmem:$0x210];
	_ =	sdelay $0x4  }
0xdb: {  	v33 =	vshll.u32 v3, $0x1  }
0xdc: {  	v3 =	vand.u32 $0x7, v3;
	v4 =	vand.u32 $0xFFFFFFF0, v33  }
0xdd: {  	v3 =	vor.u32 v3, v4  }
0xde: {  	v4 =	vperm.xlane v3, v0;
	_ =	sdelay $0x1  }
0xdf: {  	v3 =	vperm.xlane v3, v2;
	v4 =	vadd.s32 v1, v4;
	_ =	sdelay $0x1  }
0xe0: {  	v3 =	vadd.s32 v1, v3;
	_ =	sdelay $0x2  }
0xe1: {  	[tilespmem:s16], [sflag:$0x1] =	stream.indirect_vreg.gather [hbm4b:s2+s3], $0x80, v4, vm0, $0xb8;
	[tilespmem:$0x8800] =	vst v63  }
0xe2: {  	_ = 	snop  }
0xe3: {  	[tilespmem:s17], [sflag:$0x1] =	stream.indirect_vreg.gather [hbm4b:s2+s3], $0x80, v3, vm0, $0xb8;
	[tilespmem:$0x8800] =	vst v63  }
0xe4: {  	v3 =	vld [tilespmem:$0x220];
	_ =	sdelay $0x4  }
0xe5: {  	v34 =	vshll.u32 v3, $0x1  }
0xe6: {  	v3 =	vand.u32 $0x7, v3;
	v4 =	vand.u32 $0xFFFFFFF0, v34  }
0xe7: {  	v3 =	vor.u32 v3, v4  }
0xe8: {  	v4 =	vperm.xlane v3, v0;
	_ =	sdelay $0x1  }
0xe9: {  	v3 =	vperm.xlane v3, v2;
	v4 =	vadd.s32 v1, v4;
	_ =	sdelay $0x1  }
0xea: {  	v3 =	vadd.s32 v1, v3;
	_ =	sdelay $0x2  }
0xeb: {  	[tilespmem:s18], [sflag:$0x1] =	stream.indirect_vreg.gather [hbm4b:s2+s3], $0x80, v4, vm0, $0xb8;
	[tilespmem:$0x8800] =	vst v63  }
0xec: {  	_ = 	snop  }
0xed: {  	[tilespmem:s19], [sflag:$0x1] =	stream.indirect_vreg.gather [hbm4b:s2+s3], $0x80, v3, vm0, $0xb8;
	[tilespmem:$0x8800] =	vst v63  }
0xee: {  	v3 =	vld [tilespmem:$0x230];
	_ =	sdelay $0x4  }
0xef: {  	v35 =	vshll.u32 v3, $0x1  }
0xf0: {  	v3 =	vand.u32 $0x7, v3;
	v4 =	vand.u32 $0xFFFFFFF0, v35  }
0xf1: {  	v3 =	vor.u32 v3, v4  }
0xf2: {  	v4 =	vperm.xlane v3, v0;
	_ =	sdelay $0x1  }
0xf3: {  	v3 =	vperm.xlane v3, v2;
	v4 =	vadd.s32 v1, v4;
	_ =	sdelay $0x1  }
0xf4: {  	v3 =	vadd.s32 v1, v3;
	_ =	sdelay $0x2  }
0xf5: {  	[tilespmem:s20], [sflag:$0x1] =	stream.indirect_vreg.gather [hbm4b:s2+s3], $0x80, v4, vm0, $0xb8;
	[tilespmem:$0x8800] =	vst v63  }
0xf6: {  	_ = 	snop  }
0xf7: {  	[tilespmem:s21], [sflag:$0x1] =	stream.indirect_vreg.gather [hbm4b:s2+s3], $0x80, v3, vm0, $0xb8;
	[tilespmem:$0x8800] =	vst v63  }
0xf8: {  	_ =	swait.ge [sflag:s1], $0x4000  }
0xf9: {  	[sflag:s1] =	ssyncset.done $0x0  }
0xfa: {  	s0 =	rddreg [dreg:$0x7];
	[sflag:s1] =	ssyncadd.s32 $0xFFFFC000  }
0xfb: {  	[hbm4b:s0+s3] =	stream.linear.scatter [tilespmem:s22], [sflag:$0x3], $0x4000, $0x38;
	[tilespmem:$0x8800] =	vst v63  }
0xfc: {  	_ =	swait.ge [sflag:s13], $0x4000  }
0xfd: {  	[sflag:s13] =	ssyncset.done $0x0  }
0xfe: {  	[sflag:s13] =	ssyncadd.s32 $0xFFFFC000  }
0xff: {  	v3 =	vld [tilespmem:$0x280];
	_ =	sdelay $0x4  }
0x100: {  	v36 =	vshll.u32 v3, $0x1  }
0x101: {  	v3 =	vand.u32 $0x7, v3;
	v4 =	vand.u32 $0xFFFFFFF0, v36  }
0x102: {  	v3 =	vor.u32 v3, v4  }
0x103: {  	v4 =	vperm.xlane v3, v0;
	_ =	sdelay $0x1  }
0x104: {  	v3 =	vperm.xlane v3, v2;
	v4 =	vadd.s32 v1, v4;
	_ =	sdelay $0x1  }
0x105: {  	v3 =	vadd.s32 v1, v3;
	_ =	sdelay $0x2  }
0x106: {  	[tilespmem:s22], [sflag:$0x2] =	stream.indirect_vreg.gather [hbm4b:s2+s3], $0x80, v4, vm0, $0xb8;
	[tilespmem:$0x8800] =	vst v63  }
0x107: {  	_ = 	snop  }
0x108: {  	[tilespmem:s23], [sflag:$0x2] =	stream.indirect_vreg.gather [hbm4b:s2+s3], $0x80, v3, vm0, $0xb8;
	[tilespmem:$0x8800] =	vst v63  }
0x109: {  	v3 =	vld [tilespmem:$0x290];
	_ =	sdelay $0x4  }
0x10a: {  	v37 =	vshll.u32 v3, $0x1  }
0x10b: {  	v3 =	vand.u32 $0x7, v3;
	v4 =	vand.u32 $0xFFFFFFF0, v37  }
0x10c: {  	v3 =	vor.u32 v3, v4  }
0x10d: {  	v4 =	vperm.xlane v3, v0;
	_ =	sdelay $0x1  }
0x10e: {  	v3 =	vperm.xlane v3, v2;
	v4 =	vadd.s32 v1, v4;
	_ =	sdelay $0x1  }
0x10f: {  	v3 =	vadd.s32 v1, v3;
	_ =	sdelay $0x2  }
0x110: {  	[tilespmem:s24], [sflag:$0x2] =	stream.indirect_vreg.gather [hbm4b:s2+s3], $0x80, v4, vm0, $0xb8;
	[tilespmem:$0x8800] =	vst v63  }
0x111: {  	_ = 	snop  }
0x112: {  	[tilespmem:s25], [sflag:$0x2] =	stream.indirect_vreg.gather [hbm4b:s2+s3], $0x80, v3, vm0, $0xb8;
	[tilespmem:$0x8800] =	vst v63  }
0x113: {  	v3 =	vld [tilespmem:$0x2A0];
	_ =	sdelay $0x4  }
0x114: {  	v38 =	vshll.u32 v3, $0x1  }
0x115: {  	v3 =	vand.u32 $0x7, v3;
	v4 =	vand.u32 $0xFFFFFFF0, v38  }
0x116: {  	v3 =	vor.u32 v3, v4  }
0x117: {  	v4 =	vperm.xlane v3, v0;
	_ =	sdelay $0x1  }
0x118: {  	v3 =	vperm.xlane v3, v2;
	v4 =	vadd.s32 v1, v4;
	_ =	sdelay $0x1  }
0x119: {  	v3 =	vadd.s32 v1, v3;
	_ =	sdelay $0x2  }
0x11a: {  	[tilespmem:s26], [sflag:$0x2] =	stream.indirect_vreg.gather [hbm4b:s2+s3], $0x80, v4, vm0, $0xb8;
	[tilespmem:$0x8800] =	vst v63  }
0x11b: {  	_ = 	snop  }
0x11c: {  	[tilespmem:s28], [sflag:$0x2] =	stream.indirect_vreg.gather [hbm4b:s2+s3], $0x80, v3, vm0, $0xb8;
	[tilespmem:$0x8800] =	vst v63  }
0x11d: {  	v3 =	vld [tilespmem:$0x2B0];
	_ =	sdelay $0x4  }
0x11e: {  	v39 =	vshll.u32 v3, $0x1  }
0x11f: {  	v3 =	vand.u32 $0x7, v3;
	v4 =	vand.u32 $0xFFFFFFF0, v39  }
0x120: {  	v3 =	vor.u32 v3, v4  }
0x121: {  	v4 =	vperm.xlane v3, v0;
	_ =	sdelay $0x1  }
0x122: {  	v3 =	vperm.xlane v3, v2;
	v4 =	vadd.s32 v1, v4;
	_ =	sdelay $0x1  }
0x123: {  	v3 =	vadd.s32 v1, v3;
	_ =	sdelay $0x2  }
0x124: {  	[tilespmem:s29], [sflag:$0x2] =	stream.indirect_vreg.gather [hbm4b:s2+s3], $0x80, v4, vm0, $0xb8;
	[tilespmem:$0x8800] =	vst v63  }
0x125: {  	_ = 	snop  }
0x126: {  	[tilespmem:s30], [sflag:$0x2] =	stream.indirect_vreg.gather [hbm4b:s2+s3], $0x80, v3, vm0, $0xb8;
	[tilespmem:$0x8800] =	vst v63  }
0x127: {  	_ =	swait.ge [sflag:s31], $0x4000  }
0x128: {  	[sflag:s31] =	ssyncset.done $0x0  }
0x129: {  	s0 =	rddreg [dreg:$0x8];
	[sflag:s31] =	ssyncadd.s32 $0xFFFFC000  }
0x12a: {  	[hbm4b:s0+s3] =	stream.linear.scatter [tilespmem:s14], [sflag:$0x3], $0x4000, $0x38;
	[tilespmem:$0x8800] =	vst v63  }
0x12b: {  	_ =	swait.ge [sflag:s13], $0x4000  }
0x12c: {  	[sflag:s13] =	ssyncset.done $0x0  }
0x12d: {  	[sflag:s13] =	ssyncadd.s32 $0xFFFFC000  }
0x12e: {  	v3 =	vld [tilespmem:$0x300];
	_ =	sdelay $0x4  }
0x12f: {  	v40 =	vshll.u32 v3, $0x1  }
0x130: {  	v3 =	vand.u32 $0x7, v3;
	v4 =	vand.u32 $0xFFFFFFF0, v40  }
0x131: {  	v3 =	vor.u32 v3, v4  }
0x132: {  	v4 =	vperm.xlane v3, v0;
	_ =	sdelay $0x1  }
0x133: {  	v3 =	vperm.xlane v3, v2;
	v4 =	vadd.s32 v1, v4;
	_ =	sdelay $0x1  }
0x134: {  	v3 =	vadd.s32 v1, v3;
	_ =	sdelay $0x2  }
0x135: {  	[tilespmem:s14], [sflag:$0x1] =	stream.indirect_vreg.gather [hbm4b:s2+s3], $0x80, v4, vm0, $0xb8;
	[tilespmem:$0x8800] =	vst v63  }
0x136: {  	_ = 	snop  }
0x137: {  	[tilespmem:s15], [sflag:$0x1] =	stream.indirect_vreg.gather [hbm4b:s2+s3], $0x80, v3, vm0, $0xb8;
	[tilespmem:$0x8800] =	vst v63  }
0x138: {  	v3 =	vld [tilespmem:$0x310];
	_ =	sdelay $0x4  }
0x139: {  	v41 =	vshll.u32 v3, $0x1  }
0x13a: {  	v3 =	vand.u32 $0x7, v3;
	v4 =	vand.u32 $0xFFFFFFF0, v41  }
0x13b: {  	v3 =	vor.u32 v3, v4  }
0x13c: {  	v4 =	vperm.xlane v3, v0;
	_ =	sdelay $0x1  }
0x13d: {  	v3 =	vperm.xlane v3, v2;
	v4 =	vadd.s32 v1, v4;
	_ =	sdelay $0x1  }
0x13e: {  	v3 =	vadd.s32 v1, v3;
	_ =	sdelay $0x2  }
0x13f: {  	[tilespmem:s16], [sflag:$0x1] =	stream.indirect_vreg.gather [hbm4b:s2+s3], $0x80, v4, vm0, $0xb8;
	[tilespmem:$0x8800] =	vst v63  }
0x140: {  	_ = 	snop  }
0x141: {  	[tilespmem:s17], [sflag:$0x1] =	stream.indirect_vreg.gather [hbm4b:s2+s3], $0x80, v3, vm0, $0xb8;
	[tilespmem:$0x8800] =	vst v63  }
0x142: {  	v3 =	vld [tilespmem:$0x320];
	_ =	sdelay $0x4  }
0x143: {  	v42 =	vshll.u32 v3, $0x1  }
0x144: {  	v3 =	vand.u32 $0x7, v3;
	v4 =	vand.u32 $0xFFFFFFF0, v42  }
0x145: {  	v3 =	vor.u32 v3, v4  }
0x146: {  	v4 =	vperm.xlane v3, v0;
	_ =	sdelay $0x1  }
0x147: {  	v3 =	vperm.xlane v3, v2;
	v4 =	vadd.s32 v1, v4;
	_ =	sdelay $0x1  }
0x148: {  	v3 =	vadd.s32 v1, v3;
	_ =	sdelay $0x2  }
0x149: {  	[tilespmem:s18], [sflag:$0x1] =	stream.indirect_vreg.gather [hbm4b:s2+s3], $0x80, v4, vm0, $0xb8;
	[tilespmem:$0x8800] =	vst v63  }
0x14a: {  	_ = 	snop  }
0x14b: {  	[tilespmem:s19], [sflag:$0x1] =	stream.indirect_vreg.gather [hbm4b:s2+s3], $0x80, v3, vm0, $0xb8;
	[tilespmem:$0x8800] =	vst v63  }
0x14c: {  	v3 =	vld [tilespmem:$0x330];
	_ =	sdelay $0x4  }
0x14d: {  	v43 =	vshll.u32 v3, $0x1  }
0x14e: {  	v3 =	vand.u32 $0x7, v3;
	v4 =	vand.u32 $0xFFFFFFF0, v43  }
0x14f: {  	v3 =	vor.u32 v3, v4  }
0x150: {  	v4 =	vperm.xlane v3, v0;
	_ =	sdelay $0x1  }
0x151: {  	v3 =	vperm.xlane v3, v2;
	v4 =	vadd.s32 v1, v4;
	_ =	sdelay $0x1  }
0x152: {  	v3 =	vadd.s32 v1, v3;
	_ =	sdelay $0x2  }
0x153: {  	[tilespmem:s20], [sflag:$0x1] =	stream.indirect_vreg.gather [hbm4b:s2+s3], $0x80, v4, vm0, $0xb8;
	[tilespmem:$0x8800] =	vst v63  }
0x154: {  	_ = 	snop  }
0x155: {  	[tilespmem:s21], [sflag:$0x1] =	stream.indirect_vreg.gather [hbm4b:s2+s3], $0x80, v3, vm0, $0xb8;
	[tilespmem:$0x8800] =	vst v63  }
0x156: {  	_ =	swait.ge [sflag:s1], $0x4000  }
0x157: {  	[sflag:s1] =	ssyncset.done $0x0  }
0x158: {  	[sflag:s1] =	ssyncadd.s32 $0xFFFFC000  }
0x159: {  	[hbm4b:s5+s3] =	stream.linear.scatter [tilespmem:s22], [sflag:$0x3], $0x4000, $0x38;
	[tilespmem:$0x8800] =	vst v63  }
0x15a: {  	_ =	swait.ge [sflag:s13], $0x4000  }
0x15b: {  	[sflag:s13] =	ssyncset.done $0x0  }
0x15c: {  	[sflag:s13] =	ssyncadd.s32 $0xFFFFC000  }
0x15d: {  	v3 =	vld [tilespmem:$0x380];
	_ =	sdelay $0x4  }
0x15e: {  	v44 =	vshll.u32 v3, $0x1  }
0x15f: {  	v3 =	vand.u32 $0x7, v3;
	v4 =	vand.u32 $0xFFFFFFF0, v44  }
0x160: {  	v3 =	vor.u32 v3, v4  }
0x161: {  	v4 =	vperm.xlane v3, v0;
	_ =	sdelay $0x1  }
0x162: {  	v3 =	vperm.xlane v3, v2;
	v4 =	vadd.s32 v1, v4;
	_ =	sdelay $0x1  }
0x163: {  	v3 =	vadd.s32 v1, v3;
	_ =	sdelay $0x2  }
0x164: {  	[tilespmem:s22], [sflag:$0x2] =	stream.indirect_vreg.gather [hbm4b:s2+s3], $0x80, v4, vm0, $0xb8;
	[tilespmem:$0x8800] =	vst v63  }
0x165: {  	_ = 	snop  }
0x166: {  	[tilespmem:s23], [sflag:$0x2] =	stream.indirect_vreg.gather [hbm4b:s2+s3], $0x80, v3, vm0, $0xb8;
	[tilespmem:$0x8800] =	vst v63  }
0x167: {  	v3 =	vld [tilespmem:$0x390];
	_ =	sdelay $0x4  }
0x168: {  	v45 =	vshll.u32 v3, $0x1  }
0x169: {  	v3 =	vand.u32 $0x7, v3;
	v4 =	vand.u32 $0xFFFFFFF0, v45  }
0x16a: {  	v3 =	vor.u32 v3, v4  }
0x16b: {  	v4 =	vperm.xlane v3, v0;
	_ =	sdelay $0x1  }
0x16c: {  	v3 =	vperm.xlane v3, v2;
	v4 =	vadd.s32 v1, v4;
	_ =	sdelay $0x1  }
0x16d: {  	v3 =	vadd.s32 v1, v3;
	_ =	sdelay $0x2  }
0x16e: {  	[tilespmem:s24], [sflag:$0x2] =	stream.indirect_vreg.gather [hbm4b:s2+s3], $0x80, v4, vm0, $0xb8;
	[tilespmem:$0x8800] =	vst v63  }
0x16f: {  	_ = 	snop  }
0x170: {  	[tilespmem:s25], [sflag:$0x2] =	stream.indirect_vreg.gather [hbm4b:s2+s3], $0x80, v3, vm0, $0xb8;
	[tilespmem:$0x8800] =	vst v63  }
0x171: {  	v3 =	vld [tilespmem:$0x3A0];
	_ =	sdelay $0x4  }
0x172: {  	v46 =	vshll.u32 v3, $0x1  }
0x173: {  	v3 =	vand.u32 $0x7, v3;
	v4 =	vand.u32 $0xFFFFFFF0, v46  }
0x174: {  	v3 =	vor.u32 v3, v4  }
0x175: {  	v4 =	vperm.xlane v3, v0;
	_ =	sdelay $0x1  }
0x176: {  	v3 =	vperm.xlane v3, v2;
	v4 =	vadd.s32 v1, v4;
	_ =	sdelay $0x1  }
0x177: {  	v3 =	vadd.s32 v1, v3;
	_ =	sdelay $0x2  }
0x178: {  	[tilespmem:s26], [sflag:$0x2] =	stream.indirect_vreg.gather [hbm4b:s2+s3], $0x80, v4, vm0, $0xb8;
	[tilespmem:$0x8800] =	vst v63  }
0x179: {  	_ = 	snop  }
0x17a: {  	[tilespmem:s28], [sflag:$0x2] =	stream.indirect_vreg.gather [hbm4b:s2+s3], $0x80, v3, vm0, $0xb8;
	[tilespmem:$0x8800] =	vst v63  }
0x17b: {  	v3 =	vld [tilespmem:$0x3B0];
	_ =	sdelay $0x4  }
0x17c: {  	v47 =	vshll.u32 v3, $0x1  }
0x17d: {  	v3 =	vand.u32 $0x7, v3;
	v4 =	vand.u32 $0xFFFFFFF0, v47  }
0x17e: {  	v3 =	vor.u32 v3, v4  }
0x17f: {  	v4 =	vperm.xlane v3, v0;
	_ =	sdelay $0x1  }
0x180: {  	v3 =	vperm.xlane v3, v2;
	v4 =	vadd.s32 v1, v4;
	_ =	sdelay $0x1  }
0x181: {  	v3 =	vadd.s32 v1, v3;
	_ =	sdelay $0x2  }
0x182: {  	[tilespmem:s29], [sflag:$0x2] =	stream.indirect_vreg.gather [hbm4b:s2+s3], $0x80, v4, vm0, $0xb8;
	[tilespmem:$0x8800] =	vst v63  }
0x183: {  	_ = 	snop  }
0x184: {  	[tilespmem:s30], [sflag:$0x2] =	stream.indirect_vreg.gather [hbm4b:s2+s3], $0x80, v3, vm0, $0xb8;
	[tilespmem:$0x8800] =	vst v63  }
0x185: {  	_ =	swait.ge [sflag:s31], $0x4000  }
0x186: {  	[sflag:s31] =	ssyncset.done $0x0  }
0x187: {  	[sflag:s31] =	ssyncadd.s32 $0xFFFFC000  }
0x188: {  	[hbm4b:s6+s3] =	stream.linear.scatter [tilespmem:s14], [sflag:$0x3], $0x4000, $0x38;
	[tilespmem:$0x8800] =	vst v63  }
0x189: {  	_ =	swait.ge [sflag:s13], $0x4000  }
0x18a: {  	[sflag:s13] =	ssyncset.done $0x0  }
0x18b: {  	[sflag:s13] =	ssyncadd.s32 $0xFFFFC000  }
0x18c: {  	v3 =	vld [tilespmem:$0x400];
	_ =	sdelay $0x4  }
0x18d: {  	v48 =	vshll.u32 v3, $0x1  }
0x18e: {  	v3 =	vand.u32 $0x7, v3;
	v4 =	vand.u32 $0xFFFFFFF0, v48  }
0x18f: {  	v3 =	vor.u32 v3, v4  }
0x190: {  	v4 =	vperm.xlane v3, v0;
	_ =	sdelay $0x1  }
0x191: {  	v3 =	vperm.xlane v3, v2;
	v4 =	vadd.s32 v1, v4;
	_ =	sdelay $0x1  }
0x192: {  	v3 =	vadd.s32 v1, v3;
	_ =	sdelay $0x2  }
0x193: {  	[tilespmem:s14], [sflag:$0x1] =	stream.indirect_vreg.gather [hbm4b:s2+s3], $0x80, v4, vm0, $0xb8;
	[tilespmem:$0x8800] =	vst v63  }
0x194: {  	_ = 	snop  }
0x195: {  	[tilespmem:s15], [sflag:$0x1] =	stream.indirect_vreg.gather [hbm4b:s2+s3], $0x80, v3, vm0, $0xb8;
	[tilespmem:$0x8800] =	vst v63  }
0x196: {  	v3 =	vld [tilespmem:$0x410];
	_ =	sdelay $0x4  }
0x197: {  	v49 =	vshll.u32 v3, $0x1  }
0x198: {  	v3 =	vand.u32 $0x7, v3;
	v4 =	vand.u32 $0xFFFFFFF0, v49  }
0x199: {  	v3 =	vor.u32 v3, v4  }
0x19a: {  	v4 =	vperm.xlane v3, v0;
	_ =	sdelay $0x1  }
0x19b: {  	v3 =	vperm.xlane v3, v2;
	v4 =	vadd.s32 v1, v4;
	_ =	sdelay $0x1  }
0x19c: {  	v3 =	vadd.s32 v1, v3;
	_ =	sdelay $0x2  }
0x19d: {  	[tilespmem:s16], [sflag:$0x1] =	stream.indirect_vreg.gather [hbm4b:s2+s3], $0x80, v4, vm0, $0xb8;
	[tilespmem:$0x8800] =	vst v63  }
0x19e: {  	_ = 	snop  }
0x19f: {  	[tilespmem:s17], [sflag:$0x1] =	stream.indirect_vreg.gather [hbm4b:s2+s3], $0x80, v3, vm0, $0xb8;
	[tilespmem:$0x8800] =	vst v63  }
0x1a0: {  	v3 =	vld [tilespmem:$0x420];
	_ =	sdelay $0x4  }
0x1a1: {  	v50 =	vshll.u32 v3, $0x1  }
0x1a2: {  	v3 =	vand.u32 $0x7, v3;
	v4 =	vand.u32 $0xFFFFFFF0, v50  }
0x1a3: {  	v3 =	vor.u32 v3, v4  }
0x1a4: {  	v4 =	vperm.xlane v3, v0;
	_ =	sdelay $0x1  }
0x1a5: {  	v3 =	vperm.xlane v3, v2;
	v4 =	vadd.s32 v1, v4;
	_ =	sdelay $0x1  }
0x1a6: {  	v3 =	vadd.s32 v1, v3;
	_ =	sdelay $0x2  }
0x1a7: {  	[tilespmem:s18], [sflag:$0x1] =	stream.indirect_vreg.gather [hbm4b:s2+s3], $0x80, v4, vm0, $0xb8;
	[tilespmem:$0x8800] =	vst v63  }
0x1a8: {  	_ = 	snop  }
0x1a9: {  	[tilespmem:s19], [sflag:$0x1] =	stream.indirect_vreg.gather [hbm4b:s2+s3], $0x80, v3, vm0, $0xb8;
	[tilespmem:$0x8800] =	vst v63  }
0x1aa: {  	v3 =	vld [tilespmem:$0x430];
	_ =	sdelay $0x4  }
0x1ab: {  	v51 =	vshll.u32 v3, $0x1  }
0x1ac: {  	v3 =	vand.u32 $0x7, v3;
	v4 =	vand.u32 $0xFFFFFFF0, v51  }
0x1ad: {  	v3 =	vor.u32 v3, v4  }
0x1ae: {  	v4 =	vperm.xlane v3, v0;
	_ =	sdelay $0x1  }
0x1af: {  	v3 =	vperm.xlane v3, v2;
	v4 =	vadd.s32 v1, v4;
	_ =	sdelay $0x1  }
0x1b0: {  	v3 =	vadd.s32 v1, v3;
	_ =	sdelay $0x2  }
0x1b1: {  	[tilespmem:s20], [sflag:$0x1] =	stream.indirect_vreg.gather [hbm4b:s2+s3], $0x80, v4, vm0, $0xb8;
	[tilespmem:$0x8800] =	vst v63  }
0x1b2: {  	_ = 	snop  }
0x1b3: {  	[tilespmem:s21], [sflag:$0x1] =	stream.indirect_vreg.gather [hbm4b:s2+s3], $0x80, v3, vm0, $0xb8;
	[tilespmem:$0x8800] =	vst v63  }
0x1b4: {  	_ =	swait.ge [sflag:s1], $0x4000  }
0x1b5: {  	[sflag:s1] =	ssyncset.done $0x0  }
0x1b6: {  	[sflag:s1] =	ssyncadd.s32 $0xFFFFC000  }
0x1b7: {  	[hbm4b:s7+s3] =	stream.linear.scatter [tilespmem:s22], [sflag:$0x3], $0x4000, $0x38;
	[tilespmem:$0x8800] =	vst v63  }
0x1b8: {  	_ =	swait.ge [sflag:s13], $0x4000  }
0x1b9: {  	[sflag:s13] =	ssyncset.done $0x0  }
0x1ba: {  	[sflag:s13] =	ssyncadd.s32 $0xFFFFC000  }
0x1bb: {  	v3 =	vld [tilespmem:$0x480];
	_ =	sdelay $0x4  }
0x1bc: {  	v52 =	vshll.u32 v3, $0x1  }
0x1bd: {  	v3 =	vand.u32 $0x7, v3;
	v4 =	vand.u32 $0xFFFFFFF0, v52  }
0x1be: {  	v3 =	vor.u32 v3, v4  }
0x1bf: {  	v4 =	vperm.xlane v3, v0;
	_ =	sdelay $0x1  }
0x1c0: {  	v3 =	vperm.xlane v3, v2;
	v4 =	vadd.s32 v1, v4;
	_ =	sdelay $0x1  }
0x1c1: {  	v3 =	vadd.s32 v1, v3;
	_ =	sdelay $0x2  }
0x1c2: {  	[tilespmem:s22], [sflag:$0x2] =	stream.indirect_vreg.gather [hbm4b:s2+s3], $0x80, v4, vm0, $0xb8;
	[tilespmem:$0x8800] =	vst v63  }
0x1c3: {  	_ = 	snop  }
0x1c4: {  	[tilespmem:s23], [sflag:$0x2] =	stream.indirect_vreg.gather [hbm4b:s2+s3], $0x80, v3, vm0, $0xb8;
	[tilespmem:$0x8800] =	vst v63  }
0x1c5: {  	v3 =	vld [tilespmem:$0x490];
	_ =	sdelay $0x4  }
0x1c6: {  	v53 =	vshll.u32 v3, $0x1  }
0x1c7: {  	v3 =	vand.u32 $0x7, v3;
	v4 =	vand.u32 $0xFFFFFFF0, v53  }
0x1c8: {  	v3 =	vor.u32 v3, v4  }
0x1c9: {  	v4 =	vperm.xlane v3, v0;
	_ =	sdelay $0x1  }
0x1ca: {  	v3 =	vperm.xlane v3, v2;
	v4 =	vadd.s32 v1, v4;
	_ =	sdelay $0x1  }
0x1cb: {  	v3 =	vadd.s32 v1, v3;
	_ =	sdelay $0x2  }
0x1cc: {  	[tilespmem:s24], [sflag:$0x2] =	stream.indirect_vreg.gather [hbm4b:s2+s3], $0x80, v4, vm0, $0xb8;
	[tilespmem:$0x8800] =	vst v63  }
0x1cd: {  	_ = 	snop  }
0x1ce: {  	[tilespmem:s25], [sflag:$0x2] =	stream.indirect_vreg.gather [hbm4b:s2+s3], $0x80, v3, vm0, $0xb8;
	[tilespmem:$0x8800] =	vst v63  }
0x1cf: {  	v3 =	vld [tilespmem:$0x4A0];
	_ =	sdelay $0x4  }
0x1d0: {  	v54 =	vshll.u32 v3, $0x1  }
0x1d1: {  	v3 =	vand.u32 $0x7, v3;
	v4 =	vand.u32 $0xFFFFFFF0, v54  }
0x1d2: {  	v3 =	vor.u32 v3, v4  }
0x1d3: {  	v4 =	vperm.xlane v3, v0;
	_ =	sdelay $0x1  }
0x1d4: {  	v3 =	vperm.xlane v3, v2;
	v4 =	vadd.s32 v1, v4;
	_ =	sdelay $0x1  }
0x1d5: {  	v3 =	vadd.s32 v1, v3;
	_ =	sdelay $0x2  }
0x1d6: {  	[tilespmem:s26], [sflag:$0x2] =	stream.indirect_vreg.gather [hbm4b:s2+s3], $0x80, v4, vm0, $0xb8;
	[tilespmem:$0x8800] =	vst v63  }
0x1d7: {  	_ = 	snop  }
0x1d8: {  	[tilespmem:s28], [sflag:$0x2] =	stream.indirect_vreg.gather [hbm4b:s2+s3], $0x80, v3, vm0, $0xb8;
	[tilespmem:$0x8800] =	vst v63  }
0x1d9: {  	v3 =	vld [tilespmem:$0x4B0];
	_ =	sdelay $0x4  }
0x1da: {  	v55 =	vshll.u32 v3, $0x1  }
0x1db: {  	v3 =	vand.u32 $0x7, v3;
	v4 =	vand.u32 $0xFFFFFFF0, v55  }
0x1dc: {  	v3 =	vor.u32 v3, v4  }
0x1dd: {  	v4 =	vperm.xlane v3, v0;
	_ =	sdelay $0x1  }
0x1de: {  	v3 =	vperm.xlane v3, v2;
	v4 =	vadd.s32 v1, v4;
	_ =	sdelay $0x1  }
0x1df: {  	v3 =	vadd.s32 v1, v3;
	_ =	sdelay $0x2  }
0x1e0: {  	[tilespmem:s29], [sflag:$0x2] =	stream.indirect_vreg.gather [hbm4b:s2+s3], $0x80, v4, vm0, $0xb8;
	[tilespmem:$0x8800] =	vst v63  }
0x1e1: {  	_ = 	snop  }
0x1e2: {  	[tilespmem:s30], [sflag:$0x2] =	stream.indirect_vreg.gather [hbm4b:s2+s3], $0x80, v3, vm0, $0xb8;
	[tilespmem:$0x8800] =	vst v63  }
0x1e3: {  	_ =	swait.ge [sflag:s31], $0x4000  }
0x1e4: {  	[sflag:s31] =	ssyncset.done $0x0  }
0x1e5: {  	[sflag:s31] =	ssyncadd.s32 $0xFFFFC000  }
0x1e6: {  	[hbm4b:s8+s3] =	stream.linear.scatter [tilespmem:s14], [sflag:$0x3], $0x4000, $0x38;
	[tilespmem:$0x8800] =	vst v63  }
0x1e7: {  	_ =	swait.ge [sflag:s13], $0x4000  }
0x1e8: {  	[sflag:s13] =	ssyncset.done $0x0  }
0x1e9: {  	[sflag:s13] =	ssyncadd.s32 $0xFFFFC000  }
0x1ea: {  	v3 =	vld [tilespmem:$0x500];
	_ =	sdelay $0x4  }
0x1eb: {  	v56 =	vshll.u32 v3, $0x1  }
0x1ec: {  	v3 =	vand.u32 $0x7, v3;
	v4 =	vand.u32 $0xFFFFFFF0, v56  }
0x1ed: {  	v3 =	vor.u32 v3, v4  }
0x1ee: {  	v4 =	vperm.xlane v3, v0;
	_ =	sdelay $0x1  }
0x1ef: {  	v3 =	vperm.xlane v3, v2;
	v4 =	vadd.s32 v1, v4;
	_ =	sdelay $0x1  }
0x1f0: {  	v3 =	vadd.s32 v1, v3;
	_ =	sdelay $0x2  }
0x1f1: {  	[tilespmem:s14], [sflag:$0x1] =	stream.indirect_vreg.gather [hbm4b:s2+s3], $0x80, v4, vm0, $0xb8;
	[tilespmem:$0x8800] =	vst v63  }
0x1f2: {  	_ = 	snop  }
0x1f3: {  	[tilespmem:s15], [sflag:$0x1] =	stream.indirect_vreg.gather [hbm4b:s2+s3], $0x80, v3, vm0, $0xb8;
	[tilespmem:$0x8800] =	vst v63  }
0x1f4: {  	v3 =	vld [tilespmem:$0x510];
	_ =	sdelay $0x4  }
0x1f5: {  	v57 =	vshll.u32 v3, $0x1  }
0x1f6: {  	v3 =	vand.u32 $0x7, v3;
	v4 =	vand.u32 $0xFFFFFFF0, v57  }
0x1f7: {  	v3 =	vor.u32 v3, v4  }
0x1f8: {  	v4 =	vperm.xlane v3, v0;
	_ =	sdelay $0x1  }
0x1f9: {  	v3 =	vperm.xlane v3, v2;
	v4 =	vadd.s32 v1, v4;
	_ =	sdelay $0x1  }
0x1fa: {  	v3 =	vadd.s32 v1, v3;
	_ =	sdelay $0x2  }
0x1fb: {  	[tilespmem:s16], [sflag:$0x1] =	stream.indirect_vreg.gather [hbm4b:s2+s3], $0x80, v4, vm0, $0xb8;
	[tilespmem:$0x8800] =	vst v63  }
0x1fc: {  	_ = 	snop  }
0x1fd: {  	[tilespmem:s17], [sflag:$0x1] =	stream.indirect_vreg.gather [hbm4b:s2+s3], $0x80, v3, vm0, $0xb8;
	[tilespmem:$0x8800] =	vst v63  }
0x1fe: {  	v3 =	vld [tilespmem:$0x520];
	_ =	sdelay $0x4  }
0x1ff: {  	v58 =	vshll.u32 v3, $0x1  }
0x200: {  	v3 =	vand.u32 $0x7, v3;
	v4 =	vand.u32 $0xFFFFFFF0, v58  }
0x201: {  	v3 =	vor.u32 v3, v4  }
0x202: {  	v4 =	vperm.xlane v3, v0;
	_ =	sdelay $0x1  }
0x203: {  	v3 =	vperm.xlane v3, v2;
	v4 =	vadd.s32 v1, v4;
	_ =	sdelay $0x1  }
0x204: {  	v3 =	vadd.s32 v1, v3;
	_ =	sdelay $0x2  }
0x205: {  	[tilespmem:s18], [sflag:$0x1] =	stream.indirect_vreg.gather [hbm4b:s2+s3], $0x80, v4, vm0, $0xb8;
	[tilespmem:$0x8800] =	vst v63  }
0x206: {  	_ = 	snop  }
0x207: {  	[tilespmem:s19], [sflag:$0x1] =	stream.indirect_vreg.gather [hbm4b:s2+s3], $0x80, v3, vm0, $0xb8;
	[tilespmem:$0x8800] =	vst v63  }
0x208: {  	v3 =	vld [tilespmem:$0x530];
	_ =	sdelay $0x4  }
0x209: {  	v59 =	vshll.u32 v3, $0x1  }
0x20a: {  	v3 =	vand.u32 $0x7, v3;
	v4 =	vand.u32 $0xFFFFFFF0, v59  }
0x20b: {  	v3 =	vor.u32 v3, v4  }
0x20c: {  	v4 =	vperm.xlane v3, v0;
	_ =	sdelay $0x1  }
0x20d: {  	v3 =	vperm.xlane v3, v2;
	v4 =	vadd.s32 v1, v4;
	_ =	sdelay $0x1  }
0x20e: {  	v3 =	vadd.s32 v1, v3;
	_ =	sdelay $0x2  }
0x20f: {  	[tilespmem:s20], [sflag:$0x1] =	stream.indirect_vreg.gather [hbm4b:s2+s3], $0x80, v4, vm0, $0xb8;
	[tilespmem:$0x8800] =	vst v63  }
0x210: {  	_ = 	snop  }
0x211: {  	[tilespmem:s21], [sflag:$0x1] =	stream.indirect_vreg.gather [hbm4b:s2+s3], $0x80, v3, vm0, $0xb8;
	[tilespmem:$0x8800] =	vst v63  }
0x212: {  	_ =	swait.ge [sflag:s1], $0x4000  }
0x213: {  	[sflag:s1] =	ssyncset.done $0x0  }
0x214: {  	[sflag:s1] =	ssyncadd.s32 $0xFFFFC000  }
0x215: {  	[hbm4b:s9+s3] =	stream.linear.scatter [tilespmem:s22], [sflag:$0x3], $0x4000, $0x38;
	[tilespmem:$0x8800] =	vst v63  }
0x216: {  	_ =	swait.ge [sflag:s13], $0x4000  }
0x217: {  	[sflag:s13] =	ssyncset.done $0x0  }
0x218: {  	[sflag:s13] =	ssyncadd.s32 $0xFFFFC000  }
0x219: {  	v3 =	vld [tilespmem:$0x580];
	_ =	sdelay $0x4  }
0x21a: {  	v60 =	vshll.u32 v3, $0x1  }
0x21b: {  	v3 =	vand.u32 $0x7, v3;
	v4 =	vand.u32 $0xFFFFFFF0, v60  }
0x21c: {  	v3 =	vor.u32 v3, v4  }
0x21d: {  	v4 =	vperm.xlane v3, v0;
	_ =	sdelay $0x1  }
0x21e: {  	v3 =	vperm.xlane v3, v2;
	v4 =	vadd.s32 v1, v4;
	_ =	sdelay $0x1  }
0x21f: {  	v3 =	vadd.s32 v1, v3;
	_ =	sdelay $0x2  }
0x220: {  	[tilespmem:s22], [sflag:$0x2] =	stream.indirect_vreg.gather [hbm4b:s2+s3], $0x80, v4, vm0, $0xb8;
	[tilespmem:$0x8800] =	vst v63  }
0x221: {  	_ = 	snop  }
0x222: {  	[tilespmem:s23], [sflag:$0x2] =	stream.indirect_vreg.gather [hbm4b:s2+s3], $0x80, v3, vm0, $0xb8;
	[tilespmem:$0x8800] =	vst v63  }
0x223: {  	v3 =	vld [tilespmem:$0x590];
	_ =	sdelay $0x4  }
0x224: {  	v61 =	vshll.u32 v3, $0x1  }
0x225: {  	v3 =	vand.u32 $0x7, v3;
	v4 =	vand.u32 $0xFFFFFFF0, v61  }
0x226: {  	v3 =	vor.u32 v3, v4  }
0x227: {  	v4 =	vperm.xlane v3, v0;
	_ =	sdelay $0x1  }
0x228: {  	v3 =	vperm.xlane v3, v2;
	v4 =	vadd.s32 v1, v4;
	_ =	sdelay $0x1  }
0x229: {  	v3 =	vadd.s32 v1, v3;
	_ =	sdelay $0x2  }
0x22a: {  	[tilespmem:s24], [sflag:$0x2] =	stream.indirect_vreg.gather [hbm4b:s2+s3], $0x80, v4, vm0, $0xb8;
	[tilespmem:$0x8800] =	vst v63  }
0x22b: {  	_ = 	snop  }
0x22c: {  	[tilespmem:s25], [sflag:$0x2] =	stream.indirect_vreg.gather [hbm4b:s2+s3], $0x80, v3, vm0, $0xb8;
	[tilespmem:$0x8800] =	vst v63  }
0x22d: {  	v3 =	vld [tilespmem:$0x5A0];
	_ =	sdelay $0x4  }
0x22e: {  	v62 =	vshll.u32 v3, $0x1  }
0x22f: {  	v3 =	vand.u32 $0x7, v3;
	v4 =	vand.u32 $0xFFFFFFF0, v62  }
0x230: {  	v3 =	vor.u32 v3, v4  }
0x231: {  	v4 =	vperm.xlane v3, v0;
	_ =	sdelay $0x1  }
0x232: {  	v3 =	vperm.xlane v3, v2;
	v4 =	vadd.s32 v1, v4;
	_ =	sdelay $0x1  }
0x233: {  	v3 =	vadd.s32 v1, v3;
	_ =	sdelay $0x2  }
0x234: {  	[tilespmem:s26], [sflag:$0x2] =	stream.indirect_vreg.gather [hbm4b:s2+s3], $0x80, v4, vm0, $0xb8;
	[tilespmem:$0x8800] =	vst v63  }
0x235: {  	_ = 	snop  }
0x236: {  	[tilespmem:s28], [sflag:$0x2] =	stream.indirect_vreg.gather [hbm4b:s2+s3], $0x80, v3, vm0, $0xb8;
	[tilespmem:$0x8800] =	vst v63  }
0x237: {  	v3 =	vld [tilespmem:$0x5B0];
	_ =	sdelay $0x4  }
0x238: {  	v63 =	vshll.u32 v3, $0x1  }
0x239: {  	v3 =	vand.u32 $0x7, v3;
	v4 =	vand.u32 $0xFFFFFFF0, v63  }
0x23a: {  	v3 =	vor.u32 v3, v4  }
0x23b: {  	v4 =	vperm.xlane v3, v0;
	_ =	sdelay $0x1  }
0x23c: {  	v3 =	vperm.xlane v3, v2;
	v4 =	vadd.s32 v1, v4;
	_ =	sdelay $0x1  }
0x23d: {  	v3 =	vadd.s32 v1, v3;
	_ =	sdelay $0x2  }
0x23e: {  	[tilespmem:s29], [sflag:$0x2] =	stream.indirect_vreg.gather [hbm4b:s2+s3], $0x80, v4, vm0, $0xb8;
	[tilespmem:$0x8800] =	vst v63  }
0x23f: {  	_ = 	snop  }
0x240: {  	[tilespmem:s30], [sflag:$0x2] =	stream.indirect_vreg.gather [hbm4b:s2+s3], $0x80, v3, vm0, $0xb8;
	[tilespmem:$0x8800] =	vst v63  }
0x241: {  	_ =	swait.ge [sflag:s31], $0x4000  }
0x242: {  	[sflag:s31] =	ssyncset.done $0x0  }
0x243: {  	[sflag:s31] =	ssyncadd.s32 $0xFFFFC000  }
0x244: {  	[hbm4b:s10+s3] =	stream.linear.scatter [tilespmem:s14], [sflag:$0x3], $0x4000, $0x38;
	[tilespmem:$0x8800] =	vst v63  }
0x245: {  	_ =	swait.ge [sflag:s13], $0x4000  }
0x246: {  	[sflag:s13] =	ssyncset.done $0x0  }
0x247: {  	[sflag:s13] =	ssyncadd.s32 $0xFFFFC000  }
0x248: {  	_ =	swait.ge [sflag:s1], $0x4000  }
0x249: {  	p0 =	sne.s32 s12, $0x1;
	[sflag:s1] =	ssyncset.done $0x0  }
.Ltmp0:
0x24a: {  	[sflag:s1] =	ssyncadd.s32 $0xFFFFC000;
	(pc) =	sbr.rel @p0 .LBB2_1-.Ltmp0, $4  }
0x24b: {  	[hbm4b:s11+s3] =	stream.linear.scatter [tilespmem:s22], [sflag:$0x3], $0x4000, $0x38;
	[tilespmem:$0x8800] =	vst v63  }
0x24c: {  	_ =	swait.ge [sflag:s13], $0x4000  }
0x24d: {  	[sflag:s13] =	ssyncset.done $0x0  }
0x24e: {  	s12 =	sadd.s32 $0xFFFFFFFF, s12;
	[sflag:s13] =	ssyncadd.s32 $0xFFFFC000  }
0x24f: {  	_ =	sfence.sel $0x180000  }
0x250: {  	[bflag:$0x0] =	sbarrier.arrive $0xFFFF  }
0x251: {  	_ =	strace $0x90000047  }
0x252: {  	s0 =	stileid.u32;
	[bflag:$0x2] =	sbarrier.arrive $0xFFFF  }
0x253: {  	p0 =	sne.s32 s0, $0x0;
	s0 =	rddreg [dreg:$0x3]  }
0x254: {  	s0 =	sadd.s32 @!p0 $0x100000, s0  }
0x255: {  	[sflag:s0] =	ssyncadd.tile.s32 @!p0 $0x1;
	_ =	shalt  }
.Lfunc_end2:
_tile_overlayer_lowered:
.L_overlay_start_2:
0x256: {  	(tag) =	ssettag $0x2  }
0x257: {  	s0 =	rddreg [dreg:$0x0];
	s2 =	stileid.u32  }
0x258: {  	s1 =	rddreg [dreg:$0x1];
	p0 =	sne.s32 s2, $0x0  }
0x259: {  	s3 =	rddreg [dreg:$0x2];
	[bflag:$0x3] =	sbarrier.arrive $0xFFFF;
	s2 =	simm.s32 @!p0 $0x1C03  }
0x25a: {  	[timem:s3], [sflag:s2] =	dma.local @!p0 [hbm:s0], s1  }
0x25b: {  	s0 =	simm.s32 @!p0 $0x3  }
0x25c: {  	_ =	swait.ge @!p0 [sflag:s0], s1  }
0x25d: {  	s1 =	ssub.s32 @!p0 $0x0, s1;
	[sflag:s0] =	ssyncset.done @!p0 $0x0  }
0x25e: {  	[sflag:s0] =	ssyncadd.s32 @!p0 s1  }
0x25f: {  	[bflag:$0x3] =	sbarrier.arrive $0xFFFF  }
0x260: {  	_ =	shalt  }

// kernel: kernel.9.cloned.1.call-start
scs
__scs_entry_jumppad:
0x0: {  	(pc) =	sbr.rel $0x88, $3  }
0x1: {  	(tag) =	ssettag $0x0;
	lr =	simm.s32 $0x1  }
0x2: {  	[smem:$0x3F9B] =	sst lr;
	_ =	strace $0xD0000000  }
0x3: {  	_ = 	snop  }
0x4: {  	_ = 	snop  }
0x5: {  	_ = 	snop  }
0x6: {  	_ = 	snop  }
0x7: {  	_ = 	snop  }
__scs_overlays_trampoline_lowered:
0x8: {  	[smem:$0x3FAA] =	sst s0  }
0x9: {  	[smem:$0x3FAB] =	sst s1  }
0xa: {  	[smem:$0x3FAC] =	sst s2  }
0xb: {  	[smem:$0x3FAD] =	sst s3  }
0xc: {  	[smem:$0x3FAE] =	sst s4  }
0xd: {  	[smem:$0x3FAF] =	sst s5  }
0xe: {  	[smem:$0x3FB0] =	sst s6  }
0xf: {  	[smem:$0x3FB1] =	sst s7  }
0x10: {  	[smem:$0x3FB2] =	sst s8  }
0x11: {  	[smem:$0x3FB3] =	sst s9;
	s0 =	simm.s32 @!p0 $0x0  }
0x12: {  	s1 =	sld [smem:$0x3F99];
	s0 =	simm.s32 @p0 $0x1  }
0x13: {  	[smem:$0x3FB4] =	sst s0;
	s0 =	simm.s32 @!p1 $0x0  }
0x14: {  	s2 =	sld [smem:$0x3F98];
	s0 =	simm.s32 @p1 $0x1  }
0x15: {  	[smem:$0x3FB5] =	sst s0;
	s0 =	simm.s32 @!p2 $0x0  }
0x16: {  	s3 =	sld [smem:$0x3FDB];
	s0 =	simm.s32 @p2 $0x1  }
0x17: {  	s4 =	simm.s32 $0x1BF5;
	[smem:$0x3FB7] =	sst s0  }
0x18: {  	s0 =	sld [smem:$0x3F9A];
	_ =	swait.ge [sflag:s4], $0x0  }
0x19: {  	s7 =	sld [smem:$0x3F9B]  }
0x1a: {  	s8 =	sadd.s32 $0xFFFFE003, lr  }
0x1b: {  	s9 =	sadd.s32 $0xFFFFFEF7, lr;
	s5 =	simm.s32 $0xFFFFFFFF;
	p2 =	slt.u32 s8, $0xFFFFF086  }
0x1c: {  	p1 =	slt.u32 s9, $0xF7A;
	s5 =	simm.s32 @!p2 $0x0  }
0x1d: {  	s5 =	simm.s32 @p1 $0x1;
	p0 =	seq.s32 s7, s2  }
0x1e: {  	s7 =	smul.u32 @!p0 $0xF7A, s2;
	p2 =	seq.s32 @!p0 s5, $0x0  }
0x1f: {  	s9 =	smul.u32 $0xF7A, s1;
	s8 =	simm.s32 @!p0 $0x1BF5;
	p2 =	por !p2, p0  }
0x20: {  	[sflag:s8] =	ssyncset.s32 @!p0 $0xFFFFF086;
	s6 =	sadd.s32 @!p0 s3, s7;
	s7 =	simm.s32 @!p0 $0x108  }
0x21: {  	s3 =	sadd.s32 s3, s9;
	s6 =	sadd.s32 @!p0 $0x88, s6;
	s7 =	simm.s32 @p2 $0x1082  }
0x22: {  	[simem:s7], [sflag:s8] =	dma.local @!p0 [hbm:s6], $0xF7A  }
0x23: {  	s9 =	sor.u32 $0xD0000000, s2;
	s6 =	simm.s32 $0x108;
	_ =	swait.ge @!p0 [sflag:s8], $0x0  }
0x24: {  	s3 =	sadd.s32 $0x88, s3;
	s6 =	simm.s32 @!p1 $0x1082;
	[sflag:s4] =	ssyncset.s32 $0xFFFFF086  }
0x25: {  	[simem:s6], [sflag:s4] =	dma.local [hbm:s3], $0xF7A  }
0x26: {  	[smem:$0x3F9B] =	sst s1;
	(tag) =	ssettag s2;
	_ =	strace s9  }
0x27: {  	s1 =	sld [smem:$0x3FAB]  }
0x28: {  	s2 =	sld [smem:$0x3FAC]  }
0x29: {  	s4 =	sld [smem:$0x3FAE]  }
0x2a: {  	p0 =	seq.s32 s5, $0x0;
	s5 =	sld [smem:$0x3FAF]  }
0x2b: {  	s6 =	sld [smem:$0x3FB0]  }
0x2c: {  	s7 =	sld [smem:$0x3FB1]  }
0x2d: {  	s3 =	simm.s32 $0x108;
	s8 =	sld [smem:$0x3FB2]  }
0x2e: {  	s3 =	simm.s32 @!p0 $0x1082;
	s9 =	sld [smem:$0x3FB3]  }
0x2f: {  	lr =	sadd.s32 s0, s3;
	s0 =	sld [smem:$0x3FAA]  }
0x30: {  	s3 =	sld [smem:$0x3FAD]  }
0x31: {  	[smem:$0x3FB6] =	sst s10  }
0x32: {  	s10 =	sld [smem:$0x3FB4];
	_ =	sdelay $0x3  }
0x33: {  	p0 =	seq.s32 s10, $0x1;
	s10 =	sld [smem:$0x3FB6];
	_ =	sdelay $0x3  }
0x34: {  	[smem:$0x3FB6] =	sst s10  }
0x35: {  	s10 =	sld [smem:$0x3FB5];
	_ =	sdelay $0x3  }
0x36: {  	p1 =	seq.s32 s10, $0x1;
	s10 =	sld [smem:$0x3FB6];
	_ =	sdelay $0x3  }
0x37: {  	[smem:$0x3FB6] =	sst s10  }
0x38: {  	s10 =	sld [smem:$0x3FB7]  }
0x39: {  	_ = 	snop;
	(pc) =	sbr.ind lr, $3  }
0x3a: {  	_ = 	snop  }
0x3b: {  	_ = 	snop  }
0x3c: {  	p2 =	seq.s32 s10, $0x1;
	s10 =	sld [smem:$0x3FB6]  }
0x3d: {  	_ =	shalt  }
0x3e: {  	_ =	shalt  }
0x3f: {  	_ =	shalt  }
0x40: {  	_ =	shalt  }
0x41: {  	_ =	shalt  }
0x42: {  	_ =	shalt  }
0x43: {  	_ =	shalt  }
0x44: {  	_ =	shalt  }
0x45: {  	_ =	shalt  }
0x46: {  	_ =	shalt  }
0x47: {  	_ =	shalt  }
0x48: {  	_ =	shalt  }
0x49: {  	_ =	shalt  }
0x4a: {  	_ =	shalt  }
0x4b: {  	_ =	shalt  }
0x4c: {  	_ =	shalt  }
0x4d: {  	_ =	shalt  }
0x4e: {  	_ =	shalt  }
0x4f: {  	_ =	shalt  }
0x50: {  	_ =	shalt  }
0x51: {  	_ =	shalt  }
0x52: {  	_ =	shalt  }
0x53: {  	_ =	shalt  }
0x54: {  	_ =	shalt  }
0x55: {  	_ =	shalt  }
0x56: {  	_ =	shalt  }
0x57: {  	_ =	shalt  }
0x58: {  	_ =	shalt  }
0x59: {  	_ =	shalt  }
0x5a: {  	_ =	shalt  }
0x5b: {  	_ =	shalt  }
0x5c: {  	_ =	shalt  }
0x5d: {  	_ =	shalt  }
0x5e: {  	_ =	shalt  }
0x5f: {  	_ =	shalt  }
0x60: {  	_ =	shalt  }
0x61: {  	_ =	shalt  }
0x62: {  	_ =	shalt  }
0x63: {  	_ =	shalt  }
0x64: {  	_ =	shalt  }
0x65: {  	_ =	shalt  }
0x66: {  	_ =	shalt  }
0x67: {  	_ =	shalt  }
0x68: {  	_ =	shalt  }
0x69: {  	_ =	shalt  }
0x6a: {  	_ =	shalt  }
0x6b: {  	_ =	shalt  }
0x6c: {  	_ =	shalt  }
0x6d: {  	_ =	shalt  }
0x6e: {  	_ =	shalt  }
0x6f: {  	_ =	shalt  }
0x70: {  	_ =	shalt  }
0x71: {  	_ =	shalt  }
0x72: {  	_ =	shalt  }
0x73: {  	_ =	shalt  }
0x74: {  	_ =	shalt  }
0x75: {  	_ =	shalt  }
0x76: {  	_ =	shalt  }
0x77: {  	_ =	shalt  }
0x78: {  	_ =	shalt  }
0x79: {  	_ =	shalt  }
0x7a: {  	_ =	shalt  }
0x7b: {  	_ =	shalt  }
0x7c: {  	_ =	shalt  }
0x7d: {  	_ =	shalt  }
0x7e: {  	_ =	shalt  }
0x7f: {  	_ =	shalt  }
0x80: {  	_ =	shalt  }
0x81: {  	_ =	shalt  }
0x82: {  	_ =	shalt  }
0x83: {  	_ =	shalt  }
0x84: {  	_ =	shalt  }
0x85: {  	_ =	shalt  }
0x86: {  	_ =	shalt  }
0x87: {  	_ =	shalt  }
.Lfunc_end0:
.L_simem_size_0:
called_computation.1_lowered:
.L_overlay_start_0:
0x88: {  	s2 =	sld [smem:$0x3FD9]  }
0x89: {  	s3 =	sld [smem:$0x3FFE];
	_ =	sdelay $0x1  }
0x8a: {  	s1 =	srdreg.scid  }
0x8b: {  	s0 =	sand.u32 $0x1, s1  }
0x8c: {  	s17 =	sshll.u32 s0, $0xA;
	s2 =	sadd.s32 s3, s2  }
0x8d: {  	s2 =	sadd.s32 s2, s17  }
0x8e: {  	[smem:$0x3FC2] =	sst s2  }
0x8f: {  	_ = 	snop  }
0x90: {  	s18 =	sld [smem:$0x3FC8];
	(tm) =	ssettm $0x1  }
0x91: {  	s19 =	sld [smem:$0x3FFB];
	_ =	sdelay $0x3  }
0x92: {  	_ =	strace s19  }
0x93: {  	s2 =	sld [smem:$0x3FFC];
	_ =	sdelay $0x3  }
0x94: {  	_ =	strace s2  }
0x95: {  	s2 =	sld [smem:$0x3FFD];
	_ =	sdelay $0x3  }
0x96: {  	_ =	strace s2  }
0x97: {  	_ =	strace $0x8FFFFFFF  }
0x98: {  	s20 =	sld [smem:$0x3FDB];
	_ =	sdelay $0x1  }
0x99: {  	s4 =	simm.s32 $_scs_section_size  }
0x9a: {  	s5 =	simm.s32 $_size__tile_overlayer_lowered;
	s6 =	simm.s32 $_tile_overlayer_lowered  }
0x9b: {  	s7 =	simm.s32 $0x1BFF;
	s21 =	sshll.u32 s6, $0x1;
	s4 =	sadd.s32 s4, s20  }
0x9c: {  	s22 =	simm.s32 $0x0;
	s5 =	sshll.u32 s5, $0x1;
	s6 =	sadd.s32 s21, s4  }
0x9d: {  	[timem:s22], [sflag:s7] =	dma.local [hbm:s6], s5  }
0x9e: {  	_ =	swait.ge [sflag:s7], s5  }
0x9f: {  	s5 =	ssub.s32 $0x0, s5;
	[sflag:s7] =	ssyncset.done $0x0  }
0xa0: {  	[sflag:s7] =	ssyncadd.s32 s5;
	_ =	sdelay $0x1  }
0xa1: {  	s23 =	simm.s32 $0x1B8B  }
0xa2: {  	_ =	swait.ge [sflag:s23], $0x1  }
0xa3: {  	[sflag:s23] =	ssyncset.done $0x0  }
0xa4: {  	[sflag:s23] =	ssyncadd.s32 $0xFFFFFFFF  }
0xa5: {  	s5 =	sld [smem:$0x0]  }
0xa6: {  	s6 =	sand.u32 $0xFFFFFFFE, s1  }
0xa7: {  	p0 =	sne.s32 s1, s6  }
0xa8: {  	s6 =	sshll.u32 @p0 s6, $0xE  }
0xa9: {  	s6 =	sadd.s32 @p0 $0x11B8D, s6;
	s7 =	sshll.u32 @p0 s5, $0x11  }
0xaa: {  	s6 =	sor.u32 @p0 s7, s6  }
0xab: {  	[sflag:s6] =	ssyncadd.remote.s32 @p0 $0x1;
	_ =	sdelay $0x1  }
0xac: {  	s6 =	simm.s32 @p0 $0x1B8D  }
0xad: {  	_ =	swait.eq @p0 [sflag:s6], $0x1  }
0xae: {  	[sflag:s6] =	ssyncadd.s32 @p0 $0xFFFFFFFF  }
0xaf: {  	s7 =	sshll.u32 @!p0 s1, $0xE  }
0xb0: {  	s7 =	sor.u32 @!p0 $0x4000, s7;
	s6 =	simm.s32 @!p0 $0x1B8D  }
0xb1: {  	s5 =	sshll.u32 @!p0 s5, $0x11;
	s7 =	sadd.s32 @!p0 $0x11B8D, s7;
	_ =	swait.eq @!p0 [sflag:s6], $0x1  }
0xb2: {  	s5 =	sor.u32 @!p0 s5, s7;
	[sflag:s6] =	ssyncadd.s32 @!p0 $0xFFFFFFFF  }
0xb3: {  	s25 =	simm.s32 $0x1B8E;
	s24 =	sld [smem:$0x3FFE];
	[sflag:s5] =	ssyncadd.remote.s32 @!p0 $0x1  }
0xb4: {  	s26 =	simm.s32 $execute0_lowered;
	[smem:$0x3FD2] =	sst s25  }
0xb5: {  	s6 =	sshll.u32 s26, $0x1;
	_ =	strace $0x80000049;
	[dreg:$0x1] =	wrdreg $0xFFFFFFFF  }
0xb6: {  	s28 =	simm.s32 $_size_execute0_lowered;
	s4 =	sadd.s32 s4, s6;
	[dreg:$0x0] =	wrdreg $0x0  }
0xb7: {  	s6 =	sshll.u32 s28, $0x1;
	[dreg:$0x2] =	wrdreg s4  }
0xb8: {  	[dreg:$0x3] =	wrdreg s6  }
0xb9: {  	[dreg:$0x4] =	wrdreg $0xC0  }
0xba: {  	_ =	task [dreg:s22], $0x5FFFF  }
0xbb: {  	[dreg:$0x1] =	wrdreg $0xFFFFFFFF  }
0xbc: {  	[dreg:$0x0] =	wrdreg $0x60  }
0xbd: {  	[dreg:$0x2] =	wrdreg s24  }
0xbe: {  	[dreg:$0x3] =	wrdreg s18  }
0xbf: {  	[dreg:$0x4] =	wrdreg $0xA  }
0xc0: {  	_ =	task.clear_ibuf [dreg:s22], $0x5FFFF;
	_ =	strace $0x90000049  }
0xc1: {  	s29 =	simm.s32 $0xA;
	_ =	strace $0x8000004B  }
0xc2: {  	_ =	swait.ge [sflag:s29], $0x1  }
0xc3: {  	[sflag:s29] =	ssyncadd.s32 $0xFFFFFFFF  }
0xc4: {  	_ =	strace $0x9000004B  }
0xc5: {  	_ =	sfence  }
0xc6: {  	s30 =	sld [smem:$0x0];
	_ =	sdelay $0x2  }
0xc7: {  	s31 =	sshll.u32 s1, $0xD;
	s1 =	sshrl.u32 s1, $0x2  }
0xc8: {  	s4 =	sand.u32 $0x4000, s31;
	s1 =	sadd.s32 s1, s30  }
0xc9: {  	s0 =	sor.u32 s4, s0;
	s1 =	sshll.u32 s1, $0x11  }
0xca: {  	s0 =	sor.u32 s1, s0  }
0xcb: {  	s0 =	sadd.s32 $0x8F2B, s0  }
0xcc: {  	[sflag:s0] =	ssyncadd.remote.s32 $0x1  }
0xcd: {  	_ =	sfence.sel $0xFFFF  }
0xce: {  	[dreg:$0x0] =	wrdreg $0xFFFFFFFF;
	(pc) =	sbr.abs _section_cstart, $3  }
0xcf: {  	[dreg:$0x1] =	wrdreg $0xFFFFFFFF  }
0xd0: {  	_ =	task.clear_ibuf [dreg:s22], $0x2FFFF;
	_ =	strace $0x9FFFFFFF  }
0xd1: {  	(tm) =	ssettm $0x7FFFFFFF  }
tec
execute0_lowered:
.L_overlay_start_1:
0x0: {  	(tag) =	ssettag $0x1  }
0x1: {  	s1 =	rddreg [dreg:$0x0]  }
0x2: {  	s3 =	srdreg.scid;
	s0 =	stileid.u32  }
0x3: {  	s2 =	rddreg [dreg:$0x1];
	s13 =	simm.s32 $0x3;
	s14 =	simm.s32 $0x800  }
0x4: {  	s15 =	simm.s32 $0x1000;
	s16 =	simm.s32 $0x1800;
	s17 =	simm.s32 $0x2000  }
0x5: {  	s18 =	simm.s32 $0x2800;
	s19 =	simm.s32 $0x3000;
	s20 =	simm.s32 $0x3800  }
0x6: {  	s21 =	simm.s32 $0x4000;
	s28 =	simm.s32 $0x7000;
	s29 =	simm.s32 $0x7800  }
0x7: {  	s30 =	simm.s32 $0x8000;
	s4 =	sand.u32 $0x1, s3;
	s5 =	sshll.u32 s0, $0x1  }
0x8: {  	s31 =	simm.s32 $0x1;
	s3 =	simm.s32 $0x0;
	s5 =	sor.u32 s4, s5  }
0x9: {  	[smem:$0x7FF] =	sst s3;
	s4 =	ssub.s32 $0x2, s4;
	s7 =	smul.u32 $0x34000, s5  }
0xa: {  	s6 =	sshll.u32 s5, $0x8;
	_ =	strace $0x8000004A;
	s5 =	smul.u32 $0x6800, s5  }
0xb: {  	s25 =	sshrl.u32 s4, $0x1;
	s6 =	sadd.s32 s6, s1;
	s1 =	sadd.s32 $0xC3200, s1  }
0xc: {  	s12 =	ssub.s32 s4, s25;
	s25 =	simm.s32 $0x6000;
	s6 =	sadd.s32 $0xC1200, s6  }
0xd: {  	s7 =	sshrl.u32 s7, $0x3;
	s5 =	sadd.s32 s1, s5;
	[dreg:$0x3] =	wrdreg s6  }
0xe: {  	s12 =	smax.u32 s12, $0x1;
	s1 =	sadd.s32 s1, s7;
	[dreg:$0x4] =	wrdreg s5  }
0xf: {  	s22 =	sadd.s32 $0x800, s1;
	s23 =	sadd.s32 $0x1000, s1;
	s24 =	sadd.s32 $0x1800, s1  }
0x10: {  	s26 =	sadd.s32 $0x2000, s1;
	s4 =	sadd.s32 $0x2800, s1;
	s5 =	sadd.s32 $0x3000, s1  }
0x11: {  	s6 =	sadd.s32 $0x3800, s1;
	s7 =	sadd.s32 $0x4000, s1;
	[dreg:$0x5] =	wrdreg s22  }
0x12: {  	s8 =	sadd.s32 $0x4800, s1;
	s9 =	sadd.s32 $0x5000, s1;
	[dreg:$0x6] =	wrdreg s23  }
0x13: {  	v2 =	vlaneseq.u32;
	s10 =	sadd.s32 $0x5800, s1;
	s11 =	sadd.s32 $0x6000, s1;
	[dreg:$0x7] =	wrdreg s24  }
0x14: {  	vm0 =	vmmov $0xffff;
	v1 =	vshrl.u32 v2, $0x3;
	s1 =	simm.s32 $0x2;
	[dreg:$0x8] =	wrdreg s26;
	s22 =	simm.s32 $0x4800  }
0x15: {  	v0 =	vand.u32 $0x7, v2;
	v2 =	vor.u32 $0x8, v2;
	v1 =	vmul.u32 $0x8, v1;
	s23 =	simm.s32 $0x5000;
	s24 =	simm.s32 $0x5800;
	s26 =	simm.s32 $0x6800  }
.LBB2_1:
0x16: {  	s0 =	rddreg [dreg:$0x3]  }
0x17: {  	[tilespmem:s3], [sflag:$0x3] =	stream.linear.gather [hbm4b:s0+s3], $0x680, $0x38;
	[tilespmem:$0x8800] =	vst v63  }
0x18: {  	_ =	swait.ge [sflag:s13], $0x680  }
0x19: {  	[sflag:s13] =	ssyncset.done $0x0  }
0x1a: {  	[sflag:s13] =	ssyncadd.s32 $0xFFFFF980  }
0x1b: {  	v3 =	vld [tilespmem:$0x0];
	_ =	sdelay $0x4  }
0x1c: {  	v4 =	vshll.u32 v3, $0x1  }
0x1d: {  	v3 =	vand.u32 $0x7, v3;
	v4 =	vand.u32 $0xFFFFFFF0, v4  }
0x1e: {  	v3 =	vor.u32 v3, v4  }
0x1f: {  	v4 =	vperm.xlane v3, v0;
	_ =	sdelay $0x1  }
0x20: {  	v3 =	vperm.xlane v3, v2;
	v4 =	vadd.s32 v1, v4;
	_ =	sdelay $0x1  }
0x21: {  	v3 =	vadd.s32 v1, v3;
	_ =	sdelay $0x2  }
0x22: {  	[tilespmem:s14], [sflag:$0x1] =	stream.indirect_vreg.gather [hbm4b:s2+s3], $0x80, v4, vm0, $0xb8;
	[tilespmem:$0x8800] =	vst v63  }
0x23: {  	_ = 	snop  }
0x24: {  	[tilespmem:s15], [sflag:$0x1] =	stream.indirect_vreg.gather [hbm4b:s2+s3], $0x80, v3, vm0, $0xb8;
	[tilespmem:$0x8800] =	vst v63  }
0x25: {  	v3 =	vld [tilespmem:$0x10];
	_ =	sdelay $0x4  }
0x26: {  	v13 =	vshll.u32 v3, $0x1  }
0x27: {  	v3 =	vand.u32 $0x7, v3;
	v4 =	vand.u32 $0xFFFFFFF0, v13  }
0x28: {  	v3 =	vor.u32 v3, v4  }
0x29: {  	v4 =	vperm.xlane v3, v0;
	_ =	sdelay $0x1  }
0x2a: {  	v3 =	vperm.xlane v3, v2;
	v4 =	vadd.s32 v1, v4;
	_ =	sdelay $0x1  }
0x2b: {  	v3 =	vadd.s32 v1, v3;
	_ =	sdelay $0x2  }
0x2c: {  	[tilespmem:s16], [sflag:$0x1] =	stream.indirect_vreg.gather [hbm4b:s2+s3], $0x80, v4, vm0, $0xb8;
	[tilespmem:$0x8800] =	vst v63  }
0x2d: {  	_ = 	snop  }
0x2e: {  	[tilespmem:s17], [sflag:$0x1] =	stream.indirect_vreg.gather [hbm4b:s2+s3], $0x80, v3, vm0, $0xb8;
	[tilespmem:$0x8800] =	vst v63  }
0x2f: {  	v3 =	vld [tilespmem:$0x20];
	_ =	sdelay $0x4  }
0x30: {  	v14 =	vshll.u32 v3, $0x1  }
0x31: {  	v3 =	vand.u32 $0x7, v3;
	v4 =	vand.u32 $0xFFFFFFF0, v14  }
0x32: {  	v3 =	vor.u32 v3, v4  }
0x33: {  	v4 =	vperm.xlane v3, v0;
	_ =	sdelay $0x1  }
0x34: {  	v3 =	vperm.xlane v3, v2;
	v4 =	vadd.s32 v1, v4;
	_ =	sdelay $0x1  }
0x35: {  	v3 =	vadd.s32 v1, v3;
	_ =	sdelay $0x2  }
0x36: {  	[tilespmem:s18], [sflag:$0x1] =	stream.indirect_vreg.gather [hbm4b:s2+s3], $0x80, v4, vm0, $0xb8;
	[tilespmem:$0x8800] =	vst v63  }
0x37: {  	_ = 	snop  }
0x38: {  	[tilespmem:s19], [sflag:$0x1] =	stream.indirect_vreg.gather [hbm4b:s2+s3], $0x80, v3, vm0, $0xb8;
	[tilespmem:$0x8800] =	vst v63  }
0x39: {  	v3 =	vld [tilespmem:$0x30];
	_ =	sdelay $0x4  }
0x3a: {  	v15 =	vshll.u32 v3, $0x1  }
0x3b: {  	v3 =	vand.u32 $0x7, v3;
	v4 =	vand.u32 $0xFFFFFFF0, v15  }
0x3c: {  	v3 =	vor.u32 v3, v4  }
0x3d: {  	v4 =	vperm.xlane v3, v0;
	_ =	sdelay $0x1  }
0x3e: {  	v3 =	vperm.xlane v3, v2;
	v4 =	vadd.s32 v1, v4;
	_ =	sdelay $0x1  }
0x3f: {  	v3 =	vadd.s32 v1, v3;
	_ =	sdelay $0x2  }
0x40: {  	[tilespmem:s20], [sflag:$0x1] =	stream.indirect_vreg.gather [hbm4b:s2+s3], $0x80, v4, vm0, $0xb8;
	[tilespmem:$0x8800] =	vst v63  }
0x41: {  	_ = 	snop  }
0x42: {  	[tilespmem:s21], [sflag:$0x1] =	stream.indirect_vreg.gather [hbm4b:s2+s3], $0x80, v3, vm0, $0xb8;
	[tilespmem:$0x8800] =	vst v63  }
0x43: {  	v3 =	vld [tilespmem:$0x80];
	_ =	sdelay $0x4  }
0x44: {  	v16 =	vshll.u32 v3, $0x1  }
0x45: {  	v3 =	vand.u32 $0x7, v3;
	v4 =	vand.u32 $0xFFFFFFF0, v16  }
0x46: {  	v3 =	vor.u32 v3, v4  }
0x47: {  	v4 =	vperm.xlane v3, v0;
	_ =	sdelay $0x1  }
0x48: {  	v3 =	vperm.xlane v3, v2;
	v4 =	vadd.s32 v1, v4;
	_ =	sdelay $0x1  }
0x49: {  	v3 =	vadd.s32 v1, v3;
	_ =	sdelay $0x2  }
0x4a: {  	[tilespmem:s22], [sflag:$0x2] =	stream.indirect_vreg.gather [hbm4b:s2+s3], $0x80, v4, vm0, $0xb8;
	[tilespmem:$0x8800] =	vst v63  }
0x4b: {  	_ = 	snop  }
0x4c: {  	[tilespmem:s23], [sflag:$0x2] =	stream.indirect_vreg.gather [hbm4b:s2+s3], $0x80, v3, vm0, $0xb8;
	[tilespmem:$0x8800] =	vst v63  }
0x4d: {  	v3 =	vld [tilespmem:$0x90];
	_ =	sdelay $0x4  }
0x4e: {  	v17 =	vshll.u32 v3, $0x1  }
0x4f: {  	v3 =	vand.u32 $0x7, v3;
	v4 =	vand.u32 $0xFFFFFFF0, v17  }
0x50: {  	v3 =	vor.u32 v3, v4  }
0x51: {  	v4 =	vperm.xlane v3, v0;
	_ =	sdelay $0x1  }
0x52: {  	v3 =	vperm.xlane v3, v2;
	v4 =	vadd.s32 v1, v4;
	_ =	sdelay $0x1  }
0x53: {  	v3 =	vadd.s32 v1, v3;
	_ =	sdelay $0x2  }
0x54: {  	[tilespmem:s24], [sflag:$0x2] =	stream.indirect_vreg.gather [hbm4b:s2+s3], $0x80, v4, vm0, $0xb8;
	[tilespmem:$0x8800] =	vst v63  }
0x55: {  	_ = 	snop  }
0x56: {  	[tilespmem:s25], [sflag:$0x2] =	stream.indirect_vreg.gather [hbm4b:s2+s3], $0x80, v3, vm0, $0xb8;
	[tilespmem:$0x8800] =	vst v63  }
0x57: {  	v3 =	vld [tilespmem:$0xA0];
	_ =	sdelay $0x4  }
0x58: {  	v18 =	vshll.u32 v3, $0x1  }
0x59: {  	v3 =	vand.u32 $0x7, v3;
	v4 =	vand.u32 $0xFFFFFFF0, v18  }
0x5a: {  	v3 =	vor.u32 v3, v4  }
0x5b: {  	v4 =	vperm.xlane v3, v0;
	_ =	sdelay $0x1  }
0x5c: {  	v3 =	vperm.xlane v3, v2;
	v4 =	vadd.s32 v1, v4;
	_ =	sdelay $0x1  }
0x5d: {  	v3 =	vadd.s32 v1, v3;
	_ =	sdelay $0x2  }
0x5e: {  	[tilespmem:s26], [sflag:$0x2] =	stream.indirect_vreg.gather [hbm4b:s2+s3], $0x80, v4, vm0, $0xb8;
	[tilespmem:$0x8800] =	vst v63  }
0x5f: {  	_ = 	snop  }
0x60: {  	[tilespmem:s28], [sflag:$0x2] =	stream.indirect_vreg.gather [hbm4b:s2+s3], $0x80, v3, vm0, $0xb8;
	[tilespmem:$0x8800] =	vst v63  }
0x61: {  	v3 =	vld [tilespmem:$0xB0];
	_ =	sdelay $0x4  }
0x62: {  	v19 =	vshll.u32 v3, $0x1  }
0x63: {  	v3 =	vand.u32 $0x7, v3;
	v4 =	vand.u32 $0xFFFFFFF0, v19  }
0x64: {  	v3 =	vor.u32 v3, v4  }
0x65: {  	v4 =	vperm.xlane v3, v0;
	_ =	sdelay $0x1  }
0x66: {  	v3 =	vperm.xlane v3, v2;
	v4 =	vadd.s32 v1, v4;
	_ =	sdelay $0x1  }
0x67: {  	v3 =	vadd.s32 v1, v3;
	_ =	sdelay $0x2  }
0x68: {  	[tilespmem:s29], [sflag:$0x2] =	stream.indirect_vreg.gather [hbm4b:s2+s3], $0x80, v4, vm0, $0xb8;
	[tilespmem:$0x8800] =	vst v63  }
0x69: {  	_ = 	snop  }
0x6a: {  	[tilespmem:s30], [sflag:$0x2] =	stream.indirect_vreg.gather [hbm4b:s2+s3], $0x80, v3, vm0, $0xb8;
	[tilespmem:$0x8800] =	vst v63  }
0x6b: {  	_ =	swait.ge [sflag:s31], $0x4000  }
0x6c: {  	[sflag:s31] =	ssyncset.done $0x0  }
0x6d: {  	s0 =	rddreg [dreg:$0x4];
	[sflag:s31] =	ssyncadd.s32 $0xFFFFC000  }
0x6e: {  	[hbm4b:s0+s3] =	stream.linear.scatter [tilespmem:s14], [sflag:$0x3], $0x4000, $0x38;
	[tilespmem:$0x8800] =	vst v63  }
0x6f: {  	_ =	swait.ge [sflag:s13], $0x4000  }
0x70: {  	[sflag:s13] =	ssyncset.done $0x0  }
0x71: {  	[sflag:s13] =	ssyncadd.s32 $0xFFFFC000  }
0x72: {  	v3 =	vld [tilespmem:$0x100];
	_ =	sdelay $0x4  }
0x73: {  	v20 =	vshll.u32 v3, $0x1  }
0x74: {  	v3 =	vand.u32 $0x7, v3;
	v4 =	vand.u32 $0xFFFFFFF0, v20  }
0x75: {  	v3 =	vor.u32 v3, v4  }
0x76: {  	v4 =	vperm.xlane v3, v0;
	_ =	sdelay $0x1  }
0x77: {  	v3 =	vperm.xlane v3, v2;
	v4 =	vadd.s32 v1, v4;
	_ =	sdelay $0x1  }
0x78: {  	v3 =	vadd.s32 v1, v3;
	_ =	sdelay $0x2  }
0x79: {  	[tilespmem:s14], [sflag:$0x1] =	stream.indirect_vreg.gather [hbm4b:s2+s3], $0x80, v4, vm0, $0xb8;
	[tilespmem:$0x8800] =	vst v63  }
0x7a: {  	_ = 	snop  }
0x7b: {  	[tilespmem:s15], [sflag:$0x1] =	stream.indirect_vreg.gather [hbm4b:s2+s3], $0x80, v3, vm0, $0xb8;
	[tilespmem:$0x8800] =	vst v63  }
0x7c: {  	v3 =	vld [tilespmem:$0x110];
	_ =	sdelay $0x4  }
0x7d: {  	v21 =	vshll.u32 v3, $0x1  }
0x7e: {  	v3 =	vand.u32 $0x7, v3;
	v4 =	vand.u32 $0xFFFFFFF0, v21  }
0x7f: {  	v3 =	vor.u32 v3, v4  }
0x80: {  	v4 =	vperm.xlane v3, v0;
	_ =	sdelay $0x1  }
0x81: {  	v3 =	vperm.xlane v3, v2;
	v4 =	vadd.s32 v1, v4;
	_ =	sdelay $0x1  }
0x82: {  	v3 =	vadd.s32 v1, v3;
	_ =	sdelay $0x2  }
0x83: {  	[tilespmem:s16], [sflag:$0x1] =	stream.indirect_vreg.gather [hbm4b:s2+s3], $0x80, v4, vm0, $0xb8;
	[tilespmem:$0x8800] =	vst v63  }
0x84: {  	_ = 	snop  }
0x85: {  	[tilespmem:s17], [sflag:$0x1] =	stream.indirect_vreg.gather [hbm4b:s2+s3], $0x80, v3, vm0, $0xb8;
	[tilespmem:$0x8800] =	vst v63  }
0x86: {  	v3 =	vld [tilespmem:$0x120];
	_ =	sdelay $0x4  }
0x87: {  	v22 =	vshll.u32 v3, $0x1  }
0x88: {  	v3 =	vand.u32 $0x7, v3;
	v4 =	vand.u32 $0xFFFFFFF0, v22  }
0x89: {  	v3 =	vor.u32 v3, v4  }
0x8a: {  	v4 =	vperm.xlane v3, v0;
	_ =	sdelay $0x1  }
0x8b: {  	v3 =	vperm.xlane v3, v2;
	v4 =	vadd.s32 v1, v4;
	_ =	sdelay $0x1  }
0x8c: {  	v3 =	vadd.s32 v1, v3;
	_ =	sdelay $0x2  }
0x8d: {  	[tilespmem:s18], [sflag:$0x1] =	stream.indirect_vreg.gather [hbm4b:s2+s3], $0x80, v4, vm0, $0xb8;
	[tilespmem:$0x8800] =	vst v63  }
0x8e: {  	_ = 	snop  }
0x8f: {  	[tilespmem:s19], [sflag:$0x1] =	stream.indirect_vreg.gather [hbm4b:s2+s3], $0x80, v3, vm0, $0xb8;
	[tilespmem:$0x8800] =	vst v63  }
0x90: {  	v3 =	vld [tilespmem:$0x130];
	_ =	sdelay $0x4  }
0x91: {  	v23 =	vshll.u32 v3, $0x1  }
0x92: {  	v3 =	vand.u32 $0x7, v3;
	v4 =	vand.u32 $0xFFFFFFF0, v23  }
0x93: {  	v3 =	vor.u32 v3, v4  }
0x94: {  	v4 =	vperm.xlane v3, v0;
	_ =	sdelay $0x1  }
0x95: {  	v3 =	vperm.xlane v3, v2;
	v4 =	vadd.s32 v1, v4;
	_ =	sdelay $0x1  }
0x96: {  	v3 =	vadd.s32 v1, v3;
	_ =	sdelay $0x2  }
0x97: {  	[tilespmem:s20], [sflag:$0x1] =	stream.indirect_vreg.gather [hbm4b:s2+s3], $0x80, v4, vm0, $0xb8;
	[tilespmem:$0x8800] =	vst v63  }
0x98: {  	_ = 	snop  }
0x99: {  	[tilespmem:s21], [sflag:$0x1] =	stream.indirect_vreg.gather [hbm4b:s2+s3], $0x80, v3, vm0, $0xb8;
	[tilespmem:$0x8800] =	vst v63  }
0x9a: {  	_ =	swait.ge [sflag:s1], $0x4000  }
0x9b: {  	[sflag:s1] =	ssyncset.done $0x0  }
0x9c: {  	s0 =	rddreg [dreg:$0x5];
	[sflag:s1] =	ssyncadd.s32 $0xFFFFC000  }
0x9d: {  	[hbm4b:s0+s3] =	stream.linear.scatter [tilespmem:s22], [sflag:$0x3], $0x4000, $0x38;
	[tilespmem:$0x8800] =	vst v63  }
0x9e: {  	_ =	swait.ge [sflag:s13], $0x4000  }
0x9f: {  	[sflag:s13] =	ssyncset.done $0x0  }
0xa0: {  	[sflag:s13] =	ssyncadd.s32 $0xFFFFC000  }
0xa1: {  	v3 =	vld [tilespmem:$0x180];
	_ =	sdelay $0x4  }
0xa2: {  	v24 =	vshll.u32 v3, $0x1  }
0xa3: {  	v3 =	vand.u32 $0x7, v3;
	v4 =	vand.u32 $0xFFFFFFF0, v24  }
0xa4: {  	v3 =	vor.u32 v3, v4  }
0xa5: {  	v4 =	vperm.xlane v3, v0;
	_ =	sdelay $0x1  }
0xa6: {  	v3 =	vperm.xlane v3, v2;
	v4 =	vadd.s32 v1, v4;
	_ =	sdelay $0x1  }
0xa7: {  	v3 =	vadd.s32 v1, v3;
	_ =	sdelay $0x2  }
0xa8: {  	[tilespmem:s22], [sflag:$0x2] =	stream.indirect_vreg.gather [hbm4b:s2+s3], $0x80, v4, vm0, $0xb8;
	[tilespmem:$0x8800] =	vst v63  }
0xa9: {  	_ = 	snop  }
0xaa: {  	[tilespmem:s23], [sflag:$0x2] =	stream.indirect_vreg.gather [hbm4b:s2+s3], $0x80, v3, vm0, $0xb8;
	[tilespmem:$0x8800] =	vst v63  }
0xab: {  	v3 =	vld [tilespmem:$0x190];
	_ =	sdelay $0x4  }
0xac: {  	v25 =	vshll.u32 v3, $0x1  }
0xad: {  	v3 =	vand.u32 $0x7, v3;
	v4 =	vand.u32 $0xFFFFFFF0, v25  }
0xae: {  	v3 =	vor.u32 v3, v4  }
0xaf: {  	v4 =	vperm.xlane v3, v0;
	_ =	sdelay $0x1  }
0xb0: {  	v3 =	vperm.xlane v3, v2;
	v4 =	vadd.s32 v1, v4;
	_ =	sdelay $0x1  }
0xb1: {  	v3 =	vadd.s32 v1, v3;
	_ =	sdelay $0x2  }
0xb2: {  	[tilespmem:s24], [sflag:$0x2] =	stream.indirect_vreg.gather [hbm4b:s2+s3], $0x80, v4, vm0, $0xb8;
	[tilespmem:$0x8800] =	vst v63  }
0xb3: {  	_ = 	snop  }
0xb4: {  	[tilespmem:s25], [sflag:$0x2] =	stream.indirect_vreg.gather [hbm4b:s2+s3], $0x80, v3, vm0, $0xb8;
	[tilespmem:$0x8800] =	vst v63  }
0xb5: {  	v3 =	vld [tilespmem:$0x1A0];
	_ =	sdelay $0x4  }
0xb6: {  	v26 =	vshll.u32 v3, $0x1  }
0xb7: {  	v3 =	vand.u32 $0x7, v3;
	v4 =	vand.u32 $0xFFFFFFF0, v26  }
0xb8: {  	v3 =	vor.u32 v3, v4  }
0xb9: {  	v4 =	vperm.xlane v3, v0;
	_ =	sdelay $0x1  }
0xba: {  	v3 =	vperm.xlane v3, v2;
	v4 =	vadd.s32 v1, v4;
	_ =	sdelay $0x1  }
0xbb: {  	v3 =	vadd.s32 v1, v3;
	_ =	sdelay $0x2  }
0xbc: {  	[tilespmem:s26], [sflag:$0x2] =	stream.indirect_vreg.gather [hbm4b:s2+s3], $0x80, v4, vm0, $0xb8;
	[tilespmem:$0x8800] =	vst v63  }
0xbd: {  	_ = 	snop  }
0xbe: {  	[tilespmem:s28], [sflag:$0x2] =	stream.indirect_vreg.gather [hbm4b:s2+s3], $0x80, v3, vm0, $0xb8;
	[tilespmem:$0x8800] =	vst v63  }
0xbf: {  	v3 =	vld [tilespmem:$0x1B0];
	_ =	sdelay $0x4  }
0xc0: {  	v27 =	vshll.u32 v3, $0x1  }
0xc1: {  	v3 =	vand.u32 $0x7, v3;
	v4 =	vand.u32 $0xFFFFFFF0, v27  }
0xc2: {  	v3 =	vor.u32 v3, v4  }
0xc3: {  	v4 =	vperm.xlane v3, v0;
	_ =	sdelay $0x1  }
0xc4: {  	v3 =	vperm.xlane v3, v2;
	v4 =	vadd.s32 v1, v4;
	_ =	sdelay $0x1  }
0xc5: {  	v3 =	vadd.s32 v1, v3;
	_ =	sdelay $0x2  }
0xc6: {  	[tilespmem:s29], [sflag:$0x2] =	stream.indirect_vreg.gather [hbm4b:s2+s3], $0x80, v4, vm0, $0xb8;
	[tilespmem:$0x8800] =	vst v63  }
0xc7: {  	_ = 	snop  }
0xc8: {  	[tilespmem:s30], [sflag:$0x2] =	stream.indirect_vreg.gather [hbm4b:s2+s3], $0x80, v3, vm0, $0xb8;
	[tilespmem:$0x8800] =	vst v63  }
0xc9: {  	_ =	swait.ge [sflag:s31], $0x4000  }
0xca: {  	[sflag:s31] =	ssyncset.done $0x0  }
0xcb: {  	s0 =	rddreg [dreg:$0x6];
	[sflag:s31] =	ssyncadd.s32 $0xFFFFC000  }
0xcc: {  	[hbm4b:s0+s3] =	stream.linear.scatter [tilespmem:s14], [sflag:$0x3], $0x4000, $0x38;
	[tilespmem:$0x8800] =	vst v63  }
0xcd: {  	_ =	swait.ge [sflag:s13], $0x4000  }
0xce: {  	[sflag:s13] =	ssyncset.done $0x0  }
0xcf: {  	[sflag:s13] =	ssyncadd.s32 $0xFFFFC000  }
0xd0: {  	v3 =	vld [tilespmem:$0x200];
	_ =	sdelay $0x4  }
0xd1: {  	v28 =	vshll.u32 v3, $0x1  }
0xd2: {  	v3 =	vand.u32 $0x7, v3;
	v4 =	vand.u32 $0xFFFFFFF0, v28  }
0xd3: {  	v3 =	vor.u32 v3, v4  }
0xd4: {  	v4 =	vperm.xlane v3, v0;
	_ =	sdelay $0x1  }
0xd5: {  	v3 =	vperm.xlane v3, v2;
	v4 =	vadd.s32 v1, v4;
	_ =	sdelay $0x1  }
0xd6: {  	v3 =	vadd.s32 v1, v3;
	_ =	sdelay $0x2  }
0xd7: {  	[tilespmem:s14], [sflag:$0x1] =	stream.indirect_vreg.gather [hbm4b:s2+s3], $0x80, v4, vm0, $0xb8;
	[tilespmem:$0x8800] =	vst v63  }
0xd8: {  	_ = 	snop  }
0xd9: {  	[tilespmem:s15], [sflag:$0x1] =	stream.indirect_vreg.gather [hbm4b:s2+s3], $0x80, v3, vm0, $0xb8;
	[tilespmem:$0x8800] =	vst v63  }
0xda: {  	v3 =	vld [tilespmem:$0x210];
	_ =	sdelay $0x4  }
0xdb: {  	v29 =	vshll.u32 v3, $0x1  }
0xdc: {  	v3 =	vand.u32 $0x7, v3;
	v4 =	vand.u32 $0xFFFFFFF0, v29  }
0xdd: {  	v3 =	vor.u32 v3, v4  }
0xde: {  	v4 =	vperm.xlane v3, v0;
	_ =	sdelay $0x1  }
0xdf: {  	v3 =	vperm.xlane v3, v2;
	v4 =	vadd.s32 v1, v4;
	_ =	sdelay $0x1  }
0xe0: {  	v3 =	vadd.s32 v1, v3;
	_ =	sdelay $0x2  }
0xe1: {  	[tilespmem:s16], [sflag:$0x1] =	stream.indirect_vreg.gather [hbm4b:s2+s3], $0x80, v4, vm0, $0xb8;
	[tilespmem:$0x8800] =	vst v63  }
0xe2: {  	_ = 	snop  }
0xe3: {  	[tilespmem:s17], [sflag:$0x1] =	stream.indirect_vreg.gather [hbm4b:s2+s3], $0x80, v3, vm0, $0xb8;
	[tilespmem:$0x8800] =	vst v63  }
0xe4: {  	v3 =	vld [tilespmem:$0x220];
	_ =	sdelay $0x4  }
0xe5: {  	v30 =	vshll.u32 v3, $0x1  }
0xe6: {  	v3 =	vand.u32 $0x7, v3;
	v4 =	vand.u32 $0xFFFFFFF0, v30  }
0xe7: {  	v3 =	vor.u32 v3, v4  }
0xe8: {  	v4 =	vperm.xlane v3, v0;
	_ =	sdelay $0x1  }
0xe9: {  	v3 =	vperm.xlane v3, v2;
	v4 =	vadd.s32 v1, v4;
	_ =	sdelay $0x1  }
0xea: {  	v3 =	vadd.s32 v1, v3;
	_ =	sdelay $0x2  }
0xeb: {  	[tilespmem:s18], [sflag:$0x1] =	stream.indirect_vreg.gather [hbm4b:s2+s3], $0x80, v4, vm0, $0xb8;
	[tilespmem:$0x8800] =	vst v63  }
0xec: {  	_ = 	snop  }
0xed: {  	[tilespmem:s19], [sflag:$0x1] =	stream.indirect_vreg.gather [hbm4b:s2+s3], $0x80, v3, vm0, $0xb8;
	[tilespmem:$0x8800] =	vst v63  }
0xee: {  	v3 =	vld [tilespmem:$0x230];
	_ =	sdelay $0x4  }
0xef: {  	v31 =	vshll.u32 v3, $0x1  }
0xf0: {  	v3 =	vand.u32 $0x7, v3;
	v4 =	vand.u32 $0xFFFFFFF0, v31  }
0xf1: {  	v3 =	vor.u32 v3, v4  }
0xf2: {  	v4 =	vperm.xlane v3, v0;
	_ =	sdelay $0x1  }
0xf3: {  	v3 =	vperm.xlane v3, v2;
	v4 =	vadd.s32 v1, v4;
	_ =	sdelay $0x1  }
0xf4: {  	v3 =	vadd.s32 v1, v3;
	_ =	sdelay $0x2  }
0xf5: {  	[tilespmem:s20], [sflag:$0x1] =	stream.indirect_vreg.gather [hbm4b:s2+s3], $0x80, v4, vm0, $0xb8;
	[tilespmem:$0x8800] =	vst v63  }
0xf6: {  	_ = 	snop  }
0xf7: {  	[tilespmem:s21], [sflag:$0x1] =	stream.indirect_vreg.gather [hbm4b:s2+s3], $0x80, v3, vm0, $0xb8;
	[tilespmem:$0x8800] =	vst v63  }
0xf8: {  	_ =	swait.ge [sflag:s1], $0x4000  }
0xf9: {  	[sflag:s1] =	ssyncset.done $0x0  }
0xfa: {  	s0 =	rddreg [dreg:$0x7];
	[sflag:s1] =	ssyncadd.s32 $0xFFFFC000  }
0xfb: {  	[hbm4b:s0+s3] =	stream.linear.scatter [tilespmem:s22], [sflag:$0x3], $0x4000, $0x38;
	[tilespmem:$0x8800] =	vst v63  }
0xfc: {  	_ =	swait.ge [sflag:s13], $0x4000  }
0xfd: {  	[sflag:s13] =	ssyncset.done $0x0  }
0xfe: {  	[sflag:s13] =	ssyncadd.s32 $0xFFFFC000  }
0xff: {  	v3 =	vld [tilespmem:$0x280];
	_ =	sdelay $0x4  }
0x100: {  	v32 =	vshll.u32 v3, $0x1  }
0x101: {  	v3 =	vand.u32 $0x7, v3;
	v4 =	vand.u32 $0xFFFFFFF0, v32  }
0x102: {  	v3 =	vor.u32 v3, v4  }
0x103: {  	v4 =	vperm.xlane v3, v0;
	_ =	sdelay $0x1  }
0x104: {  	v3 =	vperm.xlane v3, v2;
	v4 =	vadd.s32 v1, v4;
	_ =	sdelay $0x1  }
0x105: {  	v3 =	vadd.s32 v1, v3;
	_ =	sdelay $0x2  }
0x106: {  	[tilespmem:s22], [sflag:$0x2] =	stream.indirect_vreg.gather [hbm4b:s2+s3], $0x80, v4, vm0, $0xb8;
	[tilespmem:$0x8800] =	vst v63  }
0x107: {  	_ = 	snop  }
0x108: {  	[tilespmem:s23], [sflag:$0x2] =	stream.indirect_vreg.gather [hbm4b:s2+s3], $0x80, v3, vm0, $0xb8;
	[tilespmem:$0x8800] =	vst v63  }
0x109: {  	v3 =	vld [tilespmem:$0x290];
	_ =	sdelay $0x4  }
0x10a: {  	v33 =	vshll.u32 v3, $0x1  }
0x10b: {  	v3 =	vand.u32 $0x7, v3;
	v4 =	vand.u32 $0xFFFFFFF0, v33  }
0x10c: {  	v3 =	vor.u32 v3, v4  }
0x10d: {  	v4 =	vperm.xlane v3, v0;
	_ =	sdelay $0x1  }
0x10e: {  	v3 =	vperm.xlane v3, v2;
	v4 =	vadd.s32 v1, v4;
	_ =	sdelay $0x1  }
0x10f: {  	v3 =	vadd.s32 v1, v3;
	_ =	sdelay $0x2  }
0x110: {  	[tilespmem:s24], [sflag:$0x2] =	stream.indirect_vreg.gather [hbm4b:s2+s3], $0x80, v4, vm0, $0xb8;
	[tilespmem:$0x8800] =	vst v63  }
0x111: {  	_ = 	snop  }
0x112: {  	[tilespmem:s25], [sflag:$0x2] =	stream.indirect_vreg.gather [hbm4b:s2+s3], $0x80, v3, vm0, $0xb8;
	[tilespmem:$0x8800] =	vst v63  }
0x113: {  	v3 =	vld [tilespmem:$0x2A0];
	_ =	sdelay $0x4  }
0x114: {  	v34 =	vshll.u32 v3, $0x1  }
0x115: {  	v3 =	vand.u32 $0x7, v3;
	v4 =	vand.u32 $0xFFFFFFF0, v34  }
0x116: {  	v3 =	vor.u32 v3, v4  }
0x117: {  	v4 =	vperm.xlane v3, v0;
	_ =	sdelay $0x1  }
0x118: {  	v3 =	vperm.xlane v3, v2;
	v4 =	vadd.s32 v1, v4;
	_ =	sdelay $0x1  }
0x119: {  	v3 =	vadd.s32 v1, v3;
	_ =	sdelay $0x2  }
0x11a: {  	[tilespmem:s26], [sflag:$0x2] =	stream.indirect_vreg.gather [hbm4b:s2+s3], $0x80, v4, vm0, $0xb8;
	[tilespmem:$0x8800] =	vst v63  }
0x11b: {  	_ = 	snop  }
0x11c: {  	[tilespmem:s28], [sflag:$0x2] =	stream.indirect_vreg.gather [hbm4b:s2+s3], $0x80, v3, vm0, $0xb8;
	[tilespmem:$0x8800] =	vst v63  }
0x11d: {  	v3 =	vld [tilespmem:$0x2B0];
	_ =	sdelay $0x4  }
0x11e: {  	v35 =	vshll.u32 v3, $0x1  }
0x11f: {  	v3 =	vand.u32 $0x7, v3;
	v4 =	vand.u32 $0xFFFFFFF0, v35  }
0x120: {  	v3 =	vor.u32 v3, v4  }
0x121: {  	v4 =	vperm.xlane v3, v0;
	_ =	sdelay $0x1  }
0x122: {  	v3 =	vperm.xlane v3, v2;
	v4 =	vadd.s32 v1, v4;
	_ =	sdelay $0x1  }
0x123: {  	v3 =	vadd.s32 v1, v3;
	_ =	sdelay $0x2  }
0x124: {  	[tilespmem:s29], [sflag:$0x2] =	stream.indirect_vreg.gather [hbm4b:s2+s3], $0x80, v4, vm0, $0xb8;
	[tilespmem:$0x8800] =	vst v63  }
0x125: {  	_ = 	snop  }
0x126: {  	[tilespmem:s30], [sflag:$0x2] =	stream.indirect_vreg.gather [hbm4b:s2+s3], $0x80, v3, vm0, $0xb8;
	[tilespmem:$0x8800] =	vst v63  }
0x127: {  	_ =	swait.ge [sflag:s31], $0x4000  }
0x128: {  	[sflag:s31] =	ssyncset.done $0x0  }
0x129: {  	s0 =	rddreg [dreg:$0x8];
	[sflag:s31] =	ssyncadd.s32 $0xFFFFC000  }
0x12a: {  	[hbm4b:s0+s3] =	stream.linear.scatter [tilespmem:s14], [sflag:$0x3], $0x4000, $0x38;
	[tilespmem:$0x8800] =	vst v63  }
0x12b: {  	_ =	swait.ge [sflag:s13], $0x4000  }
0x12c: {  	[sflag:s13] =	ssyncset.done $0x0  }
0x12d: {  	[sflag:s13] =	ssyncadd.s32 $0xFFFFC000  }
0x12e: {  	v3 =	vld [tilespmem:$0x300];
	_ =	sdelay $0x4  }
0x12f: {  	v36 =	vshll.u32 v3, $0x1  }
0x130: {  	v3 =	vand.u32 $0x7, v3;
	v4 =	vand.u32 $0xFFFFFFF0, v36  }
0x131: {  	v3 =	vor.u32 v3, v4  }
0x132: {  	v4 =	vperm.xlane v3, v0;
	_ =	sdelay $0x1  }
0x133: {  	v3 =	vperm.xlane v3, v2;
	v4 =	vadd.s32 v1, v4;
	_ =	sdelay $0x1  }
0x134: {  	v3 =	vadd.s32 v1, v3;
	_ =	sdelay $0x2  }
0x135: {  	[tilespmem:s14], [sflag:$0x1] =	stream.indirect_vreg.gather [hbm4b:s2+s3], $0x80, v4, vm0, $0xb8;
	[tilespmem:$0x8800] =	vst v63  }
0x136: {  	_ = 	snop  }
0x137: {  	[tilespmem:s15], [sflag:$0x1] =	stream.indirect_vreg.gather [hbm4b:s2+s3], $0x80, v3, vm0, $0xb8;
	[tilespmem:$0x8800] =	vst v63  }
0x138: {  	v3 =	vld [tilespmem:$0x310];
	_ =	sdelay $0x4  }
0x139: {  	v37 =	vshll.u32 v3, $0x1  }
0x13a: {  	v3 =	vand.u32 $0x7, v3;
	v4 =	vand.u32 $0xFFFFFFF0, v37  }
0x13b: {  	v3 =	vor.u32 v3, v4  }
0x13c: {  	v4 =	vperm.xlane v3, v0;
	_ =	sdelay $0x1  }
0x13d: {  	v3 =	vperm.xlane v3, v2;
	v4 =	vadd.s32 v1, v4;
	_ =	sdelay $0x1  }
0x13e: {  	v3 =	vadd.s32 v1, v3;
	_ =	sdelay $0x2  }
0x13f: {  	[tilespmem:s16], [sflag:$0x1] =	stream.indirect_vreg.gather [hbm4b:s2+s3], $0x80, v4, vm0, $0xb8;
	[tilespmem:$0x8800] =	vst v63  }
0x140: {  	_ = 	snop  }
0x141: {  	[tilespmem:s17], [sflag:$0x1] =	stream.indirect_vreg.gather [hbm4b:s2+s3], $0x80, v3, vm0, $0xb8;
	[tilespmem:$0x8800] =	vst v63  }
0x142: {  	v3 =	vld [tilespmem:$0x320];
	_ =	sdelay $0x4  }
0x143: {  	v38 =	vshll.u32 v3, $0x1  }
0x144: {  	v3 =	vand.u32 $0x7, v3;
	v4 =	vand.u32 $0xFFFFFFF0, v38  }
0x145: {  	v3 =	vor.u32 v3, v4  }
0x146: {  	v4 =	vperm.xlane v3, v0;
	_ =	sdelay $0x1  }
0x147: {  	v3 =	vperm.xlane v3, v2;
	v4 =	vadd.s32 v1, v4;
	_ =	sdelay $0x1  }
0x148: {  	v3 =	vadd.s32 v1, v3;
	_ =	sdelay $0x2  }
0x149: {  	[tilespmem:s18], [sflag:$0x1] =	stream.indirect_vreg.gather [hbm4b:s2+s3], $0x80, v4, vm0, $0xb8;
	[tilespmem:$0x8800] =	vst v63  }
0x14a: {  	_ = 	snop  }
0x14b: {  	[tilespmem:s19], [sflag:$0x1] =	stream.indirect_vreg.gather [hbm4b:s2+s3], $0x80, v3, vm0, $0xb8;
	[tilespmem:$0x8800] =	vst v63  }
0x14c: {  	v3 =	vld [tilespmem:$0x330];
	_ =	sdelay $0x4  }
0x14d: {  	v39 =	vshll.u32 v3, $0x1  }
0x14e: {  	v3 =	vand.u32 $0x7, v3;
	v4 =	vand.u32 $0xFFFFFFF0, v39  }
0x14f: {  	v3 =	vor.u32 v3, v4  }
0x150: {  	v4 =	vperm.xlane v3, v0;
	_ =	sdelay $0x1  }
0x151: {  	v3 =	vperm.xlane v3, v2;
	v4 =	vadd.s32 v1, v4;
	_ =	sdelay $0x1  }
0x152: {  	v3 =	vadd.s32 v1, v3;
	_ =	sdelay $0x2  }
0x153: {  	[tilespmem:s20], [sflag:$0x1] =	stream.indirect_vreg.gather [hbm4b:s2+s3], $0x80, v4, vm0, $0xb8;
	[tilespmem:$0x8800] =	vst v63  }
0x154: {  	_ = 	snop  }
0x155: {  	[tilespmem:s21], [sflag:$0x1] =	stream.indirect_vreg.gather [hbm4b:s2+s3], $0x80, v3, vm0, $0xb8;
	[tilespmem:$0x8800] =	vst v63  }
0x156: {  	_ =	swait.ge [sflag:s1], $0x4000  }
0x157: {  	[sflag:s1] =	ssyncset.done $0x0  }
0x158: {  	[sflag:s1] =	ssyncadd.s32 $0xFFFFC000  }
0x159: {  	[hbm4b:s4+s3] =	stream.linear.scatter [tilespmem:s22], [sflag:$0x3], $0x4000, $0x38;
	[tilespmem:$0x8800] =	vst v63  }
0x15a: {  	_ =	swait.ge [sflag:s13], $0x4000  }
0x15b: {  	[sflag:s13] =	ssyncset.done $0x0  }
0x15c: {  	[sflag:s13] =	ssyncadd.s32 $0xFFFFC000  }
0x15d: {  	v3 =	vld [tilespmem:$0x380];
	_ =	sdelay $0x4  }
0x15e: {  	v40 =	vshll.u32 v3, $0x1  }
0x15f: {  	v3 =	vand.u32 $0x7, v3;
	v4 =	vand.u32 $0xFFFFFFF0, v40  }
0x160: {  	v3 =	vor.u32 v3, v4  }
0x161: {  	v4 =	vperm.xlane v3, v0;
	_ =	sdelay $0x1  }
0x162: {  	v3 =	vperm.xlane v3, v2;
	v4 =	vadd.s32 v1, v4;
	_ =	sdelay $0x1  }
0x163: {  	v3 =	vadd.s32 v1, v3;
	_ =	sdelay $0x2  }
0x164: {  	[tilespmem:s22], [sflag:$0x2] =	stream.indirect_vreg.gather [hbm4b:s2+s3], $0x80, v4, vm0, $0xb8;
	[tilespmem:$0x8800] =	vst v63  }
0x165: {  	_ = 	snop  }
0x166: {  	[tilespmem:s23], [sflag:$0x2] =	stream.indirect_vreg.gather [hbm4b:s2+s3], $0x80, v3, vm0, $0xb8;
	[tilespmem:$0x8800] =	vst v63  }
0x167: {  	v3 =	vld [tilespmem:$0x390];
	_ =	sdelay $0x4  }
0x168: {  	v41 =	vshll.u32 v3, $0x1  }
0x169: {  	v3 =	vand.u32 $0x7, v3;
	v4 =	vand.u32 $0xFFFFFFF0, v41  }
0x16a: {  	v3 =	vor.u32 v3, v4  }
0x16b: {  	v4 =	vperm.xlane v3, v0;
	_ =	sdelay $0x1  }
0x16c: {  	v3 =	vperm.xlane v3, v2;
	v4 =	vadd.s32 v1, v4;
	_ =	sdelay $0x1  }
0x16d: {  	v3 =	vadd.s32 v1, v3;
	_ =	sdelay $0x2  }
0x16e: {  	[tilespmem:s24], [sflag:$0x2] =	stream.indirect_vreg.gather [hbm4b:s2+s3], $0x80, v4, vm0, $0xb8;
	[tilespmem:$0x8800] =	vst v63  }
0x16f: {  	_ = 	snop  }
0x170: {  	[tilespmem:s25], [sflag:$0x2] =	stream.indirect_vreg.gather [hbm4b:s2+s3], $0x80, v3, vm0, $0xb8;
	[tilespmem:$0x8800] =	vst v63  }
0x171: {  	v3 =	vld [tilespmem:$0x3A0];
	_ =	sdelay $0x4  }
0x172: {  	v42 =	vshll.u32 v3, $0x1  }
0x173: {  	v3 =	vand.u32 $0x7, v3;
	v4 =	vand.u32 $0xFFFFFFF0, v42  }
0x174: {  	v3 =	vor.u32 v3, v4  }
0x175: {  	v4 =	vperm.xlane v3, v0;
	_ =	sdelay $0x1  }
0x176: {  	v3 =	vperm.xlane v3, v2;
	v4 =	vadd.s32 v1, v4;
	_ =	sdelay $0x1  }
0x177: {  	v3 =	vadd.s32 v1, v3;
	_ =	sdelay $0x2  }
0x178: {  	[tilespmem:s26], [sflag:$0x2] =	stream.indirect_vreg.gather [hbm4b:s2+s3], $0x80, v4, vm0, $0xb8;
	[tilespmem:$0x8800] =	vst v63  }
0x179: {  	_ = 	snop  }
0x17a: {  	[tilespmem:s28], [sflag:$0x2] =	stream.indirect_vreg.gather [hbm4b:s2+s3], $0x80, v3, vm0, $0xb8;
	[tilespmem:$0x8800] =	vst v63  }
0x17b: {  	v3 =	vld [tilespmem:$0x3B0];
	_ =	sdelay $0x4  }
0x17c: {  	v43 =	vshll.u32 v3, $0x1  }
0x17d: {  	v3 =	vand.u32 $0x7, v3;
	v4 =	vand.u32 $0xFFFFFFF0, v43  }
0x17e: {  	v3 =	vor.u32 v3, v4  }
0x17f: {  	v4 =	vperm.xlane v3, v0;
	_ =	sdelay $0x1  }
0x180: {  	v3 =	vperm.xlane v3, v2;
	v4 =	vadd.s32 v1, v4;
	_ =	sdelay $0x1  }
0x181: {  	v3 =	vadd.s32 v1, v3;
	_ =	sdelay $0x2  }
0x182: {  	[tilespmem:s29], [sflag:$0x2] =	stream.indirect_vreg.gather [hbm4b:s2+s3], $0x80, v4, vm0, $0xb8;
	[tilespmem:$0x8800] =	vst v63  }
0x183: {  	_ = 	snop  }
0x184: {  	[tilespmem:s30], [sflag:$0x2] =	stream.indirect_vreg.gather [hbm4b:s2+s3], $0x80, v3, vm0, $0xb8;
	[tilespmem:$0x8800] =	vst v63  }
0x185: {  	_ =	swait.ge [sflag:s31], $0x4000  }
0x186: {  	[sflag:s31] =	ssyncset.done $0x0  }
0x187: {  	[sflag:s31] =	ssyncadd.s32 $0xFFFFC000  }
0x188: {  	[hbm4b:s5+s3] =	stream.linear.scatter [tilespmem:s14], [sflag:$0x3], $0x4000, $0x38;
	[tilespmem:$0x8800] =	vst v63  }
0x189: {  	_ =	swait.ge [sflag:s13], $0x4000  }
0x18a: {  	[sflag:s13] =	ssyncset.done $0x0  }
0x18b: {  	[sflag:s13] =	ssyncadd.s32 $0xFFFFC000  }
0x18c: {  	v3 =	vld [tilespmem:$0x400];
	_ =	sdelay $0x4  }
0x18d: {  	v44 =	vshll.u32 v3, $0x1  }
0x18e: {  	v3 =	vand.u32 $0x7, v3;
	v4 =	vand.u32 $0xFFFFFFF0, v44  }
0x18f: {  	v3 =	vor.u32 v3, v4  }
0x190: {  	v4 =	vperm.xlane v3, v0;
	_ =	sdelay $0x1  }
0x191: {  	v3 =	vperm.xlane v3, v2;
	v4 =	vadd.s32 v1, v4;
	_ =	sdelay $0x1  }
0x192: {  	v3 =	vadd.s32 v1, v3;
	_ =	sdelay $0x2  }
0x193: {  	[tilespmem:s14], [sflag:$0x1] =	stream.indirect_vreg.gather [hbm4b:s2+s3], $0x80, v4, vm0, $0xb8;
	[tilespmem:$0x8800] =	vst v63  }
0x194: {  	_ = 	snop  }
0x195: {  	[tilespmem:s15], [sflag:$0x1] =	stream.indirect_vreg.gather [hbm4b:s2+s3], $0x80, v3, vm0, $0xb8;
	[tilespmem:$0x8800] =	vst v63  }
0x196: {  	v3 =	vld [tilespmem:$0x410];
	_ =	sdelay $0x4  }
0x197: {  	v45 =	vshll.u32 v3, $0x1  }
0x198: {  	v3 =	vand.u32 $0x7, v3;
	v4 =	vand.u32 $0xFFFFFFF0, v45  }
0x199: {  	v3 =	vor.u32 v3, v4  }
0x19a: {  	v4 =	vperm.xlane v3, v0;
	_ =	sdelay $0x1  }
0x19b: {  	v3 =	vperm.xlane v3, v2;
	v4 =	vadd.s32 v1, v4;
	_ =	sdelay $0x1  }
0x19c: {  	v3 =	vadd.s32 v1, v3;
	_ =	sdelay $0x2  }
0x19d: {  	[tilespmem:s16], [sflag:$0x1] =	stream.indirect_vreg.gather [hbm4b:s2+s3], $0x80, v4, vm0, $0xb8;
	[tilespmem:$0x8800] =	vst v63  }
0x19e: {  	_ = 	snop  }
0x19f: {  	[tilespmem:s17], [sflag:$0x1] =	stream.indirect_vreg.gather [hbm4b:s2+s3], $0x80, v3, vm0, $0xb8;
	[tilespmem:$0x8800] =	vst v63  }
0x1a0: {  	v3 =	vld [tilespmem:$0x420];
	_ =	sdelay $0x4  }
0x1a1: {  	v46 =	vshll.u32 v3, $0x1  }
0x1a2: {  	v3 =	vand.u32 $0x7, v3;
	v4 =	vand.u32 $0xFFFFFFF0, v46  }
0x1a3: {  	v3 =	vor.u32 v3, v4  }
0x1a4: {  	v4 =	vperm.xlane v3, v0;
	_ =	sdelay $0x1  }
0x1a5: {  	v3 =	vperm.xlane v3, v2;
	v4 =	vadd.s32 v1, v4;
	_ =	sdelay $0x1  }
0x1a6: {  	v3 =	vadd.s32 v1, v3;
	_ =	sdelay $0x2  }
0x1a7: {  	[tilespmem:s18], [sflag:$0x1] =	stream.indirect_vreg.gather [hbm4b:s2+s3], $0x80, v4, vm0, $0xb8;
	[tilespmem:$0x8800] =	vst v63  }
0x1a8: {  	_ = 	snop  }
0x1a9: {  	[tilespmem:s19], [sflag:$0x1] =	stream.indirect_vreg.gather [hbm4b:s2+s3], $0x80, v3, vm0, $0xb8;
	[tilespmem:$0x8800] =	vst v63  }
0x1aa: {  	v3 =	vld [tilespmem:$0x430];
	_ =	sdelay $0x4  }
0x1ab: {  	v47 =	vshll.u32 v3, $0x1  }
0x1ac: {  	v3 =	vand.u32 $0x7, v3;
	v4 =	vand.u32 $0xFFFFFFF0, v47  }
0x1ad: {  	v3 =	vor.u32 v3, v4  }
0x1ae: {  	v4 =	vperm.xlane v3, v0;
	_ =	sdelay $0x1  }
0x1af: {  	v3 =	vperm.xlane v3, v2;
	v4 =	vadd.s32 v1, v4;
	_ =	sdelay $0x1  }
0x1b0: {  	v3 =	vadd.s32 v1, v3;
	_ =	sdelay $0x2  }
0x1b1: {  	[tilespmem:s20], [sflag:$0x1] =	stream.indirect_vreg.gather [hbm4b:s2+s3], $0x80, v4, vm0, $0xb8;
	[tilespmem:$0x8800] =	vst v63  }
0x1b2: {  	_ = 	snop  }
0x1b3: {  	[tilespmem:s21], [sflag:$0x1] =	stream.indirect_vreg.gather [hbm4b:s2+s3], $0x80, v3, vm0, $0xb8;
	[tilespmem:$0x8800] =	vst v63  }
0x1b4: {  	_ =	swait.ge [sflag:s1], $0x4000  }
0x1b5: {  	[sflag:s1] =	ssyncset.done $0x0  }
0x1b6: {  	[sflag:s1] =	ssyncadd.s32 $0xFFFFC000  }
0x1b7: {  	[hbm4b:s6+s3] =	stream.linear.scatter [tilespmem:s22], [sflag:$0x3], $0x4000, $0x38;
	[tilespmem:$0x8800] =	vst v63  }
0x1b8: {  	_ =	swait.ge [sflag:s13], $0x4000  }
0x1b9: {  	[sflag:s13] =	ssyncset.done $0x0  }
0x1ba: {  	[sflag:s13] =	ssyncadd.s32 $0xFFFFC000  }
0x1bb: {  	v3 =	vld [tilespmem:$0x480];
	_ =	sdelay $0x4  }
0x1bc: {  	v48 =	vshll.u32 v3, $0x1  }
0x1bd: {  	v3 =	vand.u32 $0x7, v3;
	v4 =	vand.u32 $0xFFFFFFF0, v48  }
0x1be: {  	v3 =	vor.u32 v3, v4  }
0x1bf: {  	v4 =	vperm.xlane v3, v0;
	_ =	sdelay $0x1  }
0x1c0: {  	v3 =	vperm.xlane v3, v2;
	v4 =	vadd.s32 v1, v4;
	_ =	sdelay $0x1  }
0x1c1: {  	v3 =	vadd.s32 v1, v3;
	_ =	sdelay $0x2  }
0x1c2: {  	[tilespmem:s22], [sflag:$0x2] =	stream.indirect_vreg.gather [hbm4b:s2+s3], $0x80, v4, vm0, $0xb8;
	[tilespmem:$0x8800] =	vst v63  }
0x1c3: {  	_ = 	snop  }
0x1c4: {  	[tilespmem:s23], [sflag:$0x2] =	stream.indirect_vreg.gather [hbm4b:s2+s3], $0x80, v3, vm0, $0xb8;
	[tilespmem:$0x8800] =	vst v63  }
0x1c5: {  	v3 =	vld [tilespmem:$0x490];
	_ =	sdelay $0x4  }
0x1c6: {  	v49 =	vshll.u32 v3, $0x1  }
0x1c7: {  	v3 =	vand.u32 $0x7, v3;
	v4 =	vand.u32 $0xFFFFFFF0, v49  }
0x1c8: {  	v3 =	vor.u32 v3, v4  }
0x1c9: {  	v4 =	vperm.xlane v3, v0;
	_ =	sdelay $0x1  }
0x1ca: {  	v3 =	vperm.xlane v3, v2;
	v4 =	vadd.s32 v1, v4;
	_ =	sdelay $0x1  }
0x1cb: {  	v3 =	vadd.s32 v1, v3;
	_ =	sdelay $0x2  }
0x1cc: {  	[tilespmem:s24], [sflag:$0x2] =	stream.indirect_vreg.gather [hbm4b:s2+s3], $0x80, v4, vm0, $0xb8;
	[tilespmem:$0x8800] =	vst v63  }
0x1cd: {  	_ = 	snop  }
0x1ce: {  	[tilespmem:s25], [sflag:$0x2] =	stream.indirect_vreg.gather [hbm4b:s2+s3], $0x80, v3, vm0, $0xb8;
	[tilespmem:$0x8800] =	vst v63  }
0x1cf: {  	v3 =	vld [tilespmem:$0x4A0];
	_ =	sdelay $0x4  }
0x1d0: {  	v50 =	vshll.u32 v3, $0x1  }
0x1d1: {  	v3 =	vand.u32 $0x7, v3;
	v4 =	vand.u32 $0xFFFFFFF0, v50  }
0x1d2: {  	v3 =	vor.u32 v3, v4  }
0x1d3: {  	v4 =	vperm.xlane v3, v0;
	_ =	sdelay $0x1  }
0x1d4: {  	v3 =	vperm.xlane v3, v2;
	v4 =	vadd.s32 v1, v4;
	_ =	sdelay $0x1  }
0x1d5: {  	v3 =	vadd.s32 v1, v3;
	_ =	sdelay $0x2  }
0x1d6: {  	[tilespmem:s26], [sflag:$0x2] =	stream.indirect_vreg.gather [hbm4b:s2+s3], $0x80, v4, vm0, $0xb8;
	[tilespmem:$0x8800] =	vst v63  }
0x1d7: {  	_ = 	snop  }
0x1d8: {  	[tilespmem:s28], [sflag:$0x2] =	stream.indirect_vreg.gather [hbm4b:s2+s3], $0x80, v3, vm0, $0xb8;
	[tilespmem:$0x8800] =	vst v63  }
0x1d9: {  	v3 =	vld [tilespmem:$0x4B0];
	_ =	sdelay $0x4  }
0x1da: {  	v51 =	vshll.u32 v3, $0x1  }
0x1db: {  	v3 =	vand.u32 $0x7, v3;
	v4 =	vand.u32 $0xFFFFFFF0, v51  }
0x1dc: {  	v3 =	vor.u32 v3, v4  }
0x1dd: {  	v4 =	vperm.xlane v3, v0;
	_ =	sdelay $0x1  }
0x1de: {  	v3 =	vperm.xlane v3, v2;
	v4 =	vadd.s32 v1, v4;
	_ =	sdelay $0x1  }
0x1df: {  	v3 =	vadd.s32 v1, v3;
	_ =	sdelay $0x2  }
0x1e0: {  	[tilespmem:s29], [sflag:$0x2] =	stream.indirect_vreg.gather [hbm4b:s2+s3], $0x80, v4, vm0, $0xb8;
	[tilespmem:$0x8800] =	vst v63  }
0x1e1: {  	_ = 	snop  }
0x1e2: {  	[tilespmem:s30], [sflag:$0x2] =	stream.indirect_vreg.gather [hbm4b:s2+s3], $0x80, v3, vm0, $0xb8;
	[tilespmem:$0x8800] =	vst v63  }
0x1e3: {  	_ =	swait.ge [sflag:s31], $0x4000  }
0x1e4: {  	[sflag:s31] =	ssyncset.done $0x0  }
0x1e5: {  	[sflag:s31] =	ssyncadd.s32 $0xFFFFC000  }
0x1e6: {  	[hbm4b:s7+s3] =	stream.linear.scatter [tilespmem:s14], [sflag:$0x3], $0x4000, $0x38;
	[tilespmem:$0x8800] =	vst v63  }
0x1e7: {  	_ =	swait.ge [sflag:s13], $0x4000  }
0x1e8: {  	[sflag:s13] =	ssyncset.done $0x0  }
0x1e9: {  	[sflag:s13] =	ssyncadd.s32 $0xFFFFC000  }
0x1ea: {  	v3 =	vld [tilespmem:$0x500];
	_ =	sdelay $0x4  }
0x1eb: {  	v52 =	vshll.u32 v3, $0x1  }
0x1ec: {  	v3 =	vand.u32 $0x7, v3;
	v4 =	vand.u32 $0xFFFFFFF0, v52  }
0x1ed: {  	v3 =	vor.u32 v3, v4  }
0x1ee: {  	v4 =	vperm.xlane v3, v0;
	_ =	sdelay $0x1  }
0x1ef: {  	v3 =	vperm.xlane v3, v2;
	v4 =	vadd.s32 v1, v4;
	_ =	sdelay $0x1  }
0x1f0: {  	v3 =	vadd.s32 v1, v3;
	_ =	sdelay $0x2  }
0x1f1: {  	[tilespmem:s14], [sflag:$0x1] =	stream.indirect_vreg.gather [hbm4b:s2+s3], $0x80, v4, vm0, $0xb8;
	[tilespmem:$0x8800] =	vst v63  }
0x1f2: {  	_ = 	snop  }
0x1f3: {  	[tilespmem:s15], [sflag:$0x1] =	stream.indirect_vreg.gather [hbm4b:s2+s3], $0x80, v3, vm0, $0xb8;
	[tilespmem:$0x8800] =	vst v63  }
0x1f4: {  	v3 =	vld [tilespmem:$0x510];
	_ =	sdelay $0x4  }
0x1f5: {  	v53 =	vshll.u32 v3, $0x1  }
0x1f6: {  	v3 =	vand.u32 $0x7, v3;
	v4 =	vand.u32 $0xFFFFFFF0, v53  }
0x1f7: {  	v3 =	vor.u32 v3, v4  }
0x1f8: {  	v4 =	vperm.xlane v3, v0;
	_ =	sdelay $0x1  }
0x1f9: {  	v3 =	vperm.xlane v3, v2;
	v4 =	vadd.s32 v1, v4;
	_ =	sdelay $0x1  }
0x1fa: {  	v3 =	vadd.s32 v1, v3;
	_ =	sdelay $0x2  }
0x1fb: {  	[tilespmem:s16], [sflag:$0x1] =	stream.indirect_vreg.gather [hbm4b:s2+s3], $0x80, v4, vm0, $0xb8;
	[tilespmem:$0x8800] =	vst v63  }
0x1fc: {  	_ = 	snop  }
0x1fd: {  	[tilespmem:s17], [sflag:$0x1] =	stream.indirect_vreg.gather [hbm4b:s2+s3], $0x80, v3, vm0, $0xb8;
	[tilespmem:$0x8800] =	vst v63  }
0x1fe: {  	v3 =	vld [tilespmem:$0x520];
	_ =	sdelay $0x4  }
0x1ff: {  	v54 =	vshll.u32 v3, $0x1  }
0x200: {  	v3 =	vand.u32 $0x7, v3;
	v4 =	vand.u32 $0xFFFFFFF0, v54  }
0x201: {  	v3 =	vor.u32 v3, v4  }
0x202: {  	v4 =	vperm.xlane v3, v0;
	_ =	sdelay $0x1  }
0x203: {  	v3 =	vperm.xlane v3, v2;
	v4 =	vadd.s32 v1, v4;
	_ =	sdelay $0x1  }
0x204: {  	v3 =	vadd.s32 v1, v3;
	_ =	sdelay $0x2  }
0x205: {  	[tilespmem:s18], [sflag:$0x1] =	stream.indirect_vreg.gather [hbm4b:s2+s3], $0x80, v4, vm0, $0xb8;
	[tilespmem:$0x8800] =	vst v63  }
0x206: {  	_ = 	snop  }
0x207: {  	[tilespmem:s19], [sflag:$0x1] =	stream.indirect_vreg.gather [hbm4b:s2+s3], $0x80, v3, vm0, $0xb8;
	[tilespmem:$0x8800] =	vst v63  }
0x208: {  	v3 =	vld [tilespmem:$0x530];
	_ =	sdelay $0x4  }
0x209: {  	v55 =	vshll.u32 v3, $0x1  }
0x20a: {  	v3 =	vand.u32 $0x7, v3;
	v4 =	vand.u32 $0xFFFFFFF0, v55  }
0x20b: {  	v3 =	vor.u32 v3, v4  }
0x20c: {  	v4 =	vperm.xlane v3, v0;
	_ =	sdelay $0x1  }
0x20d: {  	v3 =	vperm.xlane v3, v2;
	v4 =	vadd.s32 v1, v4;
	_ =	sdelay $0x1  }
0x20e: {  	v3 =	vadd.s32 v1, v3;
	_ =	sdelay $0x2  }
0x20f: {  	[tilespmem:s20], [sflag:$0x1] =	stream.indirect_vreg.gather [hbm4b:s2+s3], $0x80, v4, vm0, $0xb8;
	[tilespmem:$0x8800] =	vst v63  }
0x210: {  	_ = 	snop  }
0x211: {  	[tilespmem:s21], [sflag:$0x1] =	stream.indirect_vreg.gather [hbm4b:s2+s3], $0x80, v3, vm0, $0xb8;
	[tilespmem:$0x8800] =	vst v63  }
0x212: {  	_ =	swait.ge [sflag:s1], $0x4000  }
0x213: {  	[sflag:s1] =	ssyncset.done $0x0  }
0x214: {  	[sflag:s1] =	ssyncadd.s32 $0xFFFFC000  }
0x215: {  	[hbm4b:s8+s3] =	stream.linear.scatter [tilespmem:s22], [sflag:$0x3], $0x4000, $0x38;
	[tilespmem:$0x8800] =	vst v63  }
0x216: {  	_ =	swait.ge [sflag:s13], $0x4000  }
0x217: {  	[sflag:s13] =	ssyncset.done $0x0  }
0x218: {  	[sflag:s13] =	ssyncadd.s32 $0xFFFFC000  }
0x219: {  	v3 =	vld [tilespmem:$0x580];
	_ =	sdelay $0x4  }
0x21a: {  	v56 =	vshll.u32 v3, $0x1  }
0x21b: {  	v3 =	vand.u32 $0x7, v3;
	v4 =	vand.u32 $0xFFFFFFF0, v56  }
0x21c: {  	v3 =	vor.u32 v3, v4  }
0x21d: {  	v4 =	vperm.xlane v3, v0;
	_ =	sdelay $0x1  }
0x21e: {  	v3 =	vperm.xlane v3, v2;
	v4 =	vadd.s32 v1, v4;
	_ =	sdelay $0x1  }
0x21f: {  	v3 =	vadd.s32 v1, v3;
	_ =	sdelay $0x2  }
0x220: {  	[tilespmem:s22], [sflag:$0x2] =	stream.indirect_vreg.gather [hbm4b:s2+s3], $0x80, v4, vm0, $0xb8;
	[tilespmem:$0x8800] =	vst v63  }
0x221: {  	_ = 	snop  }
0x222: {  	[tilespmem:s23], [sflag:$0x2] =	stream.indirect_vreg.gather [hbm4b:s2+s3], $0x80, v3, vm0, $0xb8;
	[tilespmem:$0x8800] =	vst v63  }
0x223: {  	v3 =	vld [tilespmem:$0x590];
	_ =	sdelay $0x4  }
0x224: {  	v57 =	vshll.u32 v3, $0x1  }
0x225: {  	v3 =	vand.u32 $0x7, v3;
	v4 =	vand.u32 $0xFFFFFFF0, v57  }
0x226: {  	v3 =	vor.u32 v3, v4  }
0x227: {  	v4 =	vperm.xlane v3, v0;
	_ =	sdelay $0x1  }
0x228: {  	v3 =	vperm.xlane v3, v2;
	v4 =	vadd.s32 v1, v4;
	_ =	sdelay $0x1  }
0x229: {  	v3 =	vadd.s32 v1, v3;
	_ =	sdelay $0x2  }
0x22a: {  	[tilespmem:s24], [sflag:$0x2] =	stream.indirect_vreg.gather [hbm4b:s2+s3], $0x80, v4, vm0, $0xb8;
	[tilespmem:$0x8800] =	vst v63  }
0x22b: {  	_ = 	snop  }
0x22c: {  	[tilespmem:s25], [sflag:$0x2] =	stream.indirect_vreg.gather [hbm4b:s2+s3], $0x80, v3, vm0, $0xb8;
	[tilespmem:$0x8800] =	vst v63  }
0x22d: {  	v3 =	vld [tilespmem:$0x5A0];
	_ =	sdelay $0x4  }
0x22e: {  	v58 =	vshll.u32 v3, $0x1  }
0x22f: {  	v3 =	vand.u32 $0x7, v3;
	v4 =	vand.u32 $0xFFFFFFF0, v58  }
0x230: {  	v3 =	vor.u32 v3, v4  }
0x231: {  	v4 =	vperm.xlane v3, v0;
	_ =	sdelay $0x1  }
0x232: {  	v3 =	vperm.xlane v3, v2;
	v4 =	vadd.s32 v1, v4;
	_ =	sdelay $0x1  }
0x233: {  	v3 =	vadd.s32 v1, v3;
	_ =	sdelay $0x2  }
0x234: {  	[tilespmem:s26], [sflag:$0x2] =	stream.indirect_vreg.gather [hbm4b:s2+s3], $0x80, v4, vm0, $0xb8;
	[tilespmem:$0x8800] =	vst v63  }
0x235: {  	_ = 	snop  }
0x236: {  	[tilespmem:s28], [sflag:$0x2] =	stream.indirect_vreg.gather [hbm4b:s2+s3], $0x80, v3, vm0, $0xb8;
	[tilespmem:$0x8800] =	vst v63  }
0x237: {  	v3 =	vld [tilespmem:$0x5B0];
	_ =	sdelay $0x4  }
0x238: {  	v59 =	vshll.u32 v3, $0x1  }
0x239: {  	v3 =	vand.u32 $0x7, v3;
	v4 =	vand.u32 $0xFFFFFFF0, v59  }
0x23a: {  	v3 =	vor.u32 v3, v4  }
0x23b: {  	v4 =	vperm.xlane v3, v0;
	_ =	sdelay $0x1  }
0x23c: {  	v3 =	vperm.xlane v3, v2;
	v4 =	vadd.s32 v1, v4;
	_ =	sdelay $0x1  }
0x23d: {  	v3 =	vadd.s32 v1, v3;
	_ =	sdelay $0x2  }
0x23e: {  	[tilespmem:s29], [sflag:$0x2] =	stream.indirect_vreg.gather [hbm4b:s2+s3], $0x80, v4, vm0, $0xb8;
	[tilespmem:$0x8800] =	vst v63  }
0x23f: {  	_ = 	snop  }
0x240: {  	[tilespmem:s30], [sflag:$0x2] =	stream.indirect_vreg.gather [hbm4b:s2+s3], $0x80, v3, vm0, $0xb8;
	[tilespmem:$0x8800] =	vst v63  }
0x241: {  	_ =	swait.ge [sflag:s31], $0x4000  }
0x242: {  	[sflag:s31] =	ssyncset.done $0x0  }
0x243: {  	[sflag:s31] =	ssyncadd.s32 $0xFFFFC000  }
0x244: {  	[hbm4b:s9+s3] =	stream.linear.scatter [tilespmem:s14], [sflag:$0x3], $0x4000, $0x38;
	[tilespmem:$0x8800] =	vst v63  }
0x245: {  	_ =	swait.ge [sflag:s13], $0x4000  }
0x246: {  	[sflag:s13] =	ssyncset.done $0x0  }
0x247: {  	[sflag:s13] =	ssyncadd.s32 $0xFFFFC000  }
0x248: {  	v3 =	vld [tilespmem:$0x600];
	_ =	sdelay $0x4  }
0x249: {  	v60 =	vshll.u32 v3, $0x1  }
0x24a: {  	v3 =	vand.u32 $0x7, v3;
	v4 =	vand.u32 $0xFFFFFFF0, v60  }
0x24b: {  	v3 =	vor.u32 v3, v4  }
0x24c: {  	v4 =	vperm.xlane v3, v0;
	_ =	sdelay $0x1  }
0x24d: {  	v3 =	vperm.xlane v3, v2;
	v4 =	vadd.s32 v1, v4;
	_ =	sdelay $0x1  }
0x24e: {  	v3 =	vadd.s32 v1, v3;
	_ =	sdelay $0x2  }
0x24f: {  	[tilespmem:s14], [sflag:$0x1] =	stream.indirect_vreg.gather [hbm4b:s2+s3], $0x80, v4, vm0, $0xb8;
	[tilespmem:$0x8800] =	vst v63  }
0x250: {  	_ = 	snop  }
0x251: {  	[tilespmem:s15], [sflag:$0x1] =	stream.indirect_vreg.gather [hbm4b:s2+s3], $0x80, v3, vm0, $0xb8;
	[tilespmem:$0x8800] =	vst v63  }
0x252: {  	v3 =	vld [tilespmem:$0x610];
	_ =	sdelay $0x4  }
0x253: {  	v61 =	vshll.u32 v3, $0x1  }
0x254: {  	v3 =	vand.u32 $0x7, v3;
	v4 =	vand.u32 $0xFFFFFFF0, v61  }
0x255: {  	v3 =	vor.u32 v3, v4  }
0x256: {  	v4 =	vperm.xlane v3, v0;
	_ =	sdelay $0x1  }
0x257: {  	v3 =	vperm.xlane v3, v2;
	v4 =	vadd.s32 v1, v4;
	_ =	sdelay $0x1  }
0x258: {  	v3 =	vadd.s32 v1, v3;
	_ =	sdelay $0x2  }
0x259: {  	[tilespmem:s16], [sflag:$0x1] =	stream.indirect_vreg.gather [hbm4b:s2+s3], $0x80, v4, vm0, $0xb8;
	[tilespmem:$0x8800] =	vst v63  }
0x25a: {  	_ = 	snop  }
0x25b: {  	[tilespmem:s17], [sflag:$0x1] =	stream.indirect_vreg.gather [hbm4b:s2+s3], $0x80, v3, vm0, $0xb8;
	[tilespmem:$0x8800] =	vst v63  }
0x25c: {  	v3 =	vld [tilespmem:$0x620];
	_ =	sdelay $0x4  }
0x25d: {  	v62 =	vshll.u32 v3, $0x1  }
0x25e: {  	v3 =	vand.u32 $0x7, v3;
	v4 =	vand.u32 $0xFFFFFFF0, v62  }
0x25f: {  	v3 =	vor.u32 v3, v4  }
0x260: {  	v4 =	vperm.xlane v3, v0;
	_ =	sdelay $0x1  }
0x261: {  	v3 =	vperm.xlane v3, v2;
	v4 =	vadd.s32 v1, v4;
	_ =	sdelay $0x1  }
0x262: {  	v3 =	vadd.s32 v1, v3;
	_ =	sdelay $0x2  }
0x263: {  	[tilespmem:s18], [sflag:$0x1] =	stream.indirect_vreg.gather [hbm4b:s2+s3], $0x80, v4, vm0, $0xb8;
	[tilespmem:$0x8800] =	vst v63  }
0x264: {  	_ = 	snop  }
0x265: {  	[tilespmem:s19], [sflag:$0x1] =	stream.indirect_vreg.gather [hbm4b:s2+s3], $0x80, v3, vm0, $0xb8;
	[tilespmem:$0x8800] =	vst v63  }
0x266: {  	v3 =	vld [tilespmem:$0x630];
	_ =	sdelay $0x4  }
0x267: {  	v63 =	vshll.u32 v3, $0x1  }
0x268: {  	v3 =	vand.u32 $0x7, v3;
	v4 =	vand.u32 $0xFFFFFFF0, v63  }
0x269: {  	v3 =	vor.u32 v3, v4  }
0x26a: {  	v4 =	vperm.xlane v3, v0;
	_ =	sdelay $0x1  }
0x26b: {  	v3 =	vperm.xlane v3, v2;
	v4 =	vadd.s32 v1, v4;
	_ =	sdelay $0x1  }
0x26c: {  	v3 =	vadd.s32 v1, v3;
	_ =	sdelay $0x2  }
0x26d: {  	[tilespmem:s20], [sflag:$0x1] =	stream.indirect_vreg.gather [hbm4b:s2+s3], $0x80, v4, vm0, $0xb8;
	[tilespmem:$0x8800] =	vst v63  }
0x26e: {  	_ = 	snop  }
0x26f: {  	[tilespmem:s21], [sflag:$0x1] =	stream.indirect_vreg.gather [hbm4b:s2+s3], $0x80, v3, vm0, $0xb8;
	[tilespmem:$0x8800] =	vst v63  }
0x270: {  	_ =	swait.ge [sflag:s1], $0x4000  }
0x271: {  	[sflag:s1] =	ssyncset.done $0x0  }
0x272: {  	[sflag:s1] =	ssyncadd.s32 $0xFFFFC000  }
0x273: {  	[hbm4b:s10+s3] =	stream.linear.scatter [tilespmem:s22], [sflag:$0x3], $0x4000, $0x38;
	[tilespmem:$0x8800] =	vst v63  }
0x274: {  	_ =	swait.ge [sflag:s13], $0x4000  }
0x275: {  	[sflag:s13] =	ssyncset.done $0x0  }
0x276: {  	[sflag:s13] =	ssyncadd.s32 $0xFFFFC000  }
0x277: {  	_ =	swait.ge [sflag:s31], $0x4000  }
0x278: {  	p0 =	sne.s32 s12, $0x1;
	[sflag:s31] =	ssyncset.done $0x0  }
.Ltmp0:
0x279: {  	[sflag:s31] =	ssyncadd.s32 $0xFFFFC000;
	(pc) =	sbr.rel @p0 .LBB2_1-.Ltmp0, $4  }
0x27a: {  	[hbm4b:s11+s3] =	stream.linear.scatter [tilespmem:s14], [sflag:$0x3], $0x4000, $0x38;
	[tilespmem:$0x8800] =	vst v63  }
0x27b: {  	_ =	swait.ge [sflag:s13], $0x4000  }
0x27c: {  	[sflag:s13] =	ssyncset.done $0x0  }
0x27d: {  	s12 =	sadd.s32 $0xFFFFFFFF, s12;
	[sflag:s13] =	ssyncadd.s32 $0xFFFFC000  }
0x27e: {  	_ =	sfence.sel $0x180000  }
0x27f: {  	[bflag:$0x0] =	sbarrier.arrive $0xFFFF  }
0x280: {  	_ =	strace $0x9000004A  }
0x281: {  	s0 =	stileid.u32;
	[bflag:$0x2] =	sbarrier.arrive $0xFFFF  }
0x282: {  	p0 =	sne.s32 s0, $0x0;
	s0 =	rddreg [dreg:$0x2]  }
0x283: {  	s0 =	sadd.s32 @!p0 $0x100000, s0  }
0x284: {  	[sflag:s0] =	ssyncadd.tile.s32 @!p0 $0x1;
	_ =	shalt  }
.Lfunc_end2:
_tile_overlayer_lowered:
.L_overlay_start_2:
0x285: {  	(tag) =	ssettag $0x2  }
0x286: {  	s0 =	rddreg [dreg:$0x0];
	s2 =	stileid.u32  }
0x287: {  	s1 =	rddreg [dreg:$0x1];
	p0 =	sne.s32 s2, $0x0  }
0x288: {  	s3 =	rddreg [dreg:$0x2];
	[bflag:$0x3] =	sbarrier.arrive $0xFFFF;
	s2 =	simm.s32 @!p0 $0x1C03  }
0x289: {  	[timem:s3], [sflag:s2] =	dma.local @!p0 [hbm:s0], s1  }
0x28a: {  	s0 =	simm.s32 @!p0 $0x3  }
0x28b: {  	_ =	swait.ge @!p0 [sflag:s0], s1  }
0x28c: {  	s1 =	ssub.s32 @!p0 $0x0, s1;
	[sflag:s0] =	ssyncset.done @!p0 $0x0  }
0x28d: {  	[sflag:s0] =	ssyncadd.s32 @!p0 s1  }
0x28e: {  	[bflag:$0x3] =	sbarrier.arrive $0xFFFF  }
0x28f: {  	_ =	shalt  }

</sc_bundles>
